<compile_context>
chip_gen: v7x
topology: tpu7x:2x2x1
jax: 0.10.2.dev20260603
libtpu: 0.0.44.dev20260713+nightly
codegen_flags: <defaults>
</compile_context>

<pallas_src>
import functools

import jax
import jax.numpy as jnp
from jax import lax
from jax.experimental import pallas as pl
from jax.experimental.pallas import tpu as pltpu
from jax.experimental.pallas import tpu_sc as plsc

N = 10000
H = 128
O = 64
E = 320000

NC = 2
NS = 16
L = 16

EPC = E // NC
EPT = EPC // NS
CH = 40
NCHUNK = EPT // CH
NBUF = 5

NPAD = 10240
STRIPE = NPAD // NS

_mesh = plsc.VectorSubcoreMesh(core_axis_name="c", subcore_axis_name="s",
                               num_cores=NC, num_subcores=NS)


@functools.partial(
    pl.kernel,
    out_type=jax.ShapeDtypeStruct((NC, NPAD), jnp.float32),
    mesh=_mesh,
    scratch_types=[
        pltpu.VMEM_SHARED((NPAD,), jnp.float32),
        pltpu.VMEM((EPT,), jnp.int32),
        pltpu.VMEM((EPT,), jnp.float32),
        pltpu.VMEM((STRIPE,), jnp.float32),
        pltpu.SemaphoreType.DMA,
    ],
)
def _deg_kernel(dst_hbm, ew_hbm, out_hbm, acc, idx_b, val_b, zbuf, sem):
    c = lax.axis_index("c")
    s = lax.axis_index("s")
    base = c * EPC + s * EPT

    pltpu.async_copy(dst_hbm.at[pl.ds(base, EPT)], idx_b, sem)
    pltpu.async_copy(ew_hbm.at[pl.ds(base, EPT)], val_b, sem)

    @plsc.parallel_loop(0, STRIPE // L, unroll=8)
    def zero_body(j):
        zbuf[pl.ds(j * L, L)] = jnp.zeros((L,), jnp.float32)
    pltpu.sync_copy(zbuf, acc.at[pl.ds(s * STRIPE, STRIPE)])

    pltpu.make_async_copy(dst_hbm.at[pl.ds(base, EPT)], idx_b, sem).wait()
    pltpu.make_async_copy(ew_hbm.at[pl.ds(base, EPT)], val_b, sem).wait()
    plsc.subcore_barrier()

    pltpu.sync_copy(val_b, acc.at[idx_b], add=True)

    plsc.subcore_barrier()
    pltpu.sync_copy(acc.at[pl.ds(s * STRIPE, STRIPE)],
                    out_hbm.at[c, pl.ds(s * STRIPE, STRIPE)])


@functools.partial(
    pl.kernel,
    out_type=jax.ShapeDtypeStruct((NC, NPAD, H), jnp.float32),
    mesh=_mesh,
    scratch_types=[
        pltpu.VMEM_SHARED((NPAD, H), jnp.float32),
        pltpu.VMEM((EPT,), jnp.int32),
        pltpu.VMEM((EPT,), jnp.float32),
        pltpu.VMEM((CH,), jnp.int32),
        pltpu.VMEM((CH,), jnp.int32),
        pltpu.VMEM((CH,), jnp.int32),
        pltpu.VMEM((CH,), jnp.int32),
        pltpu.VMEM((CH,), jnp.int32),
        pltpu.VMEM((CH, H), jnp.float32),
        pltpu.VMEM((CH, H), jnp.float32),
        pltpu.VMEM((CH, H), jnp.float32),
        pltpu.VMEM((CH, H), jnp.float32),
        pltpu.VMEM((CH, H), jnp.float32),
        pltpu.SemaphoreType.DMA,
        pltpu.SemaphoreType.DMA,
        pltpu.SemaphoreType.DMA,
        pltpu.SemaphoreType.DMA,
        pltpu.SemaphoreType.DMA,
        pltpu.SemaphoreType.DMA,
        pltpu.SemaphoreType.DMA,
        pltpu.SemaphoreType.DMA,
        pltpu.SemaphoreType.DMA,
        pltpu.SemaphoreType.DMA,
    ],
    compiler_params=pltpu.CompilerParams(needs_layout_passes=False),
)
def _spmm_kernel(src_hbm, dst_hbm, ew_hbm, xs_hbm, out_hbm,
                 acc, sidx, ewb, didx0, didx1, didx2, didx3, didx4,
                 rows0, rows1, rows2, rows3, rows4,
                 g0, g1, g2, g3, g4, s0, s1, s2, s3, s4):
    c = lax.axis_index("c")
    s = lax.axis_index("s")
    gsem = (g0, g1, g2, g3, g4)
    ssem = (s0, s1, s2, s3, s4)
    didxs = (didx0, didx1, didx2, didx3, didx4)
    rows = (rows0, rows1, rows2, rows3, rows4)

    base = c * EPC + s * EPT
    pltpu.async_copy(src_hbm.at[pl.ds(base, EPT)], sidx, g0)
    pltpu.async_copy(ew_hbm.at[pl.ds(base, EPT)], ewb, g1)

    @plsc.parallel_loop(0, CH * (H // L), unroll=8)
    def zrow(j):
        k = j // (H // L)
        col = (j % (H // L)) * L
        rows0[k, pl.ds(col, L)] = jnp.zeros((L,), jnp.float32)

    def zcopy(r, _):
        pltpu.async_copy(rows0.at[pl.ds(0, CH)],
                         acc.at[pl.ds(s * STRIPE + r * CH, CH)], s0)
        return 0
    lax.fori_loop(0, STRIPE // CH, zcopy, 0)

    pltpu.make_async_copy(src_hbm.at[pl.ds(base, EPT)], sidx, g0).wait()
    pltpu.make_async_copy(ew_hbm.at[pl.ds(base, EPT)], ewb, g1).wait()

    def gather(i, b):
        pltpu.async_copy(dst_hbm.at[pl.ds(base + i * CH, CH)],
                         didxs[b], gsem[b])
        pltpu.async_copy(xs_hbm.at[sidx.at[pl.ds(i * CH, CH)]],
                         rows[b], gsem[b])

    def gwait(i, b):
        pltpu.make_async_copy(dst_hbm.at[pl.ds(base + i * CH, CH)],
                              didxs[b], gsem[b]).wait()
        pltpu.make_async_copy(xs_hbm.at[sidx.at[pl.ds(i * CH, CH)]],
                              rows[b], gsem[b]).wait()

    def swait(b):
        pltpu.make_async_copy(rows[b], acc.at[didxs[b]], ssem[b]).wait()

    def scale_chunk(i, b):
        @plsc.parallel_loop(0, CH, unroll=4)
        def scale(k):
            w = plsc.load_gather(ewb, [jnp.full((L,), i * CH + k, jnp.int32)])
            for j in range(H // L):
                rows[b][k, pl.ds(j * L, L)] = rows[b][k, pl.ds(j * L, L)] * w

    for b in range(1, NBUF):
        gather(b, b)

    def zdrain(r, _):
        pltpu.make_async_copy(rows0.at[pl.ds(0, CH)],
                              acc.at[pl.ds(s * STRIPE, CH)], s0).wait()
        return 0
    lax.fori_loop(0, STRIPE // CH, zdrain, 0)
    gather(0, 0)
    plsc.subcore_barrier()

    def body(g, _):
        for b in range(NBUF):
            i = g * NBUF + b
            gwait(i, b)
            scale_chunk(i, b)
            pltpu.async_copy(rows[b], acc.at[didxs[b]], ssem[b], add=True)

            @pl.when(i + NBUF < NCHUNK)
            def _():
                swait(b)
                gather(i + NBUF, b)
        return 0
    lax.fori_loop(0, NCHUNK // NBUF, body, 0)

    for b in range(NBUF):
        swait(b)

    plsc.subcore_barrier()
    pltpu.sync_copy(acc.at[pl.ds(s * STRIPE, STRIPE)],
                    out_hbm.at[c, pl.ds(s * STRIPE, STRIPE)])


_R = 1000


def _scale_body(d0_ref, d1_ref, emb_ref, xs_ref, dinv_ref):
    deg = d0_ref[...] + d1_ref[...] + 1.0
    dinv = lax.rsqrt(deg)
    dinv_ref[...] = dinv
    xs_ref[...] = emb_ref[...] * dinv


def _tc_scale(deg0, deg1, emb):
    return pl.pallas_call(
        _scale_body,
        grid=(N // _R,),
        in_specs=[
            pl.BlockSpec((_R, 1), lambda i: (i, 0)),
            pl.BlockSpec((_R, 1), lambda i: (i, 0)),
            pl.BlockSpec((_R, H), lambda i: (i, 0)),
        ],
        out_specs=[
            pl.BlockSpec((_R, H), lambda i: (i, 0)),
            pl.BlockSpec((_R, 1), lambda i: (i, 0)),
        ],
        out_shape=[
            jax.ShapeDtypeStruct((N, H), jnp.float32),
            jax.ShapeDtypeStruct((N, 1), jnp.float32),
        ],
    )(deg0, deg1, emb)


def _layer1_body(raw_ref, xs_ref, dinv_ref, w_ref, b_ref, out_ref):
    raw = raw_ref[...]
    agg = (raw[0] + raw[1] + xs_ref[...]) * dinv_ref[...]
    x1 = jnp.maximum(
        jnp.dot(agg, w_ref[...], preferred_element_type=jnp.float32)
        + b_ref[...], 0.0)
    out_ref[...] = x1 * dinv_ref[...]


def _tc_layer1(raw, xs0, dinv, W1, b1):
    return pl.pallas_call(
        _layer1_body,
        grid=(N // _R,),
        in_specs=[
            pl.BlockSpec((NC, _R, H), lambda i: (0, i, 0)),
            pl.BlockSpec((_R, H), lambda i: (i, 0)),
            pl.BlockSpec((_R, 1), lambda i: (i, 0)),
            pl.BlockSpec((H, H), lambda i: (0, 0)),
            pl.BlockSpec((1, H), lambda i: (0, 0)),
        ],
        out_specs=pl.BlockSpec((_R, H), lambda i: (i, 0)),
        out_shape=jax.ShapeDtypeStruct((N, H), jnp.float32),
    )(raw, xs0, dinv, W1, b1)


def _layer2_body(raw_ref, xs_ref, dinv_ref, wm_ref, bm_ref,
                 wl_ref, bl_ref, mu_ref, ls_ref):
    raw = raw_ref[...]
    agg = (raw[0] + raw[1] + xs_ref[...]) * dinv_ref[...]
    mu_ref[...] = jnp.dot(agg, wm_ref[...],
                          preferred_element_type=jnp.float32) + bm_ref[...]
    ls_ref[...] = jnp.dot(agg, wl_ref[...],
                          preferred_element_type=jnp.float32) + bl_ref[...]


def _tc_layer2(raw, xs1, dinv, Wmu, bmu, Wls, bls):
    return pl.pallas_call(
        _layer2_body,
        grid=(N // _R,),
        in_specs=[
            pl.BlockSpec((NC, _R, H), lambda i: (0, i, 0)),
            pl.BlockSpec((_R, H), lambda i: (i, 0)),
            pl.BlockSpec((_R, 1), lambda i: (i, 0)),
            pl.BlockSpec((H, O), lambda i: (0, 0)),
            pl.BlockSpec((1, O), lambda i: (0, 0)),
            pl.BlockSpec((H, O), lambda i: (0, 0)),
            pl.BlockSpec((1, O), lambda i: (0, 0)),
        ],
        out_specs=[
            pl.BlockSpec((_R, O), lambda i: (i, 0)),
            pl.BlockSpec((_R, O), lambda i: (i, 0)),
        ],
        out_shape=[
            jax.ShapeDtypeStruct((N, O), jnp.float32),
            jax.ShapeDtypeStruct((N, O), jnp.float32),
        ],
    )(raw, xs1, dinv, Wmu, bmu, Wls, bls)


def kernel(edge_index, edge_weight, emb, W1, b1, Wmu, bmu, Wls, bls):
    src = edge_index[0]
    dst = edge_index[1]

    degp = _deg_kernel(dst, edge_weight)
    deg0 = degp[0, :N].reshape(N, 1)
    deg1 = degp[1, :N].reshape(N, 1)

    xs0, dinv = _tc_scale(deg0, deg1, emb)

    raw0 = _spmm_kernel(src, dst, edge_weight, xs0)
    xs1 = _tc_layer1(raw0, xs0, dinv, W1, b1.reshape(1, H))

    raw1 = _spmm_kernel(src, dst, edge_weight, xs1)
    mu, logstd = _tc_layer2(raw1, xs1, dinv,
                            Wmu, bmu.reshape(1, O), Wls, bls.reshape(1, O))
    return (mu, logstd)

# --- scband reference (transcript-rebuilt; emitter-appended) ---
"""Pipeline reference for scband-variational-gcnencoder-979252543686 (READ-ONLY COPY).

The authoritative reference and input builder live on the scoring server;
editing this copy changes nothing except your own understanding.
"""

import jax, jax.numpy as jnp
import numpy as np

NUM_NODES = 10000
HIDDEN = 128
OUT = 64
N_EDGES = 320000


def setup_inputs(seed: int = 0) -> dict:
    key = jax.random.key(seed)
    ks = jax.random.split(key, 9)
    edge_index = jax.random.randint(ks[0], (2, N_EDGES), 0, NUM_NODES, dtype=jnp.int32)
    edge_weight = jax.random.uniform(ks[1], (N_EDGES,), dtype=jnp.float32)
    # learned parameters
    emb = jax.random.normal(ks[2], (NUM_NODES, HIDDEN), dtype=jnp.float32)  # nn.Embedding weight
    W1 = jax.random.normal(ks[3], (HIDDEN, HIDDEN), dtype=jnp.float32) / np.sqrt(HIDDEN)
    b1 = jnp.zeros((HIDDEN,), dtype=jnp.float32)
    Wmu = jax.random.normal(ks[4], (HIDDEN, OUT), dtype=jnp.float32) / np.sqrt(HIDDEN)
    bmu = jnp.zeros((OUT,), dtype=jnp.float32)
    Wls = jax.random.normal(ks[5], (HIDDEN, OUT), dtype=jnp.float32) / np.sqrt(HIDDEN)
    bls = jnp.zeros((OUT,), dtype=jnp.float32)
    return {"edge_index": edge_index, "edge_weight": edge_weight, "emb": emb,
            "W1": W1, "b1": b1, "Wmu": Wmu, "bmu": bmu, "Wls": Wls, "bls": bls}


def _gcn_conv(x, src, dst, ew, W, b):
    # GCNConv: h = x @ W; symmetric-normalized weighted aggregation; + bias
    h = x @ W
    deg = jnp.zeros((NUM_NODES,), x.dtype).at[dst].add(ew)
    dinv = jnp.where(deg > 0, jax.lax.rsqrt(jnp.maximum(deg, 1e-12)), 0.0)
    norm = dinv[src] * ew * dinv[dst]
    msg = h[src] * norm[:, None]
    out = jnp.zeros((NUM_NODES, W.shape[1]), x.dtype).at[dst].add(msg)
    return out + b


def reference(edge_index, edge_weight, emb, W1, b1, Wmu, bmu, Wls, bls):
    # add self-loops with weight 1 (GCNConv default)
    loop = jnp.arange(NUM_NODES, dtype=edge_index.dtype)
    src = jnp.concatenate([edge_index[0], loop])
    dst = jnp.concatenate([edge_index[1], loop])
    ew = jnp.concatenate([edge_weight, jnp.ones((NUM_NODES,), edge_weight.dtype)])
    # x = initial_embed(arange(num_nodes)) == full embedding table gather
    x = jnp.take(emb, jnp.arange(NUM_NODES), axis=0)
    x = _gcn_conv(x, src, dst, ew, W1, b1)
    x = jax.nn.relu(x)
    mu = _gcn_conv(x, src, dst, ew, Wmu, bmu)
    logstd = _gcn_conv(x, src, dst, ew, Wls, bls)
    return (mu, logstd)

if __name__ == "__main__":
    import jax
    _d = setup_inputs()
    print(jax.jit(kernel)(*tuple(_d.values())))

</pallas_src>

<mosaic_0001>
#map = affine_map<(d0, d1) -> (0)>
#map1 = affine_map<(d0, d1) -> (0, 0)>
module attributes {stable_mosaic.version = 14 : i64} {
  func.func @_deg_kernel(%arg0: i32, %arg1: i32, %arg2: memref<320000xi32, #tpu.memory_space<hbm>>, %arg3: memref<320000xf32, #tpu.memory_space<hbm>>, %arg4: memref<2x10240xf32, #tpu.memory_space<hbm>>, %arg5: memref<10240xf32, #tpu.memory_space<vmem_shared>>, %arg6: memref<10000xi32, #tpu.memory_space<vmem>>, %arg7: memref<10000xf32, #tpu.memory_space<vmem>>, %arg8: memref<640xf32, #tpu.memory_space<vmem>>, %arg9: memref<!tpu.dma_semaphore, #tpu.memory_space<semaphore_mem>>) attributes {dimension_semantics = [#tpu.dimension_semantics<core_parallel>, #tpu.dimension_semantics<subcore_parallel>], iteration_bounds = array<i64: 2, 16>, scalar_prefetch = 0 : i64, scratch_operands = 5 : i64, tpu.core_type = #tpu.core_type<sc_vector_subcore>, window_params = [{transform_indices = #map}, {transform_indices = #map}, {transform_indices = #map1}]} {
    %mul3A = arith.constant 160000 : i32
    %mul3A_0 = arith.muli %arg0, %mul3A : i32
    %mul3A_1 = arith.constant 10000 : i32
    %mul3A_2 = arith.muli %arg1, %mul3A_1 : i32
    %add3A = arith.addi %mul3A_0, %mul3A_2 : i32
    %dma_start3A = tpu.memref_slice %arg2[%add3A] : memref<320000xi32, #tpu.memory_space<hbm>> -> memref<10000xi32, #tpu.memory_space<hbm>>
    %dma_start3A_3 = tpu.memref_slice %arg2[%add3A] : memref<320000xi32, #tpu.memory_space<hbm>> -> memref<10000xi32, #tpu.memory_space<hbm>>
    tpu.enqueue_dma source(%dma_start3A_3 : memref<10000xi32, #tpu.memory_space<hbm>>) target(%arg6 : memref<10000xi32, #tpu.memory_space<vmem>>) target_semaphore(%arg9 : memref<!tpu.dma_semaphore, #tpu.memory_space<semaphore_mem>>)
    %dma_start3A_4 = tpu.memref_slice %arg3[%add3A] : memref<320000xf32, #tpu.memory_space<hbm>> -> memref<10000xf32, #tpu.memory_space<hbm>>
    %dma_start3A_5 = tpu.memref_slice %arg3[%add3A] : memref<320000xf32, #tpu.memory_space<hbm>> -> memref<10000xf32, #tpu.memory_space<hbm>>
    tpu.enqueue_dma source(%dma_start3A_5 : memref<10000xf32, #tpu.memory_space<hbm>>) target(%arg7 : memref<10000xf32, #tpu.memory_space<vmem>>) target_semaphore(%arg9 : memref<!tpu.dma_semaphore, #tpu.memory_space<semaphore_mem>>)
    %parallel_loop3A = arith.constant 0 : i32
    %parallel_loop3A_6 = arith.constant 40 : i32
    %parallel_loop3A_7 = arith.constant 1 : i32
    scf.for %parallel_loop3A_18 = %parallel_loop3A to %parallel_loop3A_6 step %parallel_loop3A_7  : i32 {
      %parallel_loop3A_19 = arith.constant 0.000000e+00 : f32
      %parallel_loop3A_20 = vector.broadcast %parallel_loop3A_19 : f32 to vector<16xf32>
      %parallel_loop3A_21 = arith.constant 16 : i32
      %parallel_loop3A_22 = arith.muli %parallel_loop3A_18, %parallel_loop3A_21 : i32
      %parallel_loop3A_23 = arith.index_cast %parallel_loop3A_22 : i32 to index
      %parallel_loop3A_24 = tpu.vector_load %arg8[%parallel_loop3A_23] {strides = array<i32>} : memref<640xf32, #tpu.memory_space<vmem>>, vector<16xf32>,
      %parallel_loop3A_25 = vector.shape_cast %parallel_loop3A_24 : vector<16xf32> to vector<16xf32>
      %parallel_loop3A_26 = vector.shape_cast %parallel_loop3A_20 : vector<16xf32> to vector<16xf32>
      tpu.vector_store %arg8[%parallel_loop3A_23], %parallel_loop3A_26 {strides = array<i32>} : memref<640xf32, #tpu.memory_space<vmem>>, vector<16xf32>,
    } {sc.loop_unroll_factor = 8 : i64, sc.parallel_access}
    %mul3A_8 = arith.constant 640 : i32
    %mul3A_9 = arith.muli %arg1, %mul3A_8 : i32
    "tpu.region"() ({
      %run_scoped3A = tpu.sem_alloc : memref<!tpu.dma_semaphore, #tpu.memory_space<semaphore_mem>>
      %dma_start3A_18 = tpu.memref_slice %arg5[%mul3A_9] : memref<10240xf32, #tpu.memory_space<vmem_shared>> -> memref<640xf32, #tpu.memory_space<vmem_shared>>
      %dma_start3A_19 = tpu.memref_slice %arg5[%mul3A_9] : memref<10240xf32, #tpu.memory_space<vmem_shared>> -> memref<640xf32, #tpu.memory_space<vmem_shared>>
      tpu.enqueue_dma source(%arg8 : memref<640xf32, #tpu.memory_space<vmem>>) target(%dma_start3A_19 : memref<640xf32, #tpu.memory_space<vmem_shared>>) target_semaphore(%run_scoped3A : memref<!tpu.dma_semaphore, #tpu.memory_space<semaphore_mem>>)
      %dma_wait3A_20 = tpu.memref_slice %arg5[%mul3A_9] : memref<10240xf32, #tpu.memory_space<vmem_shared>> -> memref<640xf32, #tpu.memory_space<vmem_shared>>
      %dma_wait3A_21 = tpu.memref_slice %arg5[%mul3A_9] : memref<10240xf32, #tpu.memory_space<vmem_shared>> -> memref<640xf32, #tpu.memory_space<vmem_shared>>
      tpu.wait_dma2 semaphore(%run_scoped3A : memref<!tpu.dma_semaphore, #tpu.memory_space<semaphore_mem>>) src(%arg8 : memref<640xf32, #tpu.memory_space<vmem>>) dst(%dma_wait3A_21 : memref<640xf32, #tpu.memory_space<vmem_shared>>)
      tpu.yield
    }) : () -> ()
    %dma_wait3A = tpu.memref_slice %arg2[%add3A] : memref<320000xi32, #tpu.memory_space<hbm>> -> memref<10000xi32, #tpu.memory_space<hbm>>
    %dma_wait3A_10 = tpu.memref_slice %arg2[%add3A] : memref<320000xi32, #tpu.memory_space<hbm>> -> memref<10000xi32, #tpu.memory_space<hbm>>
    tpu.wait_dma2 semaphore(%arg9 : memref<!tpu.dma_semaphore, #tpu.memory_space<semaphore_mem>>) src(%dma_wait3A_10 : memref<10000xi32, #tpu.memory_space<hbm>>) dst(%arg6 : memref<10000xi32, #tpu.memory_space<vmem>>)
    %dma_wait3A_11 = tpu.memref_slice %arg3[%add3A] : memref<320000xf32, #tpu.memory_space<hbm>> -> memref<10000xf32, #tpu.memory_space<hbm>>
    %dma_wait3A_12 = tpu.memref_slice %arg3[%add3A] : memref<320000xf32, #tpu.memory_space<hbm>> -> memref<10000xf32, #tpu.memory_space<hbm>>
    tpu.wait_dma2 semaphore(%arg9 : memref<!tpu.dma_semaphore, #tpu.memory_space<semaphore_mem>>) src(%dma_wait3A_12 : memref<10000xf32, #tpu.memory_space<hbm>>) dst(%arg7 : memref<10000xf32, #tpu.memory_space<vmem>>)
    %barrier3A = arith.constant 0 : index
    tpu.barrier barrier_id(%barrier3A)
    "tpu.region"() ({
      %run_scoped3A = tpu.sem_alloc : memref<!tpu.dma_semaphore, #tpu.memory_space<semaphore_mem>>
      %dma_start3A_18 = arith.constant 0 : i32
      %dma_start3A_19 = tpu.memref_slice %arg5[%dma_start3A_18] : memref<10240xf32, #tpu.memory_space<vmem_shared>> -> memref<10240xf32, #tpu.memory_space<vmem_shared>>
      tpu.enqueue_indirect_dma source(%arg7 : memref<10000xf32, #tpu.memory_space<vmem>>) target(%dma_start3A_19 : memref<10240xf32, #tpu.memory_space<vmem_shared>>) offsets(%arg6 : memref<10000xi32, #tpu.memory_space<vmem>>) semaphore(%run_scoped3A : memref<!tpu.dma_semaphore, #tpu.memory_space<semaphore_mem>>) {add = true}
      %dma_wait3A_20 = arith.constant 0 : i32
      %dma_wait3A_21 = tpu.memref_slice %arg5[%dma_wait3A_20] : memref<10240xf32, #tpu.memory_space<vmem_shared>> -> memref<10240xf32, #tpu.memory_space<vmem_shared>>
      tpu.wait_indirect_dma semaphore(%run_scoped3A : memref<!tpu.dma_semaphore, #tpu.memory_space<semaphore_mem>>) src(%arg7 : memref<10000xf32, #tpu.memory_space<vmem>>) dst(%dma_wait3A_21 : memref<10240xf32, #tpu.memory_space<vmem_shared>>)
      tpu.yield
    }) : () -> ()
    %barrier3A_13 = arith.constant 0 : index
    tpu.barrier barrier_id(%barrier3A_13)
    %mul3A_14 = arith.constant 640 : i32
    %mul3A_15 = arith.muli %arg1, %mul3A_14 : i32
    %mul3A_16 = arith.constant 640 : i32
    %mul3A_17 = arith.muli %arg1, %mul3A_16 : i32
    "tpu.region"() ({
      %run_scoped3A = tpu.sem_alloc : memref<!tpu.dma_semaphore, #tpu.memory_space<semaphore_mem>>
      %dma_start3A_18 = tpu.memref_slice %arg4[%arg0, %mul3A_17] : memref<2x10240xf32, #tpu.memory_space<hbm>> -> memref<1x640xf32, #tpu.memory_space<hbm>>
      %dma_start3A_19 = tpu.memref_squeeze %dma_start3A_18 : memref<1x640xf32, #tpu.memory_space<hbm>> -> memref<640xf32, #tpu.memory_space<hbm>>
      %dma_start3A_20 = tpu.memref_slice %arg5[%mul3A_15] : memref<10240xf32, #tpu.memory_space<vmem_shared>> -> memref<640xf32, #tpu.memory_space<vmem_shared>>
      tpu.enqueue_dma source(%dma_start3A_20 : memref<640xf32, #tpu.memory_space<vmem_shared>>) target(%dma_start3A_19 : memref<640xf32, #tpu.memory_space<hbm>>) target_semaphore(%run_scoped3A : memref<!tpu.dma_semaphore, #tpu.memory_space<semaphore_mem>>)
      %dma_wait3A_21 = tpu.memref_slice %arg4[%arg0, %mul3A_17] : memref<2x10240xf32, #tpu.memory_space<hbm>> -> memref<1x640xf32, #tpu.memory_space<hbm>>
      %dma_wait3A_22 = tpu.memref_squeeze %dma_wait3A_21 : memref<1x640xf32, #tpu.memory_space<hbm>> -> memref<640xf32, #tpu.memory_space<hbm>>
      %dma_wait3A_23 = tpu.memref_slice %arg5[%mul3A_15] : memref<10240xf32, #tpu.memory_space<vmem_shared>> -> memref<640xf32, #tpu.memory_space<vmem_shared>>
      tpu.wait_dma2 semaphore(%run_scoped3A : memref<!tpu.dma_semaphore, #tpu.memory_space<semaphore_mem>>) src(%dma_wait3A_23 : memref<640xf32, #tpu.memory_space<vmem_shared>>) dst(%dma_wait3A_22 : memref<640xf32, #tpu.memory_space<hbm>>)
      tpu.yield
    }) : () -> ()
    return
  }
}

#map = affine_map<(d0, d1) -> (0)>
#map1 = affine_map<(d0, d1) -> (0, 0)>
#map2 = affine_map<(d0, d1) -> (0, 0, 0)>
module attributes {stable_mosaic.version = 14 : i64} {
  func.func @_spmm_kernel(%arg0: i32, %arg1: i32, %arg2: memref<320000xi32, #tpu.memory_space<hbm>>, %arg3: memref<320000xi32, #tpu.memory_space<hbm>>, %arg4: memref<320000xf32, #tpu.memory_space<hbm>>, %arg5: memref<10000x128xf32, #tpu.memory_space<hbm>>, %arg6: memref<2x10240x128xf32, #tpu.memory_space<hbm>>, %arg7: memref<10240x128xf32, #tpu.memory_space<vmem_shared>>, %arg8: memref<10000xi32, #tpu.memory_space<vmem>>, %arg9: memref<10000xf32, #tpu.memory_space<vmem>>, %arg10: memref<40xi32, #tpu.memory_space<vmem>>, %arg11: memref<40xi32, #tpu.memory_space<vmem>>, %arg12: memref<40xi32, #tpu.memory_space<vmem>>, %arg13: memref<40xi32, #tpu.memory_space<vmem>>, %arg14: memref<40xi32, #tpu.memory_space<vmem>>, %arg15: memref<40x128xf32, #tpu.memory_space<vmem>>, %arg16: memref<40x128xf32, #tpu.memory_space<vmem>>, %arg17: memref<40x128xf32, #tpu.memory_space<vmem>>, %arg18: memref<40x128xf32, #tpu.memory_space<vmem>>, %arg19: memref<40x128xf32, #tpu.memory_space<vmem>>, %arg20: memref<!tpu.dma_semaphore, #tpu.memory_space<semaphore_mem>>, %arg21: memref<!tpu.dma_semaphore, #tpu.memory_space<semaphore_mem>>, %arg22: memref<!tpu.dma_semaphore, #tpu.memory_space<semaphore_mem>>, %arg23: memref<!tpu.dma_semaphore, #tpu.memory_space<semaphore_mem>>, %arg24: memref<!tpu.dma_semaphore, #tpu.memory_space<semaphore_mem>>, %arg25: memref<!tpu.dma_semaphore, #tpu.memory_space<semaphore_mem>>, %arg26: memref<!tpu.dma_semaphore, #tpu.memory_space<semaphore_mem>>, %arg27: memref<!tpu.dma_semaphore, #tpu.memory_space<semaphore_mem>>, %arg28: memref<!tpu.dma_semaphore, #tpu.memory_space<semaphore_mem>>, %arg29: memref<!tpu.dma_semaphore, #tpu.memory_space<semaphore_mem>>) attributes {dimension_semantics = [#tpu.dimension_semantics<core_parallel>, #tpu.dimension_semantics<subcore_parallel>], iteration_bounds = array<i64: 2, 16>, scalar_prefetch = 0 : i64, scratch_operands = 23 : i64, tpu.core_type = #tpu.core_type<sc_vector_subcore>, window_params = [{transform_indices = #map}, {transform_indices = #map}, {transform_indices = #map}, {transform_indices = #map1}, {transform_indices = #map2}]} {
    %mul3A = arith.constant 160000 : i32
    %mul3A_0 = arith.muli %arg0, %mul3A : i32
    %mul3A_1 = arith.constant 10000 : i32
    %mul3A_2 = arith.muli %arg1, %mul3A_1 : i32
    %add3A = arith.addi %mul3A_0, %mul3A_2 : i32
    %dma_start3A = tpu.memref_slice %arg2[%add3A] : memref<320000xi32, #tpu.memory_space<hbm>> -> memref<10000xi32, #tpu.memory_space<hbm>>
    %dma_start3A_3 = tpu.memref_slice %arg2[%add3A] : memref<320000xi32, #tpu.memory_space<hbm>> -> memref<10000xi32, #tpu.memory_space<hbm>>
    tpu.enqueue_dma source(%dma_start3A_3 : memref<10000xi32, #tpu.memory_space<hbm>>) target(%arg8 : memref<10000xi32, #tpu.memory_space<vmem>>) target_semaphore(%arg20 : memref<!tpu.dma_semaphore, #tpu.memory_space<semaphore_mem>>)
    %dma_start3A_4 = tpu.memref_slice %arg4[%add3A] : memref<320000xf32, #tpu.memory_space<hbm>> -> memref<10000xf32, #tpu.memory_space<hbm>>
    %dma_start3A_5 = tpu.memref_slice %arg4[%add3A] : memref<320000xf32, #tpu.memory_space<hbm>> -> memref<10000xf32, #tpu.memory_space<hbm>>
    tpu.enqueue_dma source(%dma_start3A_5 : memref<10000xf32, #tpu.memory_space<hbm>>) target(%arg9 : memref<10000xf32, #tpu.memory_space<vmem>>) target_semaphore(%arg21 : memref<!tpu.dma_semaphore, #tpu.memory_space<semaphore_mem>>)
    %parallel_loop3A = arith.constant 0 : i32
    %parallel_loop3A_6 = arith.constant 320 : i32
    %parallel_loop3A_7 = arith.constant 1 : i32
    scf.for %parallel_loop3A_96 = %parallel_loop3A to %parallel_loop3A_6 step %parallel_loop3A_7  : i32 {
      %parallel_loop3A_97 = arith.constant 8 : i32
      %parallel_loop3A_98 = arith.divsi %parallel_loop3A_96, %parallel_loop3A_97 : i32
      %parallel_loop3A_99 = arith.constant 0 : i32
      %parallel_loop3A_100 = arith.cmpi sgt, %parallel_loop3A_96, %parallel_loop3A_99 : i32
      %parallel_loop3A_101 = arith.extui %parallel_loop3A_100 : i1 to i32
      %parallel_loop3A_102 = arith.constant 0 : i32
      %parallel_loop3A_103 = arith.cmpi slt, %parallel_loop3A_96, %parallel_loop3A_102 : i32
      %parallel_loop3A_104 = arith.extui %parallel_loop3A_103 : i1 to i32
      %parallel_loop3A_105 = arith.subi %parallel_loop3A_101, %parallel_loop3A_104 : i32
      %parallel_loop3A_106 = arith.constant 0 : i32
      %parallel_loop3A_107 = arith.cmpi sgt, %parallel_loop3A_97, %parallel_loop3A_106 : i32
      %parallel_loop3A_108 = arith.extui %parallel_loop3A_107 : i1 to i32
      %parallel_loop3A_109 = arith.constant 0 : i32
      %parallel_loop3A_110 = arith.cmpi slt, %parallel_loop3A_97, %parallel_loop3A_109 : i32
      %parallel_loop3A_111 = arith.extui %parallel_loop3A_110 : i1 to i32
      %parallel_loop3A_112 = arith.subi %parallel_loop3A_108, %parallel_loop3A_111 : i32
      %parallel_loop3A_113 = arith.cmpi ne, %parallel_loop3A_105, %parallel_loop3A_112 : i32
      %parallel_loop3A_114 = arith.remsi %parallel_loop3A_96, %parallel_loop3A_97 : i32
      %parallel_loop3A_115 = arith.constant 0 : i32
      %parallel_loop3A_116 = arith.cmpi ne, %parallel_loop3A_114, %parallel_loop3A_115 : i32
      %parallel_loop3A_117 = arith.andi %parallel_loop3A_113, %parallel_loop3A_116 : i1
      %parallel_loop3A_118 = arith.constant 1 : i32
      %parallel_loop3A_119 = arith.subi %parallel_loop3A_98, %parallel_loop3A_118 : i32
      %parallel_loop3A_120 = arith.select %parallel_loop3A_117, %parallel_loop3A_119, %parallel_loop3A_98 : i32
      %parallel_loop3A_121 = arith.constant 8 : i32
      %parallel_loop3A_122 = arith.constant 0 : i32
      %parallel_loop3A_123 = arith.cmpi eq, %parallel_loop3A_121, %parallel_loop3A_122 : i32
      %parallel_loop3A_124 = arith.constant 1 : i32
      %parallel_loop3A_125 = arith.select %parallel_loop3A_123, %parallel_loop3A_124, %parallel_loop3A_121 : i32
      %parallel_loop3A_126 = arith.remsi %parallel_loop3A_96, %parallel_loop3A_125 : i32
      %parallel_loop3A_127 = arith.constant 0 : i32
      %parallel_loop3A_128 = arith.cmpi ne, %parallel_loop3A_126, %parallel_loop3A_127 : i32
      %parallel_loop3A_129 = arith.constant 0 : i32
      %parallel_loop3A_130 = arith.cmpi slt, %parallel_loop3A_126, %parallel_loop3A_129 : i32
      %parallel_loop3A_131 = arith.constant 0 : i32
      %parallel_loop3A_132 = arith.cmpi slt, %parallel_loop3A_125, %parallel_loop3A_131 : i32
      %parallel_loop3A_133 = arith.xori %parallel_loop3A_130, %parallel_loop3A_132 : i1
      %parallel_loop3A_134 = arith.andi %parallel_loop3A_133, %parallel_loop3A_128 : i1
      %parallel_loop3A_135 = arith.addi %parallel_loop3A_126, %parallel_loop3A_125 : i32
      %parallel_loop3A_136 = arith.select %parallel_loop3A_134, %parallel_loop3A_135, %parallel_loop3A_126 : i32
      %parallel_loop3A_137 = arith.constant 16 : i32
      %parallel_loop3A_138 = arith.muli %parallel_loop3A_136, %parallel_loop3A_137 : i32
      %parallel_loop3A_139 = arith.constant 0.000000e+00 : f32
      %parallel_loop3A_140 = vector.broadcast %parallel_loop3A_139 : f32 to vector<16xf32>
      %parallel_loop3A_141 = arith.index_cast %parallel_loop3A_120 : i32 to index
      %parallel_loop3A_142 = arith.index_cast %parallel_loop3A_138 : i32 to index
      %parallel_loop3A_143 = tpu.vector_load %arg15[%parallel_loop3A_141, %parallel_loop3A_142] {strides = array<i32>} : memref<40x128xf32, #tpu.memory_space<vmem>>, vector<16xf32>,
      tpu.vector_store %arg15[%parallel_loop3A_141, %parallel_loop3A_142], %parallel_loop3A_140 {strides = array<i32>} : memref<40x128xf32, #tpu.memory_space<vmem>>, vector<16xf32>,
    } {sc.loop_unroll_factor = 8 : i64, sc.parallel_access}
    %scan3A = arith.constant 0 : i32
    %scan3A_8 = arith.constant 0 : i32
    %scan3A_9 = arith.constant 16 : i32
    %scan3A_10 = arith.addi %scan3A_8, %scan3A_9 : i32
    %scan3A_11 = arith.constant 1 : i32
    %scan3A_12 = scf.for %scan3A_96 = %scan3A_8 to %scan3A_10 step %scan3A_11 iter_args(%scan3A_97 = %scan3A) -> (i32)  : i32 {
      %mul3A_98 = arith.constant 640 : i32
      %mul3A_99 = arith.muli %arg1, %mul3A_98 : i32
      %mul3A_100 = arith.constant 40 : i32
      %mul3A_101 = arith.muli %scan3A_96, %mul3A_100 : i32
      %add3A_102 = arith.addi %mul3A_99, %mul3A_101 : i32
      %dma_start3A_103 = arith.constant 0 : i32
      %dma_start3A_104 = arith.constant 0 : i32
      %dma_start3A_105 = tpu.memref_slice %arg15[%dma_start3A_103, %dma_start3A_104] : memref<40x128xf32, #tpu.memory_space<vmem>> -> memref<40x128xf32, #tpu.memory_space<vmem>>
      %dma_start3A_106 = arith.constant 0 : i32
      %dma_start3A_107 = tpu.memref_slice %arg7[%add3A_102, %dma_start3A_106] : memref<10240x128xf32, #tpu.memory_space<vmem_shared>> -> memref<40x128xf32, #tpu.memory_space<vmem_shared>>
      %dma_start3A_108 = arith.constant 0 : i32
      %dma_start3A_109 = tpu.memref_slice %arg7[%add3A_102, %dma_start3A_108] : memref<10240x128xf32, #tpu.memory_space<vmem_shared>> -> memref<40x128xf32, #tpu.memory_space<vmem_shared>>
      %dma_start3A_110 = arith.constant 0 : i32
      %dma_start3A_111 = arith.constant 0 : i32
      %dma_start3A_112 = tpu.memref_slice %arg15[%dma_start3A_110, %dma_start3A_111] : memref<40x128xf32, #tpu.memory_space<vmem>> -> memref<40x128xf32, #tpu.memory_space<vmem>>
      tpu.enqueue_dma source(%dma_start3A_112 : memref<40x128xf32, #tpu.memory_space<vmem>>) target(%dma_start3A_109 : memref<40x128xf32, #tpu.memory_space<vmem_shared>>) target_semaphore(%arg25 : memref<!tpu.dma_semaphore, #tpu.memory_space<semaphore_mem>>)
      %scan3A_113 = arith.constant 0 : i32
      scf.yield %scan3A_113 : i32
    }
    %scan3A_13 = arith.constant 16 : i32
    %dma_wait3A = tpu.memref_slice %arg2[%add3A] : memref<320000xi32, #tpu.memory_space<hbm>> -> memref<10000xi32, #tpu.memory_space<hbm>>
    %dma_wait3A_14 = tpu.memref_slice %arg2[%add3A] : memref<320000xi32, #tpu.memory_space<hbm>> -> memref<10000xi32, #tpu.memory_space<hbm>>
    tpu.wait_dma2 semaphore(%arg20 : memref<!tpu.dma_semaphore, #tpu.memory_space<semaphore_mem>>) src(%dma_wait3A_14 : memref<10000xi32, #tpu.memory_space<hbm>>) dst(%arg8 : memref<10000xi32, #tpu.memory_space<vmem>>)
    %dma_wait3A_15 = tpu.memref_slice %arg4[%add3A] : memref<320000xf32, #tpu.memory_space<hbm>> -> memref<10000xf32, #tpu.memory_space<hbm>>
    %dma_wait3A_16 = tpu.memref_slice %arg4[%add3A] : memref<320000xf32, #tpu.memory_space<hbm>> -> memref<10000xf32, #tpu.memory_space<hbm>>
    tpu.wait_dma2 semaphore(%arg21 : memref<!tpu.dma_semaphore, #tpu.memory_space<semaphore_mem>>) src(%dma_wait3A_16 : memref<10000xf32, #tpu.memory_space<hbm>>) dst(%arg9 : memref<10000xf32, #tpu.memory_space<vmem>>)
    %add3A_17 = arith.constant 40 : i32
    %add3A_18 = arith.addi %add3A, %add3A_17 : i32
    %dma_start3A_19 = tpu.memref_slice %arg3[%add3A_18] : memref<320000xi32, #tpu.memory_space<hbm>> -> memref<40xi32, #tpu.memory_space<hbm>>
    %dma_start3A_20 = tpu.memref_slice %arg3[%add3A_18] : memref<320000xi32, #tpu.memory_space<hbm>> -> memref<40xi32, #tpu.memory_space<hbm>>
    tpu.enqueue_dma source(%dma_start3A_20 : memref<40xi32, #tpu.memory_space<hbm>>) target(%arg11 : memref<40xi32, #tpu.memory_space<vmem>>) target_semaphore(%arg21 : memref<!tpu.dma_semaphore, #tpu.memory_space<semaphore_mem>>)
    %dma_start3A_21 = arith.constant 40 : i32
    %dma_start3A_22 = tpu.memref_slice %arg8[%dma_start3A_21] : memref<10000xi32, #tpu.memory_space<vmem>> -> memref<40xi32, #tpu.memory_space<vmem>>
    %dma_start3A_23 = arith.constant 0 : i32
    %dma_start3A_24 = arith.constant 0 : i32
    %dma_start3A_25 = tpu.memref_slice %arg5[%dma_start3A_23, %dma_start3A_24] : memref<10000x128xf32, #tpu.memory_space<hbm>> -> memref<10000x128xf32, #tpu.memory_space<hbm>>
    tpu.enqueue_indirect_dma source(%dma_start3A_25 : memref<10000x128xf32, #tpu.memory_space<hbm>>) target(%arg16 : memref<40x128xf32, #tpu.memory_space<vmem>>) offsets(%dma_start3A_22 : memref<40xi32, #tpu.memory_space<vmem>>) semaphore(%arg21 : memref<!tpu.dma_semaphore, #tpu.memory_space<semaphore_mem>>)
    %add3A_26 = arith.constant 80 : i32
    %add3A_27 = arith.addi %add3A, %add3A_26 : i32
    %dma_start3A_28 = tpu.memref_slice %arg3[%add3A_27] : memref<320000xi32, #tpu.memory_space<hbm>> -> memref<40xi32, #tpu.memory_space<hbm>>
    %dma_start3A_29 = tpu.memref_slice %arg3[%add3A_27] : memref<320000xi32, #tpu.memory_space<hbm>> -> memref<40xi32, #tpu.memory_space<hbm>>
    tpu.enqueue_dma source(%dma_start3A_29 : memref<40xi32, #tpu.memory_space<hbm>>) target(%arg12 : memref<40xi32, #tpu.memory_space<vmem>>) target_semaphore(%arg22 : memref<!tpu.dma_semaphore, #tpu.memory_space<semaphore_mem>>)
    %dma_start3A_30 = arith.constant 80 : i32
    %dma_start3A_31 = tpu.memref_slice %arg8[%dma_start3A_30] : memref<10000xi32, #tpu.memory_space<vmem>> -> memref<40xi32, #tpu.memory_space<vmem>>
    %dma_start3A_32 = arith.constant 0 : i32
    %dma_start3A_33 = arith.constant 0 : i32
    %dma_start3A_34 = tpu.memref_slice %arg5[%dma_start3A_32, %dma_start3A_33] : memref<10000x128xf32, #tpu.memory_space<hbm>> -> memref<10000x128xf32, #tpu.memory_space<hbm>>
    tpu.enqueue_indirect_dma source(%dma_start3A_34 : memref<10000x128xf32, #tpu.memory_space<hbm>>) target(%arg17 : memref<40x128xf32, #tpu.memory_space<vmem>>) offsets(%dma_start3A_31 : memref<40xi32, #tpu.memory_space<vmem>>) semaphore(%arg22 : memref<!tpu.dma_semaphore, #tpu.memory_space<semaphore_mem>>)
    %add3A_35 = arith.constant 120 : i32
    %add3A_36 = arith.addi %add3A, %add3A_35 : i32
    %dma_start3A_37 = tpu.memref_slice %arg3[%add3A_36] : memref<320000xi32, #tpu.memory_space<hbm>> -> memref<40xi32, #tpu.memory_space<hbm>>
    %dma_start3A_38 = tpu.memref_slice %arg3[%add3A_36] : memref<320000xi32, #tpu.memory_space<hbm>> -> memref<40xi32, #tpu.memory_space<hbm>>
    tpu.enqueue_dma source(%dma_start3A_38 : memref<40xi32, #tpu.memory_space<hbm>>) target(%arg13 : memref<40xi32, #tpu.memory_space<vmem>>) target_semaphore(%arg23 : memref<!tpu.dma_semaphore, #tpu.memory_space<semaphore_mem>>)
    %dma_start3A_39 = arith.constant 120 : i32
    %dma_start3A_40 = tpu.memref_slice %arg8[%dma_start3A_39] : memref<10000xi32, #tpu.memory_space<vmem>> -> memref<40xi32, #tpu.memory_space<vmem>>
    %dma_start3A_41 = arith.constant 0 : i32
    %dma_start3A_42 = arith.constant 0 : i32
    %dma_start3A_43 = tpu.memref_slice %arg5[%dma_start3A_41, %dma_start3A_42] : memref<10000x128xf32, #tpu.memory_space<hbm>> -> memref<10000x128xf32, #tpu.memory_space<hbm>>
    tpu.enqueue_indirect_dma source(%dma_start3A_43 : memref<10000x128xf32, #tpu.memory_space<hbm>>) target(%arg18 : memref<40x128xf32, #tpu.memory_space<vmem>>) offsets(%dma_start3A_40 : memref<40xi32, #tpu.memory_space<vmem>>) semaphore(%arg23 : memref<!tpu.dma_semaphore, #tpu.memory_space<semaphore_mem>>)
    %add3A_44 = arith.constant 160 : i32
    %add3A_45 = arith.addi %add3A, %add3A_44 : i32
    %dma_start3A_46 = tpu.memref_slice %arg3[%add3A_45] : memref<320000xi32, #tpu.memory_space<hbm>> -> memref<40xi32, #tpu.memory_space<hbm>>
    %dma_start3A_47 = tpu.memref_slice %arg3[%add3A_45] : memref<320000xi32, #tpu.memory_space<hbm>> -> memref<40xi32, #tpu.memory_space<hbm>>
    tpu.enqueue_dma source(%dma_start3A_47 : memref<40xi32, #tpu.memory_space<hbm>>) target(%arg14 : memref<40xi32, #tpu.memory_space<vmem>>) target_semaphore(%arg24 : memref<!tpu.dma_semaphore, #tpu.memory_space<semaphore_mem>>)
    %dma_start3A_48 = arith.constant 160 : i32
    %dma_start3A_49 = tpu.memref_slice %arg8[%dma_start3A_48] : memref<10000xi32, #tpu.memory_space<vmem>> -> memref<40xi32, #tpu.memory_space<vmem>>
    %dma_start3A_50 = arith.constant 0 : i32
    %dma_start3A_51 = arith.constant 0 : i32
    %dma_start3A_52 = tpu.memref_slice %arg5[%dma_start3A_50, %dma_start3A_51] : memref<10000x128xf32, #tpu.memory_space<hbm>> -> memref<10000x128xf32, #tpu.memory_space<hbm>>
    tpu.enqueue_indirect_dma source(%dma_start3A_52 : memref<10000x128xf32, #tpu.memory_space<hbm>>) target(%arg19 : memref<40x128xf32, #tpu.memory_space<vmem>>) offsets(%dma_start3A_49 : memref<40xi32, #tpu.memory_space<vmem>>) semaphore(%arg24 : memref<!tpu.dma_semaphore, #tpu.memory_space<semaphore_mem>>)
    %scan3A_53 = arith.constant 0 : i32
    %scan3A_54 = arith.constant 0 : i32
    %scan3A_55 = arith.constant 16 : i32
    %scan3A_56 = arith.addi %scan3A_54, %scan3A_55 : i32
    %scan3A_57 = arith.constant 1 : i32
    %scan3A_58 = scf.for %scan3A_96 = %scan3A_54 to %scan3A_56 step %scan3A_57 iter_args(%scan3A_97 = %scan3A_53) -> (i32)  : i32 {
      %mul3A_98 = arith.constant 640 : i32
      %mul3A_99 = arith.muli %arg1, %mul3A_98 : i32
      %dma_wait3A_100 = arith.constant 0 : i32
      %dma_wait3A_101 = arith.constant 0 : i32
      %dma_wait3A_102 = tpu.memref_slice %arg15[%dma_wait3A_100, %dma_wait3A_101] : memref<40x128xf32, #tpu.memory_space<vmem>> -> memref<40x128xf32, #tpu.memory_space<vmem>>
      %dma_wait3A_103 = arith.constant 0 : i32
      %dma_wait3A_104 = tpu.memref_slice %arg7[%mul3A_99, %dma_wait3A_103] : memref<10240x128xf32, #tpu.memory_space<vmem_shared>> -> memref<40x128xf32, #tpu.memory_space<vmem_shared>>
      %dma_wait3A_105 = arith.constant 0 : i32
      %dma_wait3A_106 = tpu.memref_slice %arg7[%mul3A_99, %dma_wait3A_105] : memref<10240x128xf32, #tpu.memory_space<vmem_shared>> -> memref<40x128xf32, #tpu.memory_space<vmem_shared>>
      %dma_wait3A_107 = arith.constant 0 : i32
      %dma_wait3A_108 = arith.constant 0 : i32
      %dma_wait3A_109 = tpu.memref_slice %arg15[%dma_wait3A_107, %dma_wait3A_108] : memref<40x128xf32, #tpu.memory_space<vmem>> -> memref<40x128xf32, #tpu.memory_space<vmem>>
      tpu.wait_dma2 semaphore(%arg25 : memref<!tpu.dma_semaphore, #tpu.memory_space<semaphore_mem>>) src(%dma_wait3A_109 : memref<40x128xf32, #tpu.memory_space<vmem>>) dst(%dma_wait3A_106 : memref<40x128xf32, #tpu.memory_space<vmem_shared>>)
      %scan3A_110 = arith.constant 0 : i32
      scf.yield %scan3A_110 : i32
    }
    %scan3A_59 = arith.constant 16 : i32
    %add3A_60 = arith.constant 0 : i32
    %add3A_61 = arith.addi %add3A, %add3A_60 : i32
    %dma_start3A_62 = tpu.memref_slice %arg3[%add3A_61] : memref<320000xi32, #tpu.memory_space<hbm>> -> memref<40xi32, #tpu.memory_space<hbm>>
    %dma_start3A_63 = tpu.memref_slice %arg3[%add3A_61] : memref<320000xi32, #tpu.memory_space<hbm>> -> memref<40xi32, #tpu.memory_space<hbm>>
    tpu.enqueue_dma source(%dma_start3A_63 : memref<40xi32, #tpu.memory_space<hbm>>) target(%arg10 : memref<40xi32, #tpu.memory_space<vmem>>) target_semaphore(%arg20 : memref<!tpu.dma_semaphore, #tpu.memory_space<semaphore_mem>>)
    %dma_start3A_64 = arith.constant 0 : i32
    %dma_start3A_65 = tpu.memref_slice %arg8[%dma_start3A_64] : memref<10000xi32, #tpu.memory_space<vmem>> -> memref<40xi32, #tpu.memory_space<vmem>>
    %dma_start3A_66 = arith.constant 0 : i32
    %dma_start3A_67 = arith.constant 0 : i32
    %dma_start3A_68 = tpu.memref_slice %arg5[%dma_start3A_66, %dma_start3A_67] : memref<10000x128xf32, #tpu.memory_space<hbm>> -> memref<10000x128xf32, #tpu.memory_space<hbm>>
    tpu.enqueue_indirect_dma source(%dma_start3A_68 : memref<10000x128xf32, #tpu.memory_space<hbm>>) target(%arg15 : memref<40x128xf32, #tpu.memory_space<vmem>>) offsets(%dma_start3A_65 : memref<40xi32, #tpu.memory_space<vmem>>) semaphore(%arg20 : memref<!tpu.dma_semaphore, #tpu.memory_space<semaphore_mem>>)
    %barrier3A = arith.constant 0 : index
    tpu.barrier barrier_id(%barrier3A)
    %scan3A_69 = arith.constant 0 : i32
    %scan3A_70 = arith.constant 0 : i32
    %scan3A_71 = arith.constant 50 : i32
    %scan3A_72 = arith.addi %scan3A_70, %scan3A_71 : i32
    %scan3A_73 = arith.constant 1 : i32
    %scan3A_74 = scf.for %scan3A_96 = %scan3A_70 to %scan3A_72 step %scan3A_73 iter_args(%scan3A_97 = %scan3A_69) -> (i32)  : i32 {
      %mul3A_98 = arith.constant 5 : i32
      %mul3A_99 = arith.muli %scan3A_96, %mul3A_98 : i32
      %add3A_100 = arith.constant 0 : i32
      %add3A_101 = arith.addi %mul3A_99, %add3A_100 : i32
      %mul3A_102 = arith.constant 40 : i32
      %mul3A_103 = arith.muli %add3A_101, %mul3A_102 : i32
      %add3A_104 = arith.addi %add3A, %mul3A_103 : i32
      %dma_wait3A_105 = tpu.memref_slice %arg3[%add3A_104] : memref<320000xi32, #tpu.memory_space<hbm>> -> memref<40xi32, #tpu.memory_space<hbm>>
      %dma_wait3A_106 = tpu.memref_slice %arg3[%add3A_104] : memref<320000xi32, #tpu.memory_space<hbm>> -> memref<40xi32, #tpu.memory_space<hbm>>
      tpu.wait_dma2 semaphore(%arg20 : memref<!tpu.dma_semaphore, #tpu.memory_space<semaphore_mem>>) src(%dma_wait3A_106 : memref<40xi32, #tpu.memory_space<hbm>>) dst(%arg10 : memref<40xi32, #tpu.memory_space<vmem>>)
      %mul3A_107 = arith.constant 40 : i32
      %mul3A_108 = arith.muli %add3A_101, %mul3A_107 : i32
      %dma_wait3A_109 = tpu.memref_slice %arg8[%mul3A_108] : memref<10000xi32, #tpu.memory_space<vmem>> -> memref<40xi32, #tpu.memory_space<vmem>>
      %dma_wait3A_110 = arith.constant 0 : i32
      %dma_wait3A_111 = arith.constant 0 : i32
      %dma_wait3A_112 = tpu.memref_slice %arg5[%dma_wait3A_110, %dma_wait3A_111] : memref<10000x128xf32, #tpu.memory_space<hbm>> -> memref<10000x128xf32, #tpu.memory_space<hbm>>
      tpu.wait_indirect_dma semaphore(%arg20 : memref<!tpu.dma_semaphore, #tpu.memory_space<semaphore_mem>>) src(%dma_wait3A_112 : memref<10000x128xf32, #tpu.memory_space<hbm>>) dst(%arg15 : memref<40x128xf32, #tpu.memory_space<vmem>>)
      %parallel_loop3A_113 = arith.constant 0 : i32
      %parallel_loop3A_114 = arith.constant 40 : i32
      %parallel_loop3A_115 = arith.constant 1 : i32
      scf.for %parallel_loop3A_236 = %parallel_loop3A_113 to %parallel_loop3A_114 step %parallel_loop3A_115  : i32 {
        %parallel_loop3A_237 = arith.constant 40 : i32
        %parallel_loop3A_238 = arith.muli %add3A_101, %parallel_loop3A_237 : i32
        %parallel_loop3A_239 = arith.addi %parallel_loop3A_238, %parallel_loop3A_236 : i32
        %parallel_loop3A_240 = vector.broadcast %parallel_loop3A_239 : i32 to vector<16xi32>
        %parallel_loop3A_241 = tpu.vector_load_idx %arg9[%parallel_loop3A_240] : memref<10000xf32, #tpu.memory_space<vmem>>[vector<16xi32>], vector<16xf32>,
        %parallel_loop3A_242 = arith.index_cast %parallel_loop3A_236 : i32 to index
        %parallel_loop3A_243 = arith.constant 0 : index
        %parallel_loop3A_244 = tpu.vector_load %arg15[%parallel_loop3A_242, %parallel_loop3A_243] {strides = array<i32>} : memref<40x128xf32, #tpu.memory_space<vmem>>, vector<16xf32>,
        %parallel_loop3A_245 = arith.mulf %parallel_loop3A_244, %parallel_loop3A_241 : vector<16xf32>
        %parallel_loop3A_246 = arith.index_cast %parallel_loop3A_236 : i32 to index
        %parallel_loop3A_247 = arith.constant 0 : index
        %parallel_loop3A_248 = tpu.vector_load %arg15[%parallel_loop3A_246, %parallel_loop3A_247] {strides = array<i32>} : memref<40x128xf32, #tpu.memory_space<vmem>>, vector<16xf32>,
        tpu.vector_store %arg15[%parallel_loop3A_246, %parallel_loop3A_247], %parallel_loop3A_245 {strides = array<i32>} : memref<40x128xf32, #tpu.memory_space<vmem>>, vector<16xf32>,
        %parallel_loop3A_249 = arith.index_cast %parallel_loop3A_236 : i32 to index
        %parallel_loop3A_250 = arith.constant 16 : index
        %parallel_loop3A_251 = tpu.vector_load %arg15[%parallel_loop3A_249, %parallel_loop3A_250] {strides = array<i32>} : memref<40x128xf32, #tpu.memory_space<vmem>>, vector<16xf32>,
        %parallel_loop3A_252 = arith.mulf %parallel_loop3A_251, %parallel_loop3A_241 : vector<16xf32>
        %parallel_loop3A_253 = arith.index_cast %parallel_loop3A_236 : i32 to index
        %parallel_loop3A_254 = arith.constant 16 : index
        %parallel_loop3A_255 = tpu.vector_load %arg15[%parallel_loop3A_253, %parallel_loop3A_254] {strides = array<i32>} : memref<40x128xf32, #tpu.memory_space<vmem>>, vector<16xf32>,
        tpu.vector_store %arg15[%parallel_loop3A_253, %parallel_loop3A_254], %parallel_loop3A_252 {strides = array<i32>} : memref<40x128xf32, #tpu.memory_space<vmem>>, vector<16xf32>,
        %parallel_loop3A_256 = arith.index_cast %parallel_loop3A_236 : i32 to index
        %parallel_loop3A_257 = arith.constant 32 : index
        %parallel_loop3A_258 = tpu.vector_load %arg15[%parallel_loop3A_256, %parallel_loop3A_257] {strides = array<i32>} : memref<40x128xf32, #tpu.memory_space<vmem>>, vector<16xf32>,
        %parallel_loop3A_259 = arith.mulf %parallel_loop3A_258, %parallel_loop3A_241 : vector<16xf32>
        %parallel_loop3A_260 = arith.index_cast %parallel_loop3A_236 : i32 to index
        %parallel_loop3A_261 = arith.constant 32 : index
        %parallel_loop3A_262 = tpu.vector_load %arg15[%parallel_loop3A_260, %parallel_loop3A_261] {strides = array<i32>} : memref<40x128xf32, #tpu.memory_space<vmem>>, vector<16xf32>,
        tpu.vector_store %arg15[%parallel_loop3A_260, %parallel_loop3A_261], %parallel_loop3A_259 {strides = array<i32>} : memref<40x128xf32, #tpu.memory_space<vmem>>, vector<16xf32>,
        %parallel_loop3A_263 = arith.index_cast %parallel_loop3A_236 : i32 to index
        %parallel_loop3A_264 = arith.constant 48 : index
        %parallel_loop3A_265 = tpu.vector_load %arg15[%parallel_loop3A_263, %parallel_loop3A_264] {strides = array<i32>} : memref<40x128xf32, #tpu.memory_space<vmem>>, vector<16xf32>,
        %parallel_loop3A_266 = arith.mulf %parallel_loop3A_265, %parallel_loop3A_241 : vector<16xf32>
        %parallel_loop3A_267 = arith.index_cast %parallel_loop3A_236 : i32 to index
        %parallel_loop3A_268 = arith.constant 48 : index
        %parallel_loop3A_269 = tpu.vector_load %arg15[%parallel_loop3A_267, %parallel_loop3A_268] {strides = array<i32>} : memref<40x128xf32, #tpu.memory_space<vmem>>, vector<16xf32>,
        tpu.vector_store %arg15[%parallel_loop3A_267, %parallel_loop3A_268], %parallel_loop3A_266 {strides = array<i32>} : memref<40x128xf32, #tpu.memory_space<vmem>>, vector<16xf32>,
        %parallel_loop3A_270 = arith.index_cast %parallel_loop3A_236 : i32 to index
        %parallel_loop3A_271 = arith.constant 64 : index
        %parallel_loop3A_272 = tpu.vector_load %arg15[%parallel_loop3A_270, %parallel_loop3A_271] {strides = array<i32>} : memref<40x128xf32, #tpu.memory_space<vmem>>, vector<16xf32>,
        %parallel_loop3A_273 = arith.mulf %parallel_loop3A_272, %parallel_loop3A_241 : vector<16xf32>
        %parallel_loop3A_274 = arith.index_cast %parallel_loop3A_236 : i32 to index
        %parallel_loop3A_275 = arith.constant 64 : index
        %parallel_loop3A_276 = tpu.vector_load %arg15[%parallel_loop3A_274, %parallel_loop3A_275] {strides = array<i32>} : memref<40x128xf32, #tpu.memory_space<vmem>>, vector<16xf32>,
        tpu.vector_store %arg15[%parallel_loop3A_274, %parallel_loop3A_275], %parallel_loop3A_273 {strides = array<i32>} : memref<40x128xf32, #tpu.memory_space<vmem>>, vector<16xf32>,
        %parallel_loop3A_277 = arith.index_cast %parallel_loop3A_236 : i32 to index
        %parallel_loop3A_278 = arith.constant 80 : index
        %parallel_loop3A_279 = tpu.vector_load %arg15[%parallel_loop3A_277, %parallel_loop3A_278] {strides = array<i32>} : memref<40x128xf32, #tpu.memory_space<vmem>>, vector<16xf32>,
        %parallel_loop3A_280 = arith.mulf %parallel_loop3A_279, %parallel_loop3A_241 : vector<16xf32>
        %parallel_loop3A_281 = arith.index_cast %parallel_loop3A_236 : i32 to index
        %parallel_loop3A_282 = arith.constant 80 : index
        %parallel_loop3A_283 = tpu.vector_load %arg15[%parallel_loop3A_281, %parallel_loop3A_282] {strides = array<i32>} : memref<40x128xf32, #tpu.memory_space<vmem>>, vector<16xf32>,
        tpu.vector_store %arg15[%parallel_loop3A_281, %parallel_loop3A_282], %parallel_loop3A_280 {strides = array<i32>} : memref<40x128xf32, #tpu.memory_space<vmem>>, vector<16xf32>,
        %parallel_loop3A_284 = arith.index_cast %parallel_loop3A_236 : i32 to index
        %parallel_loop3A_285 = arith.constant 96 : index
        %parallel_loop3A_286 = tpu.vector_load %arg15[%parallel_loop3A_284, %parallel_loop3A_285] {strides = array<i32>} : memref<40x128xf32, #tpu.memory_space<vmem>>, vector<16xf32>,
        %parallel_loop3A_287 = arith.mulf %parallel_loop3A_286, %parallel_loop3A_241 : vector<16xf32>
        %parallel_loop3A_288 = arith.index_cast %parallel_loop3A_236 : i32 to index
        %parallel_loop3A_289 = arith.constant 96 : index
        %parallel_loop3A_290 = tpu.vector_load %arg15[%parallel_loop3A_288, %parallel_loop3A_289] {strides = array<i32>} : memref<40x128xf32, #tpu.memory_space<vmem>>, vector<16xf32>,
        tpu.vector_store %arg15[%parallel_loop3A_288, %parallel_loop3A_289], %parallel_loop3A_287 {strides = array<i32>} : memref<40x128xf32, #tpu.memory_space<vmem>>, vector<16xf32>,
        %parallel_loop3A_291 = arith.index_cast %parallel_loop3A_236 : i32 to index
        %parallel_loop3A_292 = arith.constant 112 : index
        %parallel_loop3A_293 = tpu.vector_load %arg15[%parallel_loop3A_291, %parallel_loop3A_292] {strides = array<i32>} : memref<40x128xf32, #tpu.memory_space<vmem>>, vector<16xf32>,
        %parallel_loop3A_294 = arith.mulf %parallel_loop3A_293, %parallel_loop3A_241 : vector<16xf32>
        %parallel_loop3A_295 = arith.index_cast %parallel_loop3A_236 : i32 to index
        %parallel_loop3A_296 = arith.constant 112 : index
        %parallel_loop3A_297 = tpu.vector_load %arg15[%parallel_loop3A_295, %parallel_loop3A_296] {strides = array<i32>} : memref<40x128xf32, #tpu.memory_space<vmem>>, vector<16xf32>,
        tpu.vector_store %arg15[%parallel_loop3A_295, %parallel_loop3A_296], %parallel_loop3A_294 {strides = array<i32>} : memref<40x128xf32, #tpu.memory_space<vmem>>, vector<16xf32>,
      } {sc.loop_unroll_factor = 4 : i64, sc.parallel_access}
      %dma_start3A_116 = arith.constant 0 : i32
      %dma_start3A_117 = arith.constant 0 : i32
      %dma_start3A_118 = tpu.memref_slice %arg7[%dma_start3A_116, %dma_start3A_117] : memref<10240x128xf32, #tpu.memory_space<vmem_shared>> -> memref<10240x128xf32, #tpu.memory_space<vmem_shared>>
      tpu.enqueue_indirect_dma source(%arg15 : memref<40x128xf32, #tpu.memory_space<vmem>>) target(%dma_start3A_118 : memref<10240x128xf32, #tpu.memory_space<vmem_shared>>) offsets(%arg10 : memref<40xi32, #tpu.memory_space<vmem>>) semaphore(%arg25 : memref<!tpu.dma_semaphore, #tpu.memory_space<semaphore_mem>>) {add = true}
      %add3A_119 = arith.constant 5 : i32
      %add3A_120 = arith.addi %add3A_101, %add3A_119 : i32
      %lt3A = arith.constant 250 : i32
      %lt3A_121 = arith.cmpi slt, %add3A_120, %lt3A : i32
      %convert_element_type3A = arith.extui %lt3A_121 : i1 to i32
      %cond3A = arith.constant 0 : i32
      %cond3A_122 = arith.cmpi ne, %convert_element_type3A, %cond3A : i32
      scf.if %cond3A_122 {
        %dma_wait3A_236 = arith.constant 0 : i32
        %dma_wait3A_237 = arith.constant 0 : i32
        %dma_wait3A_238 = tpu.memref_slice %arg7[%dma_wait3A_236, %dma_wait3A_237] : memref<10240x128xf32, #tpu.memory_space<vmem_shared>> -> memref<10240x128xf32, #tpu.memory_space<vmem_shared>>
        tpu.wait_indirect_dma semaphore(%arg25 : memref<!tpu.dma_semaphore, #tpu.memory_space<semaphore_mem>>) src(%arg15 : memref<40x128xf32, #tpu.memory_space<vmem>>) dst(%dma_wait3A_238 : memref<10240x128xf32, #tpu.memory_space<vmem_shared>>)
        %add3A_239 = arith.constant 5 : i32
        %add3A_240 = arith.addi %add3A_101, %add3A_239 : i32
        %mul3A_241 = arith.constant 40 : i32
        %mul3A_242 = arith.muli %add3A_240, %mul3A_241 : i32
        %add3A_243 = arith.addi %add3A, %mul3A_242 : i32
        %dma_start3A_244 = tpu.memref_slice %arg3[%add3A_243] : memref<320000xi32, #tpu.memory_space<hbm>> -> memref<40xi32, #tpu.memory_space<hbm>>
        %dma_start3A_245 = tpu.memref_slice %arg3[%add3A_243] : memref<320000xi32, #tpu.memory_space<hbm>> -> memref<40xi32, #tpu.memory_space<hbm>>
        tpu.enqueue_dma source(%dma_start3A_245 : memref<40xi32, #tpu.memory_space<hbm>>) target(%arg10 : memref<40xi32, #tpu.memory_space<vmem>>) target_semaphore(%arg20 : memref<!tpu.dma_semaphore, #tpu.memory_space<semaphore_mem>>)
        %mul3A_246 = arith.constant 40 : i32
        %mul3A_247 = arith.muli %add3A_240, %mul3A_246 : i32
        %dma_start3A_248 = tpu.memref_slice %arg8[%mul3A_247] : memref<10000xi32, #tpu.memory_space<vmem>> -> memref<40xi32, #tpu.memory_space<vmem>>
        %dma_start3A_249 = arith.constant 0 : i32
        %dma_start3A_250 = arith.constant 0 : i32
        %dma_start3A_251 = tpu.memref_slice %arg5[%dma_start3A_249, %dma_start3A_250] : memref<10000x128xf32, #tpu.memory_space<hbm>> -> memref<10000x128xf32, #tpu.memory_space<hbm>>
        tpu.enqueue_indirect_dma source(%dma_start3A_251 : memref<10000x128xf32, #tpu.memory_space<hbm>>) target(%arg15 : memref<40x128xf32, #tpu.memory_space<vmem>>) offsets(%dma_start3A_248 : memref<40xi32, #tpu.memory_space<vmem>>) semaphore(%arg20 : memref<!tpu.dma_semaphore, #tpu.memory_space<semaphore_mem>>)
      } else {
      }
      %mul3A_123 = arith.constant 5 : i32
      %mul3A_124 = arith.muli %scan3A_96, %mul3A_123 : i32
      %add3A_125 = arith.constant 1 : i32
      %add3A_126 = arith.addi %mul3A_124, %add3A_125 : i32
      %mul3A_127 = arith.constant 40 : i32
      %mul3A_128 = arith.muli %add3A_126, %mul3A_127 : i32
      %add3A_129 = arith.addi %add3A, %mul3A_128 : i32
      %dma_wait3A_130 = tpu.memref_slice %arg3[%add3A_129] : memref<320000xi32, #tpu.memory_space<hbm>> -> memref<40xi32, #tpu.memory_space<hbm>>
      %dma_wait3A_131 = tpu.memref_slice %arg3[%add3A_129] : memref<320000xi32, #tpu.memory_space<hbm>> -> memref<40xi32, #tpu.memory_space<hbm>>
      tpu.wait_dma2 semaphore(%arg21 : memref<!tpu.dma_semaphore, #tpu.memory_space<semaphore_mem>>) src(%dma_wait3A_131 : memref<40xi32, #tpu.memory_space<hbm>>) dst(%arg11 : memref<40xi32, #tpu.memory_space<vmem>>)
      %mul3A_132 = arith.constant 40 : i32
      %mul3A_133 = arith.muli %add3A_126, %mul3A_132 : i32
      %dma_wait3A_134 = tpu.memref_slice %arg8[%mul3A_133] : memref<10000xi32, #tpu.memory_space<vmem>> -> memref<40xi32, #tpu.memory_space<vmem>>
      %dma_wait3A_135 = arith.constant 0 : i32
      %dma_wait3A_136 = arith.constant 0 : i32
      %dma_wait3A_137 = tpu.memref_slice %arg5[%dma_wait3A_135, %dma_wait3A_136] : memref<10000x128xf32, #tpu.memory_space<hbm>> -> memref<10000x128xf32, #tpu.memory_space<hbm>>
      tpu.wait_indirect_dma semaphore(%arg21 : memref<!tpu.dma_semaphore, #tpu.memory_space<semaphore_mem>>) src(%dma_wait3A_137 : memref<10000x128xf32, #tpu.memory_space<hbm>>) dst(%arg16 : memref<40x128xf32, #tpu.memory_space<vmem>>)
      %parallel_loop3A_138 = arith.constant 0 : i32
      %parallel_loop3A_139 = arith.constant 40 : i32
      %parallel_loop3A_140 = arith.constant 1 : i32
      scf.for %parallel_loop3A_236 = %parallel_loop3A_138 to %parallel_loop3A_139 step %parallel_loop3A_140  : i32 {
        %parallel_loop3A_237 = arith.constant 40 : i32
        %parallel_loop3A_238 = arith.muli %add3A_126, %parallel_loop3A_237 : i32
        %parallel_loop3A_239 = arith.addi %parallel_loop3A_238, %parallel_loop3A_236 : i32
        %parallel_loop3A_240 = vector.broadcast %parallel_loop3A_239 : i32 to vector<16xi32>
        %parallel_loop3A_241 = tpu.vector_load_idx %arg9[%parallel_loop3A_240] : memref<10000xf32, #tpu.memory_space<vmem>>[vector<16xi32>], vector<16xf32>,
        %parallel_loop3A_242 = arith.index_cast %parallel_loop3A_236 : i32 to index
        %parallel_loop3A_243 = arith.constant 0 : index
        %parallel_loop3A_244 = tpu.vector_load %arg16[%parallel_loop3A_242, %parallel_loop3A_243] {strides = array<i32>} : memref<40x128xf32, #tpu.memory_space<vmem>>, vector<16xf32>,
        %parallel_loop3A_245 = arith.mulf %parallel_loop3A_244, %parallel_loop3A_241 : vector<16xf32>
        %parallel_loop3A_246 = arith.index_cast %parallel_loop3A_236 : i32 to index
        %parallel_loop3A_247 = arith.constant 0 : index
        %parallel_loop3A_248 = tpu.vector_load %arg16[%parallel_loop3A_246, %parallel_loop3A_247] {strides = array<i32>} : memref<40x128xf32, #tpu.memory_space<vmem>>, vector<16xf32>,
        tpu.vector_store %arg16[%parallel_loop3A_246, %parallel_loop3A_247], %parallel_loop3A_245 {strides = array<i32>} : memref<40x128xf32, #tpu.memory_space<vmem>>, vector<16xf32>,
        %parallel_loop3A_249 = arith.index_cast %parallel_loop3A_236 : i32 to index
        %parallel_loop3A_250 = arith.constant 16 : index
        %parallel_loop3A_251 = tpu.vector_load %arg16[%parallel_loop3A_249, %parallel_loop3A_250] {strides = array<i32>} : memref<40x128xf32, #tpu.memory_space<vmem>>, vector<16xf32>,
        %parallel_loop3A_252 = arith.mulf %parallel_loop3A_251, %parallel_loop3A_241 : vector<16xf32>
        %parallel_loop3A_253 = arith.index_cast %parallel_loop3A_236 : i32 to index
        %parallel_loop3A_254 = arith.constant 16 : index
        %parallel_loop3A_255 = tpu.vector_load %arg16[%parallel_loop3A_253, %parallel_loop3A_254] {strides = array<i32>} : memref<40x128xf32, #tpu.memory_space<vmem>>, vector<16xf32>,
        tpu.vector_store %arg16[%parallel_loop3A_253, %parallel_loop3A_254], %parallel_loop3A_252 {strides = array<i32>} : memref<40x128xf32, #tpu.memory_space<vmem>>, vector<16xf32>,
        %parallel_loop3A_256 = arith.index_cast %parallel_loop3A_236 : i32 to index
        %parallel_loop3A_257 = arith.constant 32 : index
        %parallel_loop3A_258 = tpu.vector_load %arg16[%parallel_loop3A_256, %parallel_loop3A_257] {strides = array<i32>} : memref<40x128xf32, #tpu.memory_space<vmem>>, vector<16xf32>,
        %parallel_loop3A_259 = arith.mulf %parallel_loop3A_258, %parallel_loop3A_241 : vector<16xf32>
        %parallel_loop3A_260 = arith.index_cast %parallel_loop3A_236 : i32 to index
        %parallel_loop3A_261 = arith.constant 32 : index
        %parallel_loop3A_262 = tpu.vector_load %arg16[%parallel_loop3A_260, %parallel_loop3A_261] {strides = array<i32>} : memref<40x128xf32, #tpu.memory_space<vmem>>, vector<16xf32>,
        tpu.vector_store %arg16[%parallel_loop3A_260, %parallel_loop3A_261], %parallel_loop3A_259 {strides = array<i32>} : memref<40x128xf32, #tpu.memory_space<vmem>>, vector<16xf32>,
        %parallel_loop3A_263 = arith.index_cast %parallel_loop3A_236 : i32 to index
        %parallel_loop3A_264 = arith.constant 48 : index
        %parallel_loop3A_265 = tpu.vector_load %arg16[%parallel_loop3A_263, %parallel_loop3A_264] {strides = array<i32>} : memref<40x128xf32, #tpu.memory_space<vmem>>, vector<16xf32>,
        %parallel_loop3A_266 = arith.mulf %parallel_loop3A_265, %parallel_loop3A_241 : vector<16xf32>
        %parallel_loop3A_267 = arith.index_cast %parallel_loop3A_236 : i32 to index
        %parallel_loop3A_268 = arith.constant 48 : index
        %parallel_loop3A_269 = tpu.vector_load %arg16[%parallel_loop3A_267, %parallel_loop3A_268] {strides = array<i32>} : memref<40x128xf32, #tpu.memory_space<vmem>>, vector<16xf32>,
        tpu.vector_store %arg16[%parallel_loop3A_267, %parallel_loop3A_268], %parallel_loop3A_266 {strides = array<i32>} : memref<40x128xf32, #tpu.memory_space<vmem>>, vector<16xf32>,
        %parallel_loop3A_270 = arith.index_cast %parallel_loop3A_236 : i32 to index
        %parallel_loop3A_271 = arith.constant 64 : index
        %parallel_loop3A_272 = tpu.vector_load %arg16[%parallel_loop3A_270, %parallel_loop3A_271] {strides = array<i32>} : memref<40x128xf32, #tpu.memory_space<vmem>>, vector<16xf32>,
        %parallel_loop3A_273 = arith.mulf %parallel_loop3A_272, %parallel_loop3A_241 : vector<16xf32>
        %parallel_loop3A_274 = arith.index_cast %parallel_loop3A_236 : i32 to index
        %parallel_loop3A_275 = arith.constant 64 : index
        %parallel_loop3A_276 = tpu.vector_load %arg16[%parallel_loop3A_274, %parallel_loop3A_275] {strides = array<i32>} : memref<40x128xf32, #tpu.memory_space<vmem>>, vector<16xf32>,
        tpu.vector_store %arg16[%parallel_loop3A_274, %parallel_loop3A_275], %parallel_loop3A_273 {strides = array<i32>} : memref<40x128xf32, #tpu.memory_space<vmem>>, vector<16xf32>,
        %parallel_loop3A_277 = arith.index_cast %parallel_loop3A_236 : i32 to index
        %parallel_loop3A_278 = arith.constant 80 : index
        %parallel_loop3A_279 = tpu.vector_load %arg16[%parallel_loop3A_277, %parallel_loop3A_278] {strides = array<i32>} : memref<40x128xf32, #tpu.memory_space<vmem>>, vector<16xf32>,
        %parallel_loop3A_280 = arith.mulf %parallel_loop3A_279, %parallel_loop3A_241 : vector<16xf32>
        %parallel_loop3A_281 = arith.index_cast %parallel_loop3A_236 : i32 to index
        %parallel_loop3A_282 = arith.constant 80 : index
        %parallel_loop3A_283 = tpu.vector_load %arg16[%parallel_loop3A_281, %parallel_loop3A_282] {strides = array<i32>} : memref<40x128xf32, #tpu.memory_space<vmem>>, vector<16xf32>,
        tpu.vector_store %arg16[%parallel_loop3A_281, %parallel_loop3A_282], %parallel_loop3A_280 {strides = array<i32>} : memref<40x128xf32, #tpu.memory_space<vmem>>, vector<16xf32>,
        %parallel_loop3A_284 = arith.index_cast %parallel_loop3A_236 : i32 to index
        %parallel_loop3A_285 = arith.constant 96 : index
        %parallel_loop3A_286 = tpu.vector_load %arg16[%parallel_loop3A_284, %parallel_loop3A_285] {strides = array<i32>} : memref<40x128xf32, #tpu.memory_space<vmem>>, vector<16xf32>,
        %parallel_loop3A_287 = arith.mulf %parallel_loop3A_286, %parallel_loop3A_241 : vector<16xf32>
        %parallel_loop3A_288 = arith.index_cast %parallel_loop3A_236 : i32 to index
        %parallel_loop3A_289 = arith.constant 96 : index
        %parallel_loop3A_290 = tpu.vector_load %arg16[%parallel_loop3A_288, %parallel_loop3A_289] {strides = array<i32>} : memref<40x128xf32, #tpu.memory_space<vmem>>, vector<16xf32>,
        tpu.vector_store %arg16[%parallel_loop3A_288, %parallel_loop3A_289], %parallel_loop3A_287 {strides = array<i32>} : memref<40x128xf32, #tpu.memory_space<vmem>>, vector<16xf32>,
        %parallel_loop3A_291 = arith.index_cast %parallel_loop3A_236 : i32 to index
        %parallel_loop3A_292 = arith.constant 112 : index
        %parallel_loop3A_293 = tpu.vector_load %arg16[%parallel_loop3A_291, %parallel_loop3A_292] {strides = array<i32>} : memref<40x128xf32, #tpu.memory_space<vmem>>, vector<16xf32>,
        %parallel_loop3A_294 = arith.mulf %parallel_loop3A_293, %parallel_loop3A_241 : vector<16xf32>
        %parallel_loop3A_295 = arith.index_cast %parallel_loop3A_236 : i32 to index
        %parallel_loop3A_296 = arith.constant 112 : index
        %parallel_loop3A_297 = tpu.vector_load %arg16[%parallel_loop3A_295, %parallel_loop3A_296] {strides = array<i32>} : memref<40x128xf32, #tpu.memory_space<vmem>>, vector<16xf32>,
        tpu.vector_store %arg16[%parallel_loop3A_295, %parallel_loop3A_296], %parallel_loop3A_294 {strides = array<i32>} : memref<40x128xf32, #tpu.memory_space<vmem>>, vector<16xf32>,
      } {sc.loop_unroll_factor = 4 : i64, sc.parallel_access}
      %dma_start3A_141 = arith.constant 0 : i32
      %dma_start3A_142 = arith.constant 0 : i32
      %dma_start3A_143 = tpu.memref_slice %arg7[%dma_start3A_141, %dma_start3A_142] : memref<10240x128xf32, #tpu.memory_space<vmem_shared>> -> memref<10240x128xf32, #tpu.memory_space<vmem_shared>>
      tpu.enqueue_indirect_dma source(%arg16 : memref<40x128xf32, #tpu.memory_space<vmem>>) target(%dma_start3A_143 : memref<10240x128xf32, #tpu.memory_space<vmem_shared>>) offsets(%arg11 : memref<40xi32, #tpu.memory_space<vmem>>) semaphore(%arg26 : memref<!tpu.dma_semaphore, #tpu.memory_space<semaphore_mem>>) {add = true}
      %add3A_144 = arith.constant 5 : i32
      %add3A_145 = arith.addi %add3A_126, %add3A_144 : i32
      %lt3A_146 = arith.constant 250 : i32
      %lt3A_147 = arith.cmpi slt, %add3A_145, %lt3A_146 : i32
      %convert_element_type3A_148 = arith.extui %lt3A_147 : i1 to i32
      %cond3A_149 = arith.constant 0 : i32
      %cond3A_150 = arith.cmpi ne, %convert_element_type3A_148, %cond3A_149 : i32
      scf.if %cond3A_150 {
        %dma_wait3A_236 = arith.constant 0 : i32
        %dma_wait3A_237 = arith.constant 0 : i32
        %dma_wait3A_238 = tpu.memref_slice %arg7[%dma_wait3A_236, %dma_wait3A_237] : memref<10240x128xf32, #tpu.memory_space<vmem_shared>> -> memref<10240x128xf32, #tpu.memory_space<vmem_shared>>
        tpu.wait_indirect_dma semaphore(%arg26 : memref<!tpu.dma_semaphore, #tpu.memory_space<semaphore_mem>>) src(%arg16 : memref<40x128xf32, #tpu.memory_space<vmem>>) dst(%dma_wait3A_238 : memref<10240x128xf32, #tpu.memory_space<vmem_shared>>)
        %add3A_239 = arith.constant 5 : i32
        %add3A_240 = arith.addi %add3A_126, %add3A_239 : i32
        %mul3A_241 = arith.constant 40 : i32
        %mul3A_242 = arith.muli %add3A_240, %mul3A_241 : i32
        %add3A_243 = arith.addi %add3A, %mul3A_242 : i32
        %dma_start3A_244 = tpu.memref_slice %arg3[%add3A_243] : memref<320000xi32, #tpu.memory_space<hbm>> -> memref<40xi32, #tpu.memory_space<hbm>>
        %dma_start3A_245 = tpu.memref_slice %arg3[%add3A_243] : memref<320000xi32, #tpu.memory_space<hbm>> -> memref<40xi32, #tpu.memory_space<hbm>>
        tpu.enqueue_dma source(%dma_start3A_245 : memref<40xi32, #tpu.memory_space<hbm>>) target(%arg11 : memref<40xi32, #tpu.memory_space<vmem>>) target_semaphore(%arg21 : memref<!tpu.dma_semaphore, #tpu.memory_space<semaphore_mem>>)
        %mul3A_246 = arith.constant 40 : i32
        %mul3A_247 = arith.muli %add3A_240, %mul3A_246 : i32
        %dma_start3A_248 = tpu.memref_slice %arg8[%mul3A_247] : memref<10000xi32, #tpu.memory_space<vmem>> -> memref<40xi32, #tpu.memory_space<vmem>>
        %dma_start3A_249 = arith.constant 0 : i32
        %dma_start3A_250 = arith.constant 0 : i32
        %dma_start3A_251 = tpu.memref_slice %arg5[%dma_start3A_249, %dma_start3A_250] : memref<10000x128xf32, #tpu.memory_space<hbm>> -> memref<10000x128xf32, #tpu.memory_space<hbm>>
        tpu.enqueue_indirect_dma source(%dma_start3A_251 : memref<10000x128xf32, #tpu.memory_space<hbm>>) target(%arg16 : memref<40x128xf32, #tpu.memory_space<vmem>>) offsets(%dma_start3A_248 : memref<40xi32, #tpu.memory_space<vmem>>) semaphore(%arg21 : memref<!tpu.dma_semaphore, #tpu.memory_space<semaphore_mem>>)
      } else {
      }
      %mul3A_151 = arith.constant 5 : i32
      %mul3A_152 = arith.muli %scan3A_96, %mul3A_151 : i32
      %add3A_153 = arith.constant 2 : i32
      %add3A_154 = arith.addi %mul3A_152, %add3A_153 : i32
      %mul3A_155 = arith.constant 40 : i32
      %mul3A_156 = arith.muli %add3A_154, %mul3A_155 : i32
      %add3A_157 = arith.addi %add3A, %mul3A_156 : i32
      %dma_wait3A_158 = tpu.memref_slice %arg3[%add3A_157] : memref<320000xi32, #tpu.memory_space<hbm>> -> memref<40xi32, #tpu.memory_space<hbm>>
      %dma_wait3A_159 = tpu.memref_slice %arg3[%add3A_157] : memref<320000xi32, #tpu.memory_space<hbm>> -> memref<40xi32, #tpu.memory_space<hbm>>
      tpu.wait_dma2 semaphore(%arg22 : memref<!tpu.dma_semaphore, #tpu.memory_space<semaphore_mem>>) src(%dma_wait3A_159 : memref<40xi32, #tpu.memory_space<hbm>>) dst(%arg12 : memref<40xi32, #tpu.memory_space<vmem>>)
      %mul3A_160 = arith.constant 40 : i32
      %mul3A_161 = arith.muli %add3A_154, %mul3A_160 : i32
      %dma_wait3A_162 = tpu.memref_slice %arg8[%mul3A_161] : memref<10000xi32, #tpu.memory_space<vmem>> -> memref<40xi32, #tpu.memory_space<vmem>>
      %dma_wait3A_163 = arith.constant 0 : i32
      %dma_wait3A_164 = arith.constant 0 : i32
      %dma_wait3A_165 = tpu.memref_slice %arg5[%dma_wait3A_163, %dma_wait3A_164] : memref<10000x128xf32, #tpu.memory_space<hbm>> -> memref<10000x128xf32, #tpu.memory_space<hbm>>
      tpu.wait_indirect_dma semaphore(%arg22 : memref<!tpu.dma_semaphore, #tpu.memory_space<semaphore_mem>>) src(%dma_wait3A_165 : memref<10000x128xf32, #tpu.memory_space<hbm>>) dst(%arg17 : memref<40x128xf32, #tpu.memory_space<vmem>>)
      %parallel_loop3A_166 = arith.constant 0 : i32
      %parallel_loop3A_167 = arith.constant 40 : i32
      %parallel_loop3A_168 = arith.constant 1 : i32
      scf.for %parallel_loop3A_236 = %parallel_loop3A_166 to %parallel_loop3A_167 step %parallel_loop3A_168  : i32 {
        %parallel_loop3A_237 = arith.constant 40 : i32
        %parallel_loop3A_238 = arith.muli %add3A_154, %parallel_loop3A_237 : i32
        %parallel_loop3A_239 = arith.addi %parallel_loop3A_238, %parallel_loop3A_236 : i32
        %parallel_loop3A_240 = vector.broadcast %parallel_loop3A_239 : i32 to vector<16xi32>
        %parallel_loop3A_241 = tpu.vector_load_idx %arg9[%parallel_loop3A_240] : memref<10000xf32, #tpu.memory_space<vmem>>[vector<16xi32>], vector<16xf32>,
        %parallel_loop3A_242 = arith.index_cast %parallel_loop3A_236 : i32 to index
        %parallel_loop3A_243 = arith.constant 0 : index
        %parallel_loop3A_244 = tpu.vector_load %arg17[%parallel_loop3A_242, %parallel_loop3A_243] {strides = array<i32>} : memref<40x128xf32, #tpu.memory_space<vmem>>, vector<16xf32>,
        %parallel_loop3A_245 = arith.mulf %parallel_loop3A_244, %parallel_loop3A_241 : vector<16xf32>
        %parallel_loop3A_246 = arith.index_cast %parallel_loop3A_236 : i32 to index
        %parallel_loop3A_247 = arith.constant 0 : index
        %parallel_loop3A_248 = tpu.vector_load %arg17[%parallel_loop3A_246, %parallel_loop3A_247] {strides = array<i32>} : memref<40x128xf32, #tpu.memory_space<vmem>>, vector<16xf32>,
        tpu.vector_store %arg17[%parallel_loop3A_246, %parallel_loop3A_247], %parallel_loop3A_245 {strides = array<i32>} : memref<40x128xf32, #tpu.memory_space<vmem>>, vector<16xf32>,
        %parallel_loop3A_249 = arith.index_cast %parallel_loop3A_236 : i32 to index
        %parallel_loop3A_250 = arith.constant 16 : index
        %parallel_loop3A_251 = tpu.vector_load %arg17[%parallel_loop3A_249, %parallel_loop3A_250] {strides = array<i32>} : memref<40x128xf32, #tpu.memory_space<vmem>>, vector<16xf32>,
        %parallel_loop3A_252 = arith.mulf %parallel_loop3A_251, %parallel_loop3A_241 : vector<16xf32>
        %parallel_loop3A_253 = arith.index_cast %parallel_loop3A_236 : i32 to index
        %parallel_loop3A_254 = arith.constant 16 : index
        %parallel_loop3A_255 = tpu.vector_load %arg17[%parallel_loop3A_253, %parallel_loop3A_254] {strides = array<i32>} : memref<40x128xf32, #tpu.memory_space<vmem>>, vector<16xf32>,
        tpu.vector_store %arg17[%parallel_loop3A_253, %parallel_loop3A_254], %parallel_loop3A_252 {strides = array<i32>} : memref<40x128xf32, #tpu.memory_space<vmem>>, vector<16xf32>,
        %parallel_loop3A_256 = arith.index_cast %parallel_loop3A_236 : i32 to index
        %parallel_loop3A_257 = arith.constant 32 : index
        %parallel_loop3A_258 = tpu.vector_load %arg17[%parallel_loop3A_256, %parallel_loop3A_257] {strides = array<i32>} : memref<40x128xf32, #tpu.memory_space<vmem>>, vector<16xf32>,
        %parallel_loop3A_259 = arith.mulf %parallel_loop3A_258, %parallel_loop3A_241 : vector<16xf32>
        %parallel_loop3A_260 = arith.index_cast %parallel_loop3A_236 : i32 to index
        %parallel_loop3A_261 = arith.constant 32 : index
        %parallel_loop3A_262 = tpu.vector_load %arg17[%parallel_loop3A_260, %parallel_loop3A_261] {strides = array<i32>} : memref<40x128xf32, #tpu.memory_space<vmem>>, vector<16xf32>,
        tpu.vector_store %arg17[%parallel_loop3A_260, %parallel_loop3A_261], %parallel_loop3A_259 {strides = array<i32>} : memref<40x128xf32, #tpu.memory_space<vmem>>, vector<16xf32>,
        %parallel_loop3A_263 = arith.index_cast %parallel_loop3A_236 : i32 to index
        %parallel_loop3A_264 = arith.constant 48 : index
        %parallel_loop3A_265 = tpu.vector_load %arg17[%parallel_loop3A_263, %parallel_loop3A_264] {strides = array<i32>} : memref<40x128xf32, #tpu.memory_space<vmem>>, vector<16xf32>,
        %parallel_loop3A_266 = arith.mulf %parallel_loop3A_265, %parallel_loop3A_241 : vector<16xf32>
        %parallel_loop3A_267 = arith.index_cast %parallel_loop3A_236 : i32 to index
        %parallel_loop3A_268 = arith.constant 48 : index
        %parallel_loop3A_269 = tpu.vector_load %arg17[%parallel_loop3A_267, %parallel_loop3A_268] {strides = array<i32>} : memref<40x128xf32, #tpu.memory_space<vmem>>, vector<16xf32>,
        tpu.vector_store %arg17[%parallel_loop3A_267, %parallel_loop3A_268], %parallel_loop3A_266 {strides = array<i32>} : memref<40x128xf32, #tpu.memory_space<vmem>>, vector<16xf32>,
        %parallel_loop3A_270 = arith.index_cast %parallel_loop3A_236 : i32 to index
        %parallel_loop3A_271 = arith.constant 64 : index
        %parallel_loop3A_272 = tpu.vector_load %arg17[%parallel_loop3A_270, %parallel_loop3A_271] {strides = array<i32>} : memref<40x128xf32, #tpu.memory_space<vmem>>, vector<16xf32>,
        %parallel_loop3A_273 = arith.mulf %parallel_loop3A_272, %parallel_loop3A_241 : vector<16xf32>
        %parallel_loop3A_274 = arith.index_cast %parallel_loop3A_236 : i32 to index
        %parallel_loop3A_275 = arith.constant 64 : index
        %parallel_loop3A_276 = tpu.vector_load %arg17[%parallel_loop3A_274, %parallel_loop3A_275] {strides = array<i32>} : memref<40x128xf32, #tpu.memory_space<vmem>>, vector<16xf32>,
        tpu.vector_store %arg17[%parallel_loop3A_274, %parallel_loop3A_275], %parallel_loop3A_273 {strides = array<i32>} : memref<40x128xf32, #tpu.memory_space<vmem>>, vector<16xf32>,
        %parallel_loop3A_277 = arith.index_cast %parallel_loop3A_236 : i32 to index
        %parallel_loop3A_278 = arith.constant 80 : index
        %parallel_loop3A_279 = tpu.vector_load %arg17[%parallel_loop3A_277, %parallel_loop3A_278] {strides = array<i32>} : memref<40x128xf32, #tpu.memory_space<vmem>>, vector<16xf32>,
        %parallel_loop3A_280 = arith.mulf %parallel_loop3A_279, %parallel_loop3A_241 : vector<16xf32>
        %parallel_loop3A_281 = arith.index_cast %parallel_loop3A_236 : i32 to index
        %parallel_loop3A_282 = arith.constant 80 : index
        %parallel_loop3A_283 = tpu.vector_load %arg17[%parallel_loop3A_281, %parallel_loop3A_282] {strides = array<i32>} : memref<40x128xf32, #tpu.memory_space<vmem>>, vector<16xf32>,
        tpu.vector_store %arg17[%parallel_loop3A_281, %parallel_loop3A_282], %parallel_loop3A_280 {strides = array<i32>} : memref<40x128xf32, #tpu.memory_space<vmem>>, vector<16xf32>,
        %parallel_loop3A_284 = arith.index_cast %parallel_loop3A_236 : i32 to index
        %parallel_loop3A_285 = arith.constant 96 : index
        %parallel_loop3A_286 = tpu.vector_load %arg17[%parallel_loop3A_284, %parallel_loop3A_285] {strides = array<i32>} : memref<40x128xf32, #tpu.memory_space<vmem>>, vector<16xf32>,
        %parallel_loop3A_287 = arith.mulf %parallel_loop3A_286, %parallel_loop3A_241 : vector<16xf32>
        %parallel_loop3A_288 = arith.index_cast %parallel_loop3A_236 : i32 to index
        %parallel_loop3A_289 = arith.constant 96 : index
        %parallel_loop3A_290 = tpu.vector_load %arg17[%parallel_loop3A_288, %parallel_loop3A_289] {strides = array<i32>} : memref<40x128xf32, #tpu.memory_space<vmem>>, vector<16xf32>,
        tpu.vector_store %arg17[%parallel_loop3A_288, %parallel_loop3A_289], %parallel_loop3A_287 {strides = array<i32>} : memref<40x128xf32, #tpu.memory_space<vmem>>, vector<16xf32>,
        %parallel_loop3A_291 = arith.index_cast %parallel_loop3A_236 : i32 to index
        %parallel_loop3A_292 = arith.constant 112 : index
        %parallel_loop3A_293 = tpu.vector_load %arg17[%parallel_loop3A_291, %parallel_loop3A_292] {strides = array<i32>} : memref<40x128xf32, #tpu.memory_space<vmem>>, vector<16xf32>,
        %parallel_loop3A_294 = arith.mulf %parallel_loop3A_293, %parallel_loop3A_241 : vector<16xf32>
        %parallel_loop3A_295 = arith.index_cast %parallel_loop3A_236 : i32 to index
        %parallel_loop3A_296 = arith.constant 112 : index
        %parallel_loop3A_297 = tpu.vector_load %arg17[%parallel_loop3A_295, %parallel_loop3A_296] {strides = array<i32>} : memref<40x128xf32, #tpu.memory_space<vmem>>, vector<16xf32>,
        tpu.vector_store %arg17[%parallel_loop3A_295, %parallel_loop3A_296], %parallel_loop3A_294 {strides = array<i32>} : memref<40x128xf32, #tpu.memory_space<vmem>>, vector<16xf32>,
      } {sc.loop_unroll_factor = 4 : i64, sc.parallel_access}
      %dma_start3A_169 = arith.constant 0 : i32
      %dma_start3A_170 = arith.constant 0 : i32
      %dma_start3A_171 = tpu.memref_slice %arg7[%dma_start3A_169, %dma_start3A_170] : memref<10240x128xf32, #tpu.memory_space<vmem_shared>> -> memref<10240x128xf32, #tpu.memory_space<vmem_shared>>
      tpu.enqueue_indirect_dma source(%arg17 : memref<40x128xf32, #tpu.memory_space<vmem>>) target(%dma_start3A_171 : memref<10240x128xf32, #tpu.memory_space<vmem_shared>>) offsets(%arg12 : memref<40xi32, #tpu.memory_space<vmem>>) semaphore(%arg27 : memref<!tpu.dma_semaphore, #tpu.memory_space<semaphore_mem>>) {add = true}
      %add3A_172 = arith.constant 5 : i32
      %add3A_173 = arith.addi %add3A_154, %add3A_172 : i32
      %lt3A_174 = arith.constant 250 : i32
      %lt3A_175 = arith.cmpi slt, %add3A_173, %lt3A_174 : i32
      %convert_element_type3A_176 = arith.extui %lt3A_175 : i1 to i32
      %cond3A_177 = arith.constant 0 : i32
      %cond3A_178 = arith.cmpi ne, %convert_element_type3A_176, %cond3A_177 : i32
      scf.if %cond3A_178 {
        %dma_wait3A_236 = arith.constant 0 : i32
        %dma_wait3A_237 = arith.constant 0 : i32
        %dma_wait3A_238 = tpu.memref_slice %arg7[%dma_wait3A_236, %dma_wait3A_237] : memref<10240x128xf32, #tpu.memory_space<vmem_shared>> -> memref<10240x128xf32, #tpu.memory_space<vmem_shared>>
        tpu.wait_indirect_dma semaphore(%arg27 : memref<!tpu.dma_semaphore, #tpu.memory_space<semaphore_mem>>) src(%arg17 : memref<40x128xf32, #tpu.memory_space<vmem>>) dst(%dma_wait3A_238 : memref<10240x128xf32, #tpu.memory_space<vmem_shared>>)
        %add3A_239 = arith.constant 5 : i32
        %add3A_240 = arith.addi %add3A_154, %add3A_239 : i32
        %mul3A_241 = arith.constant 40 : i32
        %mul3A_242 = arith.muli %add3A_240, %mul3A_241 : i32
        %add3A_243 = arith.addi %add3A, %mul3A_242 : i32
        %dma_start3A_244 = tpu.memref_slice %arg3[%add3A_243] : memref<320000xi32, #tpu.memory_space<hbm>> -> memref<40xi32, #tpu.memory_space<hbm>>
        %dma_start3A_245 = tpu.memref_slice %arg3[%add3A_243] : memref<320000xi32, #tpu.memory_space<hbm>> -> memref<40xi32, #tpu.memory_space<hbm>>
        tpu.enqueue_dma source(%dma_start3A_245 : memref<40xi32, #tpu.memory_space<hbm>>) target(%arg12 : memref<40xi32, #tpu.memory_space<vmem>>) target_semaphore(%arg22 : memref<!tpu.dma_semaphore, #tpu.memory_space<semaphore_mem>>)
        %mul3A_246 = arith.constant 40 : i32
        %mul3A_247 = arith.muli %add3A_240, %mul3A_246 : i32
        %dma_start3A_248 = tpu.memref_slice %arg8[%mul3A_247] : memref<10000xi32, #tpu.memory_space<vmem>> -> memref<40xi32, #tpu.memory_space<vmem>>
        %dma_start3A_249 = arith.constant 0 : i32
        %dma_start3A_250 = arith.constant 0 : i32
        %dma_start3A_251 = tpu.memref_slice %arg5[%dma_start3A_249, %dma_start3A_250] : memref<10000x128xf32, #tpu.memory_space<hbm>> -> memref<10000x128xf32, #tpu.memory_space<hbm>>
        tpu.enqueue_indirect_dma source(%dma_start3A_251 : memref<10000x128xf32, #tpu.memory_space<hbm>>) target(%arg17 : memref<40x128xf32, #tpu.memory_space<vmem>>) offsets(%dma_start3A_248 : memref<40xi32, #tpu.memory_space<vmem>>) semaphore(%arg22 : memref<!tpu.dma_semaphore, #tpu.memory_space<semaphore_mem>>)
      } else {
      }
      %mul3A_179 = arith.constant 5 : i32
      %mul3A_180 = arith.muli %scan3A_96, %mul3A_179 : i32
      %add3A_181 = arith.constant 3 : i32
      %add3A_182 = arith.addi %mul3A_180, %add3A_181 : i32
      %mul3A_183 = arith.constant 40 : i32
      %mul3A_184 = arith.muli %add3A_182, %mul3A_183 : i32
      %add3A_185 = arith.addi %add3A, %mul3A_184 : i32
      %dma_wait3A_186 = tpu.memref_slice %arg3[%add3A_185] : memref<320000xi32, #tpu.memory_space<hbm>> -> memref<40xi32, #tpu.memory_space<hbm>>
      %dma_wait3A_187 = tpu.memref_slice %arg3[%add3A_185] : memref<320000xi32, #tpu.memory_space<hbm>> -> memref<40xi32, #tpu.memory_space<hbm>>
      tpu.wait_dma2 semaphore(%arg23 : memref<!tpu.dma_semaphore, #tpu.memory_space<semaphore_mem>>) src(%dma_wait3A_187 : memref<40xi32, #tpu.memory_space<hbm>>) dst(%arg13 : memref<40xi32, #tpu.memory_space<vmem>>)
      %mul3A_188 = arith.constant 40 : i32
      %mul3A_189 = arith.muli %add3A_182, %mul3A_188 : i32
      %dma_wait3A_190 = tpu.memref_slice %arg8[%mul3A_189] : memref<10000xi32, #tpu.memory_space<vmem>> -> memref<40xi32, #tpu.memory_space<vmem>>
      %dma_wait3A_191 = arith.constant 0 : i32
      %dma_wait3A_192 = arith.constant 0 : i32
      %dma_wait3A_193 = tpu.memref_slice %arg5[%dma_wait3A_191, %dma_wait3A_192] : memref<10000x128xf32, #tpu.memory_space<hbm>> -> memref<10000x128xf32, #tpu.memory_space<hbm>>
      tpu.wait_indirect_dma semaphore(%arg23 : memref<!tpu.dma_semaphore, #tpu.memory_space<semaphore_mem>>) src(%dma_wait3A_193 : memref<10000x128xf32, #tpu.memory_space<hbm>>) dst(%arg18 : memref<40x128xf32, #tpu.memory_space<vmem>>)
      %parallel_loop3A_194 = arith.constant 0 : i32
      %parallel_loop3A_195 = arith.constant 40 : i32
      %parallel_loop3A_196 = arith.constant 1 : i32
      scf.for %parallel_loop3A_236 = %parallel_loop3A_194 to %parallel_loop3A_195 step %parallel_loop3A_196  : i32 {
        %parallel_loop3A_237 = arith.constant 40 : i32
        %parallel_loop3A_238 = arith.muli %add3A_182, %parallel_loop3A_237 : i32
        %parallel_loop3A_239 = arith.addi %parallel_loop3A_238, %parallel_loop3A_236 : i32
        %parallel_loop3A_240 = vector.broadcast %parallel_loop3A_239 : i32 to vector<16xi32>
        %parallel_loop3A_241 = tpu.vector_load_idx %arg9[%parallel_loop3A_240] : memref<10000xf32, #tpu.memory_space<vmem>>[vector<16xi32>], vector<16xf32>,
        %parallel_loop3A_242 = arith.index_cast %parallel_loop3A_236 : i32 to index
        %parallel_loop3A_243 = arith.constant 0 : index
        %parallel_loop3A_244 = tpu.vector_load %arg18[%parallel_loop3A_242, %parallel_loop3A_243] {strides = array<i32>} : memref<40x128xf32, #tpu.memory_space<vmem>>, vector<16xf32>,
        %parallel_loop3A_245 = arith.mulf %parallel_loop3A_244, %parallel_loop3A_241 : vector<16xf32>
        %parallel_loop3A_246 = arith.index_cast %parallel_loop3A_236 : i32 to index
        %parallel_loop3A_247 = arith.constant 0 : index
        %parallel_loop3A_248 = tpu.vector_load %arg18[%parallel_loop3A_246, %parallel_loop3A_247] {strides = array<i32>} : memref<40x128xf32, #tpu.memory_space<vmem>>, vector<16xf32>,
        tpu.vector_store %arg18[%parallel_loop3A_246, %parallel_loop3A_247], %parallel_loop3A_245 {strides = array<i32>} : memref<40x128xf32, #tpu.memory_space<vmem>>, vector<16xf32>,
        %parallel_loop3A_249 = arith.index_cast %parallel_loop3A_236 : i32 to index
        %parallel_loop3A_250 = arith.constant 16 : index
        %parallel_loop3A_251 = tpu.vector_load %arg18[%parallel_loop3A_249, %parallel_loop3A_250] {strides = array<i32>} : memref<40x128xf32, #tpu.memory_space<vmem>>, vector<16xf32>,
        %parallel_loop3A_252 = arith.mulf %parallel_loop3A_251, %parallel_loop3A_241 : vector<16xf32>
        %parallel_loop3A_253 = arith.index_cast %parallel_loop3A_236 : i32 to index
        %parallel_loop3A_254 = arith.constant 16 : index
        %parallel_loop3A_255 = tpu.vector_load %arg18[%parallel_loop3A_253, %parallel_loop3A_254] {strides = array<i32>} : memref<40x128xf32, #tpu.memory_space<vmem>>, vector<16xf32>,
        tpu.vector_store %arg18[%parallel_loop3A_253, %parallel_loop3A_254], %parallel_loop3A_252 {strides = array<i32>} : memref<40x128xf32, #tpu.memory_space<vmem>>, vector<16xf32>,
        %parallel_loop3A_256 = arith.index_cast %parallel_loop3A_236 : i32 to index
        %parallel_loop3A_257 = arith.constant 32 : index
        %parallel_loop3A_258 = tpu.vector_load %arg18[%parallel_loop3A_256, %parallel_loop3A_257] {strides = array<i32>} : memref<40x128xf32, #tpu.memory_space<vmem>>, vector<16xf32>,
        %parallel_loop3A_259 = arith.mulf %parallel_loop3A_258, %parallel_loop3A_241 : vector<16xf32>
        %parallel_loop3A_260 = arith.index_cast %parallel_loop3A_236 : i32 to index
        %parallel_loop3A_261 = arith.constant 32 : index
        %parallel_loop3A_262 = tpu.vector_load %arg18[%parallel_loop3A_260, %parallel_loop3A_261] {strides = array<i32>} : memref<40x128xf32, #tpu.memory_space<vmem>>, vector<16xf32>,
        tpu.vector_store %arg18[%parallel_loop3A_260, %parallel_loop3A_261], %parallel_loop3A_259 {strides = array<i32>} : memref<40x128xf32, #tpu.memory_space<vmem>>, vector<16xf32>,
        %parallel_loop3A_263 = arith.index_cast %parallel_loop3A_236 : i32 to index
        %parallel_loop3A_264 = arith.constant 48 : index
        %parallel_loop3A_265 = tpu.vector_load %arg18[%parallel_loop3A_263, %parallel_loop3A_264] {strides = array<i32>} : memref<40x128xf32, #tpu.memory_space<vmem>>, vector<16xf32>,
        %parallel_loop3A_266 = arith.mulf %parallel_loop3A_265, %parallel_loop3A_241 : vector<16xf32>
        %parallel_loop3A_267 = arith.index_cast %parallel_loop3A_236 : i32 to index
        %parallel_loop3A_268 = arith.constant 48 : index
        %parallel_loop3A_269 = tpu.vector_load %arg18[%parallel_loop3A_267, %parallel_loop3A_268] {strides = array<i32>} : memref<40x128xf32, #tpu.memory_space<vmem>>, vector<16xf32>,
        tpu.vector_store %arg18[%parallel_loop3A_267, %parallel_loop3A_268], %parallel_loop3A_266 {strides = array<i32>} : memref<40x128xf32, #tpu.memory_space<vmem>>, vector<16xf32>,
        %parallel_loop3A_270 = arith.index_cast %parallel_loop3A_236 : i32 to index
        %parallel_loop3A_271 = arith.constant 64 : index
        %parallel_loop3A_272 = tpu.vector_load %arg18[%parallel_loop3A_270, %parallel_loop3A_271] {strides = array<i32>} : memref<40x128xf32, #tpu.memory_space<vmem>>, vector<16xf32>,
        %parallel_loop3A_273 = arith.mulf %parallel_loop3A_272, %parallel_loop3A_241 : vector<16xf32>
        %parallel_loop3A_274 = arith.index_cast %parallel_loop3A_236 : i32 to index
        %parallel_loop3A_275 = arith.constant 64 : index
        %parallel_loop3A_276 = tpu.vector_load %arg18[%parallel_loop3A_274, %parallel_loop3A_275] {strides = array<i32>} : memref<40x128xf32, #tpu.memory_space<vmem>>, vector<16xf32>,
        tpu.vector_store %arg18[%parallel_loop3A_274, %parallel_loop3A_275], %parallel_loop3A_273 {strides = array<i32>} : memref<40x128xf32, #tpu.memory_space<vmem>>, vector<16xf32>,
        %parallel_loop3A_277 = arith.index_cast %parallel_loop3A_236 : i32 to index
        %parallel_loop3A_278 = arith.constant 80 : index
        %parallel_loop3A_279 = tpu.vector_load %arg18[%parallel_loop3A_277, %parallel_loop3A_278] {strides = array<i32>} : memref<40x128xf32, #tpu.memory_space<vmem>>, vector<16xf32>,
        %parallel_loop3A_280 = arith.mulf %parallel_loop3A_279, %parallel_loop3A_241 : vector<16xf32>
        %parallel_loop3A_281 = arith.index_cast %parallel_loop3A_236 : i32 to index
        %parallel_loop3A_282 = arith.constant 80 : index
        %parallel_loop3A_283 = tpu.vector_load %arg18[%parallel_loop3A_281, %parallel_loop3A_282] {strides = array<i32>} : memref<40x128xf32, #tpu.memory_space<vmem>>, vector<16xf32>,
        tpu.vector_store %arg18[%parallel_loop3A_281, %parallel_loop3A_282], %parallel_loop3A_280 {strides = array<i32>} : memref<40x128xf32, #tpu.memory_space<vmem>>, vector<16xf32>,
        %parallel_loop3A_284 = arith.index_cast %parallel_loop3A_236 : i32 to index
        %parallel_loop3A_285 = arith.constant 96 : index
        %parallel_loop3A_286 = tpu.vector_load %arg18[%parallel_loop3A_284, %parallel_loop3A_285] {strides = array<i32>} : memref<40x128xf32, #tpu.memory_space<vmem>>, vector<16xf32>,
        %parallel_loop3A_287 = arith.mulf %parallel_loop3A_286, %parallel_loop3A_241 : vector<16xf32>
        %parallel_loop3A_288 = arith.index_cast %parallel_loop3A_236 : i32 to index
        %parallel_loop3A_289 = arith.constant 96 : index
        %parallel_loop3A_290 = tpu.vector_load %arg18[%parallel_loop3A_288, %parallel_loop3A_289] {strides = array<i32>} : memref<40x128xf32, #tpu.memory_space<vmem>>, vector<16xf32>,
        tpu.vector_store %arg18[%parallel_loop3A_288, %parallel_loop3A_289], %parallel_loop3A_287 {strides = array<i32>} : memref<40x128xf32, #tpu.memory_space<vmem>>, vector<16xf32>,
        %parallel_loop3A_291 = arith.index_cast %parallel_loop3A_236 : i32 to index
        %parallel_loop3A_292 = arith.constant 112 : index
        %parallel_loop3A_293 = tpu.vector_load %arg18[%parallel_loop3A_291, %parallel_loop3A_292] {strides = array<i32>} : memref<40x128xf32, #tpu.memory_space<vmem>>, vector<16xf32>,
        %parallel_loop3A_294 = arith.mulf %parallel_loop3A_293, %parallel_loop3A_241 : vector<16xf32>
        %parallel_loop3A_295 = arith.index_cast %parallel_loop3A_236 : i32 to index
        %parallel_loop3A_296 = arith.constant 112 : index
        %parallel_loop3A_297 = tpu.vector_load %arg18[%parallel_loop3A_295, %parallel_loop3A_296] {strides = array<i32>} : memref<40x128xf32, #tpu.memory_space<vmem>>, vector<16xf32>,
        tpu.vector_store %arg18[%parallel_loop3A_295, %parallel_loop3A_296], %parallel_loop3A_294 {strides = array<i32>} : memref<40x128xf32, #tpu.memory_space<vmem>>, vector<16xf32>,
      } {sc.loop_unroll_factor = 4 : i64, sc.parallel_access}
      %dma_start3A_197 = arith.constant 0 : i32
      %dma_start3A_198 = arith.constant 0 : i32
      %dma_start3A_199 = tpu.memref_slice %arg7[%dma_start3A_197, %dma_start3A_198] : memref<10240x128xf32, #tpu.memory_space<vmem_shared>> -> memref<10240x128xf32, #tpu.memory_space<vmem_shared>>
      tpu.enqueue_indirect_dma source(%arg18 : memref<40x128xf32, #tpu.memory_space<vmem>>) target(%dma_start3A_199 : memref<10240x128xf32, #tpu.memory_space<vmem_shared>>) offsets(%arg13 : memref<40xi32, #tpu.memory_space<vmem>>) semaphore(%arg28 : memref<!tpu.dma_semaphore, #tpu.memory_space<semaphore_mem>>) {add = true}
      %add3A_200 = arith.constant 5 : i32
      %add3A_201 = arith.addi %add3A_182, %add3A_200 : i32
      %lt3A_202 = arith.constant 250 : i32
      %lt3A_203 = arith.cmpi slt, %add3A_201, %lt3A_202 : i32
      %convert_element_type3A_204 = arith.extui %lt3A_203 : i1 to i32
      %cond3A_205 = arith.constant 0 : i32
      %cond3A_206 = arith.cmpi ne, %convert_element_type3A_204, %cond3A_205 : i32
      scf.if %cond3A_206 {
        %dma_wait3A_236 = arith.constant 0 : i32
        %dma_wait3A_237 = arith.constant 0 : i32
        %dma_wait3A_238 = tpu.memref_slice %arg7[%dma_wait3A_236, %dma_wait3A_237] : memref<10240x128xf32, #tpu.memory_space<vmem_shared>> -> memref<10240x128xf32, #tpu.memory_space<vmem_shared>>
        tpu.wait_indirect_dma semaphore(%arg28 : memref<!tpu.dma_semaphore, #tpu.memory_space<semaphore_mem>>) src(%arg18 : memref<40x128xf32, #tpu.memory_space<vmem>>) dst(%dma_wait3A_238 : memref<10240x128xf32, #tpu.memory_space<vmem_shared>>)
        %add3A_239 = arith.constant 5 : i32
        %add3A_240 = arith.addi %add3A_182, %add3A_239 : i32
        %mul3A_241 = arith.constant 40 : i32
        %mul3A_242 = arith.muli %add3A_240, %mul3A_241 : i32
        %add3A_243 = arith.addi %add3A, %mul3A_242 : i32
        %dma_start3A_244 = tpu.memref_slice %arg3[%add3A_243] : memref<320000xi32, #tpu.memory_space<hbm>> -> memref<40xi32, #tpu.memory_space<hbm>>
        %dma_start3A_245 = tpu.memref_slice %arg3[%add3A_243] : memref<320000xi32, #tpu.memory_space<hbm>> -> memref<40xi32, #tpu.memory_space<hbm>>
        tpu.enqueue_dma source(%dma_start3A_245 : memref<40xi32, #tpu.memory_space<hbm>>) target(%arg13 : memref<40xi32, #tpu.memory_space<vmem>>) target_semaphore(%arg23 : memref<!tpu.dma_semaphore, #tpu.memory_space<semaphore_mem>>)
        %mul3A_246 = arith.constant 40 : i32
        %mul3A_247 = arith.muli %add3A_240, %mul3A_246 : i32
        %dma_start3A_248 = tpu.memref_slice %arg8[%mul3A_247] : memref<10000xi32, #tpu.memory_space<vmem>> -> memref<40xi32, #tpu.memory_space<vmem>>
        %dma_start3A_249 = arith.constant 0 : i32
        %dma_start3A_250 = arith.constant 0 : i32
        %dma_start3A_251 = tpu.memref_slice %arg5[%dma_start3A_249, %dma_start3A_250] : memref<10000x128xf32, #tpu.memory_space<hbm>> -> memref<10000x128xf32, #tpu.memory_space<hbm>>
        tpu.enqueue_indirect_dma source(%dma_start3A_251 : memref<10000x128xf32, #tpu.memory_space<hbm>>) target(%arg18 : memref<40x128xf32, #tpu.memory_space<vmem>>) offsets(%dma_start3A_248 : memref<40xi32, #tpu.memory_space<vmem>>) semaphore(%arg23 : memref<!tpu.dma_semaphore, #tpu.memory_space<semaphore_mem>>)
      } else {
      }
      %mul3A_207 = arith.constant 5 : i32
      %mul3A_208 = arith.muli %scan3A_96, %mul3A_207 : i32
      %add3A_209 = arith.constant 4 : i32
      %add3A_210 = arith.addi %mul3A_208, %add3A_209 : i32
      %mul3A_211 = arith.constant 40 : i32
      %mul3A_212 = arith.muli %add3A_210, %mul3A_211 : i32
      %add3A_213 = arith.addi %add3A, %mul3A_212 : i32
      %dma_wait3A_214 = tpu.memref_slice %arg3[%add3A_213] : memref<320000xi32, #tpu.memory_space<hbm>> -> memref<40xi32, #tpu.memory_space<hbm>>
      %dma_wait3A_215 = tpu.memref_slice %arg3[%add3A_213] : memref<320000xi32, #tpu.memory_space<hbm>> -> memref<40xi32, #tpu.memory_space<hbm>>
      tpu.wait_dma2 semaphore(%arg24 : memref<!tpu.dma_semaphore, #tpu.memory_space<semaphore_mem>>) src(%dma_wait3A_215 : memref<40xi32, #tpu.memory_space<hbm>>) dst(%arg14 : memref<40xi32, #tpu.memory_space<vmem>>)
      %mul3A_216 = arith.constant 40 : i32
      %mul3A_217 = arith.muli %add3A_210, %mul3A_216 : i32
      %dma_wait3A_218 = tpu.memref_slice %arg8[%mul3A_217] : memref<10000xi32, #tpu.memory_space<vmem>> -> memref<40xi32, #tpu.memory_space<vmem>>
      %dma_wait3A_219 = arith.constant 0 : i32
      %dma_wait3A_220 = arith.constant 0 : i32
      %dma_wait3A_221 = tpu.memref_slice %arg5[%dma_wait3A_219, %dma_wait3A_220] : memref<10000x128xf32, #tpu.memory_space<hbm>> -> memref<10000x128xf32, #tpu.memory_space<hbm>>
      tpu.wait_indirect_dma semaphore(%arg24 : memref<!tpu.dma_semaphore, #tpu.memory_space<semaphore_mem>>) src(%dma_wait3A_221 : memref<10000x128xf32, #tpu.memory_space<hbm>>) dst(%arg19 : memref<40x128xf32, #tpu.memory_space<vmem>>)
      %parallel_loop3A_222 = arith.constant 0 : i32
      %parallel_loop3A_223 = arith.constant 40 : i32
      %parallel_loop3A_224 = arith.constant 1 : i32
      scf.for %parallel_loop3A_236 = %parallel_loop3A_222 to %parallel_loop3A_223 step %parallel_loop3A_224  : i32 {
        %parallel_loop3A_237 = arith.constant 40 : i32
        %parallel_loop3A_238 = arith.muli %add3A_210, %parallel_loop3A_237 : i32
        %parallel_loop3A_239 = arith.addi %parallel_loop3A_238, %parallel_loop3A_236 : i32
        %parallel_loop3A_240 = vector.broadcast %parallel_loop3A_239 : i32 to vector<16xi32>
        %parallel_loop3A_241 = tpu.vector_load_idx %arg9[%parallel_loop3A_240] : memref<10000xf32, #tpu.memory_space<vmem>>[vector<16xi32>], vector<16xf32>,
        %parallel_loop3A_242 = arith.index_cast %parallel_loop3A_236 : i32 to index
        %parallel_loop3A_243 = arith.constant 0 : index
        %parallel_loop3A_244 = tpu.vector_load %arg19[%parallel_loop3A_242, %parallel_loop3A_243] {strides = array<i32>} : memref<40x128xf32, #tpu.memory_space<vmem>>, vector<16xf32>,
        %parallel_loop3A_245 = arith.mulf %parallel_loop3A_244, %parallel_loop3A_241 : vector<16xf32>
        %parallel_loop3A_246 = arith.index_cast %parallel_loop3A_236 : i32 to index
        %parallel_loop3A_247 = arith.constant 0 : index
        %parallel_loop3A_248 = tpu.vector_load %arg19[%parallel_loop3A_246, %parallel_loop3A_247] {strides = array<i32>} : memref<40x128xf32, #tpu.memory_space<vmem>>, vector<16xf32>,
        tpu.vector_store %arg19[%parallel_loop3A_246, %parallel_loop3A_247], %parallel_loop3A_245 {strides = array<i32>} : memref<40x128xf32, #tpu.memory_space<vmem>>, vector<16xf32>,
        %parallel_loop3A_249 = arith.index_cast %parallel_loop3A_236 : i32 to index
        %parallel_loop3A_250 = arith.constant 16 : index
        %parallel_loop3A_251 = tpu.vector_load %arg19[%parallel_loop3A_249, %parallel_loop3A_250] {strides = array<i32>} : memref<40x128xf32, #tpu.memory_space<vmem>>, vector<16xf32>,
        %parallel_loop3A_252 = arith.mulf %parallel_loop3A_251, %parallel_loop3A_241 : vector<16xf32>
        %parallel_loop3A_253 = arith.index_cast %parallel_loop3A_236 : i32 to index
        %parallel_loop3A_254 = arith.constant 16 : index
        %parallel_loop3A_255 = tpu.vector_load %arg19[%parallel_loop3A_253, %parallel_loop3A_254] {strides = array<i32>} : memref<40x128xf32, #tpu.memory_space<vmem>>, vector<16xf32>,
        tpu.vector_store %arg19[%parallel_loop3A_253, %parallel_loop3A_254], %parallel_loop3A_252 {strides = array<i32>} : memref<40x128xf32, #tpu.memory_space<vmem>>, vector<16xf32>,
        %parallel_loop3A_256 = arith.index_cast %parallel_loop3A_236 : i32 to index
        %parallel_loop3A_257 = arith.constant 32 : index
        %parallel_loop3A_258 = tpu.vector_load %arg19[%parallel_loop3A_256, %parallel_loop3A_257] {strides = array<i32>} : memref<40x128xf32, #tpu.memory_space<vmem>>, vector<16xf32>,
        %parallel_loop3A_259 = arith.mulf %parallel_loop3A_258, %parallel_loop3A_241 : vector<16xf32>
        %parallel_loop3A_260 = arith.index_cast %parallel_loop3A_236 : i32 to index
        %parallel_loop3A_261 = arith.constant 32 : index
        %parallel_loop3A_262 = tpu.vector_load %arg19[%parallel_loop3A_260, %parallel_loop3A_261] {strides = array<i32>} : memref<40x128xf32, #tpu.memory_space<vmem>>, vector<16xf32>,
        tpu.vector_store %arg19[%parallel_loop3A_260, %parallel_loop3A_261], %parallel_loop3A_259 {strides = array<i32>} : memref<40x128xf32, #tpu.memory_space<vmem>>, vector<16xf32>,
        %parallel_loop3A_263 = arith.index_cast %parallel_loop3A_236 : i32 to index
        %parallel_loop3A_264 = arith.constant 48 : index
        %parallel_loop3A_265 = tpu.vector_load %arg19[%parallel_loop3A_263, %parallel_loop3A_264] {strides = array<i32>} : memref<40x128xf32, #tpu.memory_space<vmem>>, vector<16xf32>,
        %parallel_loop3A_266 = arith.mulf %parallel_loop3A_265, %parallel_loop3A_241 : vector<16xf32>
        %parallel_loop3A_267 = arith.index_cast %parallel_loop3A_236 : i32 to index
        %parallel_loop3A_268 = arith.constant 48 : index
        %parallel_loop3A_269 = tpu.vector_load %arg19[%parallel_loop3A_267, %parallel_loop3A_268] {strides = array<i32>} : memref<40x128xf32, #tpu.memory_space<vmem>>, vector<16xf32>,
        tpu.vector_store %arg19[%parallel_loop3A_267, %parallel_loop3A_268], %parallel_loop3A_266 {strides = array<i32>} : memref<40x128xf32, #tpu.memory_space<vmem>>, vector<16xf32>,
        %parallel_loop3A_270 = arith.index_cast %parallel_loop3A_236 : i32 to index
        %parallel_loop3A_271 = arith.constant 64 : index
        %parallel_loop3A_272 = tpu.vector_load %arg19[%parallel_loop3A_270, %parallel_loop3A_271] {strides = array<i32>} : memref<40x128xf32, #tpu.memory_space<vmem>>, vector<16xf32>,
        %parallel_loop3A_273 = arith.mulf %parallel_loop3A_272, %parallel_loop3A_241 : vector<16xf32>
        %parallel_loop3A_274 = arith.index_cast %parallel_loop3A_236 : i32 to index
        %parallel_loop3A_275 = arith.constant 64 : index
        %parallel_loop3A_276 = tpu.vector_load %arg19[%parallel_loop3A_274, %parallel_loop3A_275] {strides = array<i32>} : memref<40x128xf32, #tpu.memory_space<vmem>>, vector<16xf32>,
        tpu.vector_store %arg19[%parallel_loop3A_274, %parallel_loop3A_275], %parallel_loop3A_273 {strides = array<i32>} : memref<40x128xf32, #tpu.memory_space<vmem>>, vector<16xf32>,
        %parallel_loop3A_277 = arith.index_cast %parallel_loop3A_236 : i32 to index
        %parallel_loop3A_278 = arith.constant 80 : index
        %parallel_loop3A_279 = tpu.vector_load %arg19[%parallel_loop3A_277, %parallel_loop3A_278] {strides = array<i32>} : memref<40x128xf32, #tpu.memory_space<vmem>>, vector<16xf32>,
        %parallel_loop3A_280 = arith.mulf %parallel_loop3A_279, %parallel_loop3A_241 : vector<16xf32>
        %parallel_loop3A_281 = arith.index_cast %parallel_loop3A_236 : i32 to index
        %parallel_loop3A_282 = arith.constant 80 : index
        %parallel_loop3A_283 = tpu.vector_load %arg19[%parallel_loop3A_281, %parallel_loop3A_282] {strides = array<i32>} : memref<40x128xf32, #tpu.memory_space<vmem>>, vector<16xf32>,
        tpu.vector_store %arg19[%parallel_loop3A_281, %parallel_loop3A_282], %parallel_loop3A_280 {strides = array<i32>} : memref<40x128xf32, #tpu.memory_space<vmem>>, vector<16xf32>,
        %parallel_loop3A_284 = arith.index_cast %parallel_loop3A_236 : i32 to index
        %parallel_loop3A_285 = arith.constant 96 : index
        %parallel_loop3A_286 = tpu.vector_load %arg19[%parallel_loop3A_284, %parallel_loop3A_285] {strides = array<i32>} : memref<40x128xf32, #tpu.memory_space<vmem>>, vector<16xf32>,
        %parallel_loop3A_287 = arith.mulf %parallel_loop3A_286, %parallel_loop3A_241 : vector<16xf32>
        %parallel_loop3A_288 = arith.index_cast %parallel_loop3A_236 : i32 to index
        %parallel_loop3A_289 = arith.constant 96 : index
        %parallel_loop3A_290 = tpu.vector_load %arg19[%parallel_loop3A_288, %parallel_loop3A_289] {strides = array<i32>} : memref<40x128xf32, #tpu.memory_space<vmem>>, vector<16xf32>,
        tpu.vector_store %arg19[%parallel_loop3A_288, %parallel_loop3A_289], %parallel_loop3A_287 {strides = array<i32>} : memref<40x128xf32, #tpu.memory_space<vmem>>, vector<16xf32>,
        %parallel_loop3A_291 = arith.index_cast %parallel_loop3A_236 : i32 to index
        %parallel_loop3A_292 = arith.constant 112 : index
        %parallel_loop3A_293 = tpu.vector_load %arg19[%parallel_loop3A_291, %parallel_loop3A_292] {strides = array<i32>} : memref<40x128xf32, #tpu.memory_space<vmem>>, vector<16xf32>,
        %parallel_loop3A_294 = arith.mulf %parallel_loop3A_293, %parallel_loop3A_241 : vector<16xf32>
        %parallel_loop3A_295 = arith.index_cast %parallel_loop3A_236 : i32 to index
        %parallel_loop3A_296 = arith.constant 112 : index
        %parallel_loop3A_297 = tpu.vector_load %arg19[%parallel_loop3A_295, %parallel_loop3A_296] {strides = array<i32>} : memref<40x128xf32, #tpu.memory_space<vmem>>, vector<16xf32>,
        tpu.vector_store %arg19[%parallel_loop3A_295, %parallel_loop3A_296], %parallel_loop3A_294 {strides = array<i32>} : memref<40x128xf32, #tpu.memory_space<vmem>>, vector<16xf32>,
      } {sc.loop_unroll_factor = 4 : i64, sc.parallel_access}
      %dma_start3A_225 = arith.constant 0 : i32
      %dma_start3A_226 = arith.constant 0 : i32
      %dma_start3A_227 = tpu.memref_slice %arg7[%dma_start3A_225, %dma_start3A_226] : memref<10240x128xf32, #tpu.memory_space<vmem_shared>> -> memref<10240x128xf32, #tpu.memory_space<vmem_shared>>
      tpu.enqueue_indirect_dma source(%arg19 : memref<40x128xf32, #tpu.memory_space<vmem>>) target(%dma_start3A_227 : memref<10240x128xf32, #tpu.memory_space<vmem_shared>>) offsets(%arg14 : memref<40xi32, #tpu.memory_space<vmem>>) semaphore(%arg29 : memref<!tpu.dma_semaphore, #tpu.memory_space<semaphore_mem>>) {add = true}
      %add3A_228 = arith.constant 5 : i32
      %add3A_229 = arith.addi %add3A_210, %add3A_228 : i32
      %lt3A_230 = arith.constant 250 : i32
      %lt3A_231 = arith.cmpi slt, %add3A_229, %lt3A_230 : i32
      %convert_element_type3A_232 = arith.extui %lt3A_231 : i1 to i32
      %cond3A_233 = arith.constant 0 : i32
      %cond3A_234 = arith.cmpi ne, %convert_element_type3A_232, %cond3A_233 : i32
      scf.if %cond3A_234 {
        %dma_wait3A_236 = arith.constant 0 : i32
        %dma_wait3A_237 = arith.constant 0 : i32
        %dma_wait3A_238 = tpu.memref_slice %arg7[%dma_wait3A_236, %dma_wait3A_237] : memref<10240x128xf32, #tpu.memory_space<vmem_shared>> -> memref<10240x128xf32, #tpu.memory_space<vmem_shared>>
        tpu.wait_indirect_dma semaphore(%arg29 : memref<!tpu.dma_semaphore, #tpu.memory_space<semaphore_mem>>) src(%arg19 : memref<40x128xf32, #tpu.memory_space<vmem>>) dst(%dma_wait3A_238 : memref<10240x128xf32, #tpu.memory_space<vmem_shared>>)
        %add3A_239 = arith.constant 5 : i32
        %add3A_240 = arith.addi %add3A_210, %add3A_239 : i32
        %mul3A_241 = arith.constant 40 : i32
        %mul3A_242 = arith.muli %add3A_240, %mul3A_241 : i32
        %add3A_243 = arith.addi %add3A, %mul3A_242 : i32
        %dma_start3A_244 = tpu.memref_slice %arg3[%add3A_243] : memref<320000xi32, #tpu.memory_space<hbm>> -> memref<40xi32, #tpu.memory_space<hbm>>
        %dma_start3A_245 = tpu.memref_slice %arg3[%add3A_243] : memref<320000xi32, #tpu.memory_space<hbm>> -> memref<40xi32, #tpu.memory_space<hbm>>
        tpu.enqueue_dma source(%dma_start3A_245 : memref<40xi32, #tpu.memory_space<hbm>>) target(%arg14 : memref<40xi32, #tpu.memory_space<vmem>>) target_semaphore(%arg24 : memref<!tpu.dma_semaphore, #tpu.memory_space<semaphore_mem>>)
        %mul3A_246 = arith.constant 40 : i32
        %mul3A_247 = arith.muli %add3A_240, %mul3A_246 : i32
        %dma_start3A_248 = tpu.memref_slice %arg8[%mul3A_247] : memref<10000xi32, #tpu.memory_space<vmem>> -> memref<40xi32, #tpu.memory_space<vmem>>
        %dma_start3A_249 = arith.constant 0 : i32
        %dma_start3A_250 = arith.constant 0 : i32
        %dma_start3A_251 = tpu.memref_slice %arg5[%dma_start3A_249, %dma_start3A_250] : memref<10000x128xf32, #tpu.memory_space<hbm>> -> memref<10000x128xf32, #tpu.memory_space<hbm>>
        tpu.enqueue_indirect_dma source(%dma_start3A_251 : memref<10000x128xf32, #tpu.memory_space<hbm>>) target(%arg19 : memref<40x128xf32, #tpu.memory_space<vmem>>) offsets(%dma_start3A_248 : memref<40xi32, #tpu.memory_space<vmem>>) semaphore(%arg24 : memref<!tpu.dma_semaphore, #tpu.memory_space<semaphore_mem>>)
      } else {
      }
      %scan3A_235 = arith.constant 0 : i32
      scf.yield %scan3A_235 : i32
    }
    %scan3A_75 = arith.constant 50 : i32
    %dma_wait3A_76 = arith.constant 0 : i32
    %dma_wait3A_77 = arith.constant 0 : i32
    %dma_wait3A_78 = tpu.memref_slice %arg7[%dma_wait3A_76, %dma_wait3A_77] : memref<10240x128xf32, #tpu.memory_space<vmem_shared>> -> memref<10240x128xf32, #tpu.memory_space<vmem_shared>>
    tpu.wait_indirect_dma semaphore(%arg25 : memref<!tpu.dma_semaphore, #tpu.memory_space<semaphore_mem>>) src(%arg15 : memref<40x128xf32, #tpu.memory_space<vmem>>) dst(%dma_wait3A_78 : memref<10240x128xf32, #tpu.memory_space<vmem_shared>>)
    %dma_wait3A_79 = arith.constant 0 : i32
    %dma_wait3A_80 = arith.constant 0 : i32
    %dma_wait3A_81 = tpu.memref_slice %arg7[%dma_wait3A_79, %dma_wait3A_80] : memref<10240x128xf32, #tpu.memory_space<vmem_shared>> -> memref<10240x128xf32, #tpu.memory_space<vmem_shared>>
    tpu.wait_indirect_dma semaphore(%arg26 : memref<!tpu.dma_semaphore, #tpu.memory_space<semaphore_mem>>) src(%arg16 : memref<40x128xf32, #tpu.memory_space<vmem>>) dst(%dma_wait3A_81 : memref<10240x128xf32, #tpu.memory_space<vmem_shared>>)
    %dma_wait3A_82 = arith.constant 0 : i32
    %dma_wait3A_83 = arith.constant 0 : i32
    %dma_wait3A_84 = tpu.memref_slice %arg7[%dma_wait3A_82, %dma_wait3A_83] : memref<10240x128xf32, #tpu.memory_space<vmem_shared>> -> memref<10240x128xf32, #tpu.memory_space<vmem_shared>>
    tpu.wait_indirect_dma semaphore(%arg27 : memref<!tpu.dma_semaphore, #tpu.memory_space<semaphore_mem>>) src(%arg17 : memref<40x128xf32, #tpu.memory_space<vmem>>) dst(%dma_wait3A_84 : memref<10240x128xf32, #tpu.memory_space<vmem_shared>>)
    %dma_wait3A_85 = arith.constant 0 : i32
    %dma_wait3A_86 = arith.constant 0 : i32
    %dma_wait3A_87 = tpu.memref_slice %arg7[%dma_wait3A_85, %dma_wait3A_86] : memref<10240x128xf32, #tpu.memory_space<vmem_shared>> -> memref<10240x128xf32, #tpu.memory_space<vmem_shared>>
    tpu.wait_indirect_dma semaphore(%arg28 : memref<!tpu.dma_semaphore, #tpu.memory_space<semaphore_mem>>) src(%arg18 : memref<40x128xf32, #tpu.memory_space<vmem>>) dst(%dma_wait3A_87 : memref<10240x128xf32, #tpu.memory_space<vmem_shared>>)
    %dma_wait3A_88 = arith.constant 0 : i32
    %dma_wait3A_89 = arith.constant 0 : i32
    %dma_wait3A_90 = tpu.memref_slice %arg7[%dma_wait3A_88, %dma_wait3A_89] : memref<10240x128xf32, #tpu.memory_space<vmem_shared>> -> memref<10240x128xf32, #tpu.memory_space<vmem_shared>>
    tpu.wait_indirect_dma semaphore(%arg29 : memref<!tpu.dma_semaphore, #tpu.memory_space<semaphore_mem>>) src(%arg19 : memref<40x128xf32, #tpu.memory_space<vmem>>) dst(%dma_wait3A_90 : memref<10240x128xf32, #tpu.memory_space<vmem_shared>>)
    %barrier3A_91 = arith.constant 0 : index
    tpu.barrier barrier_id(%barrier3A_91)
    %mul3A_92 = arith.constant 640 : i32
    %mul3A_93 = arith.muli %arg1, %mul3A_92 : i32
    %mul3A_94 = arith.constant 640 : i32
    %mul3A_95 = arith.muli %arg1, %mul3A_94 : i32
    "tpu.region"() ({
      %run_scoped3A = tpu.sem_alloc : memref<!tpu.dma_semaphore, #tpu.memory_space<semaphore_mem>>
      %dma_start3A_96 = arith.constant 0 : i32
      %dma_start3A_97 = tpu.memref_slice %arg6[%arg0, %mul3A_95, %dma_start3A_96] : memref<2x10240x128xf32, #tpu.memory_space<hbm>> -> memref<1x640x128xf32, #tpu.memory_space<hbm>>
      %dma_start3A_98 = tpu.memref_squeeze %dma_start3A_97 : memref<1x640x128xf32, #tpu.memory_space<hbm>> -> memref<640x128xf32, #tpu.memory_space<hbm>>
      %dma_start3A_99 = arith.constant 0 : i32
      %dma_start3A_100 = tpu.memref_slice %arg7[%mul3A_93, %dma_start3A_99] : memref<10240x128xf32, #tpu.memory_space<vmem_shared>> -> memref<640x128xf32, #tpu.memory_space<vmem_shared>>
      tpu.enqueue_dma source(%dma_start3A_100 : memref<640x128xf32, #tpu.memory_space<vmem_shared>>) target(%dma_start3A_98 : memref<640x128xf32, #tpu.memory_space<hbm>>) target_semaphore(%run_scoped3A : memref<!tpu.dma_semaphore, #tpu.memory_space<semaphore_mem>>)
      %dma_wait3A_101 = arith.constant 0 : i32
      %dma_wait3A_102 = tpu.memref_slice %arg6[%arg0, %mul3A_95, %dma_wait3A_101] : memref<2x10240x128xf32, #tpu.memory_space<hbm>> -> memref<1x640x128xf32, #tpu.memory_space<hbm>>
      %dma_wait3A_103 = tpu.memref_squeeze %dma_wait3A_102 : memref<1x640x128xf32, #tpu.memory_space<hbm>> -> memref<640x128xf32, #tpu.memory_space<hbm>>
      %dma_wait3A_104 = arith.constant 0 : i32
      %dma_wait3A_105 = tpu.memref_slice %arg7[%mul3A_93, %dma_wait3A_104] : memref<10240x128xf32, #tpu.memory_space<vmem_shared>> -> memref<640x128xf32, #tpu.memory_space<vmem_shared>>
      tpu.wait_dma2 semaphore(%run_scoped3A : memref<!tpu.dma_semaphore, #tpu.memory_space<semaphore_mem>>) src(%dma_wait3A_105 : memref<640x128xf32, #tpu.memory_space<vmem_shared>>) dst(%dma_wait3A_103 : memref<640x128xf32, #tpu.memory_space<hbm>>)
      tpu.yield
    }) : () -> ()
    return
  }
}

#map = affine_map<(d0, d1) -> (0)>
#map1 = affine_map<(d0, d1) -> (0, 0)>
#map2 = affine_map<(d0, d1) -> (0, 0, 0)>
module attributes {stable_mosaic.version = 14 : i64} {
  func.func @_spmm_kernel(%arg0: i32, %arg1: i32, %arg2: memref<320000xi32, #tpu.memory_space<hbm>>, %arg3: memref<320000xi32, #tpu.memory_space<hbm>>, %arg4: memref<320000xf32, #tpu.memory_space<hbm>>, %arg5: memref<10000x128xf32, #tpu.memory_space<hbm>>, %arg6: memref<2x10240x128xf32, #tpu.memory_space<hbm>>, %arg7: memref<10240x128xf32, #tpu.memory_space<vmem_shared>>, %arg8: memref<10000xi32, #tpu.memory_space<vmem>>, %arg9: memref<10000xf32, #tpu.memory_space<vmem>>, %arg10: memref<40xi32, #tpu.memory_space<vmem>>, %arg11: memref<40xi32, #tpu.memory_space<vmem>>, %arg12: memref<40xi32, #tpu.memory_space<vmem>>, %arg13: memref<40xi32, #tpu.memory_space<vmem>>, %arg14: memref<40xi32, #tpu.memory_space<vmem>>, %arg15: memref<40x128xf32, #tpu.memory_space<vmem>>, %arg16: memref<40x128xf32, #tpu.memory_space<vmem>>, %arg17: memref<40x128xf32, #tpu.memory_space<vmem>>, %arg18: memref<40x128xf32, #tpu.memory_space<vmem>>, %arg19: memref<40x128xf32, #tpu.memory_space<vmem>>, %arg20: memref<!tpu.dma_semaphore, #tpu.memory_space<semaphore_mem>>, %arg21: memref<!tpu.dma_semaphore, #tpu.memory_space<semaphore_mem>>, %arg22: memref<!tpu.dma_semaphore, #tpu.memory_space<semaphore_mem>>, %arg23: memref<!tpu.dma_semaphore, #tpu.memory_space<semaphore_mem>>, %arg24: memref<!tpu.dma_semaphore, #tpu.memory_space<semaphore_mem>>, %arg25: memref<!tpu.dma_semaphore, #tpu.memory_space<semaphore_mem>>, %arg26: memref<!tpu.dma_semaphore, #tpu.memory_space<semaphore_mem>>, %arg27: memref<!tpu.dma_semaphore, #tpu.memory_space<semaphore_mem>>, %arg28: memref<!tpu.dma_semaphore, #tpu.memory_space<semaphore_mem>>, %arg29: memref<!tpu.dma_semaphore, #tpu.memory_space<semaphore_mem>>) attributes {dimension_semantics = [#tpu.dimension_semantics<core_parallel>, #tpu.dimension_semantics<subcore_parallel>], iteration_bounds = array<i64: 2, 16>, scalar_prefetch = 0 : i64, scratch_operands = 23 : i64, tpu.core_type = #tpu.core_type<sc_vector_subcore>, window_params = [{transform_indices = #map}, {transform_indices = #map}, {transform_indices = #map}, {transform_indices = #map1}, {transform_indices = #map2}]} {
    %mul3A = arith.constant 160000 : i32
    %mul3A_0 = arith.muli %arg0, %mul3A : i32
    %mul3A_1 = arith.constant 10000 : i32
    %mul3A_2 = arith.muli %arg1, %mul3A_1 : i32
    %add3A = arith.addi %mul3A_0, %mul3A_2 : i32
    %dma_start3A = tpu.memref_slice %arg2[%add3A] : memref<320000xi32, #tpu.memory_space<hbm>> -> memref<10000xi32, #tpu.memory_space<hbm>>
    %dma_start3A_3 = tpu.memref_slice %arg2[%add3A] : memref<320000xi32, #tpu.memory_space<hbm>> -> memref<10000xi32, #tpu.memory_space<hbm>>
    tpu.enqueue_dma source(%dma_start3A_3 : memref<10000xi32, #tpu.memory_space<hbm>>) target(%arg8 : memref<10000xi32, #tpu.memory_space<vmem>>) target_semaphore(%arg20 : memref<!tpu.dma_semaphore, #tpu.memory_space<semaphore_mem>>)
    %dma_start3A_4 = tpu.memref_slice %arg4[%add3A] : memref<320000xf32, #tpu.memory_space<hbm>> -> memref<10000xf32, #tpu.memory_space<hbm>>
    %dma_start3A_5 = tpu.memref_slice %arg4[%add3A] : memref<320000xf32, #tpu.memory_space<hbm>> -> memref<10000xf32, #tpu.memory_space<hbm>>
    tpu.enqueue_dma source(%dma_start3A_5 : memref<10000xf32, #tpu.memory_space<hbm>>) target(%arg9 : memref<10000xf32, #tpu.memory_space<vmem>>) target_semaphore(%arg21 : memref<!tpu.dma_semaphore, #tpu.memory_space<semaphore_mem>>)
    %parallel_loop3A = arith.constant 0 : i32
    %parallel_loop3A_6 = arith.constant 320 : i32
    %parallel_loop3A_7 = arith.constant 1 : i32
    scf.for %parallel_loop3A_96 = %parallel_loop3A to %parallel_loop3A_6 step %parallel_loop3A_7  : i32 {
      %parallel_loop3A_97 = arith.constant 8 : i32
      %parallel_loop3A_98 = arith.divsi %parallel_loop3A_96, %parallel_loop3A_97 : i32
      %parallel_loop3A_99 = arith.constant 0 : i32
      %parallel_loop3A_100 = arith.cmpi sgt, %parallel_loop3A_96, %parallel_loop3A_99 : i32
      %parallel_loop3A_101 = arith.extui %parallel_loop3A_100 : i1 to i32
      %parallel_loop3A_102 = arith.constant 0 : i32
      %parallel_loop3A_103 = arith.cmpi slt, %parallel_loop3A_96, %parallel_loop3A_102 : i32
      %parallel_loop3A_104 = arith.extui %parallel_loop3A_103 : i1 to i32
      %parallel_loop3A_105 = arith.subi %parallel_loop3A_101, %parallel_loop3A_104 : i32
      %parallel_loop3A_106 = arith.constant 0 : i32
      %parallel_loop3A_107 = arith.cmpi sgt, %parallel_loop3A_97, %parallel_loop3A_106 : i32
      %parallel_loop3A_108 = arith.extui %parallel_loop3A_107 : i1 to i32
      %parallel_loop3A_109 = arith.constant 0 : i32
      %parallel_loop3A_110 = arith.cmpi slt, %parallel_loop3A_97, %parallel_loop3A_109 : i32
      %parallel_loop3A_111 = arith.extui %parallel_loop3A_110 : i1 to i32
      %parallel_loop3A_112 = arith.subi %parallel_loop3A_108, %parallel_loop3A_111 : i32
      %parallel_loop3A_113 = arith.cmpi ne, %parallel_loop3A_105, %parallel_loop3A_112 : i32
      %parallel_loop3A_114 = arith.remsi %parallel_loop3A_96, %parallel_loop3A_97 : i32
      %parallel_loop3A_115 = arith.constant 0 : i32
      %parallel_loop3A_116 = arith.cmpi ne, %parallel_loop3A_114, %parallel_loop3A_115 : i32
      %parallel_loop3A_117 = arith.andi %parallel_loop3A_113, %parallel_loop3A_116 : i1
      %parallel_loop3A_118 = arith.constant 1 : i32
      %parallel_loop3A_119 = arith.subi %parallel_loop3A_98, %parallel_loop3A_118 : i32
      %parallel_loop3A_120 = arith.select %parallel_loop3A_117, %parallel_loop3A_119, %parallel_loop3A_98 : i32
      %parallel_loop3A_121 = arith.constant 8 : i32
      %parallel_loop3A_122 = arith.constant 0 : i32
      %parallel_loop3A_123 = arith.cmpi eq, %parallel_loop3A_121, %parallel_loop3A_122 : i32
      %parallel_loop3A_124 = arith.constant 1 : i32
      %parallel_loop3A_125 = arith.select %parallel_loop3A_123, %parallel_loop3A_124, %parallel_loop3A_121 : i32
      %parallel_loop3A_126 = arith.remsi %parallel_loop3A_96, %parallel_loop3A_125 : i32
      %parallel_loop3A_127 = arith.constant 0 : i32
      %parallel_loop3A_128 = arith.cmpi ne, %parallel_loop3A_126, %parallel_loop3A_127 : i32
      %parallel_loop3A_129 = arith.constant 0 : i32
      %parallel_loop3A_130 = arith.cmpi slt, %parallel_loop3A_126, %parallel_loop3A_129 : i32
      %parallel_loop3A_131 = arith.constant 0 : i32
      %parallel_loop3A_132 = arith.cmpi slt, %parallel_loop3A_125, %parallel_loop3A_131 : i32
      %parallel_loop3A_133 = arith.xori %parallel_loop3A_130, %parallel_loop3A_132 : i1
      %parallel_loop3A_134 = arith.andi %parallel_loop3A_133, %parallel_loop3A_128 : i1
      %parallel_loop3A_135 = arith.addi %parallel_loop3A_126, %parallel_loop3A_125 : i32
      %parallel_loop3A_136 = arith.select %parallel_loop3A_134, %parallel_loop3A_135, %parallel_loop3A_126 : i32
      %parallel_loop3A_137 = arith.constant 16 : i32
      %parallel_loop3A_138 = arith.muli %parallel_loop3A_136, %parallel_loop3A_137 : i32
      %parallel_loop3A_139 = arith.constant 0.000000e+00 : f32
      %parallel_loop3A_140 = vector.broadcast %parallel_loop3A_139 : f32 to vector<16xf32>
      %parallel_loop3A_141 = arith.index_cast %parallel_loop3A_120 : i32 to index
      %parallel_loop3A_142 = arith.index_cast %parallel_loop3A_138 : i32 to index
      %parallel_loop3A_143 = tpu.vector_load %arg15[%parallel_loop3A_141, %parallel_loop3A_142] {strides = array<i32>} : memref<40x128xf32, #tpu.memory_space<vmem>>, vector<16xf32>,
      tpu.vector_store %arg15[%parallel_loop3A_141, %parallel_loop3A_142], %parallel_loop3A_140 {strides = array<i32>} : memref<40x128xf32, #tpu.memory_space<vmem>>, vector<16xf32>,
    } {sc.loop_unroll_factor = 8 : i64, sc.parallel_access}
    %scan3A = arith.constant 0 : i32
    %scan3A_8 = arith.constant 0 : i32
    %scan3A_9 = arith.constant 16 : i32
    %scan3A_10 = arith.addi %scan3A_8, %scan3A_9 : i32
    %scan3A_11 = arith.constant 1 : i32
    %scan3A_12 = scf.for %scan3A_96 = %scan3A_8 to %scan3A_10 step %scan3A_11 iter_args(%scan3A_97 = %scan3A) -> (i32)  : i32 {
      %mul3A_98 = arith.constant 640 : i32
      %mul3A_99 = arith.muli %arg1, %mul3A_98 : i32
      %mul3A_100 = arith.constant 40 : i32
      %mul3A_101 = arith.muli %scan3A_96, %mul3A_100 : i32
      %add3A_102 = arith.addi %mul3A_99, %mul3A_101 : i32
      %dma_start3A_103 = arith.constant 0 : i32
      %dma_start3A_104 = arith.constant 0 : i32
      %dma_start3A_105 = tpu.memref_slice %arg15[%dma_start3A_103, %dma_start3A_104] : memref<40x128xf32, #tpu.memory_space<vmem>> -> memref<40x128xf32, #tpu.memory_space<vmem>>
      %dma_start3A_106 = arith.constant 0 : i32
      %dma_start3A_107 = tpu.memref_slice %arg7[%add3A_102, %dma_start3A_106] : memref<10240x128xf32, #tpu.memory_space<vmem_shared>> -> memref<40x128xf32, #tpu.memory_space<vmem_shared>>
      %dma_start3A_108 = arith.constant 0 : i32
      %dma_start3A_109 = tpu.memref_slice %arg7[%add3A_102, %dma_start3A_108] : memref<10240x128xf32, #tpu.memory_space<vmem_shared>> -> memref<40x128xf32, #tpu.memory_space<vmem_shared>>
      %dma_start3A_110 = arith.constant 0 : i32
      %dma_start3A_111 = arith.constant 0 : i32
      %dma_start3A_112 = tpu.memref_slice %arg15[%dma_start3A_110, %dma_start3A_111] : memref<40x128xf32, #tpu.memory_space<vmem>> -> memref<40x128xf32, #tpu.memory_space<vmem>>
      tpu.enqueue_dma source(%dma_start3A_112 : memref<40x128xf32, #tpu.memory_space<vmem>>) target(%dma_start3A_109 : memref<40x128xf32, #tpu.memory_space<vmem_shared>>) target_semaphore(%arg25 : memref<!tpu.dma_semaphore, #tpu.memory_space<semaphore_mem>>)
      %scan3A_113 = arith.constant 0 : i32
      scf.yield %scan3A_113 : i32
    }
    %scan3A_13 = arith.constant 16 : i32
    %dma_wait3A = tpu.memref_slice %arg2[%add3A] : memref<320000xi32, #tpu.memory_space<hbm>> -> memref<10000xi32, #tpu.memory_space<hbm>>
    %dma_wait3A_14 = tpu.memref_slice %arg2[%add3A] : memref<320000xi32, #tpu.memory_space<hbm>> -> memref<10000xi32, #tpu.memory_space<hbm>>
    tpu.wait_dma2 semaphore(%arg20 : memref<!tpu.dma_semaphore, #tpu.memory_space<semaphore_mem>>) src(%dma_wait3A_14 : memref<10000xi32, #tpu.memory_space<hbm>>) dst(%arg8 : memref<10000xi32, #tpu.memory_space<vmem>>)
    %dma_wait3A_15 = tpu.memref_slice %arg4[%add3A] : memref<320000xf32, #tpu.memory_space<hbm>> -> memref<10000xf32, #tpu.memory_space<hbm>>
    %dma_wait3A_16 = tpu.memref_slice %arg4[%add3A] : memref<320000xf32, #tpu.memory_space<hbm>> -> memref<10000xf32, #tpu.memory_space<hbm>>
    tpu.wait_dma2 semaphore(%arg21 : memref<!tpu.dma_semaphore, #tpu.memory_space<semaphore_mem>>) src(%dma_wait3A_16 : memref<10000xf32, #tpu.memory_space<hbm>>) dst(%arg9 : memref<10000xf32, #tpu.memory_space<vmem>>)
    %add3A_17 = arith.constant 40 : i32
    %add3A_18 = arith.addi %add3A, %add3A_17 : i32
    %dma_start3A_19 = tpu.memref_slice %arg3[%add3A_18] : memref<320000xi32, #tpu.memory_space<hbm>> -> memref<40xi32, #tpu.memory_space<hbm>>
    %dma_start3A_20 = tpu.memref_slice %arg3[%add3A_18] : memref<320000xi32, #tpu.memory_space<hbm>> -> memref<40xi32, #tpu.memory_space<hbm>>
    tpu.enqueue_dma source(%dma_start3A_20 : memref<40xi32, #tpu.memory_space<hbm>>) target(%arg11 : memref<40xi32, #tpu.memory_space<vmem>>) target_semaphore(%arg21 : memref<!tpu.dma_semaphore, #tpu.memory_space<semaphore_mem>>)
    %dma_start3A_21 = arith.constant 40 : i32
    %dma_start3A_22 = tpu.memref_slice %arg8[%dma_start3A_21] : memref<10000xi32, #tpu.memory_space<vmem>> -> memref<40xi32, #tpu.memory_space<vmem>>
    %dma_start3A_23 = arith.constant 0 : i32
    %dma_start3A_24 = arith.constant 0 : i32
    %dma_start3A_25 = tpu.memref_slice %arg5[%dma_start3A_23, %dma_start3A_24] : memref<10000x128xf32, #tpu.memory_space<hbm>> -> memref<10000x128xf32, #tpu.memory_space<hbm>>
    tpu.enqueue_indirect_dma source(%dma_start3A_25 : memref<10000x128xf32, #tpu.memory_space<hbm>>) target(%arg16 : memref<40x128xf32, #tpu.memory_space<vmem>>) offsets(%dma_start3A_22 : memref<40xi32, #tpu.memory_space<vmem>>) semaphore(%arg21 : memref<!tpu.dma_semaphore, #tpu.memory_space<semaphore_mem>>)
    %add3A_26 = arith.constant 80 : i32
    %add3A_27 = arith.addi %add3A, %add3A_26 : i32
    %dma_start3A_28 = tpu.memref_slice %arg3[%add3A_27] : memref<320000xi32, #tpu.memory_space<hbm>> -> memref<40xi32, #tpu.memory_space<hbm>>
    %dma_start3A_29 = tpu.memref_slice %arg3[%add3A_27] : memref<320000xi32, #tpu.memory_space<hbm>> -> memref<40xi32, #tpu.memory_space<hbm>>
    tpu.enqueue_dma source(%dma_start3A_29 : memref<40xi32, #tpu.memory_space<hbm>>) target(%arg12 : memref<40xi32, #tpu.memory_space<vmem>>) target_semaphore(%arg22 : memref<!tpu.dma_semaphore, #tpu.memory_space<semaphore_mem>>)
    %dma_start3A_30 = arith.constant 80 : i32
    %dma_start3A_31 = tpu.memref_slice %arg8[%dma_start3A_30] : memref<10000xi32, #tpu.memory_space<vmem>> -> memref<40xi32, #tpu.memory_space<vmem>>
    %dma_start3A_32 = arith.constant 0 : i32
    %dma_start3A_33 = arith.constant 0 : i32
    %dma_start3A_34 = tpu.memref_slice %arg5[%dma_start3A_32, %dma_start3A_33] : memref<10000x128xf32, #tpu.memory_space<hbm>> -> memref<10000x128xf32, #tpu.memory_space<hbm>>
    tpu.enqueue_indirect_dma source(%dma_start3A_34 : memref<10000x128xf32, #tpu.memory_space<hbm>>) target(%arg17 : memref<40x128xf32, #tpu.memory_space<vmem>>) offsets(%dma_start3A_31 : memref<40xi32, #tpu.memory_space<vmem>>) semaphore(%arg22 : memref<!tpu.dma_semaphore, #tpu.memory_space<semaphore_mem>>)
    %add3A_35 = arith.constant 120 : i32
    %add3A_36 = arith.addi %add3A, %add3A_35 : i32
    %dma_start3A_37 = tpu.memref_slice %arg3[%add3A_36] : memref<320000xi32, #tpu.memory_space<hbm>> -> memref<40xi32, #tpu.memory_space<hbm>>
    %dma_start3A_38 = tpu.memref_slice %arg3[%add3A_36] : memref<320000xi32, #tpu.memory_space<hbm>> -> memref<40xi32, #tpu.memory_space<hbm>>
    tpu.enqueue_dma source(%dma_start3A_38 : memref<40xi32, #tpu.memory_space<hbm>>) target(%arg13 : memref<40xi32, #tpu.memory_space<vmem>>) target_semaphore(%arg23 : memref<!tpu.dma_semaphore, #tpu.memory_space<semaphore_mem>>)
    %dma_start3A_39 = arith.constant 120 : i32
    %dma_start3A_40 = tpu.memref_slice %arg8[%dma_start3A_39] : memref<10000xi32, #tpu.memory_space<vmem>> -> memref<40xi32, #tpu.memory_space<vmem>>
    %dma_start3A_41 = arith.constant 0 : i32
    %dma_start3A_42 = arith.constant 0 : i32
    %dma_start3A_43 = tpu.memref_slice %arg5[%dma_start3A_41, %dma_start3A_42] : memref<10000x128xf32, #tpu.memory_space<hbm>> -> memref<10000x128xf32, #tpu.memory_space<hbm>>
    tpu.enqueue_indirect_dma source(%dma_start3A_43 : memref<10000x128xf32, #tpu.memory_space<hbm>>) target(%arg18 : memref<40x128xf32, #tpu.memory_space<vmem>>) offsets(%dma_start3A_40 : memref<40xi32, #tpu.memory_space<vmem>>) semaphore(%arg23 : memref<!tpu.dma_semaphore, #tpu.memory_space<semaphore_mem>>)
    %add3A_44 = arith.constant 160 : i32
    %add3A_45 = arith.addi %add3A, %add3A_44 : i32
    %dma_start3A_46 = tpu.memref_slice %arg3[%add3A_45] : memref<320000xi32, #tpu.memory_space<hbm>> -> memref<40xi32, #tpu.memory_space<hbm>>
    %dma_start3A_47 = tpu.memref_slice %arg3[%add3A_45] : memref<320000xi32, #tpu.memory_space<hbm>> -> memref<40xi32, #tpu.memory_space<hbm>>
    tpu.enqueue_dma source(%dma_start3A_47 : memref<40xi32, #tpu.memory_space<hbm>>) target(%arg14 : memref<40xi32, #tpu.memory_space<vmem>>) target_semaphore(%arg24 : memref<!tpu.dma_semaphore, #tpu.memory_space<semaphore_mem>>)
    %dma_start3A_48 = arith.constant 160 : i32
    %dma_start3A_49 = tpu.memref_slice %arg8[%dma_start3A_48] : memref<10000xi32, #tpu.memory_space<vmem>> -> memref<40xi32, #tpu.memory_space<vmem>>
    %dma_start3A_50 = arith.constant 0 : i32
    %dma_start3A_51 = arith.constant 0 : i32
    %dma_start3A_52 = tpu.memref_slice %arg5[%dma_start3A_50, %dma_start3A_51] : memref<10000x128xf32, #tpu.memory_space<hbm>> -> memref<10000x128xf32, #tpu.memory_space<hbm>>
    tpu.enqueue_indirect_dma source(%dma_start3A_52 : memref<10000x128xf32, #tpu.memory_space<hbm>>) target(%arg19 : memref<40x128xf32, #tpu.memory_space<vmem>>) offsets(%dma_start3A_49 : memref<40xi32, #tpu.memory_space<vmem>>) semaphore(%arg24 : memref<!tpu.dma_semaphore, #tpu.memory_space<semaphore_mem>>)
    %scan3A_53 = arith.constant 0 : i32
    %scan3A_54 = arith.constant 0 : i32
    %scan3A_55 = arith.constant 16 : i32
    %scan3A_56 = arith.addi %scan3A_54, %scan3A_55 : i32
    %scan3A_57 = arith.constant 1 : i32
    %scan3A_58 = scf.for %scan3A_96 = %scan3A_54 to %scan3A_56 step %scan3A_57 iter_args(%scan3A_97 = %scan3A_53) -> (i32)  : i32 {
      %mul3A_98 = arith.constant 640 : i32
      %mul3A_99 = arith.muli %arg1, %mul3A_98 : i32
      %dma_wait3A_100 = arith.constant 0 : i32
      %dma_wait3A_101 = arith.constant 0 : i32
      %dma_wait3A_102 = tpu.memref_slice %arg15[%dma_wait3A_100, %dma_wait3A_101] : memref<40x128xf32, #tpu.memory_space<vmem>> -> memref<40x128xf32, #tpu.memory_space<vmem>>
      %dma_wait3A_103 = arith.constant 0 : i32
      %dma_wait3A_104 = tpu.memref_slice %arg7[%mul3A_99, %dma_wait3A_103] : memref<10240x128xf32, #tpu.memory_space<vmem_shared>> -> memref<40x128xf32, #tpu.memory_space<vmem_shared>>
      %dma_wait3A_105 = arith.constant 0 : i32
      %dma_wait3A_106 = tpu.memref_slice %arg7[%mul3A_99, %dma_wait3A_105] : memref<10240x128xf32, #tpu.memory_space<vmem_shared>> -> memref<40x128xf32, #tpu.memory_space<vmem_shared>>
      %dma_wait3A_107 = arith.constant 0 : i32
      %dma_wait3A_108 = arith.constant 0 : i32
      %dma_wait3A_109 = tpu.memref_slice %arg15[%dma_wait3A_107, %dma_wait3A_108] : memref<40x128xf32, #tpu.memory_space<vmem>> -> memref<40x128xf32, #tpu.memory_space<vmem>>
      tpu.wait_dma2 semaphore(%arg25 : memref<!tpu.dma_semaphore, #tpu.memory_space<semaphore_mem>>) src(%dma_wait3A_109 : memref<40x128xf32, #tpu.memory_space<vmem>>) dst(%dma_wait3A_106 : memref<40x128xf32, #tpu.memory_space<vmem_shared>>)
      %scan3A_110 = arith.constant 0 : i32
      scf.yield %scan3A_110 : i32
    }
    %scan3A_59 = arith.constant 16 : i32
    %add3A_60 = arith.constant 0 : i32
    %add3A_61 = arith.addi %add3A, %add3A_60 : i32
    %dma_start3A_62 = tpu.memref_slice %arg3[%add3A_61] : memref<320000xi32, #tpu.memory_space<hbm>> -> memref<40xi32, #tpu.memory_space<hbm>>
    %dma_start3A_63 = tpu.memref_slice %arg3[%add3A_61] : memref<320000xi32, #tpu.memory_space<hbm>> -> memref<40xi32, #tpu.memory_space<hbm>>
    tpu.enqueue_dma source(%dma_start3A_63 : memref<40xi32, #tpu.memory_space<hbm>>) target(%arg10 : memref<40xi32, #tpu.memory_space<vmem>>) target_semaphore(%arg20 : memref<!tpu.dma_semaphore, #tpu.memory_space<semaphore_mem>>)
    %dma_start3A_64 = arith.constant 0 : i32
    %dma_start3A_65 = tpu.memref_slice %arg8[%dma_start3A_64] : memref<10000xi32, #tpu.memory_space<vmem>> -> memref<40xi32, #tpu.memory_space<vmem>>
    %dma_start3A_66 = arith.constant 0 : i32
    %dma_start3A_67 = arith.constant 0 : i32
    %dma_start3A_68 = tpu.memref_slice %arg5[%dma_start3A_66, %dma_start3A_67] : memref<10000x128xf32, #tpu.memory_space<hbm>> -> memref<10000x128xf32, #tpu.memory_space<hbm>>
    tpu.enqueue_indirect_dma source(%dma_start3A_68 : memref<10000x128xf32, #tpu.memory_space<hbm>>) target(%arg15 : memref<40x128xf32, #tpu.memory_space<vmem>>) offsets(%dma_start3A_65 : memref<40xi32, #tpu.memory_space<vmem>>) semaphore(%arg20 : memref<!tpu.dma_semaphore, #tpu.memory_space<semaphore_mem>>)
    %barrier3A = arith.constant 0 : index
    tpu.barrier barrier_id(%barrier3A)
    %scan3A_69 = arith.constant 0 : i32
    %scan3A_70 = arith.constant 0 : i32
    %scan3A_71 = arith.constant 50 : i32
    %scan3A_72 = arith.addi %scan3A_70, %scan3A_71 : i32
    %scan3A_73 = arith.constant 1 : i32
    %scan3A_74 = scf.for %scan3A_96 = %scan3A_70 to %scan3A_72 step %scan3A_73 iter_args(%scan3A_97 = %scan3A_69) -> (i32)  : i32 {
      %mul3A_98 = arith.constant 5 : i32
      %mul3A_99 = arith.muli %scan3A_96, %mul3A_98 : i32
      %add3A_100 = arith.constant 0 : i32
      %add3A_101 = arith.addi %mul3A_99, %add3A_100 : i32
      %mul3A_102 = arith.constant 40 : i32
      %mul3A_103 = arith.muli %add3A_101, %mul3A_102 : i32
      %add3A_104 = arith.addi %add3A, %mul3A_103 : i32
      %dma_wait3A_105 = tpu.memref_slice %arg3[%add3A_104] : memref<320000xi32, #tpu.memory_space<hbm>> -> memref<40xi32, #tpu.memory_space<hbm>>
      %dma_wait3A_106 = tpu.memref_slice %arg3[%add3A_104] : memref<320000xi32, #tpu.memory_space<hbm>> -> memref<40xi32, #tpu.memory_space<hbm>>
      tpu.wait_dma2 semaphore(%arg20 : memref<!tpu.dma_semaphore, #tpu.memory_space<semaphore_mem>>) src(%dma_wait3A_106 : memref<40xi32, #tpu.memory_space<hbm>>) dst(%arg10 : memref<40xi32, #tpu.memory_space<vmem>>)
      %mul3A_107 = arith.constant 40 : i32
      %mul3A_108 = arith.muli %add3A_101, %mul3A_107 : i32
      %dma_wait3A_109 = tpu.memref_slice %arg8[%mul3A_108] : memref<10000xi32, #tpu.memory_space<vmem>> -> memref<40xi32, #tpu.memory_space<vmem>>
      %dma_wait3A_110 = arith.constant 0 : i32
      %dma_wait3A_111 = arith.constant 0 : i32
      %dma_wait3A_112 = tpu.memref_slice %arg5[%dma_wait3A_110, %dma_wait3A_111] : memref<10000x128xf32, #tpu.memory_space<hbm>> -> memref<10000x128xf32, #tpu.memory_space<hbm>>
      tpu.wait_indirect_dma semaphore(%arg20 : memref<!tpu.dma_semaphore, #tpu.memory_space<semaphore_mem>>) src(%dma_wait3A_112 : memref<10000x128xf32, #tpu.memory_space<hbm>>) dst(%arg15 : memref<40x128xf32, #tpu.memory_space<vmem>>)
      %parallel_loop3A_113 = arith.constant 0 : i32
      %parallel_loop3A_114 = arith.constant 40 : i32
      %parallel_loop3A_115 = arith.constant 1 : i32
      scf.for %parallel_loop3A_236 = %parallel_loop3A_113 to %parallel_loop3A_114 step %parallel_loop3A_115  : i32 {
        %parallel_loop3A_237 = arith.constant 40 : i32
        %parallel_loop3A_238 = arith.muli %add3A_101, %parallel_loop3A_237 : i32
        %parallel_loop3A_239 = arith.addi %parallel_loop3A_238, %parallel_loop3A_236 : i32
        %parallel_loop3A_240 = vector.broadcast %parallel_loop3A_239 : i32 to vector<16xi32>
        %parallel_loop3A_241 = tpu.vector_load_idx %arg9[%parallel_loop3A_240] : memref<10000xf32, #tpu.memory_space<vmem>>[vector<16xi32>], vector<16xf32>,
        %parallel_loop3A_242 = arith.index_cast %parallel_loop3A_236 : i32 to index
        %parallel_loop3A_243 = arith.constant 0 : index
        %parallel_loop3A_244 = tpu.vector_load %arg15[%parallel_loop3A_242, %parallel_loop3A_243] {strides = array<i32>} : memref<40x128xf32, #tpu.memory_space<vmem>>, vector<16xf32>,
        %parallel_loop3A_245 = arith.mulf %parallel_loop3A_244, %parallel_loop3A_241 : vector<16xf32>
        %parallel_loop3A_246 = arith.index_cast %parallel_loop3A_236 : i32 to index
        %parallel_loop3A_247 = arith.constant 0 : index
        %parallel_loop3A_248 = tpu.vector_load %arg15[%parallel_loop3A_246, %parallel_loop3A_247] {strides = array<i32>} : memref<40x128xf32, #tpu.memory_space<vmem>>, vector<16xf32>,
        tpu.vector_store %arg15[%parallel_loop3A_246, %parallel_loop3A_247], %parallel_loop3A_245 {strides = array<i32>} : memref<40x128xf32, #tpu.memory_space<vmem>>, vector<16xf32>,
        %parallel_loop3A_249 = arith.index_cast %parallel_loop3A_236 : i32 to index
        %parallel_loop3A_250 = arith.constant 16 : index
        %parallel_loop3A_251 = tpu.vector_load %arg15[%parallel_loop3A_249, %parallel_loop3A_250] {strides = array<i32>} : memref<40x128xf32, #tpu.memory_space<vmem>>, vector<16xf32>,
        %parallel_loop3A_252 = arith.mulf %parallel_loop3A_251, %parallel_loop3A_241 : vector<16xf32>
        %parallel_loop3A_253 = arith.index_cast %parallel_loop3A_236 : i32 to index
        %parallel_loop3A_254 = arith.constant 16 : index
        %parallel_loop3A_255 = tpu.vector_load %arg15[%parallel_loop3A_253, %parallel_loop3A_254] {strides = array<i32>} : memref<40x128xf32, #tpu.memory_space<vmem>>, vector<16xf32>,
        tpu.vector_store %arg15[%parallel_loop3A_253, %parallel_loop3A_254], %parallel_loop3A_252 {strides = array<i32>} : memref<40x128xf32, #tpu.memory_space<vmem>>, vector<16xf32>,
        %parallel_loop3A_256 = arith.index_cast %parallel_loop3A_236 : i32 to index
        %parallel_loop3A_257 = arith.constant 32 : index
        %parallel_loop3A_258 = tpu.vector_load %arg15[%parallel_loop3A_256, %parallel_loop3A_257] {strides = array<i32>} : memref<40x128xf32, #tpu.memory_space<vmem>>, vector<16xf32>,
        %parallel_loop3A_259 = arith.mulf %parallel_loop3A_258, %parallel_loop3A_241 : vector<16xf32>
        %parallel_loop3A_260 = arith.index_cast %parallel_loop3A_236 : i32 to index
        %parallel_loop3A_261 = arith.constant 32 : index
        %parallel_loop3A_262 = tpu.vector_load %arg15[%parallel_loop3A_260, %parallel_loop3A_261] {strides = array<i32>} : memref<40x128xf32, #tpu.memory_space<vmem>>, vector<16xf32>,
        tpu.vector_store %arg15[%parallel_loop3A_260, %parallel_loop3A_261], %parallel_loop3A_259 {strides = array<i32>} : memref<40x128xf32, #tpu.memory_space<vmem>>, vector<16xf32>,
        %parallel_loop3A_263 = arith.index_cast %parallel_loop3A_236 : i32 to index
        %parallel_loop3A_264 = arith.constant 48 : index
        %parallel_loop3A_265 = tpu.vector_load %arg15[%parallel_loop3A_263, %parallel_loop3A_264] {strides = array<i32>} : memref<40x128xf32, #tpu.memory_space<vmem>>, vector<16xf32>,
        %parallel_loop3A_266 = arith.mulf %parallel_loop3A_265, %parallel_loop3A_241 : vector<16xf32>
        %parallel_loop3A_267 = arith.index_cast %parallel_loop3A_236 : i32 to index
        %parallel_loop3A_268 = arith.constant 48 : index
        %parallel_loop3A_269 = tpu.vector_load %arg15[%parallel_loop3A_267, %parallel_loop3A_268] {strides = array<i32>} : memref<40x128xf32, #tpu.memory_space<vmem>>, vector<16xf32>,
        tpu.vector_store %arg15[%parallel_loop3A_267, %parallel_loop3A_268], %parallel_loop3A_266 {strides = array<i32>} : memref<40x128xf32, #tpu.memory_space<vmem>>, vector<16xf32>,
        %parallel_loop3A_270 = arith.index_cast %parallel_loop3A_236 : i32 to index
        %parallel_loop3A_271 = arith.constant 64 : index
        %parallel_loop3A_272 = tpu.vector_load %arg15[%parallel_loop3A_270, %parallel_loop3A_271] {strides = array<i32>} : memref<40x128xf32, #tpu.memory_space<vmem>>, vector<16xf32>,
        %parallel_loop3A_273 = arith.mulf %parallel_loop3A_272, %parallel_loop3A_241 : vector<16xf32>
        %parallel_loop3A_274 = arith.index_cast %parallel_loop3A_236 : i32 to index
        %parallel_loop3A_275 = arith.constant 64 : index
        %parallel_loop3A_276 = tpu.vector_load %arg15[%parallel_loop3A_274, %parallel_loop3A_275] {strides = array<i32>} : memref<40x128xf32, #tpu.memory_space<vmem>>, vector<16xf32>,
        tpu.vector_store %arg15[%parallel_loop3A_274, %parallel_loop3A_275], %parallel_loop3A_273 {strides = array<i32>} : memref<40x128xf32, #tpu.memory_space<vmem>>, vector<16xf32>,
        %parallel_loop3A_277 = arith.index_cast %parallel_loop3A_236 : i32 to index
        %parallel_loop3A_278 = arith.constant 80 : index
        %parallel_loop3A_279 = tpu.vector_load %arg15[%parallel_loop3A_277, %parallel_loop3A_278] {strides = array<i32>} : memref<40x128xf32, #tpu.memory_space<vmem>>, vector<16xf32>,
        %parallel_loop3A_280 = arith.mulf %parallel_loop3A_279, %parallel_loop3A_241 : vector<16xf32>
        %parallel_loop3A_281 = arith.index_cast %parallel_loop3A_236 : i32 to index
        %parallel_loop3A_282 = arith.constant 80 : index
        %parallel_loop3A_283 = tpu.vector_load %arg15[%parallel_loop3A_281, %parallel_loop3A_282] {strides = array<i32>} : memref<40x128xf32, #tpu.memory_space<vmem>>, vector<16xf32>,
        tpu.vector_store %arg15[%parallel_loop3A_281, %parallel_loop3A_282], %parallel_loop3A_280 {strides = array<i32>} : memref<40x128xf32, #tpu.memory_space<vmem>>, vector<16xf32>,
        %parallel_loop3A_284 = arith.index_cast %parallel_loop3A_236 : i32 to index
        %parallel_loop3A_285 = arith.constant 96 : index
        %parallel_loop3A_286 = tpu.vector_load %arg15[%parallel_loop3A_284, %parallel_loop3A_285] {strides = array<i32>} : memref<40x128xf32, #tpu.memory_space<vmem>>, vector<16xf32>,
        %parallel_loop3A_287 = arith.mulf %parallel_loop3A_286, %parallel_loop3A_241 : vector<16xf32>
        %parallel_loop3A_288 = arith.index_cast %parallel_loop3A_236 : i32 to index
        %parallel_loop3A_289 = arith.constant 96 : index
        %parallel_loop3A_290 = tpu.vector_load %arg15[%parallel_loop3A_288, %parallel_loop3A_289] {strides = array<i32>} : memref<40x128xf32, #tpu.memory_space<vmem>>, vector<16xf32>,
        tpu.vector_store %arg15[%parallel_loop3A_288, %parallel_loop3A_289], %parallel_loop3A_287 {strides = array<i32>} : memref<40x128xf32, #tpu.memory_space<vmem>>, vector<16xf32>,
        %parallel_loop3A_291 = arith.index_cast %parallel_loop3A_236 : i32 to index
        %parallel_loop3A_292 = arith.constant 112 : index
        %parallel_loop3A_293 = tpu.vector_load %arg15[%parallel_loop3A_291, %parallel_loop3A_292] {strides = array<i32>} : memref<40x128xf32, #tpu.memory_space<vmem>>, vector<16xf32>,
        %parallel_loop3A_294 = arith.mulf %parallel_loop3A_293, %parallel_loop3A_241 : vector<16xf32>
        %parallel_loop3A_295 = arith.index_cast %parallel_loop3A_236 : i32 to index
        %parallel_loop3A_296 = arith.constant 112 : index
        %parallel_loop3A_297 = tpu.vector_load %arg15[%parallel_loop3A_295, %parallel_loop3A_296] {strides = array<i32>} : memref<40x128xf32, #tpu.memory_space<vmem>>, vector<16xf32>,
        tpu.vector_store %arg15[%parallel_loop3A_295, %parallel_loop3A_296], %parallel_loop3A_294 {strides = array<i32>} : memref<40x128xf32, #tpu.memory_space<vmem>>, vector<16xf32>,
      } {sc.loop_unroll_factor = 4 : i64, sc.parallel_access}
      %dma_start3A_116 = arith.constant 0 : i32
      %dma_start3A_117 = arith.constant 0 : i32
      %dma_start3A_118 = tpu.memref_slice %arg7[%dma_start3A_116, %dma_start3A_117] : memref<10240x128xf32, #tpu.memory_space<vmem_shared>> -> memref<10240x128xf32, #tpu.memory_space<vmem_shared>>
      tpu.enqueue_indirect_dma source(%arg15 : memref<40x128xf32, #tpu.memory_space<vmem>>) target(%dma_start3A_118 : memref<10240x128xf32, #tpu.memory_space<vmem_shared>>) offsets(%arg10 : memref<40xi32, #tpu.memory_space<vmem>>) semaphore(%arg25 : memref<!tpu.dma_semaphore, #tpu.memory_space<semaphore_mem>>) {add = true}
      %add3A_119 = arith.constant 5 : i32
      %add3A_120 = arith.addi %add3A_101, %add3A_119 : i32
      %lt3A = arith.constant 250 : i32
      %lt3A_121 = arith.cmpi slt, %add3A_120, %lt3A : i32
      %convert_element_type3A = arith.extui %lt3A_121 : i1 to i32
      %cond3A = arith.constant 0 : i32
      %cond3A_122 = arith.cmpi ne, %convert_element_type3A, %cond3A : i32
      scf.if %cond3A_122 {
        %dma_wait3A_236 = arith.constant 0 : i32
        %dma_wait3A_237 = arith.constant 0 : i32
        %dma_wait3A_238 = tpu.memref_slice %arg7[%dma_wait3A_236, %dma_wait3A_237] : memref<10240x128xf32, #tpu.memory_space<vmem_shared>> -> memref<10240x128xf32, #tpu.memory_space<vmem_shared>>
        tpu.wait_indirect_dma semaphore(%arg25 : memref<!tpu.dma_semaphore, #tpu.memory_space<semaphore_mem>>) src(%arg15 : memref<40x128xf32, #tpu.memory_space<vmem>>) dst(%dma_wait3A_238 : memref<10240x128xf32, #tpu.memory_space<vmem_shared>>)
        %add3A_239 = arith.constant 5 : i32
        %add3A_240 = arith.addi %add3A_101, %add3A_239 : i32
        %mul3A_241 = arith.constant 40 : i32
        %mul3A_242 = arith.muli %add3A_240, %mul3A_241 : i32
        %add3A_243 = arith.addi %add3A, %mul3A_242 : i32
        %dma_start3A_244 = tpu.memref_slice %arg3[%add3A_243] : memref<320000xi32, #tpu.memory_space<hbm>> -> memref<40xi32, #tpu.memory_space<hbm>>
        %dma_start3A_245 = tpu.memref_slice %arg3[%add3A_243] : memref<320000xi32, #tpu.memory_space<hbm>> -> memref<40xi32, #tpu.memory_space<hbm>>
        tpu.enqueue_dma source(%dma_start3A_245 : memref<40xi32, #tpu.memory_space<hbm>>) target(%arg10 : memref<40xi32, #tpu.memory_space<vmem>>) target_semaphore(%arg20 : memref<!tpu.dma_semaphore, #tpu.memory_space<semaphore_mem>>)
        %mul3A_246 = arith.constant 40 : i32
        %mul3A_247 = arith.muli %add3A_240, %mul3A_246 : i32
        %dma_start3A_248 = tpu.memref_slice %arg8[%mul3A_247] : memref<10000xi32, #tpu.memory_space<vmem>> -> memref<40xi32, #tpu.memory_space<vmem>>
        %dma_start3A_249 = arith.constant 0 : i32
        %dma_start3A_250 = arith.constant 0 : i32
        %dma_start3A_251 = tpu.memref_slice %arg5[%dma_start3A_249, %dma_start3A_250] : memref<10000x128xf32, #tpu.memory_space<hbm>> -> memref<10000x128xf32, #tpu.memory_space<hbm>>
        tpu.enqueue_indirect_dma source(%dma_start3A_251 : memref<10000x128xf32, #tpu.memory_space<hbm>>) target(%arg15 : memref<40x128xf32, #tpu.memory_space<vmem>>) offsets(%dma_start3A_248 : memref<40xi32, #tpu.memory_space<vmem>>) semaphore(%arg20 : memref<!tpu.dma_semaphore, #tpu.memory_space<semaphore_mem>>)
      } else {
      }
      %mul3A_123 = arith.constant 5 : i32
      %mul3A_124 = arith.muli %scan3A_96, %mul3A_123 : i32
      %add3A_125 = arith.constant 1 : i32
      %add3A_126 = arith.addi %mul3A_124, %add3A_125 : i32
      %mul3A_127 = arith.constant 40 : i32
      %mul3A_128 = arith.muli %add3A_126, %mul3A_127 : i32
      %add3A_129 = arith.addi %add3A, %mul3A_128 : i32
      %dma_wait3A_130 = tpu.memref_slice %arg3[%add3A_129] : memref<320000xi32, #tpu.memory_space<hbm>> -> memref<40xi32, #tpu.memory_space<hbm>>
      %dma_wait3A_131 = tpu.memref_slice %arg3[%add3A_129] : memref<320000xi32, #tpu.memory_space<hbm>> -> memref<40xi32, #tpu.memory_space<hbm>>
      tpu.wait_dma2 semaphore(%arg21 : memref<!tpu.dma_semaphore, #tpu.memory_space<semaphore_mem>>) src(%dma_wait3A_131 : memref<40xi32, #tpu.memory_space<hbm>>) dst(%arg11 : memref<40xi32, #tpu.memory_space<vmem>>)
      %mul3A_132 = arith.constant 40 : i32
      %mul3A_133 = arith.muli %add3A_126, %mul3A_132 : i32
      %dma_wait3A_134 = tpu.memref_slice %arg8[%mul3A_133] : memref<10000xi32, #tpu.memory_space<vmem>> -> memref<40xi32, #tpu.memory_space<vmem>>
      %dma_wait3A_135 = arith.constant 0 : i32
      %dma_wait3A_136 = arith.constant 0 : i32
      %dma_wait3A_137 = tpu.memref_slice %arg5[%dma_wait3A_135, %dma_wait3A_136] : memref<10000x128xf32, #tpu.memory_space<hbm>> -> memref<10000x128xf32, #tpu.memory_space<hbm>>
      tpu.wait_indirect_dma semaphore(%arg21 : memref<!tpu.dma_semaphore, #tpu.memory_space<semaphore_mem>>) src(%dma_wait3A_137 : memref<10000x128xf32, #tpu.memory_space<hbm>>) dst(%arg16 : memref<40x128xf32, #tpu.memory_space<vmem>>)
      %parallel_loop3A_138 = arith.constant 0 : i32
      %parallel_loop3A_139 = arith.constant 40 : i32
      %parallel_loop3A_140 = arith.constant 1 : i32
      scf.for %parallel_loop3A_236 = %parallel_loop3A_138 to %parallel_loop3A_139 step %parallel_loop3A_140  : i32 {
        %parallel_loop3A_237 = arith.constant 40 : i32
        %parallel_loop3A_238 = arith.muli %add3A_126, %parallel_loop3A_237 : i32
        %parallel_loop3A_239 = arith.addi %parallel_loop3A_238, %parallel_loop3A_236 : i32
        %parallel_loop3A_240 = vector.broadcast %parallel_loop3A_239 : i32 to vector<16xi32>
        %parallel_loop3A_241 = tpu.vector_load_idx %arg9[%parallel_loop3A_240] : memref<10000xf32, #tpu.memory_space<vmem>>[vector<16xi32>], vector<16xf32>,
        %parallel_loop3A_242 = arith.index_cast %parallel_loop3A_236 : i32 to index
        %parallel_loop3A_243 = arith.constant 0 : index
        %parallel_loop3A_244 = tpu.vector_load %arg16[%parallel_loop3A_242, %parallel_loop3A_243] {strides = array<i32>} : memref<40x128xf32, #tpu.memory_space<vmem>>, vector<16xf32>,
        %parallel_loop3A_245 = arith.mulf %parallel_loop3A_244, %parallel_loop3A_241 : vector<16xf32>
        %parallel_loop3A_246 = arith.index_cast %parallel_loop3A_236 : i32 to index
        %parallel_loop3A_247 = arith.constant 0 : index
        %parallel_loop3A_248 = tpu.vector_load %arg16[%parallel_loop3A_246, %parallel_loop3A_247] {strides = array<i32>} : memref<40x128xf32, #tpu.memory_space<vmem>>, vector<16xf32>,
        tpu.vector_store %arg16[%parallel_loop3A_246, %parallel_loop3A_247], %parallel_loop3A_245 {strides = array<i32>} : memref<40x128xf32, #tpu.memory_space<vmem>>, vector<16xf32>,
        %parallel_loop3A_249 = arith.index_cast %parallel_loop3A_236 : i32 to index
        %parallel_loop3A_250 = arith.constant 16 : index
        %parallel_loop3A_251 = tpu.vector_load %arg16[%parallel_loop3A_249, %parallel_loop3A_250] {strides = array<i32>} : memref<40x128xf32, #tpu.memory_space<vmem>>, vector<16xf32>,
        %parallel_loop3A_252 = arith.mulf %parallel_loop3A_251, %parallel_loop3A_241 : vector<16xf32>
        %parallel_loop3A_253 = arith.index_cast %parallel_loop3A_236 : i32 to index
        %parallel_loop3A_254 = arith.constant 16 : index
        %parallel_loop3A_255 = tpu.vector_load %arg16[%parallel_loop3A_253, %parallel_loop3A_254] {strides = array<i32>} : memref<40x128xf32, #tpu.memory_space<vmem>>, vector<16xf32>,
        tpu.vector_store %arg16[%parallel_loop3A_253, %parallel_loop3A_254], %parallel_loop3A_252 {strides = array<i32>} : memref<40x128xf32, #tpu.memory_space<vmem>>, vector<16xf32>,
        %parallel_loop3A_256 = arith.index_cast %parallel_loop3A_236 : i32 to index
        %parallel_loop3A_257 = arith.constant 32 : index
        %parallel_loop3A_258 = tpu.vector_load %arg16[%parallel_loop3A_256, %parallel_loop3A_257] {strides = array<i32>} : memref<40x128xf32, #tpu.memory_space<vmem>>, vector<16xf32>,
        %parallel_loop3A_259 = arith.mulf %parallel_loop3A_258, %parallel_loop3A_241 : vector<16xf32>
        %parallel_loop3A_260 = arith.index_cast %parallel_loop3A_236 : i32 to index
        %parallel_loop3A_261 = arith.constant 32 : index
        %parallel_loop3A_262 = tpu.vector_load %arg16[%parallel_loop3A_260, %parallel_loop3A_261] {strides = array<i32>} : memref<40x128xf32, #tpu.memory_space<vmem>>, vector<16xf32>,
        tpu.vector_store %arg16[%parallel_loop3A_260, %parallel_loop3A_261], %parallel_loop3A_259 {strides = array<i32>} : memref<40x128xf32, #tpu.memory_space<vmem>>, vector<16xf32>,
        %parallel_loop3A_263 = arith.index_cast %parallel_loop3A_236 : i32 to index
        %parallel_loop3A_264 = arith.constant 48 : index
        %parallel_loop3A_265 = tpu.vector_load %arg16[%parallel_loop3A_263, %parallel_loop3A_264] {strides = array<i32>} : memref<40x128xf32, #tpu.memory_space<vmem>>, vector<16xf32>,
        %parallel_loop3A_266 = arith.mulf %parallel_loop3A_265, %parallel_loop3A_241 : vector<16xf32>
        %parallel_loop3A_267 = arith.index_cast %parallel_loop3A_236 : i32 to index
        %parallel_loop3A_268 = arith.constant 48 : index
        %parallel_loop3A_269 = tpu.vector_load %arg16[%parallel_loop3A_267, %parallel_loop3A_268] {strides = array<i32>} : memref<40x128xf32, #tpu.memory_space<vmem>>, vector<16xf32>,
        tpu.vector_store %arg16[%parallel_loop3A_267, %parallel_loop3A_268], %parallel_loop3A_266 {strides = array<i32>} : memref<40x128xf32, #tpu.memory_space<vmem>>, vector<16xf32>,
        %parallel_loop3A_270 = arith.index_cast %parallel_loop3A_236 : i32 to index
        %parallel_loop3A_271 = arith.constant 64 : index
        %parallel_loop3A_272 = tpu.vector_load %arg16[%parallel_loop3A_270, %parallel_loop3A_271] {strides = array<i32>} : memref<40x128xf32, #tpu.memory_space<vmem>>, vector<16xf32>,
        %parallel_loop3A_273 = arith.mulf %parallel_loop3A_272, %parallel_loop3A_241 : vector<16xf32>
        %parallel_loop3A_274 = arith.index_cast %parallel_loop3A_236 : i32 to index
        %parallel_loop3A_275 = arith.constant 64 : index
        %parallel_loop3A_276 = tpu.vector_load %arg16[%parallel_loop3A_274, %parallel_loop3A_275] {strides = array<i32>} : memref<40x128xf32, #tpu.memory_space<vmem>>, vector<16xf32>,
        tpu.vector_store %arg16[%parallel_loop3A_274, %parallel_loop3A_275], %parallel_loop3A_273 {strides = array<i32>} : memref<40x128xf32, #tpu.memory_space<vmem>>, vector<16xf32>,
        %parallel_loop3A_277 = arith.index_cast %parallel_loop3A_236 : i32 to index
        %parallel_loop3A_278 = arith.constant 80 : index
        %parallel_loop3A_279 = tpu.vector_load %arg16[%parallel_loop3A_277, %parallel_loop3A_278] {strides = array<i32>} : memref<40x128xf32, #tpu.memory_space<vmem>>, vector<16xf32>,
        %parallel_loop3A_280 = arith.mulf %parallel_loop3A_279, %parallel_loop3A_241 : vector<16xf32>
        %parallel_loop3A_281 = arith.index_cast %parallel_loop3A_236 : i32 to index
        %parallel_loop3A_282 = arith.constant 80 : index
        %parallel_loop3A_283 = tpu.vector_load %arg16[%parallel_loop3A_281, %parallel_loop3A_282] {strides = array<i32>} : memref<40x128xf32, #tpu.memory_space<vmem>>, vector<16xf32>,
        tpu.vector_store %arg16[%parallel_loop3A_281, %parallel_loop3A_282], %parallel_loop3A_280 {strides = array<i32>} : memref<40x128xf32, #tpu.memory_space<vmem>>, vector<16xf32>,
        %parallel_loop3A_284 = arith.index_cast %parallel_loop3A_236 : i32 to index
        %parallel_loop3A_285 = arith.constant 96 : index
        %parallel_loop3A_286 = tpu.vector_load %arg16[%parallel_loop3A_284, %parallel_loop3A_285] {strides = array<i32>} : memref<40x128xf32, #tpu.memory_space<vmem>>, vector<16xf32>,
        %parallel_loop3A_287 = arith.mulf %parallel_loop3A_286, %parallel_loop3A_241 : vector<16xf32>
        %parallel_loop3A_288 = arith.index_cast %parallel_loop3A_236 : i32 to index
        %parallel_loop3A_289 = arith.constant 96 : index
        %parallel_loop3A_290 = tpu.vector_load %arg16[%parallel_loop3A_288, %parallel_loop3A_289] {strides = array<i32>} : memref<40x128xf32, #tpu.memory_space<vmem>>, vector<16xf32>,
        tpu.vector_store %arg16[%parallel_loop3A_288, %parallel_loop3A_289], %parallel_loop3A_287 {strides = array<i32>} : memref<40x128xf32, #tpu.memory_space<vmem>>, vector<16xf32>,
        %parallel_loop3A_291 = arith.index_cast %parallel_loop3A_236 : i32 to index
        %parallel_loop3A_292 = arith.constant 112 : index
        %parallel_loop3A_293 = tpu.vector_load %arg16[%parallel_loop3A_291, %parallel_loop3A_292] {strides = array<i32>} : memref<40x128xf32, #tpu.memory_space<vmem>>, vector<16xf32>,
        %parallel_loop3A_294 = arith.mulf %parallel_loop3A_293, %parallel_loop3A_241 : vector<16xf32>
        %parallel_loop3A_295 = arith.index_cast %parallel_loop3A_236 : i32 to index
        %parallel_loop3A_296 = arith.constant 112 : index
        %parallel_loop3A_297 = tpu.vector_load %arg16[%parallel_loop3A_295, %parallel_loop3A_296] {strides = array<i32>} : memref<40x128xf32, #tpu.memory_space<vmem>>, vector<16xf32>,
        tpu.vector_store %arg16[%parallel_loop3A_295, %parallel_loop3A_296], %parallel_loop3A_294 {strides = array<i32>} : memref<40x128xf32, #tpu.memory_space<vmem>>, vector<16xf32>,
      } {sc.loop_unroll_factor = 4 : i64, sc.parallel_access}
      %dma_start3A_141 = arith.constant 0 : i32
      %dma_start3A_142 = arith.constant 0 : i32
      %dma_start3A_143 = tpu.memref_slice %arg7[%dma_start3A_141, %dma_start3A_142] : memref<10240x128xf32, #tpu.memory_space<vmem_shared>> -> memref<10240x128xf32, #tpu.memory_space<vmem_shared>>
      tpu.enqueue_indirect_dma source(%arg16 : memref<40x128xf32, #tpu.memory_space<vmem>>) target(%dma_start3A_143 : memref<10240x128xf32, #tpu.memory_space<vmem_shared>>) offsets(%arg11 : memref<40xi32, #tpu.memory_space<vmem>>) semaphore(%arg26 : memref<!tpu.dma_semaphore, #tpu.memory_space<semaphore_mem>>) {add = true}
      %add3A_144 = arith.constant 5 : i32
      %add3A_145 = arith.addi %add3A_126, %add3A_144 : i32
      %lt3A_146 = arith.constant 250 : i32
      %lt3A_147 = arith.cmpi slt, %add3A_145, %lt3A_146 : i32
      %convert_element_type3A_148 = arith.extui %lt3A_147 : i1 to i32
      %cond3A_149 = arith.constant 0 : i32
      %cond3A_150 = arith.cmpi ne, %convert_element_type3A_148, %cond3A_149 : i32
      scf.if %cond3A_150 {
        %dma_wait3A_236 = arith.constant 0 : i32
        %dma_wait3A_237 = arith.constant 0 : i32
        %dma_wait3A_238 = tpu.memref_slice %arg7[%dma_wait3A_236, %dma_wait3A_237] : memref<10240x128xf32, #tpu.memory_space<vmem_shared>> -> memref<10240x128xf32, #tpu.memory_space<vmem_shared>>
        tpu.wait_indirect_dma semaphore(%arg26 : memref<!tpu.dma_semaphore, #tpu.memory_space<semaphore_mem>>) src(%arg16 : memref<40x128xf32, #tpu.memory_space<vmem>>) dst(%dma_wait3A_238 : memref<10240x128xf32, #tpu.memory_space<vmem_shared>>)
        %add3A_239 = arith.constant 5 : i32
        %add3A_240 = arith.addi %add3A_126, %add3A_239 : i32
        %mul3A_241 = arith.constant 40 : i32
        %mul3A_242 = arith.muli %add3A_240, %mul3A_241 : i32
        %add3A_243 = arith.addi %add3A, %mul3A_242 : i32
        %dma_start3A_244 = tpu.memref_slice %arg3[%add3A_243] : memref<320000xi32, #tpu.memory_space<hbm>> -> memref<40xi32, #tpu.memory_space<hbm>>
        %dma_start3A_245 = tpu.memref_slice %arg3[%add3A_243] : memref<320000xi32, #tpu.memory_space<hbm>> -> memref<40xi32, #tpu.memory_space<hbm>>
        tpu.enqueue_dma source(%dma_start3A_245 : memref<40xi32, #tpu.memory_space<hbm>>) target(%arg11 : memref<40xi32, #tpu.memory_space<vmem>>) target_semaphore(%arg21 : memref<!tpu.dma_semaphore, #tpu.memory_space<semaphore_mem>>)
        %mul3A_246 = arith.constant 40 : i32
        %mul3A_247 = arith.muli %add3A_240, %mul3A_246 : i32
        %dma_start3A_248 = tpu.memref_slice %arg8[%mul3A_247] : memref<10000xi32, #tpu.memory_space<vmem>> -> memref<40xi32, #tpu.memory_space<vmem>>
        %dma_start3A_249 = arith.constant 0 : i32
        %dma_start3A_250 = arith.constant 0 : i32
        %dma_start3A_251 = tpu.memref_slice %arg5[%dma_start3A_249, %dma_start3A_250] : memref<10000x128xf32, #tpu.memory_space<hbm>> -> memref<10000x128xf32, #tpu.memory_space<hbm>>
        tpu.enqueue_indirect_dma source(%dma_start3A_251 : memref<10000x128xf32, #tpu.memory_space<hbm>>) target(%arg16 : memref<40x128xf32, #tpu.memory_space<vmem>>) offsets(%dma_start3A_248 : memref<40xi32, #tpu.memory_space<vmem>>) semaphore(%arg21 : memref<!tpu.dma_semaphore, #tpu.memory_space<semaphore_mem>>)
      } else {
      }
      %mul3A_151 = arith.constant 5 : i32
      %mul3A_152 = arith.muli %scan3A_96, %mul3A_151 : i32
      %add3A_153 = arith.constant 2 : i32
      %add3A_154 = arith.addi %mul3A_152, %add3A_153 : i32
      %mul3A_155 = arith.constant 40 : i32
      %mul3A_156 = arith.muli %add3A_154, %mul3A_155 : i32
      %add3A_157 = arith.addi %add3A, %mul3A_156 : i32
      %dma_wait3A_158 = tpu.memref_slice %arg3[%add3A_157] : memref<320000xi32, #tpu.memory_space<hbm>> -> memref<40xi32, #tpu.memory_space<hbm>>
      %dma_wait3A_159 = tpu.memref_slice %arg3[%add3A_157] : memref<320000xi32, #tpu.memory_space<hbm>> -> memref<40xi32, #tpu.memory_space<hbm>>
      tpu.wait_dma2 semaphore(%arg22 : memref<!tpu.dma_semaphore, #tpu.memory_space<semaphore_mem>>) src(%dma_wait3A_159 : memref<40xi32, #tpu.memory_space<hbm>>) dst(%arg12 : memref<40xi32, #tpu.memory_space<vmem>>)
      %mul3A_160 = arith.constant 40 : i32
      %mul3A_161 = arith.muli %add3A_154, %mul3A_160 : i32
      %dma_wait3A_162 = tpu.memref_slice %arg8[%mul3A_161] : memref<10000xi32, #tpu.memory_space<vmem>> -> memref<40xi32, #tpu.memory_space<vmem>>
      %dma_wait3A_163 = arith.constant 0 : i32
      %dma_wait3A_164 = arith.constant 0 : i32
      %dma_wait3A_165 = tpu.memref_slice %arg5[%dma_wait3A_163, %dma_wait3A_164] : memref<10000x128xf32, #tpu.memory_space<hbm>> -> memref<10000x128xf32, #tpu.memory_space<hbm>>
      tpu.wait_indirect_dma semaphore(%arg22 : memref<!tpu.dma_semaphore, #tpu.memory_space<semaphore_mem>>) src(%dma_wait3A_165 : memref<10000x128xf32, #tpu.memory_space<hbm>>) dst(%arg17 : memref<40x128xf32, #tpu.memory_space<vmem>>)
      %parallel_loop3A_166 = arith.constant 0 : i32
      %parallel_loop3A_167 = arith.constant 40 : i32
      %parallel_loop3A_168 = arith.constant 1 : i32
      scf.for %parallel_loop3A_236 = %parallel_loop3A_166 to %parallel_loop3A_167 step %parallel_loop3A_168  : i32 {
        %parallel_loop3A_237 = arith.constant 40 : i32
        %parallel_loop3A_238 = arith.muli %add3A_154, %parallel_loop3A_237 : i32
        %parallel_loop3A_239 = arith.addi %parallel_loop3A_238, %parallel_loop3A_236 : i32
        %parallel_loop3A_240 = vector.broadcast %parallel_loop3A_239 : i32 to vector<16xi32>
        %parallel_loop3A_241 = tpu.vector_load_idx %arg9[%parallel_loop3A_240] : memref<10000xf32, #tpu.memory_space<vmem>>[vector<16xi32>], vector<16xf32>,
        %parallel_loop3A_242 = arith.index_cast %parallel_loop3A_236 : i32 to index
        %parallel_loop3A_243 = arith.constant 0 : index
        %parallel_loop3A_244 = tpu.vector_load %arg17[%parallel_loop3A_242, %parallel_loop3A_243] {strides = array<i32>} : memref<40x128xf32, #tpu.memory_space<vmem>>, vector<16xf32>,
        %parallel_loop3A_245 = arith.mulf %parallel_loop3A_244, %parallel_loop3A_241 : vector<16xf32>
        %parallel_loop3A_246 = arith.index_cast %parallel_loop3A_236 : i32 to index
        %parallel_loop3A_247 = arith.constant 0 : index
        %parallel_loop3A_248 = tpu.vector_load %arg17[%parallel_loop3A_246, %parallel_loop3A_247] {strides = array<i32>} : memref<40x128xf32, #tpu.memory_space<vmem>>, vector<16xf32>,
        tpu.vector_store %arg17[%parallel_loop3A_246, %parallel_loop3A_247], %parallel_loop3A_245 {strides = array<i32>} : memref<40x128xf32, #tpu.memory_space<vmem>>, vector<16xf32>,
        %parallel_loop3A_249 = arith.index_cast %parallel_loop3A_236 : i32 to index
        %parallel_loop3A_250 = arith.constant 16 : index
        %parallel_loop3A_251 = tpu.vector_load %arg17[%parallel_loop3A_249, %parallel_loop3A_250] {strides = array<i32>} : memref<40x128xf32, #tpu.memory_space<vmem>>, vector<16xf32>,
        %parallel_loop3A_252 = arith.mulf %parallel_loop3A_251, %parallel_loop3A_241 : vector<16xf32>
        %parallel_loop3A_253 = arith.index_cast %parallel_loop3A_236 : i32 to index
        %parallel_loop3A_254 = arith.constant 16 : index
        %parallel_loop3A_255 = tpu.vector_load %arg17[%parallel_loop3A_253, %parallel_loop3A_254] {strides = array<i32>} : memref<40x128xf32, #tpu.memory_space<vmem>>, vector<16xf32>,
        tpu.vector_store %arg17[%parallel_loop3A_253, %parallel_loop3A_254], %parallel_loop3A_252 {strides = array<i32>} : memref<40x128xf32, #tpu.memory_space<vmem>>, vector<16xf32>,
        %parallel_loop3A_256 = arith.index_cast %parallel_loop3A_236 : i32 to index
        %parallel_loop3A_257 = arith.constant 32 : index
        %parallel_loop3A_258 = tpu.vector_load %arg17[%parallel_loop3A_256, %parallel_loop3A_257] {strides = array<i32>} : memref<40x128xf32, #tpu.memory_space<vmem>>, vector<16xf32>,
        %parallel_loop3A_259 = arith.mulf %parallel_loop3A_258, %parallel_loop3A_241 : vector<16xf32>
        %parallel_loop3A_260 = arith.index_cast %parallel_loop3A_236 : i32 to index
        %parallel_loop3A_261 = arith.constant 32 : index
        %parallel_loop3A_262 = tpu.vector_load %arg17[%parallel_loop3A_260, %parallel_loop3A_261] {strides = array<i32>} : memref<40x128xf32, #tpu.memory_space<vmem>>, vector<16xf32>,
        tpu.vector_store %arg17[%parallel_loop3A_260, %parallel_loop3A_261], %parallel_loop3A_259 {strides = array<i32>} : memref<40x128xf32, #tpu.memory_space<vmem>>, vector<16xf32>,
        %parallel_loop3A_263 = arith.index_cast %parallel_loop3A_236 : i32 to index
        %parallel_loop3A_264 = arith.constant 48 : index
        %parallel_loop3A_265 = tpu.vector_load %arg17[%parallel_loop3A_263, %parallel_loop3A_264] {strides = array<i32>} : memref<40x128xf32, #tpu.memory_space<vmem>>, vector<16xf32>,
        %parallel_loop3A_266 = arith.mulf %parallel_loop3A_265, %parallel_loop3A_241 : vector<16xf32>
        %parallel_loop3A_267 = arith.index_cast %parallel_loop3A_236 : i32 to index
        %parallel_loop3A_268 = arith.constant 48 : index
        %parallel_loop3A_269 = tpu.vector_load %arg17[%parallel_loop3A_267, %parallel_loop3A_268] {strides = array<i32>} : memref<40x128xf32, #tpu.memory_space<vmem>>, vector<16xf32>,
        tpu.vector_store %arg17[%parallel_loop3A_267, %parallel_loop3A_268], %parallel_loop3A_266 {strides = array<i32>} : memref<40x128xf32, #tpu.memory_space<vmem>>, vector<16xf32>,
        %parallel_loop3A_270 = arith.index_cast %parallel_loop3A_236 : i32 to index
        %parallel_loop3A_271 = arith.constant 64 : index
        %parallel_loop3A_272 = tpu.vector_load %arg17[%parallel_loop3A_270, %parallel_loop3A_271] {strides = array<i32>} : memref<40x128xf32, #tpu.memory_space<vmem>>, vector<16xf32>,
        %parallel_loop3A_273 = arith.mulf %parallel_loop3A_272, %parallel_loop3A_241 : vector<16xf32>
        %parallel_loop3A_274 = arith.index_cast %parallel_loop3A_236 : i32 to index
        %parallel_loop3A_275 = arith.constant 64 : index
        %parallel_loop3A_276 = tpu.vector_load %arg17[%parallel_loop3A_274, %parallel_loop3A_275] {strides = array<i32>} : memref<40x128xf32, #tpu.memory_space<vmem>>, vector<16xf32>,
        tpu.vector_store %arg17[%parallel_loop3A_274, %parallel_loop3A_275], %parallel_loop3A_273 {strides = array<i32>} : memref<40x128xf32, #tpu.memory_space<vmem>>, vector<16xf32>,
        %parallel_loop3A_277 = arith.index_cast %parallel_loop3A_236 : i32 to index
        %parallel_loop3A_278 = arith.constant 80 : index
        %parallel_loop3A_279 = tpu.vector_load %arg17[%parallel_loop3A_277, %parallel_loop3A_278] {strides = array<i32>} : memref<40x128xf32, #tpu.memory_space<vmem>>, vector<16xf32>,
        %parallel_loop3A_280 = arith.mulf %parallel_loop3A_279, %parallel_loop3A_241 : vector<16xf32>
        %parallel_loop3A_281 = arith.index_cast %parallel_loop3A_236 : i32 to index
        %parallel_loop3A_282 = arith.constant 80 : index
        %parallel_loop3A_283 = tpu.vector_load %arg17[%parallel_loop3A_281, %parallel_loop3A_282] {strides = array<i32>} : memref<40x128xf32, #tpu.memory_space<vmem>>, vector<16xf32>,
        tpu.vector_store %arg17[%parallel_loop3A_281, %parallel_loop3A_282], %parallel_loop3A_280 {strides = array<i32>} : memref<40x128xf32, #tpu.memory_space<vmem>>, vector<16xf32>,
        %parallel_loop3A_284 = arith.index_cast %parallel_loop3A_236 : i32 to index
        %parallel_loop3A_285 = arith.constant 96 : index
        %parallel_loop3A_286 = tpu.vector_load %arg17[%parallel_loop3A_284, %parallel_loop3A_285] {strides = array<i32>} : memref<40x128xf32, #tpu.memory_space<vmem>>, vector<16xf32>,
        %parallel_loop3A_287 = arith.mulf %parallel_loop3A_286, %parallel_loop3A_241 : vector<16xf32>
        %parallel_loop3A_288 = arith.index_cast %parallel_loop3A_236 : i32 to index
        %parallel_loop3A_289 = arith.constant 96 : index
        %parallel_loop3A_290 = tpu.vector_load %arg17[%parallel_loop3A_288, %parallel_loop3A_289] {strides = array<i32>} : memref<40x128xf32, #tpu.memory_space<vmem>>, vector<16xf32>,
        tpu.vector_store %arg17[%parallel_loop3A_288, %parallel_loop3A_289], %parallel_loop3A_287 {strides = array<i32>} : memref<40x128xf32, #tpu.memory_space<vmem>>, vector<16xf32>,
        %parallel_loop3A_291 = arith.index_cast %parallel_loop3A_236 : i32 to index
        %parallel_loop3A_292 = arith.constant 112 : index
        %parallel_loop3A_293 = tpu.vector_load %arg17[%parallel_loop3A_291, %parallel_loop3A_292] {strides = array<i32>} : memref<40x128xf32, #tpu.memory_space<vmem>>, vector<16xf32>,
        %parallel_loop3A_294 = arith.mulf %parallel_loop3A_293, %parallel_loop3A_241 : vector<16xf32>
        %parallel_loop3A_295 = arith.index_cast %parallel_loop3A_236 : i32 to index
        %parallel_loop3A_296 = arith.constant 112 : index
        %parallel_loop3A_297 = tpu.vector_load %arg17[%parallel_loop3A_295, %parallel_loop3A_296] {strides = array<i32>} : memref<40x128xf32, #tpu.memory_space<vmem>>, vector<16xf32>,
        tpu.vector_store %arg17[%parallel_loop3A_295, %parallel_loop3A_296], %parallel_loop3A_294 {strides = array<i32>} : memref<40x128xf32, #tpu.memory_space<vmem>>, vector<16xf32>,
      } {sc.loop_unroll_factor = 4 : i64, sc.parallel_access}
      %dma_start3A_169 = arith.constant 0 : i32
      %dma_start3A_170 = arith.constant 0 : i32
      %dma_start3A_171 = tpu.memref_slice %arg7[%dma_start3A_169, %dma_start3A_170] : memref<10240x128xf32, #tpu.memory_space<vmem_shared>> -> memref<10240x128xf32, #tpu.memory_space<vmem_shared>>
      tpu.enqueue_indirect_dma source(%arg17 : memref<40x128xf32, #tpu.memory_space<vmem>>) target(%dma_start3A_171 : memref<10240x128xf32, #tpu.memory_space<vmem_shared>>) offsets(%arg12 : memref<40xi32, #tpu.memory_space<vmem>>) semaphore(%arg27 : memref<!tpu.dma_semaphore, #tpu.memory_space<semaphore_mem>>) {add = true}
      %add3A_172 = arith.constant 5 : i32
      %add3A_173 = arith.addi %add3A_154, %add3A_172 : i32
      %lt3A_174 = arith.constant 250 : i32
      %lt3A_175 = arith.cmpi slt, %add3A_173, %lt3A_174 : i32
      %convert_element_type3A_176 = arith.extui %lt3A_175 : i1 to i32
      %cond3A_177 = arith.constant 0 : i32
      %cond3A_178 = arith.cmpi ne, %convert_element_type3A_176, %cond3A_177 : i32
      scf.if %cond3A_178 {
        %dma_wait3A_236 = arith.constant 0 : i32
        %dma_wait3A_237 = arith.constant 0 : i32
        %dma_wait3A_238 = tpu.memref_slice %arg7[%dma_wait3A_236, %dma_wait3A_237] : memref<10240x128xf32, #tpu.memory_space<vmem_shared>> -> memref<10240x128xf32, #tpu.memory_space<vmem_shared>>
        tpu.wait_indirect_dma semaphore(%arg27 : memref<!tpu.dma_semaphore, #tpu.memory_space<semaphore_mem>>) src(%arg17 : memref<40x128xf32, #tpu.memory_space<vmem>>) dst(%dma_wait3A_238 : memref<10240x128xf32, #tpu.memory_space<vmem_shared>>)
        %add3A_239 = arith.constant 5 : i32
        %add3A_240 = arith.addi %add3A_154, %add3A_239 : i32
        %mul3A_241 = arith.constant 40 : i32
        %mul3A_242 = arith.muli %add3A_240, %mul3A_241 : i32
        %add3A_243 = arith.addi %add3A, %mul3A_242 : i32
        %dma_start3A_244 = tpu.memref_slice %arg3[%add3A_243] : memref<320000xi32, #tpu.memory_space<hbm>> -> memref<40xi32, #tpu.memory_space<hbm>>
        %dma_start3A_245 = tpu.memref_slice %arg3[%add3A_243] : memref<320000xi32, #tpu.memory_space<hbm>> -> memref<40xi32, #tpu.memory_space<hbm>>
        tpu.enqueue_dma source(%dma_start3A_245 : memref<40xi32, #tpu.memory_space<hbm>>) target(%arg12 : memref<40xi32, #tpu.memory_space<vmem>>) target_semaphore(%arg22 : memref<!tpu.dma_semaphore, #tpu.memory_space<semaphore_mem>>)
        %mul3A_246 = arith.constant 40 : i32
        %mul3A_247 = arith.muli %add3A_240, %mul3A_246 : i32
        %dma_start3A_248 = tpu.memref_slice %arg8[%mul3A_247] : memref<10000xi32, #tpu.memory_space<vmem>> -> memref<40xi32, #tpu.memory_space<vmem>>
        %dma_start3A_249 = arith.constant 0 : i32
        %dma_start3A_250 = arith.constant 0 : i32
        %dma_start3A_251 = tpu.memref_slice %arg5[%dma_start3A_249, %dma_start3A_250] : memref<10000x128xf32, #tpu.memory_space<hbm>> -> memref<10000x128xf32, #tpu.memory_space<hbm>>
        tpu.enqueue_indirect_dma source(%dma_start3A_251 : memref<10000x128xf32, #tpu.memory_space<hbm>>) target(%arg17 : memref<40x128xf32, #tpu.memory_space<vmem>>) offsets(%dma_start3A_248 : memref<40xi32, #tpu.memory_space<vmem>>) semaphore(%arg22 : memref<!tpu.dma_semaphore, #tpu.memory_space<semaphore_mem>>)
      } else {
      }
      %mul3A_179 = arith.constant 5 : i32
      %mul3A_180 = arith.muli %scan3A_96, %mul3A_179 : i32
      %add3A_181 = arith.constant 3 : i32
      %add3A_182 = arith.addi %mul3A_180, %add3A_181 : i32
      %mul3A_183 = arith.constant 40 : i32
      %mul3A_184 = arith.muli %add3A_182, %mul3A_183 : i32
      %add3A_185 = arith.addi %add3A, %mul3A_184 : i32
      %dma_wait3A_186 = tpu.memref_slice %arg3[%add3A_185] : memref<320000xi32, #tpu.memory_space<hbm>> -> memref<40xi32, #tpu.memory_space<hbm>>
      %dma_wait3A_187 = tpu.memref_slice %arg3[%add3A_185] : memref<320000xi32, #tpu.memory_space<hbm>> -> memref<40xi32, #tpu.memory_space<hbm>>
      tpu.wait_dma2 semaphore(%arg23 : memref<!tpu.dma_semaphore, #tpu.memory_space<semaphore_mem>>) src(%dma_wait3A_187 : memref<40xi32, #tpu.memory_space<hbm>>) dst(%arg13 : memref<40xi32, #tpu.memory_space<vmem>>)
      %mul3A_188 = arith.constant 40 : i32
      %mul3A_189 = arith.muli %add3A_182, %mul3A_188 : i32
      %dma_wait3A_190 = tpu.memref_slice %arg8[%mul3A_189] : memref<10000xi32, #tpu.memory_space<vmem>> -> memref<40xi32, #tpu.memory_space<vmem>>
      %dma_wait3A_191 = arith.constant 0 : i32
      %dma_wait3A_192 = arith.constant 0 : i32
      %dma_wait3A_193 = tpu.memref_slice %arg5[%dma_wait3A_191, %dma_wait3A_192] : memref<10000x128xf32, #tpu.memory_space<hbm>> -> memref<10000x128xf32, #tpu.memory_space<hbm>>
      tpu.wait_indirect_dma semaphore(%arg23 : memref<!tpu.dma_semaphore, #tpu.memory_space<semaphore_mem>>) src(%dma_wait3A_193 : memref<10000x128xf32, #tpu.memory_space<hbm>>) dst(%arg18 : memref<40x128xf32, #tpu.memory_space<vmem>>)
      %parallel_loop3A_194 = arith.constant 0 : i32
      %parallel_loop3A_195 = arith.constant 40 : i32
      %parallel_loop3A_196 = arith.constant 1 : i32
      scf.for %parallel_loop3A_236 = %parallel_loop3A_194 to %parallel_loop3A_195 step %parallel_loop3A_196  : i32 {
        %parallel_loop3A_237 = arith.constant 40 : i32
        %parallel_loop3A_238 = arith.muli %add3A_182, %parallel_loop3A_237 : i32
        %parallel_loop3A_239 = arith.addi %parallel_loop3A_238, %parallel_loop3A_236 : i32
        %parallel_loop3A_240 = vector.broadcast %parallel_loop3A_239 : i32 to vector<16xi32>
        %parallel_loop3A_241 = tpu.vector_load_idx %arg9[%parallel_loop3A_240] : memref<10000xf32, #tpu.memory_space<vmem>>[vector<16xi32>], vector<16xf32>,
        %parallel_loop3A_242 = arith.index_cast %parallel_loop3A_236 : i32 to index
        %parallel_loop3A_243 = arith.constant 0 : index
        %parallel_loop3A_244 = tpu.vector_load %arg18[%parallel_loop3A_242, %parallel_loop3A_243] {strides = array<i32>} : memref<40x128xf32, #tpu.memory_space<vmem>>, vector<16xf32>,
        %parallel_loop3A_245 = arith.mulf %parallel_loop3A_244, %parallel_loop3A_241 : vector<16xf32>
        %parallel_loop3A_246 = arith.index_cast %parallel_loop3A_236 : i32 to index
        %parallel_loop3A_247 = arith.constant 0 : index
        %parallel_loop3A_248 = tpu.vector_load %arg18[%parallel_loop3A_246, %parallel_loop3A_247] {strides = array<i32>} : memref<40x128xf32, #tpu.memory_space<vmem>>, vector<16xf32>,
        tpu.vector_store %arg18[%parallel_loop3A_246, %parallel_loop3A_247], %parallel_loop3A_245 {strides = array<i32>} : memref<40x128xf32, #tpu.memory_space<vmem>>, vector<16xf32>,
        %parallel_loop3A_249 = arith.index_cast %parallel_loop3A_236 : i32 to index
        %parallel_loop3A_250 = arith.constant 16 : index
        %parallel_loop3A_251 = tpu.vector_load %arg18[%parallel_loop3A_249, %parallel_loop3A_250] {strides = array<i32>} : memref<40x128xf32, #tpu.memory_space<vmem>>, vector<16xf32>,
        %parallel_loop3A_252 = arith.mulf %parallel_loop3A_251, %parallel_loop3A_241 : vector<16xf32>
        %parallel_loop3A_253 = arith.index_cast %parallel_loop3A_236 : i32 to index
        %parallel_loop3A_254 = arith.constant 16 : index
        %parallel_loop3A_255 = tpu.vector_load %arg18[%parallel_loop3A_253, %parallel_loop3A_254] {strides = array<i32>} : memref<40x128xf32, #tpu.memory_space<vmem>>, vector<16xf32>,
        tpu.vector_store %arg18[%parallel_loop3A_253, %parallel_loop3A_254], %parallel_loop3A_252 {strides = array<i32>} : memref<40x128xf32, #tpu.memory_space<vmem>>, vector<16xf32>,
        %parallel_loop3A_256 = arith.index_cast %parallel_loop3A_236 : i32 to index
        %parallel_loop3A_257 = arith.constant 32 : index
        %parallel_loop3A_258 = tpu.vector_load %arg18[%parallel_loop3A_256, %parallel_loop3A_257] {strides = array<i32>} : memref<40x128xf32, #tpu.memory_space<vmem>>, vector<16xf32>,
        %parallel_loop3A_259 = arith.mulf %parallel_loop3A_258, %parallel_loop3A_241 : vector<16xf32>
        %parallel_loop3A_260 = arith.index_cast %parallel_loop3A_236 : i32 to index
        %parallel_loop3A_261 = arith.constant 32 : index
        %parallel_loop3A_262 = tpu.vector_load %arg18[%parallel_loop3A_260, %parallel_loop3A_261] {strides = array<i32>} : memref<40x128xf32, #tpu.memory_space<vmem>>, vector<16xf32>,
        tpu.vector_store %arg18[%parallel_loop3A_260, %parallel_loop3A_261], %parallel_loop3A_259 {strides = array<i32>} : memref<40x128xf32, #tpu.memory_space<vmem>>, vector<16xf32>,
        %parallel_loop3A_263 = arith.index_cast %parallel_loop3A_236 : i32 to index
        %parallel_loop3A_264 = arith.constant 48 : index
        %parallel_loop3A_265 = tpu.vector_load %arg18[%parallel_loop3A_263, %parallel_loop3A_264] {strides = array<i32>} : memref<40x128xf32, #tpu.memory_space<vmem>>, vector<16xf32>,
        %parallel_loop3A_266 = arith.mulf %parallel_loop3A_265, %parallel_loop3A_241 : vector<16xf32>
        %parallel_loop3A_267 = arith.index_cast %parallel_loop3A_236 : i32 to index
        %parallel_loop3A_268 = arith.constant 48 : index
        %parallel_loop3A_269 = tpu.vector_load %arg18[%parallel_loop3A_267, %parallel_loop3A_268] {strides = array<i32>} : memref<40x128xf32, #tpu.memory_space<vmem>>, vector<16xf32>,
        tpu.vector_store %arg18[%parallel_loop3A_267, %parallel_loop3A_268], %parallel_loop3A_266 {strides = array<i32>} : memref<40x128xf32, #tpu.memory_space<vmem>>, vector<16xf32>,
        %parallel_loop3A_270 = arith.index_cast %parallel_loop3A_236 : i32 to index
        %parallel_loop3A_271 = arith.constant 64 : index
        %parallel_loop3A_272 = tpu.vector_load %arg18[%parallel_loop3A_270, %parallel_loop3A_271] {strides = array<i32>} : memref<40x128xf32, #tpu.memory_space<vmem>>, vector<16xf32>,
        %parallel_loop3A_273 = arith.mulf %parallel_loop3A_272, %parallel_loop3A_241 : vector<16xf32>
        %parallel_loop3A_274 = arith.index_cast %parallel_loop3A_236 : i32 to index
        %parallel_loop3A_275 = arith.constant 64 : index
        %parallel_loop3A_276 = tpu.vector_load %arg18[%parallel_loop3A_274, %parallel_loop3A_275] {strides = array<i32>} : memref<40x128xf32, #tpu.memory_space<vmem>>, vector<16xf32>,
        tpu.vector_store %arg18[%parallel_loop3A_274, %parallel_loop3A_275], %parallel_loop3A_273 {strides = array<i32>} : memref<40x128xf32, #tpu.memory_space<vmem>>, vector<16xf32>,
        %parallel_loop3A_277 = arith.index_cast %parallel_loop3A_236 : i32 to index
        %parallel_loop3A_278 = arith.constant 80 : index
        %parallel_loop3A_279 = tpu.vector_load %arg18[%parallel_loop3A_277, %parallel_loop3A_278] {strides = array<i32>} : memref<40x128xf32, #tpu.memory_space<vmem>>, vector<16xf32>,
        %parallel_loop3A_280 = arith.mulf %parallel_loop3A_279, %parallel_loop3A_241 : vector<16xf32>
        %parallel_loop3A_281 = arith.index_cast %parallel_loop3A_236 : i32 to index
        %parallel_loop3A_282 = arith.constant 80 : index
        %parallel_loop3A_283 = tpu.vector_load %arg18[%parallel_loop3A_281, %parallel_loop3A_282] {strides = array<i32>} : memref<40x128xf32, #tpu.memory_space<vmem>>, vector<16xf32>,
        tpu.vector_store %arg18[%parallel_loop3A_281, %parallel_loop3A_282], %parallel_loop3A_280 {strides = array<i32>} : memref<40x128xf32, #tpu.memory_space<vmem>>, vector<16xf32>,
        %parallel_loop3A_284 = arith.index_cast %parallel_loop3A_236 : i32 to index
        %parallel_loop3A_285 = arith.constant 96 : index
        %parallel_loop3A_286 = tpu.vector_load %arg18[%parallel_loop3A_284, %parallel_loop3A_285] {strides = array<i32>} : memref<40x128xf32, #tpu.memory_space<vmem>>, vector<16xf32>,
        %parallel_loop3A_287 = arith.mulf %parallel_loop3A_286, %parallel_loop3A_241 : vector<16xf32>
        %parallel_loop3A_288 = arith.index_cast %parallel_loop3A_236 : i32 to index
        %parallel_loop3A_289 = arith.constant 96 : index
        %parallel_loop3A_290 = tpu.vector_load %arg18[%parallel_loop3A_288, %parallel_loop3A_289] {strides = array<i32>} : memref<40x128xf32, #tpu.memory_space<vmem>>, vector<16xf32>,
        tpu.vector_store %arg18[%parallel_loop3A_288, %parallel_loop3A_289], %parallel_loop3A_287 {strides = array<i32>} : memref<40x128xf32, #tpu.memory_space<vmem>>, vector<16xf32>,
        %parallel_loop3A_291 = arith.index_cast %parallel_loop3A_236 : i32 to index
        %parallel_loop3A_292 = arith.constant 112 : index
        %parallel_loop3A_293 = tpu.vector_load %arg18[%parallel_loop3A_291, %parallel_loop3A_292] {strides = array<i32>} : memref<40x128xf32, #tpu.memory_space<vmem>>, vector<16xf32>,
        %parallel_loop3A_294 = arith.mulf %parallel_loop3A_293, %parallel_loop3A_241 : vector<16xf32>
        %parallel_loop3A_295 = arith.index_cast %parallel_loop3A_236 : i32 to index
        %parallel_loop3A_296 = arith.constant 112 : index
        %parallel_loop3A_297 = tpu.vector_load %arg18[%parallel_loop3A_295, %parallel_loop3A_296] {strides = array<i32>} : memref<40x128xf32, #tpu.memory_space<vmem>>, vector<16xf32>,
        tpu.vector_store %arg18[%parallel_loop3A_295, %parallel_loop3A_296], %parallel_loop3A_294 {strides = array<i32>} : memref<40x128xf32, #tpu.memory_space<vmem>>, vector<16xf32>,
      } {sc.loop_unroll_factor = 4 : i64, sc.parallel_access}
      %dma_start3A_197 = arith.constant 0 : i32
      %dma_start3A_198 = arith.constant 0 : i32
      %dma_start3A_199 = tpu.memref_slice %arg7[%dma_start3A_197, %dma_start3A_198] : memref<10240x128xf32, #tpu.memory_space<vmem_shared>> -> memref<10240x128xf32, #tpu.memory_space<vmem_shared>>
      tpu.enqueue_indirect_dma source(%arg18 : memref<40x128xf32, #tpu.memory_space<vmem>>) target(%dma_start3A_199 : memref<10240x128xf32, #tpu.memory_space<vmem_shared>>) offsets(%arg13 : memref<40xi32, #tpu.memory_space<vmem>>) semaphore(%arg28 : memref<!tpu.dma_semaphore, #tpu.memory_space<semaphore_mem>>) {add = true}
      %add3A_200 = arith.constant 5 : i32
      %add3A_201 = arith.addi %add3A_182, %add3A_200 : i32
      %lt3A_202 = arith.constant 250 : i32
      %lt3A_203 = arith.cmpi slt, %add3A_201, %lt3A_202 : i32
      %convert_element_type3A_204 = arith.extui %lt3A_203 : i1 to i32
      %cond3A_205 = arith.constant 0 : i32
      %cond3A_206 = arith.cmpi ne, %convert_element_type3A_204, %cond3A_205 : i32
      scf.if %cond3A_206 {
        %dma_wait3A_236 = arith.constant 0 : i32
        %dma_wait3A_237 = arith.constant 0 : i32
        %dma_wait3A_238 = tpu.memref_slice %arg7[%dma_wait3A_236, %dma_wait3A_237] : memref<10240x128xf32, #tpu.memory_space<vmem_shared>> -> memref<10240x128xf32, #tpu.memory_space<vmem_shared>>
        tpu.wait_indirect_dma semaphore(%arg28 : memref<!tpu.dma_semaphore, #tpu.memory_space<semaphore_mem>>) src(%arg18 : memref<40x128xf32, #tpu.memory_space<vmem>>) dst(%dma_wait3A_238 : memref<10240x128xf32, #tpu.memory_space<vmem_shared>>)
        %add3A_239 = arith.constant 5 : i32
        %add3A_240 = arith.addi %add3A_182, %add3A_239 : i32
        %mul3A_241 = arith.constant 40 : i32
        %mul3A_242 = arith.muli %add3A_240, %mul3A_241 : i32
        %add3A_243 = arith.addi %add3A, %mul3A_242 : i32
        %dma_start3A_244 = tpu.memref_slice %arg3[%add3A_243] : memref<320000xi32, #tpu.memory_space<hbm>> -> memref<40xi32, #tpu.memory_space<hbm>>
        %dma_start3A_245 = tpu.memref_slice %arg3[%add3A_243] : memref<320000xi32, #tpu.memory_space<hbm>> -> memref<40xi32, #tpu.memory_space<hbm>>
        tpu.enqueue_dma source(%dma_start3A_245 : memref<40xi32, #tpu.memory_space<hbm>>) target(%arg13 : memref<40xi32, #tpu.memory_space<vmem>>) target_semaphore(%arg23 : memref<!tpu.dma_semaphore, #tpu.memory_space<semaphore_mem>>)
        %mul3A_246 = arith.constant 40 : i32
        %mul3A_247 = arith.muli %add3A_240, %mul3A_246 : i32
        %dma_start3A_248 = tpu.memref_slice %arg8[%mul3A_247] : memref<10000xi32, #tpu.memory_space<vmem>> -> memref<40xi32, #tpu.memory_space<vmem>>
        %dma_start3A_249 = arith.constant 0 : i32
        %dma_start3A_250 = arith.constant 0 : i32
        %dma_start3A_251 = tpu.memref_slice %arg5[%dma_start3A_249, %dma_start3A_250] : memref<10000x128xf32, #tpu.memory_space<hbm>> -> memref<10000x128xf32, #tpu.memory_space<hbm>>
        tpu.enqueue_indirect_dma source(%dma_start3A_251 : memref<10000x128xf32, #tpu.memory_space<hbm>>) target(%arg18 : memref<40x128xf32, #tpu.memory_space<vmem>>) offsets(%dma_start3A_248 : memref<40xi32, #tpu.memory_space<vmem>>) semaphore(%arg23 : memref<!tpu.dma_semaphore, #tpu.memory_space<semaphore_mem>>)
      } else {
      }
      %mul3A_207 = arith.constant 5 : i32
      %mul3A_208 = arith.muli %scan3A_96, %mul3A_207 : i32
      %add3A_209 = arith.constant 4 : i32
      %add3A_210 = arith.addi %mul3A_208, %add3A_209 : i32
      %mul3A_211 = arith.constant 40 : i32
      %mul3A_212 = arith.muli %add3A_210, %mul3A_211 : i32
      %add3A_213 = arith.addi %add3A, %mul3A_212 : i32
      %dma_wait3A_214 = tpu.memref_slice %arg3[%add3A_213] : memref<320000xi32, #tpu.memory_space<hbm>> -> memref<40xi32, #tpu.memory_space<hbm>>
      %dma_wait3A_215 = tpu.memref_slice %arg3[%add3A_213] : memref<320000xi32, #tpu.memory_space<hbm>> -> memref<40xi32, #tpu.memory_space<hbm>>
      tpu.wait_dma2 semaphore(%arg24 : memref<!tpu.dma_semaphore, #tpu.memory_space<semaphore_mem>>) src(%dma_wait3A_215 : memref<40xi32, #tpu.memory_space<hbm>>) dst(%arg14 : memref<40xi32, #tpu.memory_space<vmem>>)
      %mul3A_216 = arith.constant 40 : i32
      %mul3A_217 = arith.muli %add3A_210, %mul3A_216 : i32
      %dma_wait3A_218 = tpu.memref_slice %arg8[%mul3A_217] : memref<10000xi32, #tpu.memory_space<vmem>> -> memref<40xi32, #tpu.memory_space<vmem>>
      %dma_wait3A_219 = arith.constant 0 : i32
      %dma_wait3A_220 = arith.constant 0 : i32
      %dma_wait3A_221 = tpu.memref_slice %arg5[%dma_wait3A_219, %dma_wait3A_220] : memref<10000x128xf32, #tpu.memory_space<hbm>> -> memref<10000x128xf32, #tpu.memory_space<hbm>>
      tpu.wait_indirect_dma semaphore(%arg24 : memref<!tpu.dma_semaphore, #tpu.memory_space<semaphore_mem>>) src(%dma_wait3A_221 : memref<10000x128xf32, #tpu.memory_space<hbm>>) dst(%arg19 : memref<40x128xf32, #tpu.memory_space<vmem>>)
      %parallel_loop3A_222 = arith.constant 0 : i32
      %parallel_loop3A_223 = arith.constant 40 : i32
      %parallel_loop3A_224 = arith.constant 1 : i32
      scf.for %parallel_loop3A_236 = %parallel_loop3A_222 to %parallel_loop3A_223 step %parallel_loop3A_224  : i32 {
        %parallel_loop3A_237 = arith.constant 40 : i32
        %parallel_loop3A_238 = arith.muli %add3A_210, %parallel_loop3A_237 : i32
        %parallel_loop3A_239 = arith.addi %parallel_loop3A_238, %parallel_loop3A_236 : i32
        %parallel_loop3A_240 = vector.broadcast %parallel_loop3A_239 : i32 to vector<16xi32>
        %parallel_loop3A_241 = tpu.vector_load_idx %arg9[%parallel_loop3A_240] : memref<10000xf32, #tpu.memory_space<vmem>>[vector<16xi32>], vector<16xf32>,
        %parallel_loop3A_242 = arith.index_cast %parallel_loop3A_236 : i32 to index
        %parallel_loop3A_243 = arith.constant 0 : index
        %parallel_loop3A_244 = tpu.vector_load %arg19[%parallel_loop3A_242, %parallel_loop3A_243] {strides = array<i32>} : memref<40x128xf32, #tpu.memory_space<vmem>>, vector<16xf32>,
        %parallel_loop3A_245 = arith.mulf %parallel_loop3A_244, %parallel_loop3A_241 : vector<16xf32>
        %parallel_loop3A_246 = arith.index_cast %parallel_loop3A_236 : i32 to index
        %parallel_loop3A_247 = arith.constant 0 : index
        %parallel_loop3A_248 = tpu.vector_load %arg19[%parallel_loop3A_246, %parallel_loop3A_247] {strides = array<i32>} : memref<40x128xf32, #tpu.memory_space<vmem>>, vector<16xf32>,
        tpu.vector_store %arg19[%parallel_loop3A_246, %parallel_loop3A_247], %parallel_loop3A_245 {strides = array<i32>} : memref<40x128xf32, #tpu.memory_space<vmem>>, vector<16xf32>,
        %parallel_loop3A_249 = arith.index_cast %parallel_loop3A_236 : i32 to index
        %parallel_loop3A_250 = arith.constant 16 : index
        %parallel_loop3A_251 = tpu.vector_load %arg19[%parallel_loop3A_249, %parallel_loop3A_250] {strides = array<i32>} : memref<40x128xf32, #tpu.memory_space<vmem>>, vector<16xf32>,
        %parallel_loop3A_252 = arith.mulf %parallel_loop3A_251, %parallel_loop3A_241 : vector<16xf32>
        %parallel_loop3A_253 = arith.index_cast %parallel_loop3A_236 : i32 to index
        %parallel_loop3A_254 = arith.constant 16 : index
        %parallel_loop3A_255 = tpu.vector_load %arg19[%parallel_loop3A_253, %parallel_loop3A_254] {strides = array<i32>} : memref<40x128xf32, #tpu.memory_space<vmem>>, vector<16xf32>,
        tpu.vector_store %arg19[%parallel_loop3A_253, %parallel_loop3A_254], %parallel_loop3A_252 {strides = array<i32>} : memref<40x128xf32, #tpu.memory_space<vmem>>, vector<16xf32>,
        %parallel_loop3A_256 = arith.index_cast %parallel_loop3A_236 : i32 to index
        %parallel_loop3A_257 = arith.constant 32 : index
        %parallel_loop3A_258 = tpu.vector_load %arg19[%parallel_loop3A_256, %parallel_loop3A_257] {strides = array<i32>} : memref<40x128xf32, #tpu.memory_space<vmem>>, vector<16xf32>,
        %parallel_loop3A_259 = arith.mulf %parallel_loop3A_258, %parallel_loop3A_241 : vector<16xf32>
        %parallel_loop3A_260 = arith.index_cast %parallel_loop3A_236 : i32 to index
        %parallel_loop3A_261 = arith.constant 32 : index
        %parallel_loop3A_262 = tpu.vector_load %arg19[%parallel_loop3A_260, %parallel_loop3A_261] {strides = array<i32>} : memref<40x128xf32, #tpu.memory_space<vmem>>, vector<16xf32>,
        tpu.vector_store %arg19[%parallel_loop3A_260, %parallel_loop3A_261], %parallel_loop3A_259 {strides = array<i32>} : memref<40x128xf32, #tpu.memory_space<vmem>>, vector<16xf32>,
        %parallel_loop3A_263 = arith.index_cast %parallel_loop3A_236 : i32 to index
        %parallel_loop3A_264 = arith.constant 48 : index
        %parallel_loop3A_265 = tpu.vector_load %arg19[%parallel_loop3A_263, %parallel_loop3A_264] {strides = array<i32>} : memref<40x128xf32, #tpu.memory_space<vmem>>, vector<16xf32>,
        %parallel_loop3A_266 = arith.mulf %parallel_loop3A_265, %parallel_loop3A_241 : vector<16xf32>
        %parallel_loop3A_267 = arith.index_cast %parallel_loop3A_236 : i32 to index
        %parallel_loop3A_268 = arith.constant 48 : index
        %parallel_loop3A_269 = tpu.vector_load %arg19[%parallel_loop3A_267, %parallel_loop3A_268] {strides = array<i32>} : memref<40x128xf32, #tpu.memory_space<vmem>>, vector<16xf32>,
        tpu.vector_store %arg19[%parallel_loop3A_267, %parallel_loop3A_268], %parallel_loop3A_266 {strides = array<i32>} : memref<40x128xf32, #tpu.memory_space<vmem>>, vector<16xf32>,
        %parallel_loop3A_270 = arith.index_cast %parallel_loop3A_236 : i32 to index
        %parallel_loop3A_271 = arith.constant 64 : index
        %parallel_loop3A_272 = tpu.vector_load %arg19[%parallel_loop3A_270, %parallel_loop3A_271] {strides = array<i32>} : memref<40x128xf32, #tpu.memory_space<vmem>>, vector<16xf32>,
        %parallel_loop3A_273 = arith.mulf %parallel_loop3A_272, %parallel_loop3A_241 : vector<16xf32>
        %parallel_loop3A_274 = arith.index_cast %parallel_loop3A_236 : i32 to index
        %parallel_loop3A_275 = arith.constant 64 : index
        %parallel_loop3A_276 = tpu.vector_load %arg19[%parallel_loop3A_274, %parallel_loop3A_275] {strides = array<i32>} : memref<40x128xf32, #tpu.memory_space<vmem>>, vector<16xf32>,
        tpu.vector_store %arg19[%parallel_loop3A_274, %parallel_loop3A_275], %parallel_loop3A_273 {strides = array<i32>} : memref<40x128xf32, #tpu.memory_space<vmem>>, vector<16xf32>,
        %parallel_loop3A_277 = arith.index_cast %parallel_loop3A_236 : i32 to index
        %parallel_loop3A_278 = arith.constant 80 : index
        %parallel_loop3A_279 = tpu.vector_load %arg19[%parallel_loop3A_277, %parallel_loop3A_278] {strides = array<i32>} : memref<40x128xf32, #tpu.memory_space<vmem>>, vector<16xf32>,
        %parallel_loop3A_280 = arith.mulf %parallel_loop3A_279, %parallel_loop3A_241 : vector<16xf32>
        %parallel_loop3A_281 = arith.index_cast %parallel_loop3A_236 : i32 to index
        %parallel_loop3A_282 = arith.constant 80 : index
        %parallel_loop3A_283 = tpu.vector_load %arg19[%parallel_loop3A_281, %parallel_loop3A_282] {strides = array<i32>} : memref<40x128xf32, #tpu.memory_space<vmem>>, vector<16xf32>,
        tpu.vector_store %arg19[%parallel_loop3A_281, %parallel_loop3A_282], %parallel_loop3A_280 {strides = array<i32>} : memref<40x128xf32, #tpu.memory_space<vmem>>, vector<16xf32>,
        %parallel_loop3A_284 = arith.index_cast %parallel_loop3A_236 : i32 to index
        %parallel_loop3A_285 = arith.constant 96 : index
        %parallel_loop3A_286 = tpu.vector_load %arg19[%parallel_loop3A_284, %parallel_loop3A_285] {strides = array<i32>} : memref<40x128xf32, #tpu.memory_space<vmem>>, vector<16xf32>,
        %parallel_loop3A_287 = arith.mulf %parallel_loop3A_286, %parallel_loop3A_241 : vector<16xf32>
        %parallel_loop3A_288 = arith.index_cast %parallel_loop3A_236 : i32 to index
        %parallel_loop3A_289 = arith.constant 96 : index
        %parallel_loop3A_290 = tpu.vector_load %arg19[%parallel_loop3A_288, %parallel_loop3A_289] {strides = array<i32>} : memref<40x128xf32, #tpu.memory_space<vmem>>, vector<16xf32>,
        tpu.vector_store %arg19[%parallel_loop3A_288, %parallel_loop3A_289], %parallel_loop3A_287 {strides = array<i32>} : memref<40x128xf32, #tpu.memory_space<vmem>>, vector<16xf32>,
        %parallel_loop3A_291 = arith.index_cast %parallel_loop3A_236 : i32 to index
        %parallel_loop3A_292 = arith.constant 112 : index
        %parallel_loop3A_293 = tpu.vector_load %arg19[%parallel_loop3A_291, %parallel_loop3A_292] {strides = array<i32>} : memref<40x128xf32, #tpu.memory_space<vmem>>, vector<16xf32>,
        %parallel_loop3A_294 = arith.mulf %parallel_loop3A_293, %parallel_loop3A_241 : vector<16xf32>
        %parallel_loop3A_295 = arith.index_cast %parallel_loop3A_236 : i32 to index
        %parallel_loop3A_296 = arith.constant 112 : index
        %parallel_loop3A_297 = tpu.vector_load %arg19[%parallel_loop3A_295, %parallel_loop3A_296] {strides = array<i32>} : memref<40x128xf32, #tpu.memory_space<vmem>>, vector<16xf32>,
        tpu.vector_store %arg19[%parallel_loop3A_295, %parallel_loop3A_296], %parallel_loop3A_294 {strides = array<i32>} : memref<40x128xf32, #tpu.memory_space<vmem>>, vector<16xf32>,
      } {sc.loop_unroll_factor = 4 : i64, sc.parallel_access}
      %dma_start3A_225 = arith.constant 0 : i32
      %dma_start3A_226 = arith.constant 0 : i32
      %dma_start3A_227 = tpu.memref_slice %arg7[%dma_start3A_225, %dma_start3A_226] : memref<10240x128xf32, #tpu.memory_space<vmem_shared>> -> memref<10240x128xf32, #tpu.memory_space<vmem_shared>>
      tpu.enqueue_indirect_dma source(%arg19 : memref<40x128xf32, #tpu.memory_space<vmem>>) target(%dma_start3A_227 : memref<10240x128xf32, #tpu.memory_space<vmem_shared>>) offsets(%arg14 : memref<40xi32, #tpu.memory_space<vmem>>) semaphore(%arg29 : memref<!tpu.dma_semaphore, #tpu.memory_space<semaphore_mem>>) {add = true}
      %add3A_228 = arith.constant 5 : i32
      %add3A_229 = arith.addi %add3A_210, %add3A_228 : i32
      %lt3A_230 = arith.constant 250 : i32
      %lt3A_231 = arith.cmpi slt, %add3A_229, %lt3A_230 : i32
      %convert_element_type3A_232 = arith.extui %lt3A_231 : i1 to i32
      %cond3A_233 = arith.constant 0 : i32
      %cond3A_234 = arith.cmpi ne, %convert_element_type3A_232, %cond3A_233 : i32
      scf.if %cond3A_234 {
        %dma_wait3A_236 = arith.constant 0 : i32
        %dma_wait3A_237 = arith.constant 0 : i32
        %dma_wait3A_238 = tpu.memref_slice %arg7[%dma_wait3A_236, %dma_wait3A_237] : memref<10240x128xf32, #tpu.memory_space<vmem_shared>> -> memref<10240x128xf32, #tpu.memory_space<vmem_shared>>
        tpu.wait_indirect_dma semaphore(%arg29 : memref<!tpu.dma_semaphore, #tpu.memory_space<semaphore_mem>>) src(%arg19 : memref<40x128xf32, #tpu.memory_space<vmem>>) dst(%dma_wait3A_238 : memref<10240x128xf32, #tpu.memory_space<vmem_shared>>)
        %add3A_239 = arith.constant 5 : i32
        %add3A_240 = arith.addi %add3A_210, %add3A_239 : i32
        %mul3A_241 = arith.constant 40 : i32
        %mul3A_242 = arith.muli %add3A_240, %mul3A_241 : i32
        %add3A_243 = arith.addi %add3A, %mul3A_242 : i32
        %dma_start3A_244 = tpu.memref_slice %arg3[%add3A_243] : memref<320000xi32, #tpu.memory_space<hbm>> -> memref<40xi32, #tpu.memory_space<hbm>>
        %dma_start3A_245 = tpu.memref_slice %arg3[%add3A_243] : memref<320000xi32, #tpu.memory_space<hbm>> -> memref<40xi32, #tpu.memory_space<hbm>>
        tpu.enqueue_dma source(%dma_start3A_245 : memref<40xi32, #tpu.memory_space<hbm>>) target(%arg14 : memref<40xi32, #tpu.memory_space<vmem>>) target_semaphore(%arg24 : memref<!tpu.dma_semaphore, #tpu.memory_space<semaphore_mem>>)
        %mul3A_246 = arith.constant 40 : i32
        %mul3A_247 = arith.muli %add3A_240, %mul3A_246 : i32
        %dma_start3A_248 = tpu.memref_slice %arg8[%mul3A_247] : memref<10000xi32, #tpu.memory_space<vmem>> -> memref<40xi32, #tpu.memory_space<vmem>>
        %dma_start3A_249 = arith.constant 0 : i32
        %dma_start3A_250 = arith.constant 0 : i32
        %dma_start3A_251 = tpu.memref_slice %arg5[%dma_start3A_249, %dma_start3A_250] : memref<10000x128xf32, #tpu.memory_space<hbm>> -> memref<10000x128xf32, #tpu.memory_space<hbm>>
        tpu.enqueue_indirect_dma source(%dma_start3A_251 : memref<10000x128xf32, #tpu.memory_space<hbm>>) target(%arg19 : memref<40x128xf32, #tpu.memory_space<vmem>>) offsets(%dma_start3A_248 : memref<40xi32, #tpu.memory_space<vmem>>) semaphore(%arg24 : memref<!tpu.dma_semaphore, #tpu.memory_space<semaphore_mem>>)
      } else {
      }
      %scan3A_235 = arith.constant 0 : i32
      scf.yield %scan3A_235 : i32
    }
    %scan3A_75 = arith.constant 50 : i32
    %dma_wait3A_76 = arith.constant 0 : i32
    %dma_wait3A_77 = arith.constant 0 : i32
    %dma_wait3A_78 = tpu.memref_slice %arg7[%dma_wait3A_76, %dma_wait3A_77] : memref<10240x128xf32, #tpu.memory_space<vmem_shared>> -> memref<10240x128xf32, #tpu.memory_space<vmem_shared>>
    tpu.wait_indirect_dma semaphore(%arg25 : memref<!tpu.dma_semaphore, #tpu.memory_space<semaphore_mem>>) src(%arg15 : memref<40x128xf32, #tpu.memory_space<vmem>>) dst(%dma_wait3A_78 : memref<10240x128xf32, #tpu.memory_space<vmem_shared>>)
    %dma_wait3A_79 = arith.constant 0 : i32
    %dma_wait3A_80 = arith.constant 0 : i32
    %dma_wait3A_81 = tpu.memref_slice %arg7[%dma_wait3A_79, %dma_wait3A_80] : memref<10240x128xf32, #tpu.memory_space<vmem_shared>> -> memref<10240x128xf32, #tpu.memory_space<vmem_shared>>
    tpu.wait_indirect_dma semaphore(%arg26 : memref<!tpu.dma_semaphore, #tpu.memory_space<semaphore_mem>>) src(%arg16 : memref<40x128xf32, #tpu.memory_space<vmem>>) dst(%dma_wait3A_81 : memref<10240x128xf32, #tpu.memory_space<vmem_shared>>)
    %dma_wait3A_82 = arith.constant 0 : i32
    %dma_wait3A_83 = arith.constant 0 : i32
    %dma_wait3A_84 = tpu.memref_slice %arg7[%dma_wait3A_82, %dma_wait3A_83] : memref<10240x128xf32, #tpu.memory_space<vmem_shared>> -> memref<10240x128xf32, #tpu.memory_space<vmem_shared>>
    tpu.wait_indirect_dma semaphore(%arg27 : memref<!tpu.dma_semaphore, #tpu.memory_space<semaphore_mem>>) src(%arg17 : memref<40x128xf32, #tpu.memory_space<vmem>>) dst(%dma_wait3A_84 : memref<10240x128xf32, #tpu.memory_space<vmem_shared>>)
    %dma_wait3A_85 = arith.constant 0 : i32
    %dma_wait3A_86 = arith.constant 0 : i32
    %dma_wait3A_87 = tpu.memref_slice %arg7[%dma_wait3A_85, %dma_wait3A_86] : memref<10240x128xf32, #tpu.memory_space<vmem_shared>> -> memref<10240x128xf32, #tpu.memory_space<vmem_shared>>
    tpu.wait_indirect_dma semaphore(%arg28 : memref<!tpu.dma_semaphore, #tpu.memory_space<semaphore_mem>>) src(%arg18 : memref<40x128xf32, #tpu.memory_space<vmem>>) dst(%dma_wait3A_87 : memref<10240x128xf32, #tpu.memory_space<vmem_shared>>)
    %dma_wait3A_88 = arith.constant 0 : i32
    %dma_wait3A_89 = arith.constant 0 : i32
    %dma_wait3A_90 = tpu.memref_slice %arg7[%dma_wait3A_88, %dma_wait3A_89] : memref<10240x128xf32, #tpu.memory_space<vmem_shared>> -> memref<10240x128xf32, #tpu.memory_space<vmem_shared>>
    tpu.wait_indirect_dma semaphore(%arg29 : memref<!tpu.dma_semaphore, #tpu.memory_space<semaphore_mem>>) src(%arg19 : memref<40x128xf32, #tpu.memory_space<vmem>>) dst(%dma_wait3A_90 : memref<10240x128xf32, #tpu.memory_space<vmem_shared>>)
    %barrier3A_91 = arith.constant 0 : index
    tpu.barrier barrier_id(%barrier3A_91)
    %mul3A_92 = arith.constant 640 : i32
    %mul3A_93 = arith.muli %arg1, %mul3A_92 : i32
    %mul3A_94 = arith.constant 640 : i32
    %mul3A_95 = arith.muli %arg1, %mul3A_94 : i32
    "tpu.region"() ({
      %run_scoped3A = tpu.sem_alloc : memref<!tpu.dma_semaphore, #tpu.memory_space<semaphore_mem>>
      %dma_start3A_96 = arith.constant 0 : i32
      %dma_start3A_97 = tpu.memref_slice %arg6[%arg0, %mul3A_95, %dma_start3A_96] : memref<2x10240x128xf32, #tpu.memory_space<hbm>> -> memref<1x640x128xf32, #tpu.memory_space<hbm>>
      %dma_start3A_98 = tpu.memref_squeeze %dma_start3A_97 : memref<1x640x128xf32, #tpu.memory_space<hbm>> -> memref<640x128xf32, #tpu.memory_space<hbm>>
      %dma_start3A_99 = arith.constant 0 : i32
      %dma_start3A_100 = tpu.memref_slice %arg7[%mul3A_93, %dma_start3A_99] : memref<10240x128xf32, #tpu.memory_space<vmem_shared>> -> memref<640x128xf32, #tpu.memory_space<vmem_shared>>
      tpu.enqueue_dma source(%dma_start3A_100 : memref<640x128xf32, #tpu.memory_space<vmem_shared>>) target(%dma_start3A_98 : memref<640x128xf32, #tpu.memory_space<hbm>>) target_semaphore(%run_scoped3A : memref<!tpu.dma_semaphore, #tpu.memory_space<semaphore_mem>>)
      %dma_wait3A_101 = arith.constant 0 : i32
      %dma_wait3A_102 = tpu.memref_slice %arg6[%arg0, %mul3A_95, %dma_wait3A_101] : memref<2x10240x128xf32, #tpu.memory_space<hbm>> -> memref<1x640x128xf32, #tpu.memory_space<hbm>>
      %dma_wait3A_103 = tpu.memref_squeeze %dma_wait3A_102 : memref<1x640x128xf32, #tpu.memory_space<hbm>> -> memref<640x128xf32, #tpu.memory_space<hbm>>
      %dma_wait3A_104 = arith.constant 0 : i32
      %dma_wait3A_105 = tpu.memref_slice %arg7[%mul3A_93, %dma_wait3A_104] : memref<10240x128xf32, #tpu.memory_space<vmem_shared>> -> memref<640x128xf32, #tpu.memory_space<vmem_shared>>
      tpu.wait_dma2 semaphore(%run_scoped3A : memref<!tpu.dma_semaphore, #tpu.memory_space<semaphore_mem>>) src(%dma_wait3A_105 : memref<640x128xf32, #tpu.memory_space<vmem_shared>>) dst(%dma_wait3A_103 : memref<640x128xf32, #tpu.memory_space<hbm>>)
      tpu.yield
    }) : () -> ()
    return
  }
}

module attributes {stable_mosaic.version = 14 : i64} {
  func.func @_scale_body(%arg0: i32, %arg1: memref<1000x1xf32, #tpu.memory_space<vmem>>, %arg2: memref<1000x1xf32, #tpu.memory_space<vmem>>, %arg3: memref<1000x128xf32, #tpu.memory_space<vmem>>, %arg4: memref<1000x128xf32, #tpu.memory_space<vmem>>, %arg5: memref<1000x1xf32, #tpu.memory_space<vmem>>) attributes {dimension_semantics = [#tpu.dimension_semantics<arbitrary>], iteration_bounds = array<i64: 10>, scalar_prefetch = 0 : i64, scratch_operands = 0 : i64, tpu.core_type = #tpu.core_type<tc>, window_params = [{transform_indices = @transform_0, window_bounds = array<i64: 1000, 1>}, {transform_indices = @transform_1, window_bounds = array<i64: 1000, 1>}, {transform_indices = @transform_2, window_bounds = array<i64: 1000, 128>}, {transform_indices = @transform_3, window_bounds = array<i64: 1000, 128>}, {transform_indices = @transform_4, window_bounds = array<i64: 1000, 1>}]} {
    %get3A = arith.constant 0 : index
    %get3A_0 = arith.constant 0 : index
    %get3A_1 = vector.load %arg1[%get3A, %get3A_0] : memref<1000x1xf32, #tpu.memory_space<vmem>>, vector<1000x1xf32>
    %get3A_2 = arith.constant 0 : index
    %get3A_3 = arith.constant 0 : index
    %get3A_4 = vector.load %arg2[%get3A_2, %get3A_3] : memref<1000x1xf32, #tpu.memory_space<vmem>>, vector<1000x1xf32>
    %add3A = arith.addf %get3A_1, %get3A_4 : vector<1000x1xf32>
    %add3A_5 = arith.constant 1.000000e+00 : f32
    %add3A_6 = vector.broadcast %add3A_5 : f32 to vector<1000x1xf32>
    %add3A_7 = arith.addf %add3A, %add3A_6 : vector<1000x1xf32>
    %rsqrt3A = math.rsqrt %add3A_7 : vector<1000x1xf32>
    %swap3A = arith.constant 0 : index
    %swap3A_8 = arith.constant 0 : index
    %swap3A_9 = vector.load %arg5[%swap3A, %swap3A_8] : memref<1000x1xf32, #tpu.memory_space<vmem>>, vector<1000x1xf32>
    tpu.vector_store %arg5[%swap3A, %swap3A_8], %rsqrt3A {strides = array<i32>} : memref<1000x1xf32, #tpu.memory_space<vmem>>, vector<1000x1xf32>,
    %get3A_10 = arith.constant 0 : index
    %get3A_11 = arith.constant 0 : index
    %get3A_12 = vector.load %arg3[%get3A_10, %get3A_11] : memref<1000x128xf32, #tpu.memory_space<vmem>>, vector<1000x128xf32>
    %mul3A = vector.broadcast %rsqrt3A : vector<1000x1xf32> to vector<1000x128xf32>
    %mul3A_13 = arith.mulf %get3A_12, %mul3A : vector<1000x128xf32>
    %swap3A_14 = arith.constant 0 : index
    %swap3A_15 = arith.constant 0 : index
    %swap3A_16 = vector.load %arg4[%swap3A_14, %swap3A_15] : memref<1000x128xf32, #tpu.memory_space<vmem>>, vector<1000x128xf32>
    tpu.vector_store %arg4[%swap3A_14, %swap3A_15], %mul3A_13 {strides = array<i32>} : memref<1000x128xf32, #tpu.memory_space<vmem>>, vector<1000x128xf32>,
    return
  }
  func.func @transform_0(%arg0: i32) -> (i32, i32) {
    %c0_i32 = arith.constant 0 : i32
    %c0_i32_0 = arith.constant 0 : i32
    return %arg0, %c0_i32 : i32, i32
  }
  func.func @transform_1(%arg0: i32) -> (i32, i32) {
    %c0_i32 = arith.constant 0 : i32
    %c0_i32_0 = arith.constant 0 : i32
    return %arg0, %c0_i32 : i32, i32
  }
  func.func @transform_2(%arg0: i32) -> (i32, i32) {
    %c0_i32 = arith.constant 0 : i32
    %c0_i32_0 = arith.constant 0 : i32
    return %arg0, %c0_i32 : i32, i32
  }
  func.func @transform_3(%arg0: i32) -> (i32, i32) {
    %c0_i32 = arith.constant 0 : i32
    %c0_i32_0 = arith.constant 0 : i32
    return %arg0, %c0_i32 : i32, i32
  }
  func.func @transform_4(%arg0: i32) -> (i32, i32) {
    %c0_i32 = arith.constant 0 : i32
    %c0_i32_0 = arith.constant 0 : i32
    return %arg0, %c0_i32 : i32, i32
  }
}

module attributes {stable_mosaic.version = 14 : i64} {
  func.func @_layer1_body(%arg0: i32, %arg1: memref<2x1000x128xf32, #tpu.memory_space<vmem>>, %arg2: memref<1000x128xf32, #tpu.memory_space<vmem>>, %arg3: memref<1000x1xf32, #tpu.memory_space<vmem>>, %arg4: memref<128x128xf32, #tpu.memory_space<vmem>>, %arg5: memref<1x128xf32, #tpu.memory_space<vmem>>, %arg6: memref<1000x128xf32, #tpu.memory_space<vmem>>) attributes {dimension_semantics = [#tpu.dimension_semantics<arbitrary>], iteration_bounds = array<i64: 10>, scalar_prefetch = 0 : i64, scratch_operands = 0 : i64, tpu.core_type = #tpu.core_type<tc>, window_params = [{transform_indices = @transform_0, window_bounds = array<i64: 2, 1000, 128>}, {transform_indices = @transform_1, window_bounds = array<i64: 1000, 128>}, {transform_indices = @transform_2, window_bounds = array<i64: 1000, 1>}, {pipeline_mode = #tpu.pipeline_mode<synchronous>, transform_indices = @transform_3, window_bounds = array<i64: 128, 128>}, {pipeline_mode = #tpu.pipeline_mode<synchronous>, transform_indices = @transform_4, window_bounds = array<i64: 1, 128>}, {transform_indices = @transform_5, window_bounds = array<i64: 1000, 128>}]} {
    %get3A = arith.constant 0 : index
    %get3A_0 = arith.constant 0 : index
    %get3A_1 = arith.constant 0 : index
    %get3A_2 = vector.load %arg1[%get3A, %get3A_0, %get3A_1] : memref<2x1000x128xf32, #tpu.memory_space<vmem>>, vector<2x1000x128xf32>
    %slice3A = vector.extract_strided_slice %get3A_2 {offsets = [0, 0, 0], sizes = [1, 1000, 128], strides = [1, 1, 1]} : vector<2x1000x128xf32> to vector<1x1000x128xf32>
    %squeeze3A = vector.shape_cast %slice3A : vector<1x1000x128xf32> to vector<1000x128xf32>
    %slice3A_3 = vector.extract_strided_slice %get3A_2 {offsets = [1, 0, 0], sizes = [1, 1000, 128], strides = [1, 1, 1]} : vector<2x1000x128xf32> to vector<1x1000x128xf32>
    %squeeze3A_4 = vector.shape_cast %slice3A_3 : vector<1x1000x128xf32> to vector<1000x128xf32>
    %add3A = arith.addf %squeeze3A, %squeeze3A_4 : vector<1000x128xf32>
    %get3A_5 = arith.constant 0 : index
    %get3A_6 = arith.constant 0 : index
    %get3A_7 = vector.load %arg2[%get3A_5, %get3A_6] : memref<1000x128xf32, #tpu.memory_space<vmem>>, vector<1000x128xf32>
    %add3A_8 = arith.addf %add3A, %get3A_7 : vector<1000x128xf32>
    %get3A_9 = arith.constant 0 : index
    %get3A_10 = arith.constant 0 : index
    %get3A_11 = vector.load %arg3[%get3A_9, %get3A_10] : memref<1000x1xf32, #tpu.memory_space<vmem>>, vector<1000x1xf32>
    %mul3A = vector.broadcast %get3A_11 : vector<1000x1xf32> to vector<1000x128xf32>
    %mul3A_12 = arith.mulf %add3A_8, %mul3A : vector<1000x128xf32>
    %get3A_13 = arith.constant 0 : index
    %get3A_14 = arith.constant 0 : index
    %get3A_15 = vector.load %arg4[%get3A_13, %get3A_14] : memref<128x128xf32, #tpu.memory_space<vmem>>, vector<128x128xf32>
    %dot_general3A = arith.constant dense<0.000000e+00> : vector<1000x128xf32>
    %dot_general3A_16 = tpu.matmul %mul3A_12, %get3A_15, %dot_general3A {dimension_numbers = #tpu.dot_dimension_numbers<[1], [0], [0], [1], [0, 0, 1, 1], [], []>, transpose_lhs_hint = false} : vector<1000x128xf32>, vector<128x128xf32>, vector<1000x128xf32> -> vector<1000x128xf32>
    %get3A_17 = arith.constant 0 : index
    %get3A_18 = arith.constant 0 : index
    %get3A_19 = vector.load %arg5[%get3A_17, %get3A_18] : memref<1x128xf32, #tpu.memory_space<vmem>>, vector<1x128xf32>
    %add3A_20 = vector.broadcast %get3A_19 : vector<1x128xf32> to vector<1000x128xf32>
    %add3A_21 = arith.addf %dot_general3A_16, %add3A_20 : vector<1000x128xf32>
    %max3A = arith.constant 0.000000e+00 : f32
    %max3A_22 = vector.broadcast %max3A : f32 to vector<1000x128xf32>
    %max3A_23 = arith.maximumf %add3A_21, %max3A_22 : vector<1000x128xf32>
    %get3A_24 = arith.constant 0 : index
    %get3A_25 = arith.constant 0 : index
    %get3A_26 = vector.load %arg3[%get3A_24, %get3A_25] : memref<1000x1xf32, #tpu.memory_space<vmem>>, vector<1000x1xf32>
    %mul3A_27 = vector.broadcast %get3A_26 : vector<1000x1xf32> to vector<1000x128xf32>
    %mul3A_28 = arith.mulf %max3A_23, %mul3A_27 : vector<1000x128xf32>
    %swap3A = arith.constant 0 : index
    %swap3A_29 = arith.constant 0 : index
    %swap3A_30 = vector.load %arg6[%swap3A, %swap3A_29] : memref<1000x128xf32, #tpu.memory_space<vmem>>, vector<1000x128xf32>
    tpu.vector_store %arg6[%swap3A, %swap3A_29], %mul3A_28 {strides = array<i32>} : memref<1000x128xf32, #tpu.memory_space<vmem>>, vector<1000x128xf32>,
    return
  }
  func.func @transform_0(%arg0: i32) -> (i32, i32, i32) {
    %c0_i32 = arith.constant 0 : i32
    %c0_i32_0 = arith.constant 0 : i32
    %c0_i32_1 = arith.constant 0 : i32
    return %c0_i32, %arg0, %c0_i32_0 : i32, i32, i32
  }
  func.func @transform_1(%arg0: i32) -> (i32, i32) {
    %c0_i32 = arith.constant 0 : i32
    %c0_i32_0 = arith.constant 0 : i32
    return %arg0, %c0_i32 : i32, i32
  }
  func.func @transform_2(%arg0: i32) -> (i32, i32) {
    %c0_i32 = arith.constant 0 : i32
    %c0_i32_0 = arith.constant 0 : i32
    return %arg0, %c0_i32 : i32, i32
  }
  func.func @transform_3(%arg0: i32) -> (i32, i32) {
    %c0_i32 = arith.constant 0 : i32
    %c0_i32_0 = arith.constant 0 : i32
    %c0_i32_1 = arith.constant 0 : i32
    return %c0_i32, %c0_i32_0 : i32, i32
  }
  func.func @transform_4(%arg0: i32) -> (i32, i32) {
    %c0_i32 = arith.constant 0 : i32
    %c0_i32_0 = arith.constant 0 : i32
    %c0_i32_1 = arith.constant 0 : i32
    return %c0_i32, %c0_i32_0 : i32, i32
  }
  func.func @transform_5(%arg0: i32) -> (i32, i32) {
    %c0_i32 = arith.constant 0 : i32
    %c0_i32_0 = arith.constant 0 : i32
    return %arg0, %c0_i32 : i32, i32
  }
}

module attributes {stable_mosaic.version = 14 : i64} {
  func.func @_layer2_body(%arg0: i32, %arg1: memref<2x1000x128xf32, #tpu.memory_space<vmem>>, %arg2: memref<1000x128xf32, #tpu.memory_space<vmem>>, %arg3: memref<1000x1xf32, #tpu.memory_space<vmem>>, %arg4: memref<128x64xf32, #tpu.memory_space<vmem>>, %arg5: memref<1x64xf32, #tpu.memory_space<vmem>>, %arg6: memref<128x64xf32, #tpu.memory_space<vmem>>, %arg7: memref<1x64xf32, #tpu.memory_space<vmem>>, %arg8: memref<1000x64xf32, #tpu.memory_space<vmem>>, %arg9: memref<1000x64xf32, #tpu.memory_space<vmem>>) attributes {dimension_semantics = [#tpu.dimension_semantics<arbitrary>], iteration_bounds = array<i64: 10>, scalar_prefetch = 0 : i64, scratch_operands = 0 : i64, tpu.core_type = #tpu.core_type<tc>, window_params = [{transform_indices = @transform_0, window_bounds = array<i64: 2, 1000, 128>}, {transform_indices = @transform_1, window_bounds = array<i64: 1000, 128>}, {transform_indices = @transform_2, window_bounds = array<i64: 1000, 1>}, {pipeline_mode = #tpu.pipeline_mode<synchronous>, transform_indices = @transform_3, window_bounds = array<i64: 128, 64>}, {pipeline_mode = #tpu.pipeline_mode<synchronous>, transform_indices = @transform_4, window_bounds = array<i64: 1, 64>}, {pipeline_mode = #tpu.pipeline_mode<synchronous>, transform_indices = @transform_5, window_bounds = array<i64: 128, 64>}, {pipeline_mode = #tpu.pipeline_mode<synchronous>, transform_indices = @transform_6, window_bounds = array<i64: 1, 64>}, {transform_indices = @transform_7, window_bounds = array<i64: 1000, 64>}, {transform_indices = @transform_8, window_bounds = array<i64: 1000, 64>}]} {
    %get3A = arith.constant 0 : index
    %get3A_0 = arith.constant 0 : index
    %get3A_1 = arith.constant 0 : index
    %get3A_2 = vector.load %arg1[%get3A, %get3A_0, %get3A_1] : memref<2x1000x128xf32, #tpu.memory_space<vmem>>, vector<2x1000x128xf32>
    %slice3A = vector.extract_strided_slice %get3A_2 {offsets = [0, 0, 0], sizes = [1, 1000, 128], strides = [1, 1, 1]} : vector<2x1000x128xf32> to vector<1x1000x128xf32>
    %squeeze3A = vector.shape_cast %slice3A : vector<1x1000x128xf32> to vector<1000x128xf32>
    %slice3A_3 = vector.extract_strided_slice %get3A_2 {offsets = [1, 0, 0], sizes = [1, 1000, 128], strides = [1, 1, 1]} : vector<2x1000x128xf32> to vector<1x1000x128xf32>
    %squeeze3A_4 = vector.shape_cast %slice3A_3 : vector<1x1000x128xf32> to vector<1000x128xf32>
    %add3A = arith.addf %squeeze3A, %squeeze3A_4 : vector<1000x128xf32>
    %get3A_5 = arith.constant 0 : index
    %get3A_6 = arith.constant 0 : index
    %get3A_7 = vector.load %arg2[%get3A_5, %get3A_6] : memref<1000x128xf32, #tpu.memory_space<vmem>>, vector<1000x128xf32>
    %add3A_8 = arith.addf %add3A, %get3A_7 : vector<1000x128xf32>
    %get3A_9 = arith.constant 0 : index
    %get3A_10 = arith.constant 0 : index
    %get3A_11 = vector.load %arg3[%get3A_9, %get3A_10] : memref<1000x1xf32, #tpu.memory_space<vmem>>, vector<1000x1xf32>
    %mul3A = vector.broadcast %get3A_11 : vector<1000x1xf32> to vector<1000x128xf32>
    %mul3A_12 = arith.mulf %add3A_8, %mul3A : vector<1000x128xf32>
    %get3A_13 = arith.constant 0 : index
    %get3A_14 = arith.constant 0 : index
    %get3A_15 = vector.load %arg4[%get3A_13, %get3A_14] : memref<128x64xf32, #tpu.memory_space<vmem>>, vector<128x64xf32>
    %dot_general3A = arith.constant dense<0.000000e+00> : vector<1000x64xf32>
    %dot_general3A_16 = tpu.matmul %mul3A_12, %get3A_15, %dot_general3A {dimension_numbers = #tpu.dot_dimension_numbers<[1], [0], [0], [1], [0, 0, 1, 1], [], []>, transpose_lhs_hint = false} : vector<1000x128xf32>, vector<128x64xf32>, vector<1000x64xf32> -> vector<1000x64xf32>
    %get3A_17 = arith.constant 0 : index
    %get3A_18 = arith.constant 0 : index
    %get3A_19 = vector.load %arg5[%get3A_17, %get3A_18] : memref<1x64xf32, #tpu.memory_space<vmem>>, vector<1x64xf32>
    %add3A_20 = vector.broadcast %get3A_19 : vector<1x64xf32> to vector<1000x64xf32>
    %add3A_21 = arith.addf %dot_general3A_16, %add3A_20 : vector<1000x64xf32>
    %swap3A = arith.constant 0 : index
    %swap3A_22 = arith.constant 0 : index
    %swap3A_23 = vector.load %arg8[%swap3A, %swap3A_22] : memref<1000x64xf32, #tpu.memory_space<vmem>>, vector<1000x64xf32>
    tpu.vector_store %arg8[%swap3A, %swap3A_22], %add3A_21 {strides = array<i32>} : memref<1000x64xf32, #tpu.memory_space<vmem>>, vector<1000x64xf32>,
    %get3A_24 = arith.constant 0 : index
    %get3A_25 = arith.constant 0 : index
    %get3A_26 = vector.load %arg6[%get3A_24, %get3A_25] : memref<128x64xf32, #tpu.memory_space<vmem>>, vector<128x64xf32>
    %dot_general3A_27 = arith.constant dense<0.000000e+00> : vector<1000x64xf32>
    %dot_general3A_28 = tpu.matmul %mul3A_12, %get3A_26, %dot_general3A_27 {dimension_numbers = #tpu.dot_dimension_numbers<[1], [0], [0], [1], [0, 0, 1, 1], [], []>, transpose_lhs_hint = false} : vector<1000x128xf32>, vector<128x64xf32>, vector<1000x64xf32> -> vector<1000x64xf32>
    %get3A_29 = arith.constant 0 : index
    %get3A_30 = arith.constant 0 : index
    %get3A_31 = vector.load %arg7[%get3A_29, %get3A_30] : memref<1x64xf32, #tpu.memory_space<vmem>>, vector<1x64xf32>
    %add3A_32 = vector.broadcast %get3A_31 : vector<1x64xf32> to vector<1000x64xf32>
    %add3A_33 = arith.addf %dot_general3A_28, %add3A_32 : vector<1000x64xf32>
    %swap3A_34 = arith.constant 0 : index
    %swap3A_35 = arith.constant 0 : index
    %swap3A_36 = vector.load %arg9[%swap3A_34, %swap3A_35] : memref<1000x64xf32, #tpu.memory_space<vmem>>, vector<1000x64xf32>
    tpu.vector_store %arg9[%swap3A_34, %swap3A_35], %add3A_33 {strides = array<i32>} : memref<1000x64xf32, #tpu.memory_space<vmem>>, vector<1000x64xf32>,
    return
  }
  func.func @transform_0(%arg0: i32) -> (i32, i32, i32) {
    %c0_i32 = arith.constant 0 : i32
    %c0_i32_0 = arith.constant 0 : i32
    %c0_i32_1 = arith.constant 0 : i32
    return %c0_i32, %arg0, %c0_i32_0 : i32, i32, i32
  }
  func.func @transform_1(%arg0: i32) -> (i32, i32) {
    %c0_i32 = arith.constant 0 : i32
    %c0_i32_0 = arith.constant 0 : i32
    return %arg0, %c0_i32 : i32, i32
  }
  func.func @transform_2(%arg0: i32) -> (i32, i32) {
    %c0_i32 = arith.constant 0 : i32
    %c0_i32_0 = arith.constant 0 : i32
    return %arg0, %c0_i32 : i32, i32
  }
  func.func @transform_3(%arg0: i32) -> (i32, i32) {
    %c0_i32 = arith.constant 0 : i32
    %c0_i32_0 = arith.constant 0 : i32
    %c0_i32_1 = arith.constant 0 : i32
    return %c0_i32, %c0_i32_0 : i32, i32
  }
  func.func @transform_4(%arg0: i32) -> (i32, i32) {
    %c0_i32 = arith.constant 0 : i32
    %c0_i32_0 = arith.constant 0 : i32
    %c0_i32_1 = arith.constant 0 : i32
    return %c0_i32, %c0_i32_0 : i32, i32
  }
  func.func @transform_5(%arg0: i32) -> (i32, i32) {
    %c0_i32 = arith.constant 0 : i32
    %c0_i32_0 = arith.constant 0 : i32
    %c0_i32_1 = arith.constant 0 : i32
    return %c0_i32, %c0_i32_0 : i32, i32
  }
  func.func @transform_6(%arg0: i32) -> (i32, i32) {
    %c0_i32 = arith.constant 0 : i32
    %c0_i32_0 = arith.constant 0 : i32
    %c0_i32_1 = arith.constant 0 : i32
    return %c0_i32, %c0_i32_0 : i32, i32
  }
  func.func @transform_7(%arg0: i32) -> (i32, i32) {
    %c0_i32 = arith.constant 0 : i32
    %c0_i32_0 = arith.constant 0 : i32
    return %arg0, %c0_i32 : i32, i32
  }
  func.func @transform_8(%arg0: i32) -> (i32, i32) {
    %c0_i32 = arith.constant 0 : i32
    %c0_i32_0 = arith.constant 0 : i32
    return %arg0, %c0_i32 : i32, i32
  }
}

</mosaic_0001>

<sc_bundles>
// kernel: kernel.11.cloned.1.call-start
scs
__scs_entry_jumppad:
0x0: {  	(pc) =	sbr.rel $0x88, $3  }
0x1: {  	(tag) =	ssettag $0x0;
	lr =	simm.s32 $0x1  }
0x2: {  	[smem:$0x3F98] =	sst lr;
	_ =	strace $0xD0000000  }
0x3: {  	_ = 	snop  }
0x4: {  	_ = 	snop  }
0x5: {  	_ = 	snop  }
0x6: {  	_ = 	snop  }
0x7: {  	_ = 	snop  }
__scs_overlays_trampoline_lowered:
0x8: {  	[smem:$0x3FA7] =	sst s0  }
0x9: {  	[smem:$0x3FA8] =	sst s1  }
0xa: {  	[smem:$0x3FA9] =	sst s2  }
0xb: {  	[smem:$0x3FAA] =	sst s3  }
0xc: {  	[smem:$0x3FAB] =	sst s4  }
0xd: {  	[smem:$0x3FAC] =	sst s5  }
0xe: {  	[smem:$0x3FAD] =	sst s6  }
0xf: {  	[smem:$0x3FAE] =	sst s7  }
0x10: {  	[smem:$0x3FAF] =	sst s8  }
0x11: {  	[smem:$0x3FB0] =	sst s9;
	s0 =	simm.s32 @!p0 $0x0  }
0x12: {  	s1 =	sld [smem:$0x3F96];
	s0 =	simm.s32 @p0 $0x1  }
0x13: {  	[smem:$0x3FB1] =	sst s0;
	s0 =	simm.s32 @!p1 $0x0  }
0x14: {  	s2 =	sld [smem:$0x3F95];
	s0 =	simm.s32 @p1 $0x1  }
0x15: {  	[smem:$0x3FB2] =	sst s0;
	s0 =	simm.s32 @!p2 $0x0  }
0x16: {  	s3 =	sld [smem:$0x3FDB];
	s0 =	simm.s32 @p2 $0x1  }
0x17: {  	s4 =	simm.s32 $0x1BF5;
	[smem:$0x3FB4] =	sst s0  }
0x18: {  	s0 =	sld [smem:$0x3F97];
	_ =	swait.ge [sflag:s4], $0x0  }
0x19: {  	s7 =	sld [smem:$0x3F98]  }
0x1a: {  	s8 =	sadd.s32 $0xFFFFE003, lr  }
0x1b: {  	s9 =	sadd.s32 $0xFFFFFEF7, lr;
	s5 =	simm.s32 $0xFFFFFFFF;
	p2 =	slt.u32 s8, $0xFFFFF086  }
0x1c: {  	p1 =	slt.u32 s9, $0xF7A;
	s5 =	simm.s32 @!p2 $0x0  }
0x1d: {  	s5 =	simm.s32 @p1 $0x1;
	p0 =	seq.s32 s7, s2  }
0x1e: {  	s7 =	smul.u32 @!p0 $0xF7A, s2;
	p2 =	seq.s32 @!p0 s5, $0x0  }
0x1f: {  	s9 =	smul.u32 $0xF7A, s1;
	s8 =	simm.s32 @!p0 $0x1BF5;
	p2 =	por !p2, p0  }
0x20: {  	[sflag:s8] =	ssyncset.s32 @!p0 $0xFFFFF086;
	s6 =	sadd.s32 @!p0 s3, s7;
	s7 =	simm.s32 @!p0 $0x108  }
0x21: {  	s3 =	sadd.s32 s3, s9;
	s6 =	sadd.s32 @!p0 $0x88, s6;
	s7 =	simm.s32 @p2 $0x1082  }
0x22: {  	[simem:s7], [sflag:s8] =	dma.local @!p0 [hbm:s6], $0xF7A  }
0x23: {  	s9 =	sor.u32 $0xD0000000, s2;
	s6 =	simm.s32 $0x108;
	_ =	swait.ge @!p0 [sflag:s8], $0x0  }
0x24: {  	s3 =	sadd.s32 $0x88, s3;
	s6 =	simm.s32 @!p1 $0x1082;
	[sflag:s4] =	ssyncset.s32 $0xFFFFF086  }
0x25: {  	[simem:s6], [sflag:s4] =	dma.local [hbm:s3], $0xF7A  }
0x26: {  	[smem:$0x3F98] =	sst s1;
	(tag) =	ssettag s2;
	_ =	strace s9  }
0x27: {  	s1 =	sld [smem:$0x3FA8]  }
0x28: {  	s2 =	sld [smem:$0x3FA9]  }
0x29: {  	s4 =	sld [smem:$0x3FAB]  }
0x2a: {  	p0 =	seq.s32 s5, $0x0;
	s5 =	sld [smem:$0x3FAC]  }
0x2b: {  	s6 =	sld [smem:$0x3FAD]  }
0x2c: {  	s7 =	sld [smem:$0x3FAE]  }
0x2d: {  	s3 =	simm.s32 $0x108;
	s8 =	sld [smem:$0x3FAF]  }
0x2e: {  	s3 =	simm.s32 @!p0 $0x1082;
	s9 =	sld [smem:$0x3FB0]  }
0x2f: {  	lr =	sadd.s32 s0, s3;
	s0 =	sld [smem:$0x3FA7]  }
0x30: {  	s3 =	sld [smem:$0x3FAA]  }
0x31: {  	[smem:$0x3FB3] =	sst s10  }
0x32: {  	s10 =	sld [smem:$0x3FB1];
	_ =	sdelay $0x3  }
0x33: {  	p0 =	seq.s32 s10, $0x1;
	s10 =	sld [smem:$0x3FB3];
	_ =	sdelay $0x3  }
0x34: {  	[smem:$0x3FB3] =	sst s10  }
0x35: {  	s10 =	sld [smem:$0x3FB2];
	_ =	sdelay $0x3  }
0x36: {  	p1 =	seq.s32 s10, $0x1;
	s10 =	sld [smem:$0x3FB3];
	_ =	sdelay $0x3  }
0x37: {  	[smem:$0x3FB3] =	sst s10  }
0x38: {  	s10 =	sld [smem:$0x3FB4]  }
0x39: {  	_ = 	snop;
	(pc) =	sbr.ind lr, $3  }
0x3a: {  	_ = 	snop  }
0x3b: {  	_ = 	snop  }
0x3c: {  	p2 =	seq.s32 s10, $0x1;
	s10 =	sld [smem:$0x3FB3]  }
0x3d: {  	_ =	shalt  }
0x3e: {  	_ =	shalt  }
0x3f: {  	_ =	shalt  }
0x40: {  	_ =	shalt  }
0x41: {  	_ =	shalt  }
0x42: {  	_ =	shalt  }
0x43: {  	_ =	shalt  }
0x44: {  	_ =	shalt  }
0x45: {  	_ =	shalt  }
0x46: {  	_ =	shalt  }
0x47: {  	_ =	shalt  }
0x48: {  	_ =	shalt  }
0x49: {  	_ =	shalt  }
0x4a: {  	_ =	shalt  }
0x4b: {  	_ =	shalt  }
0x4c: {  	_ =	shalt  }
0x4d: {  	_ =	shalt  }
0x4e: {  	_ =	shalt  }
0x4f: {  	_ =	shalt  }
0x50: {  	_ =	shalt  }
0x51: {  	_ =	shalt  }
0x52: {  	_ =	shalt  }
0x53: {  	_ =	shalt  }
0x54: {  	_ =	shalt  }
0x55: {  	_ =	shalt  }
0x56: {  	_ =	shalt  }
0x57: {  	_ =	shalt  }
0x58: {  	_ =	shalt  }
0x59: {  	_ =	shalt  }
0x5a: {  	_ =	shalt  }
0x5b: {  	_ =	shalt  }
0x5c: {  	_ =	shalt  }
0x5d: {  	_ =	shalt  }
0x5e: {  	_ =	shalt  }
0x5f: {  	_ =	shalt  }
0x60: {  	_ =	shalt  }
0x61: {  	_ =	shalt  }
0x62: {  	_ =	shalt  }
0x63: {  	_ =	shalt  }
0x64: {  	_ =	shalt  }
0x65: {  	_ =	shalt  }
0x66: {  	_ =	shalt  }
0x67: {  	_ =	shalt  }
0x68: {  	_ =	shalt  }
0x69: {  	_ =	shalt  }
0x6a: {  	_ =	shalt  }
0x6b: {  	_ =	shalt  }
0x6c: {  	_ =	shalt  }
0x6d: {  	_ =	shalt  }
0x6e: {  	_ =	shalt  }
0x6f: {  	_ =	shalt  }
0x70: {  	_ =	shalt  }
0x71: {  	_ =	shalt  }
0x72: {  	_ =	shalt  }
0x73: {  	_ =	shalt  }
0x74: {  	_ =	shalt  }
0x75: {  	_ =	shalt  }
0x76: {  	_ =	shalt  }
0x77: {  	_ =	shalt  }
0x78: {  	_ =	shalt  }
0x79: {  	_ =	shalt  }
0x7a: {  	_ =	shalt  }
0x7b: {  	_ =	shalt  }
0x7c: {  	_ =	shalt  }
0x7d: {  	_ =	shalt  }
0x7e: {  	_ =	shalt  }
0x7f: {  	_ =	shalt  }
0x80: {  	_ =	shalt  }
0x81: {  	_ =	shalt  }
0x82: {  	_ =	shalt  }
0x83: {  	_ =	shalt  }
0x84: {  	_ =	shalt  }
0x85: {  	_ =	shalt  }
0x86: {  	_ =	shalt  }
0x87: {  	_ =	shalt  }
.Lfunc_end0:
.L_simem_size_0:
called_computation.1_lowered:
.L_overlay_start_0:
0x88: {  	s2 =	sld [smem:$0x3FD9]  }
0x89: {  	s3 =	sld [smem:$0x3FFE];
	_ =	sdelay $0x1  }
0x8a: {  	s1 =	srdreg.scid  }
0x8b: {  	s0 =	sand.u32 $0x1, s1  }
0x8c: {  	s14 =	sshll.u32 s0, $0xA;
	s2 =	sadd.s32 s3, s2  }
0x8d: {  	s2 =	sadd.s32 s2, s14  }
0x8e: {  	[smem:$0x3FBF] =	sst s2  }
0x8f: {  	_ = 	snop  }
0x90: {  	s2 =	sld [smem:$0x3FD0];
	_ =	sdelay $0x2  }
0x91: {  	s4 =	simm.s32 $0xA;
	s5 =	simm.s32 $0x10;
	s15 =	sld [smem:$0x3FC8]  }
0x92: {  	[smem:s5], [sflag:s4] =	dma.local [hbm:s2], $0x1  }
0x93: {  	_ =	swait.eq [sflag:s4], $0x1  }
0x94: {  	[sflag:s4] =	ssyncset.done $0x0  }
0x95: {  	s16 =	sld [smem:$0x10];
	[sflag:s4] =	ssyncadd.s32 $0xFFFFFFFF  }
0x96: {  	s17 =	sld [smem:$0x11];
	(tm) =	ssettm $0x1  }
0x97: {  	s18 =	sld [smem:$0x3FFB];
	_ =	sdelay $0x3  }
0x98: {  	_ =	strace s18  }
0x99: {  	s5 =	sld [smem:$0x3FFC];
	_ =	sdelay $0x3  }
0x9a: {  	_ =	strace s5  }
0x9b: {  	s5 =	sld [smem:$0x3FFD];
	_ =	sdelay $0x3  }
0x9c: {  	_ =	strace s5  }
0x9d: {  	_ =	strace $0x8FFFFFFF  }
0x9e: {  	s19 =	sld [smem:$0x3FDB];
	_ =	sdelay $0x1  }
0x9f: {  	s6 =	simm.s32 $_scs_section_size  }
0xa0: {  	s7 =	simm.s32 $_size__tile_overlayer_lowered;
	s8 =	simm.s32 $_tile_overlayer_lowered  }
0xa1: {  	s22 =	simm.s32 $0x1BFF;
	s21 =	sshll.u32 s8, $0x1;
	s5 =	sadd.s32 s6, s19  }
0xa2: {  	s9 =	simm.s32 $0x0;
	s20 =	sshll.u32 s7, $0x1;
	s7 =	sadd.s32 s21, s5  }
0xa3: {  	[timem:s9], [sflag:s22] =	dma.local [hbm:s7], s20  }
0xa4: {  	_ =	swait.ge [sflag:s22], s20  }
0xa5: {  	s6 =	ssub.s32 $0x0, s20;
	[sflag:s22] =	ssyncset.done $0x0  }
0xa6: {  	[sflag:s22] =	ssyncadd.s32 s6;
	_ =	sdelay $0x1  }
0xa7: {  	s23 =	simm.s32 $0x1B8B  }
0xa8: {  	_ =	swait.ge [sflag:s23], $0x1  }
0xa9: {  	[sflag:s23] =	ssyncset.done $0x0  }
0xaa: {  	s25 =	simm.s32 $0x1B8E;
	s24 =	sld [smem:$0x3FFE];
	[sflag:s23] =	ssyncadd.s32 $0xFFFFFFFF  }
0xab: {  	s26 =	simm.s32 $execute0_lowered;
	[smem:$0x3FD2] =	sst s25  }
0xac: {  	s7 =	sshll.u32 s26, $0x1;
	_ =	strace $0x80000049;
	[dreg:$0x1] =	wrdreg $0xFFFFFFFF  }
0xad: {  	s28 =	simm.s32 $_size_execute0_lowered;
	s5 =	sadd.s32 s5, s7;
	[dreg:$0x0] =	wrdreg $0x0  }
0xae: {  	s7 =	sshll.u32 s28, $0x1;
	[dreg:$0x2] =	wrdreg s5  }
0xaf: {  	[dreg:$0x3] =	wrdreg s7  }
0xb0: {  	[dreg:$0x4] =	wrdreg $0xC0  }
0xb1: {  	_ =	task [dreg:s9], $0x5FFFF  }
0xb2: {  	[dreg:$0x1] =	wrdreg $0xFFFFFFFF  }
0xb3: {  	[dreg:$0x0] =	wrdreg $0x60  }
0xb4: {  	[dreg:$0x2] =	wrdreg s16  }
0xb5: {  	[dreg:$0x3] =	wrdreg s17  }
0xb6: {  	[dreg:$0x4] =	wrdreg s15  }
0xb7: {  	[dreg:$0x5] =	wrdreg s24  }
0xb8: {  	[dreg:$0x6] =	wrdreg $0x0  }
0xb9: {  	[dreg:$0x7] =	wrdreg $0x9  }
0xba: {  	_ =	task.clear_ibuf [dreg:s9], $0x8FFFF;
	_ =	strace $0x90000049  }
0xbb: {  	s29 =	simm.s32 $0x9;
	_ =	strace $0x8000004B  }
0xbc: {  	_ =	swait.ge [sflag:s29], $0x1  }
0xbd: {  	[sflag:s29] =	ssyncadd.s32 $0xFFFFFFFF  }
0xbe: {  	_ =	strace $0x9000004B  }
0xbf: {  	_ =	sfence  }
0xc0: {  	s30 =	sld [smem:$0x0];
	_ =	sdelay $0x2  }
0xc1: {  	s31 =	sshll.u32 s1, $0xD;
	s1 =	sshrl.u32 s1, $0x2  }
0xc2: {  	s3 =	sand.u32 $0x4000, s31;
	s1 =	sadd.s32 s1, s30  }
0xc3: {  	s0 =	sor.u32 s3, s0;
	s1 =	sshll.u32 s1, $0x11  }
0xc4: {  	s0 =	sor.u32 s1, s0  }
0xc5: {  	s0 =	sadd.s32 $0x8F2B, s0  }
0xc6: {  	[sflag:s0] =	ssyncadd.remote.s32 $0x1  }
0xc7: {  	_ =	sfence.sel $0xFFFF  }
0xc8: {  	[dreg:$0x0] =	wrdreg $0xFFFFFFFF;
	(pc) =	sbr.abs _section_cstart, $3  }
0xc9: {  	[dreg:$0x1] =	wrdreg $0xFFFFFFFF  }
0xca: {  	_ =	task.clear_ibuf [dreg:s9], $0x2FFFF;
	_ =	strace $0x9FFFFFFF  }
0xcb: {  	(tm) =	ssettm $0x7FFFFFFF  }
tec
execute0_lowered:
.L_overlay_start_1:
0x0: {  	(tag) =	ssettag $0x1  }
0x1: {  	s1 =	rddreg [dreg:$0x0]  }
0x2: {  	s0 =	rddreg [dreg:$0x1]  }
0x3: {  	s2 =	rddreg [dreg:$0x2]  }
0x4: {  	s4 =	rddreg [dreg:$0x3]  }
0x5: {  	s5 =	srdreg.scid;
	s12 =	stileid.u32  }
0x6: {  	s3 =	rddreg [dreg:$0x4];
	s21 =	simm.s32 $0x0;
	s8 =	smul.u32 $0x14000, s12  }
0x7: {  	s30 =	simm.s32 $0xA;
	s6 =	sand.u32 $0x1, s5;
	s10 =	smul.u32 $0x2710, s12  }
0x8: {  	[smem:$0x7FF] =	sst s21;
	s29 =	smul.u32 $0x50000, s12;
	s22 =	ssub.s32 $0x2, s6  }
0x9: {  	s5 =	sadd.s32 $0x2400, s4;
	s9 =	smul.u32 $0x27100, s6;
	s11 =	sshrl.u32 s22, $0x1  }
0xa: {  	s7 =	smul.u32 $0x140000, s6;
	_ =	strace $0x8000004A;
	s23 =	ssub.s32 s22, s11  }
0xb: {  	s6 =	sadd.s32 s10, s9;
	s11 =	sshrl.u32 s29, $0x2;
	s14 =	smax.u32 s23, $0x1  }
0xc: {  	s24 =	sshrl.u32 s6, $0x3;
	s11 =	sadd.s32 s11, s3;
	[dreg:$0xf] =	wrdreg s14  }
0xd: {  	s7 =	sadd.s32 s8, s7;
	s1 =	sadd.s32 s1, s24;
	[dreg:$0xe] =	wrdreg s11  }
0xe: {  	s9 =	simm.s32 $0x2;
	s25 =	sadd.s32 s2, s24;
	[dreg:$0x6] =	wrdreg s1  }
0xf: {  	s7 =	sshrl.u32 s7, $0x3;
	s8 =	sadd.s32 s0, s24;
	[dreg:$0x7] =	wrdreg s25  }
0x10: {  	s26 =	sadd.s32 $0x28, s6;
	s15 =	sadd.s32 $0x1400, s11;
	[dreg:$0x9] =	wrdreg s8  }
0x11: {  	s28 =	sadd.s32 $0x78, s6;
	s16 =	sadd.s32 $0x2800, s11;
	[dreg:$0x10] =	wrdreg s15  }
0x12: {  	s4 =	sadd.s32 s7, s4;
	s17 =	sadd.s32 $0x3C00, s11;
	[dreg:$0x11] =	wrdreg s16  }
0x13: {  	s31 =	sshrl.u32 s28, $0x3;
	s18 =	sadd.s32 $0x5000, s11;
	[dreg:$0x12] =	wrdreg s17  }
0x14: {  	s19 =	sadd.s32 $0x6400, s11;
	s20 =	sadd.s32 $0x7800, s11;
	[dreg:$0x13] =	wrdreg s18  }
0x15: {  	s21 =	sadd.s32 $0x8C00, s11;
	s22 =	sadd.s32 $0xA000, s11;
	[dreg:$0x14] =	wrdreg s19  }
0x16: {  	s23 =	sadd.s32 $0xB400, s11;
	s24 =	sadd.s32 $0xC800, s11;
	[dreg:$0x15] =	wrdreg s20  }
0x17: {  	s28 =	sadd.s32 $0x10400, s11;
	s29 =	sadd.s32 $0x11800, s11;
	[dreg:$0x16] =	wrdreg s21  }
0x18: {  	s7 =	simm.s32 $0x16780;
	s2 =	simm.s32 $0x1;
	[dreg:$0x17] =	wrdreg s22  }
0x19: {  	s1 =	sshrl.u32 s26, $0x3;
	s10 =	sadd.s32 $0xA, s8;
	[dreg:$0x18] =	wrdreg s23  }
0x1a: {  	s12 =	sadd.s32 $0x14, s8;
	s13 =	sadd.s32 $0x29600, s4;
	[dreg:$0x19] =	wrdreg s24  }
0x1b: {  	s25 =	sadd.s32 $0xDC00, s11;
	s26 =	sadd.s32 $0xF000, s11;
	[dreg:$0x1c] =	wrdreg s28  }
0x1c: {  	[dreg:$0x1d] =	wrdreg s29;
	s8 =	simm.s32 $0x19180;
	s16 =	simm.s32 $0x1B980  }
0x1d: {  	s17 =	simm.s32 $0x19080;
	s18 =	simm.s32 $0x1CD80;
	[dreg:$0xa] =	wrdreg s10  }
0x1e: {  	s19 =	simm.s32 $0x19100;
	s20 =	simm.s32 $0x1E180;
	[dreg:$0xc] =	wrdreg s12  }
0x1f: {  	s21 =	simm.s32 $0x6;
	s22 =	simm.s32 $0x18F00;
	[dreg:$0xd] =	wrdreg s13  }
.Ltmp0:
0x20: {  	s23 =	simm.s32 $0x3;
	[dreg:$0x1a] =	wrdreg s25;
	(pc) =	sbr.rel .LBB2_1-.Ltmp0, $4  }
0x21: {  	s24 =	simm.s32 $0x4;
	s1 =	sadd.s32 s0, s1;
	[dreg:$0x1b] =	wrdreg s26  }
0x22: {  	s13 =	simm.s32 $0x14000;
	[dreg:$0x8] =	wrdreg s1;
	s1 =	sadd.s32 s0, s31  }
0x23: {  	s12 =	simm.s32 $0x28;
	s31 =	sadd.s32 $0x12C00, s11;
	[dreg:$0xb] =	wrdreg s1  }
0x24: {  	v0 =	vimm.f32 $0.0e+00;
	s25 =	simm.s32 $0x5;
	s10 =	simm.s32 $0x0;
	[dreg:$0x1e] =	wrdreg s31  }
.LBB2_16:
0x25: {  	_ =	swait.ge [sflag:s21], $0x1400  }
0x26: {  	[sflag:s21] =	ssyncset.done $0x0  }
0x27: {  	s1 =	simm.s32 $0x7;
	[sflag:s21] =	ssyncadd.s32 $0xFFFFEC00  }
0x28: {  	_ =	swait.ge [sflag:s1], $0x1400  }
0x29: {  	[sflag:s1] =	ssyncset.done $0x0  }
0x2a: {  	s14 =	simm.s32 $0x8;
	[sflag:s1] =	ssyncadd.s32 $0xFFFFEC00  }
0x2b: {  	_ =	swait.ge [sflag:s14], $0x1400  }
0x2c: {  	[sflag:s14] =	ssyncset.done $0x0  }
0x2d: {  	s15 =	simm.s32 $0x9;
	[sflag:s14] =	ssyncadd.s32 $0xFFFFEC00  }
0x2e: {  	_ =	swait.ge [sflag:s15], $0x1400  }
0x2f: {  	[sflag:s15] =	ssyncset.done $0x0  }
0x30: {  	[sflag:s15] =	ssyncadd.s32 $0xFFFFEC00  }
0x31: {  	_ =	swait.ge [sflag:s30], $0x1400  }
0x32: {  	[sflag:s30] =	ssyncset.done $0x0  }
0x33: {  	[sflag:s30] =	ssyncadd.s32 $0xFFFFEC00  }
0x34: {  	s26 =	stileid.u32;
	[bflag:$0x0] =	sbarrier.arrive $0xFFFF  }
0x35: {  	s28 =	simm.s32 $0xB;
	s1 =	sshll.u32 s26, $0x6;
	s11 =	rddreg [dreg:$0xe]  }
0x36: {  	s1 =	sor.u32 $0x1C0B, s1;
	s10 =	rddreg [dreg:$0xd];
	s4 =	sshrl.u32 s11, $0x3  }
0x37: {  	[hbm:s10], [sflag:s1] =	dma.local [spmem:s4], $0x2800  }
0x38: {  	_ =	swait.ge [sflag:s28], $0x2800  }
0x39: {  	s29 =	rddreg [dreg:$0x1f]  }
0x3a: {  	s31 =	rddreg [dreg:$0xf];
	s10 =	sadd.s32 $0x1, s29  }
0x3b: {  	p0 =	sne.s32 s10, s31  }
.Ltmp1:
0x3c: {  	_ = 	snop;
	(pc) =	sbr.rel @!p0 .LBB2_17-.Ltmp1, $3  }
0x3d: {  	_ =	sdelay $0x1  }
0x3e: {  	[sflag:s28] =	ssyncset.done $0x0  }
0x3f: {  	s13 =	simm.s32 $0x14000;
	[sflag:s28] =	ssyncadd.s32 $0xFFFFD800  }
.LBB2_1:
0x40: {  	s1 =	simm.s32 $0x0;
	s4 =	rddreg [dreg:$0x6]  }
0x41: {  	[tilespmem:s13], [sflag:$0x1] =	stream.linear.gather [hbm4b:s4+s1], $0x2710, $0x38;
	[tilespmem:$0x1F580] =	vst v63  }
0x42: {  	s31 =	rddreg [dreg:$0x7]  }
0x43: {  	[tilespmem:s7], [sflag:$0x2] =	stream.linear.gather [hbm4b:s31+s1], $0x2710, $0x38;
	[tilespmem:$0x1F580] =	vst v63  }
0x44: {  	[dreg:$0x1f] =	wrdreg s10;
	s1 =	simm.s32 $0x191C0  }
0x45: {  	[tilespmem:s1+$0xFFFFFFC0] =	vst v0  }
0x46: {  	[tilespmem:s1+$0x30] =	vst v0  }
0x47: {  	[tilespmem:s1+$0x20] =	vst v0  }
0x48: {  	[tilespmem:s1+$0x10] =	vst v0  }
0x49: {  	[tilespmem:s1+$0x0] =	vst v0  }
0x4a: {  	[tilespmem:s1+$0xFFFFFFF0] =	vst v0  }
0x4b: {  	s4 =	simm.s32 $0x0;
	[tilespmem:s1+$0xFFFFFFE0] =	vst v0  }
.LBB2_2:
0x4c: {  	s4 =	sadd.s32 $0x8, s4;
	[tilespmem:s1+$0xFFFFFFD0] =	vst v0;
	s1 =	sadd.s32 $0x80, s1  }
0x4d: {  	[tilespmem:s1+$0xFFFFFFC0] =	vst v0;
	p0 =	slt.u32 s4, $0x138  }
0x4e: {  	[tilespmem:s1+$0x30] =	vst v0  }
.Ltmp2:
0x4f: {  	[tilespmem:s1+$0x20] =	vst v0;
	(pc) =	sbr.rel @p0 .LBB2_2-.Ltmp2, $4  }
0x50: {  	[tilespmem:s1+$0x10] =	vst v0  }
0x51: {  	[tilespmem:s1+$0x0] =	vst v0  }
0x52: {  	[tilespmem:s1+$0xFFFFFFF0] =	vst v0  }
0x53: {  	[tilespmem:s1+$0xFFFFFFE0] =	vst v0  }
0x54: {  	[tilespmem:s1+$0xFFFFFFD0] =	vst v0  }
0x55: {  	[spmem:s11] =	stream.linear.scatter [tilespmem:s8], [sflag:$0x6], $0x1400, $0x38;
	[tilespmem:$0x1F580] =	vst v63  }
0x56: {  	s1 =	rddreg [dreg:$0x10]  }
0x57: {  	[spmem:s1] =	stream.linear.scatter [tilespmem:s8], [sflag:$0x6], $0x1400, $0x38;
	[tilespmem:$0x1F580] =	vst v63  }
0x58: {  	s10 =	rddreg [dreg:$0x11]  }
0x59: {  	[spmem:s10] =	stream.linear.scatter [tilespmem:s8], [sflag:$0x6], $0x1400, $0x38;
	[tilespmem:$0x1F580] =	vst v63  }
0x5a: {  	s11 =	rddreg [dreg:$0x12]  }
0x5b: {  	[spmem:s11] =	stream.linear.scatter [tilespmem:s8], [sflag:$0x6], $0x1400, $0x38;
	[tilespmem:$0x1F580] =	vst v63  }
0x5c: {  	s14 =	rddreg [dreg:$0x13]  }
0x5d: {  	[spmem:s14] =	stream.linear.scatter [tilespmem:s8], [sflag:$0x6], $0x1400, $0x38;
	[tilespmem:$0x1F580] =	vst v63  }
0x5e: {  	s15 =	rddreg [dreg:$0x14]  }
0x5f: {  	[spmem:s15] =	stream.linear.scatter [tilespmem:s8], [sflag:$0x6], $0x1400, $0x38;
	[tilespmem:$0x1F580] =	vst v63  }
0x60: {  	s26 =	rddreg [dreg:$0x15]  }
0x61: {  	[spmem:s26] =	stream.linear.scatter [tilespmem:s8], [sflag:$0x6], $0x1400, $0x38;
	[tilespmem:$0x1F580] =	vst v63  }
0x62: {  	s28 =	rddreg [dreg:$0x16]  }
0x63: {  	[spmem:s28] =	stream.linear.scatter [tilespmem:s8], [sflag:$0x6], $0x1400, $0x38;
	[tilespmem:$0x1F580] =	vst v63  }
0x64: {  	s29 =	rddreg [dreg:$0x17]  }
0x65: {  	[spmem:s29] =	stream.linear.scatter [tilespmem:s8], [sflag:$0x6], $0x1400, $0x38;
	[tilespmem:$0x1F580] =	vst v63  }
0x66: {  	s31 =	rddreg [dreg:$0x18]  }
0x67: {  	[spmem:s31] =	stream.linear.scatter [tilespmem:s8], [sflag:$0x6], $0x1400, $0x38;
	[tilespmem:$0x1F580] =	vst v63  }
0x68: {  	s4 =	rddreg [dreg:$0x19]  }
0x69: {  	[spmem:s4] =	stream.linear.scatter [tilespmem:s8], [sflag:$0x6], $0x1400, $0x38;
	[tilespmem:$0x1F580] =	vst v63  }
0x6a: {  	s10 =	rddreg [dreg:$0x1a]  }
0x6b: {  	[spmem:s10] =	stream.linear.scatter [tilespmem:s8], [sflag:$0x6], $0x1400, $0x38;
	[tilespmem:$0x1F580] =	vst v63  }
0x6c: {  	s11 =	rddreg [dreg:$0x1b]  }
0x6d: {  	[spmem:s11] =	stream.linear.scatter [tilespmem:s8], [sflag:$0x6], $0x1400, $0x38;
	[tilespmem:$0x1F580] =	vst v63  }
0x6e: {  	s14 =	rddreg [dreg:$0x1c]  }
0x6f: {  	[spmem:s14] =	stream.linear.scatter [tilespmem:s8], [sflag:$0x6], $0x1400, $0x38;
	[tilespmem:$0x1F580] =	vst v63  }
0x70: {  	s15 =	rddreg [dreg:$0x1d]  }
0x71: {  	[spmem:s15] =	stream.linear.scatter [tilespmem:s8], [sflag:$0x6], $0x1400, $0x38;
	[tilespmem:$0x1F580] =	vst v63  }
0x72: {  	s26 =	rddreg [dreg:$0x1e]  }
0x73: {  	[spmem:s26] =	stream.linear.scatter [tilespmem:s8], [sflag:$0x6], $0x1400, $0x38;
	[tilespmem:$0x1F580] =	vst v63  }
0x74: {  	_ =	swait.ge [sflag:s2], $0x2710  }
0x75: {  	[sflag:s2] =	ssyncset.done $0x0  }
0x76: {  	[sflag:s2] =	ssyncadd.s32 $0xFFFFD8F0  }
0x77: {  	_ =	swait.ge [sflag:s9], $0x2710  }
0x78: {  	s4 =	simm.s32 $0x18F80;
	[sflag:s9] =	ssyncset.done $0x0  }
0x79: {  	s10 =	simm.s32 $0x0;
	s28 =	rddreg [dreg:$0x8];
	[sflag:s9] =	ssyncadd.s32 $0xFFFFD8F0  }
0x7a: {  	[tilespmem:s4], [sflag:$0x2] =	stream.linear.gather [hbm4b:s28+s10], $0x28, $0x38;
	[tilespmem:$0x1F580] =	vst v63  }
0x7b: {  	s29 =	simm.s32 $0x14028;
	s31 =	simm.s32 $0x1A580  }
0x7c: {  	[tilespmem:s31], [sflag:$0x2] =	stream.indirect.gather [hbm4b:s5+s12], $0x80, s29, s12, $0xb8;
	[tilespmem:$0x1F580] =	vst v63  }
0x7d: {  	s11 =	simm.s32 $0x19000;
	s4 =	rddreg [dreg:$0xa]  }
0x7e: {  	[tilespmem:s11], [sflag:$0x3] =	stream.linear.gather [hbm4b:s4+s10], $0x28, $0x38;
	[tilespmem:$0x1F580] =	vst v63  }
0x7f: {  	s14 =	simm.s32 $0x14050  }
0x80: {  	[tilespmem:s16], [sflag:$0x3] =	stream.indirect.gather [hbm4b:s5+s12], $0x80, s14, s12, $0xb8;
	[tilespmem:$0x1F580] =	vst v63  }
0x81: {  	s15 =	rddreg [dreg:$0xb]  }
0x82: {  	[tilespmem:s17], [sflag:$0x4] =	stream.linear.gather [hbm4b:s15+s10], $0x28, $0x38;
	[tilespmem:$0x1F580] =	vst v63  }
0x83: {  	s26 =	simm.s32 $0x14078  }
0x84: {  	[tilespmem:s18], [sflag:$0x4] =	stream.indirect.gather [hbm4b:s5+s12], $0x80, s26, s12, $0xb8;
	[tilespmem:$0x1F580] =	vst v63  }
0x85: {  	s28 =	rddreg [dreg:$0xc]  }
0x86: {  	[tilespmem:s19], [sflag:$0x5] =	stream.linear.gather [hbm4b:s28+s10], $0x28, $0x38;
	[tilespmem:$0x1F580] =	vst v63  }
0x87: {  	s29 =	simm.s32 $0x140A0  }
0x88: {  	[tilespmem:s20], [sflag:$0x5] =	stream.indirect.gather [hbm4b:s5+s12], $0x80, s29, s12, $0xb8;
	[tilespmem:$0x1F580] =	vst v63  }
0x89: {  	_ =	swait.ge [sflag:s21], $0x1400  }
0x8a: {  	[sflag:s21] =	ssyncset.done $0x0  }
0x8b: {  	[sflag:s21] =	ssyncadd.s32 $0xFFFFEC00  }
0x8c: {  	_ =	swait.ge [sflag:s21], $0x1400  }
0x8d: {  	[sflag:s21] =	ssyncset.done $0x0  }
0x8e: {  	[sflag:s21] =	ssyncadd.s32 $0xFFFFEC00  }
0x8f: {  	_ =	swait.ge [sflag:s21], $0x1400  }
0x90: {  	[sflag:s21] =	ssyncset.done $0x0  }
0x91: {  	[sflag:s21] =	ssyncadd.s32 $0xFFFFEC00  }
0x92: {  	_ =	swait.ge [sflag:s21], $0x1400  }
0x93: {  	[sflag:s21] =	ssyncset.done $0x0  }
0x94: {  	[sflag:s21] =	ssyncadd.s32 $0xFFFFEC00  }
0x95: {  	_ =	swait.ge [sflag:s21], $0x1400  }
0x96: {  	[sflag:s21] =	ssyncset.done $0x0  }
0x97: {  	[sflag:s21] =	ssyncadd.s32 $0xFFFFEC00  }
0x98: {  	_ =	swait.ge [sflag:s21], $0x1400  }
0x99: {  	[sflag:s21] =	ssyncset.done $0x0  }
0x9a: {  	[sflag:s21] =	ssyncadd.s32 $0xFFFFEC00  }
0x9b: {  	_ =	swait.ge [sflag:s21], $0x1400  }
0x9c: {  	[sflag:s21] =	ssyncset.done $0x0  }
0x9d: {  	[sflag:s21] =	ssyncadd.s32 $0xFFFFEC00  }
0x9e: {  	_ =	swait.ge [sflag:s21], $0x1400  }
0x9f: {  	[sflag:s21] =	ssyncset.done $0x0  }
0xa0: {  	[sflag:s21] =	ssyncadd.s32 $0xFFFFEC00  }
0xa1: {  	_ =	swait.ge [sflag:s21], $0x1400  }
0xa2: {  	[sflag:s21] =	ssyncset.done $0x0  }
0xa3: {  	[sflag:s21] =	ssyncadd.s32 $0xFFFFEC00  }
0xa4: {  	_ =	swait.ge [sflag:s21], $0x1400  }
0xa5: {  	[sflag:s21] =	ssyncset.done $0x0  }
0xa6: {  	[sflag:s21] =	ssyncadd.s32 $0xFFFFEC00  }
0xa7: {  	_ =	swait.ge [sflag:s21], $0x1400  }
0xa8: {  	[sflag:s21] =	ssyncset.done $0x0  }
0xa9: {  	[sflag:s21] =	ssyncadd.s32 $0xFFFFEC00  }
0xaa: {  	_ =	swait.ge [sflag:s21], $0x1400  }
0xab: {  	[sflag:s21] =	ssyncset.done $0x0  }
0xac: {  	[sflag:s21] =	ssyncadd.s32 $0xFFFFEC00  }
0xad: {  	_ =	swait.ge [sflag:s21], $0x1400  }
0xae: {  	[sflag:s21] =	ssyncset.done $0x0  }
0xaf: {  	[sflag:s21] =	ssyncadd.s32 $0xFFFFEC00  }
0xb0: {  	_ =	swait.ge [sflag:s21], $0x1400  }
0xb1: {  	[sflag:s21] =	ssyncset.done $0x0  }
0xb2: {  	[sflag:s21] =	ssyncadd.s32 $0xFFFFEC00  }
0xb3: {  	_ =	swait.ge [sflag:s21], $0x1400  }
0xb4: {  	[sflag:s21] =	ssyncset.done $0x0  }
0xb5: {  	[sflag:s21] =	ssyncadd.s32 $0xFFFFEC00  }
0xb6: {  	_ =	swait.ge [sflag:s21], $0x1400  }
0xb7: {  	[sflag:s21] =	ssyncset.done $0x0  }
0xb8: {  	s31 =	rddreg [dreg:$0x9];
	[sflag:s21] =	ssyncadd.s32 $0xFFFFEC00  }
0xb9: {  	[tilespmem:s22], [sflag:$0x1] =	stream.linear.gather [hbm4b:s31+s10], $0x28, $0x38;
	[tilespmem:$0x1F580] =	vst v63  }
0xba: {  	_ = 	snop  }
0xbb: {  	[tilespmem:s8], [sflag:$0x1] =	stream.indirect.gather [hbm4b:s5+s12], $0x80, s13, s12, $0xb8;
	[tilespmem:$0x1F580] =	vst v63  }
0xbc: {  	s26 =	simm.s32 $0x0;
	[bflag:$0x0] =	sbarrier.arrive $0xFFFF  }
.LBB2_4:
0xbd: {  	s1 =	sadd.s32 $0xFFFFFFFC, s10;
	_ =	swait.ge [sflag:s2], $0x28  }
0xbe: {  	s15 =	sadd.s32 $0x4, s1;
	[sflag:s2] =	ssyncset.done $0x0  }
0xbf: {  	s4 =	sadd.s32 $0x6, s1;
	v2 =	vmov s15;
	[sflag:s2] =	ssyncadd.s32 $0xFFFFFFD8  }
0xc0: {  	v1 =	vmov s4;
	v2 =	vand.u32 $0xFFFFFFFC, v2;
	_ =	swait.ge [sflag:s2], $0x1400  }
0xc1: {  	v1 =	vand.u32 $0xFFFFFFFE, v1;
	v2 =	vbroadcast v2, $0x0;
	[sflag:s2] =	ssyncset.done $0x0  }
0xc2: {  	s29 =	simm.s32 $0x19280;
	v1 =	vbroadcast v1, $0x0;
	[sflag:s2] =	ssyncadd.s32 $0xFFFFEC00  }
0xc3: {  	v3 =	vld [tilespmem:s29+$0x70]  }
0xc4: {  	v5 =	vld [tilespmem:s29+$0xFFFFFF00]  }
0xc5: {  	s31 =	sadd.s32 $0x5, s1;
	v6 =	vld [tilespmem:s29+$0xFFFFFF10]  }
0xc6: {  	v4 =	vmov s31;
	v7 =	vld [tilespmem:s29+$0xFFFFFF20]  }
0xc7: {  	v4 =	vand.u32 $0xFFFFFFFD, v4;
	v2 =	vld.idx.msk [tilespmem:v2+s7+$0x0], $0xffff  }
0xc8: {  	v4 =	vbroadcast v4, $0x0;
	v1 =	vld.idx.msk [tilespmem:v1+s7+$0x0], $0xffff  }
0xc9: {  	v8 =	vld [tilespmem:s29+$0xFFFFFF30]  }
0xca: {  	v9 =	vld [tilespmem:s29+$0xFFFFFF40]  }
0xcb: {  	v10 =	vld [tilespmem:s29+$0xFFFFFF50]  }
0xcc: {  	v11 =	vld [tilespmem:s29+$0xFFFFFF60];
	v5 =	vmul.f32 v5, v2  }
0xcd: {  	v13 =	vld [tilespmem:s29+$0xFFFFFFD0];
	v3 =	vmul.f32 v3, v1  }
0xce: {  	v4 =	vld.idx.msk [tilespmem:v4+s7+$0x0], $0xffff;
	[tilespmem:s29+$0xFFFFFF00] =	vst v5;
	v5 =	vmul.f32 v6, v2  }
0xcf: {  	v6 =	vld [tilespmem:s29+$0xFFFFFF70];
	[tilespmem:s29+$0x70] =	vst v3;
	v3 =	vmul.f32 v7, v2  }
0xd0: {  	s1 =	sadd.s32 $0x7, s1;
	v7 =	vld [tilespmem:s29+$0xFFFFFF80];
	[tilespmem:s29+$0xFFFFFF10] =	vst v5;
	v5 =	vmul.f32 v8, v2  }
0xd1: {  	v12 =	vmov s1;
	v8 =	vld [tilespmem:s29+$0xFFFFFF90];
	[tilespmem:s29+$0xFFFFFF20] =	vst v3;
	v3 =	vmul.f32 v9, v2  }
0xd2: {  	v9 =	vld [tilespmem:s29+$0xFFFFFFA0];
	[tilespmem:s29+$0xFFFFFF30] =	vst v5;
	v5 =	vmul.f32 v10, v2  }
0xd3: {  	v10 =	vld [tilespmem:s29+$0xFFFFFFB0];
	[tilespmem:s29+$0xFFFFFF40] =	vst v3;
	v3 =	vmul.f32 v11, v2  }
0xd4: {  	v11 =	vld [tilespmem:s29+$0xFFFFFFC0];
	v6 =	vmul.f32 v6, v2;
	[tilespmem:s29+$0xFFFFFF50] =	vst v5  }
0xd5: {  	v14 =	vld [tilespmem:s29+$0xFFFFFFE0];
	v5 =	vmul.f32 v7, v4;
	[tilespmem:s29+$0xFFFFFF60] =	vst v3  }
0xd6: {  	v2 =	vld.idx.msk [tilespmem:v12+s7+$0x0], $0xffff;
	v3 =	vmul.f32 v8, v4;
	[tilespmem:s29+$0xFFFFFF70] =	vst v6  }
0xd7: {  	v8 =	vld [tilespmem:s29+$0xFFFFFFF0];
	[tilespmem:s29+$0xFFFFFF80] =	vst v5;
	v5 =	vmul.f32 v9, v4  }
0xd8: {  	v7 =	vld [tilespmem:s29+$0x0];
	[tilespmem:s29+$0xFFFFFF90] =	vst v3;
	v3 =	vmul.f32 v10, v4  }
0xd9: {  	v6 =	vld [tilespmem:s29+$0x10];
	v9 =	vmul.f32 v11, v4;
	[tilespmem:s29+$0xFFFFFFA0] =	vst v5  }
0xda: {  	v10 =	vmul.f32 v13, v4;
	v5 =	vld [tilespmem:s29+$0x20];
	[tilespmem:s29+$0xFFFFFFB0] =	vst v3  }
0xdb: {  	[tilespmem:s29+$0xFFFFFFC0] =	vst v9;
	v3 =	vld [tilespmem:s29+$0x30];
	v9 =	vmul.f32 v14, v4  }
0xdc: {  	s28 =	smul.u32 $0xC8, s26;
	s1 =	simm.s32 $0x0;
	s15 =	simm.s32 $0x19280;
	[tilespmem:s29+$0xFFFFFFD0] =	vst v10;
	v8 =	vmul.f32 v8, v4;
	v4 =	vld [tilespmem:s29+$0x40]  }
.LBB2_5:
0xdd: {  	s4 =	sadd.s32 s1, s10;
	s1 =	sadd.s32 $0x4, s1;
	[tilespmem:s29+$0xFFFFFFE0] =	vst v9;
	v7 =	vmul.f32 v7, v1;
	v9 =	vld [tilespmem:s29+$0x50]  }
0xde: {  	s31 =	sadd.s32 $0x4, s4;
	s11 =	sadd.s32 $0x6, s4;
	p0 =	slt.u32 s1, $0x24;
	[tilespmem:s29+$0xFFFFFFF0] =	vst v8;
	v6 =	vmul.f32 v6, v1;
	v8 =	vld [tilespmem:s29+$0x60]  }
0xdf: {  	v10 =	vmov s31;
	s31 =	sadd.s32 $0x5, s4;
	v11 =	vmov s11;
	s4 =	sadd.s32 $0x7, s4;
	[tilespmem:s29+$0x0] =	vst v7;
	v5 =	vmul.f32 v5, v1;
	v7 =	vld [tilespmem:s29+$0x80]  }
0xe0: {  	v10 =	vand.u32 $0xFFFFFFFC, v10;
	v12 =	vmov s31;
	v11 =	vand.u32 $0xFFFFFFFE, v11;
	[tilespmem:s29+$0x10] =	vst v6;
	v6 =	vld [tilespmem:s29+$0x90]  }
0xe1: {  	v10 =	vbroadcast v10, $0x0;
	v12 =	vand.u32 $0xFFFFFFFD, v12;
	v11 =	vbroadcast v11, $0x0;
	[tilespmem:s29+$0x20] =	vst v5;
	v5 =	vld [tilespmem:s29+$0xA0]  }
0xe2: {  	v13 =	vmov s4;
	v3 =	vmul.f32 v3, v1;
	v12 =	vbroadcast v12, $0x0;
	v14 =	vld [tilespmem:s29+$0xB0]  }
0xe3: {  	v4 =	vmul.f32 v4, v1;
	v9 =	vmul.f32 v9, v1;
	v15 =	vld [tilespmem:s29+$0xC0]  }
0xe4: {  	[tilespmem:s29+$0x30] =	vst v3;
	v3 =	vmul.f32 v8, v1;
	v7 =	vmul.f32 v7, v2;
	v8 =	vld [tilespmem:s29+$0xD0]  }
0xe5: {  	[tilespmem:s29+$0x40] =	vst v4;
	v4 =	vmul.f32 v6, v2;
	v6 =	vld [tilespmem:s29+$0xE0]  }
0xe6: {  	[tilespmem:s29+$0x50] =	vst v9;
	v5 =	vmul.f32 v5, v2;
	v9 =	vld [tilespmem:s29+$0xF0]  }
0xe7: {  	s29 =	sadd.s32 $0x200, s29;
	v1 =	vld.idx.msk [tilespmem:v11+s7+$0x0], $0xffff;
	[tilespmem:s15+$0x60] =	vst v3;
	v3 =	vmul.f32 v14, v2  }
0xe8: {  	v11 =	vld [tilespmem:s29+$0x70];
	[tilespmem:s15+$0x80] =	vst v7;
	v7 =	vmul.f32 v15, v2  }
0xe9: {  	v10 =	vld.idx.msk [tilespmem:v10+s7+$0x0], $0xffff;
	[tilespmem:s15+$0x90] =	vst v4;
	v4 =	vmul.f32 v8, v2  }
0xea: {  	v8 =	vld.idx.msk [tilespmem:v12+s7+$0x0], $0xffff;
	[tilespmem:s15+$0xA0] =	vst v5;
	v5 =	vmul.f32 v6, v2  }
0xeb: {  	[tilespmem:s15+$0xB0] =	vst v3;
	v3 =	vmul.f32 v9, v2;
	v2 =	vld.idx.msk [tilespmem:v13+s7+$0x0], $0xffff  }
0xec: {  	v6 =	vld [tilespmem:s29+$0xFFFFFF00];
	[tilespmem:s15+$0xC0] =	vst v7  }
0xed: {  	v7 =	vld [tilespmem:s29+$0xFFFFFF10];
	v9 =	vmul.f32 v11, v1;
	[tilespmem:s15+$0xD0] =	vst v4  }
0xee: {  	v4 =	vld [tilespmem:s29+$0xFFFFFF20];
	[tilespmem:s15+$0xE0] =	vst v5  }
0xef: {  	v5 =	vld [tilespmem:s29+$0xFFFFFF30];
	[tilespmem:s29+$0x70] =	vst v9  }
0xf0: {  	v9 =	vld [tilespmem:s29+$0xFFFFFF40];
	[tilespmem:s15+$0xF0] =	vst v3;
	s15 =	smov.u32 s29  }
0xf1: {  	v3 =	vmul.f32 v6, v10;
	v6 =	vld [tilespmem:s29+$0xFFFFFF50]  }
0xf2: {  	v7 =	vmul.f32 v7, v10;
	v11 =	vld [tilespmem:s29+$0xFFFFFF60]  }
0xf3: {  	[tilespmem:s29+$0xFFFFFF00] =	vst v3;
	v3 =	vmul.f32 v4, v10;
	v4 =	vld [tilespmem:s29+$0xFFFFFF70]  }
0xf4: {  	[tilespmem:s29+$0xFFFFFF10] =	vst v7;
	v5 =	vmul.f32 v5, v10;
	v7 =	vld [tilespmem:s29+$0xFFFFFF80]  }
0xf5: {  	[tilespmem:s29+$0xFFFFFF20] =	vst v3;
	v3 =	vmul.f32 v9, v10;
	v9 =	vld [tilespmem:s29+$0xFFFFFF90]  }
0xf6: {  	[tilespmem:s29+$0xFFFFFF30] =	vst v5;
	v5 =	vmul.f32 v6, v10;
	v6 =	vld [tilespmem:s29+$0xFFFFFFA0]  }
0xf7: {  	[tilespmem:s29+$0xFFFFFF40] =	vst v3;
	v3 =	vmul.f32 v11, v10;
	v11 =	vld [tilespmem:s29+$0xFFFFFFB0]  }
0xf8: {  	[tilespmem:s29+$0xFFFFFF50] =	vst v5;
	v4 =	vmul.f32 v4, v10;
	v5 =	vld [tilespmem:s29+$0xFFFFFFC0]  }
0xf9: {  	[tilespmem:s29+$0xFFFFFF60] =	vst v3;
	v3 =	vmul.f32 v7, v8;
	v10 =	vld [tilespmem:s29+$0xFFFFFFD0]  }
0xfa: {  	[tilespmem:s29+$0xFFFFFF70] =	vst v4;
	v4 =	vmul.f32 v9, v8;
	v9 =	vld [tilespmem:s29+$0xFFFFFFE0]  }
0xfb: {  	[tilespmem:s29+$0xFFFFFF80] =	vst v3;
	v3 =	vmul.f32 v6, v8;
	v12 =	vld [tilespmem:s29+$0xFFFFFFF0]  }
.Ltmp3:
0xfc: {  	[tilespmem:s29+$0xFFFFFF90] =	vst v4;
	v4 =	vmul.f32 v11, v8;
	v7 =	vld [tilespmem:s29+$0x0];
	(pc) =	sbr.rel @p0 .LBB2_5-.Ltmp3, $4  }
0xfd: {  	[tilespmem:s29+$0xFFFFFFA0] =	vst v3;
	v3 =	vmul.f32 v5, v8;
	v6 =	vld [tilespmem:s29+$0x10]  }
0xfe: {  	[tilespmem:s29+$0xFFFFFFB0] =	vst v4;
	v4 =	vmul.f32 v10, v8;
	v5 =	vld [tilespmem:s29+$0x20]  }
0xff: {  	[tilespmem:s29+$0xFFFFFFC0] =	vst v3;
	v9 =	vmul.f32 v9, v8;
	v3 =	vld [tilespmem:s29+$0x30]  }
0x100: {  	[tilespmem:s29+$0xFFFFFFD0] =	vst v4;
	v8 =	vmul.f32 v12, v8;
	v4 =	vld [tilespmem:s29+$0x40]  }
0x101: {  	v10 =	vld [tilespmem:s29+$0x50];
	[tilespmem:s29+$0xFFFFFFE0] =	vst v9;
	v7 =	vmul.f32 v7, v1  }
0x102: {  	v9 =	vld [tilespmem:s29+$0x60];
	[tilespmem:s29+$0xFFFFFFF0] =	vst v8;
	v6 =	vmul.f32 v6, v1  }
0x103: {  	v8 =	vld [tilespmem:s29+$0x80];
	[tilespmem:s29+$0x0] =	vst v7;
	v5 =	vmul.f32 v5, v1  }
0x104: {  	v7 =	vld [tilespmem:s29+$0x90];
	[tilespmem:s29+$0x10] =	vst v6;
	v3 =	vmul.f32 v3, v1  }
0x105: {  	v6 =	vld [tilespmem:s29+$0xA0];
	[tilespmem:s29+$0x20] =	vst v5;
	v4 =	vmul.f32 v4, v1  }
0x106: {  	v5 =	vld [tilespmem:s29+$0xB0];
	v10 =	vmul.f32 v10, v1;
	[tilespmem:s29+$0x30] =	vst v3  }
0x107: {  	v11 =	vld [tilespmem:s29+$0xC0];
	v1 =	vmul.f32 v9, v1;
	[tilespmem:s29+$0x40] =	vst v4  }
0x108: {  	v3 =	vld [tilespmem:s29+$0xD0];
	v4 =	vmul.f32 v8, v2;
	[tilespmem:s29+$0x50] =	vst v10  }
0x109: {  	v8 =	vld [tilespmem:s29+$0xE0];
	v7 =	vmul.f32 v7, v2;
	[tilespmem:s15+$0x60] =	vst v1  }
0x10a: {  	v9 =	vld [tilespmem:s29+$0xF0];
	v1 =	vmul.f32 v6, v2;
	[tilespmem:s15+$0x80] =	vst v4  }
0x10b: {  	v4 =	vmul.f32 v5, v2;
	[tilespmem:s15+$0x90] =	vst v7  }
0x10c: {  	v5 =	vmul.f32 v11, v2;
	[tilespmem:s15+$0xA0] =	vst v1  }
0x10d: {  	v1 =	vmul.f32 v3, v2;
	[tilespmem:s15+$0xB0] =	vst v4  }
0x10e: {  	v3 =	vmul.f32 v8, v2;
	[tilespmem:s15+$0xC0] =	vst v5  }
0x10f: {  	v2 =	vmul.f32 v9, v2;
	[tilespmem:s15+$0xD0] =	vst v1  }
0x110: {  	p0 =	seq.s32 s26, $0x31;
	[tilespmem:s15+$0xE0] =	vst v3  }
0x111: {  	s1 =	simm.s32 @!p0 $0x6;
	[tilespmem:s15+$0xF0] =	vst v2  }
0x112: {  	[spmem:s3] =	stream.indirect.scatter.add.f32 [tilespmem:s8], [sflag:$0x6], $0x80, s22, s12, $0xb8;
	[tilespmem:$0x1F580] =	vst v63  }
0x113: {  	s29 =	sadd.s32 @!p0 s6, s28;
	_ =	swait.ge @!p0 [sflag:s1], $0x1400  }
0x114: {  	s4 =	sadd.s32 @!p0 $0xC8, s29;
	[sflag:s1] =	ssyncset.done @!p0 $0x0  }
0x115: {  	[sflag:s1] =	ssyncadd.s32 @!p0 $0xFFFFEC00;
	s1 =	sshrl.u32 @!p0 s4, $0x3  }
0x116: {  	s11 =	simm.s32 @!p0 $0x18F00;
	s4 =	simm.s32 @!p0 $0x0;
	s1 =	sadd.s32 @!p0 s0, s1  }
0x117: {  	[tilespmem:s11], [sflag:$0x1] =	stream.linear.gather @!p0 [hbm4b:s1+s4], $0x28, $0x38;
	[tilespmem:$0x1F580] =	vst v63  }
0x118: {  	s15 =	simm.s32 @!p0 $0x19180;
	s1 =	sadd.s32 @!p0 $0x140C8, s28;
	s11 =	simm.s32 @!p0 $0x28  }
0x119: {  	[tilespmem:s15], [sflag:$0x1] =	stream.indirect.gather @!p0 [hbm4b:s5+s11], $0x80, s1, s11, $0xb8;
	[tilespmem:$0x1F580] =	vst v63  }
0x11a: {  	s4 =	sadd.s32 $0xFFFFFFFC, s10;
	_ =	swait.ge [sflag:s9], $0x28  }
0x11b: {  	s13 =	sadd.s32 $0x2C, s4;
	[sflag:s9] =	ssyncset.done $0x0  }
0x11c: {  	s31 =	sadd.s32 $0x2E, s4;
	v2 =	vmov s13;
	[sflag:s9] =	ssyncadd.s32 $0xFFFFFFD8  }
0x11d: {  	v1 =	vmov s31;
	v2 =	vand.u32 $0xFFFFFFFC, v2;
	_ =	swait.ge [sflag:s9], $0x1400  }
0x11e: {  	v1 =	vand.u32 $0xFFFFFFFE, v1;
	v2 =	vbroadcast v2, $0x0;
	[sflag:s9] =	ssyncset.done $0x0  }
0x11f: {  	s31 =	simm.s32 $0x1A680;
	v1 =	vbroadcast v1, $0x0;
	[sflag:s9] =	ssyncadd.s32 $0xFFFFEC00  }
0x120: {  	v3 =	vld [tilespmem:s31+$0x70]  }
0x121: {  	v5 =	vld [tilespmem:s31+$0xFFFFFF00]  }
0x122: {  	s14 =	sadd.s32 $0x2D, s4;
	v6 =	vld [tilespmem:s31+$0xFFFFFF10]  }
0x123: {  	v4 =	vmov s14;
	v7 =	vld [tilespmem:s31+$0xFFFFFF20]  }
0x124: {  	v4 =	vand.u32 $0xFFFFFFFD, v4;
	v2 =	vld.idx.msk [tilespmem:v2+s7+$0x0], $0xffff  }
0x125: {  	v4 =	vbroadcast v4, $0x0;
	v1 =	vld.idx.msk [tilespmem:v1+s7+$0x0], $0xffff  }
0x126: {  	v8 =	vld [tilespmem:s31+$0xFFFFFF30]  }
0x127: {  	v9 =	vld [tilespmem:s31+$0xFFFFFF40]  }
0x128: {  	v10 =	vld [tilespmem:s31+$0xFFFFFF50]  }
0x129: {  	v11 =	vld [tilespmem:s31+$0xFFFFFF60];
	v5 =	vmul.f32 v5, v2  }
0x12a: {  	v13 =	vld [tilespmem:s31+$0xFFFFFFD0];
	v3 =	vmul.f32 v3, v1  }
0x12b: {  	v4 =	vld.idx.msk [tilespmem:v4+s7+$0x0], $0xffff;
	[tilespmem:s31+$0xFFFFFF00] =	vst v5;
	v5 =	vmul.f32 v6, v2  }
0x12c: {  	v6 =	vld [tilespmem:s31+$0xFFFFFF70];
	[tilespmem:s31+$0x70] =	vst v3;
	v3 =	vmul.f32 v7, v2  }
0x12d: {  	s15 =	sadd.s32 $0x2F, s4;
	v7 =	vld [tilespmem:s31+$0xFFFFFF80];
	[tilespmem:s31+$0xFFFFFF10] =	vst v5;
	v5 =	vmul.f32 v8, v2  }
0x12e: {  	v12 =	vmov s15;
	v8 =	vld [tilespmem:s31+$0xFFFFFF90];
	[tilespmem:s31+$0xFFFFFF20] =	vst v3;
	v3 =	vmul.f32 v9, v2  }
0x12f: {  	v9 =	vld [tilespmem:s31+$0xFFFFFFA0];
	[tilespmem:s31+$0xFFFFFF30] =	vst v5;
	v5 =	vmul.f32 v10, v2  }
0x130: {  	v10 =	vld [tilespmem:s31+$0xFFFFFFB0];
	[tilespmem:s31+$0xFFFFFF40] =	vst v3;
	v3 =	vmul.f32 v11, v2  }
0x131: {  	v11 =	vld [tilespmem:s31+$0xFFFFFFC0];
	v6 =	vmul.f32 v6, v2;
	[tilespmem:s31+$0xFFFFFF50] =	vst v5  }
0x132: {  	v14 =	vld [tilespmem:s31+$0xFFFFFFE0];
	v5 =	vmul.f32 v7, v4;
	[tilespmem:s31+$0xFFFFFF60] =	vst v3  }
0x133: {  	v2 =	vld.idx.msk [tilespmem:v12+s7+$0x0], $0xffff;
	v3 =	vmul.f32 v8, v4;
	[tilespmem:s31+$0xFFFFFF70] =	vst v6  }
0x134: {  	v8 =	vld [tilespmem:s31+$0xFFFFFFF0];
	[tilespmem:s31+$0xFFFFFF80] =	vst v5;
	v5 =	vmul.f32 v9, v4  }
0x135: {  	v7 =	vld [tilespmem:s31+$0x0];
	[tilespmem:s31+$0xFFFFFF90] =	vst v3;
	v3 =	vmul.f32 v10, v4  }
0x136: {  	v6 =	vld [tilespmem:s31+$0x10];
	v9 =	vmul.f32 v11, v4;
	[tilespmem:s31+$0xFFFFFFA0] =	vst v5  }
0x137: {  	v10 =	vmul.f32 v13, v4;
	v5 =	vld [tilespmem:s31+$0x20];
	[tilespmem:s31+$0xFFFFFFB0] =	vst v3  }
0x138: {  	[tilespmem:s31+$0xFFFFFFC0] =	vst v9;
	v3 =	vld [tilespmem:s31+$0x30];
	v9 =	vmul.f32 v14, v4  }
0x139: {  	s1 =	simm.s32 $0x0;
	s15 =	simm.s32 $0x1A680;
	[tilespmem:s31+$0xFFFFFFD0] =	vst v10;
	v8 =	vmul.f32 v8, v4;
	v4 =	vld [tilespmem:s31+$0x40]  }
.LBB2_7:
0x13a: {  	s4 =	sadd.s32 s1, s10;
	s1 =	sadd.s32 $0x4, s1;
	[tilespmem:s31+$0xFFFFFFE0] =	vst v9;
	v7 =	vmul.f32 v7, v1;
	v9 =	vld [tilespmem:s31+$0x50]  }
0x13b: {  	s11 =	sadd.s32 $0x2C, s4;
	s13 =	sadd.s32 $0x2E, s4;
	p1 =	slt.u32 s1, $0x24;
	[tilespmem:s31+$0xFFFFFFF0] =	vst v8;
	v6 =	vmul.f32 v6, v1;
	v8 =	vld [tilespmem:s31+$0x60]  }
0x13c: {  	v10 =	vmov s11;
	s11 =	sadd.s32 $0x2D, s4;
	v11 =	vmov s13;
	s4 =	sadd.s32 $0x2F, s4;
	[tilespmem:s31+$0x0] =	vst v7;
	v5 =	vmul.f32 v5, v1;
	v7 =	vld [tilespmem:s31+$0x80]  }
0x13d: {  	v10 =	vand.u32 $0xFFFFFFFC, v10;
	v12 =	vmov s11;
	v11 =	vand.u32 $0xFFFFFFFE, v11;
	[tilespmem:s31+$0x10] =	vst v6;
	v6 =	vld [tilespmem:s31+$0x90]  }
0x13e: {  	v10 =	vbroadcast v10, $0x0;
	v12 =	vand.u32 $0xFFFFFFFD, v12;
	v11 =	vbroadcast v11, $0x0;
	[tilespmem:s31+$0x20] =	vst v5;
	v5 =	vld [tilespmem:s31+$0xA0]  }
0x13f: {  	v13 =	vmov s4;
	v3 =	vmul.f32 v3, v1;
	v12 =	vbroadcast v12, $0x0;
	v14 =	vld [tilespmem:s31+$0xB0]  }
0x140: {  	v4 =	vmul.f32 v4, v1;
	v9 =	vmul.f32 v9, v1;
	v15 =	vld [tilespmem:s31+$0xC0]  }
0x141: {  	[tilespmem:s31+$0x30] =	vst v3;
	v3 =	vmul.f32 v8, v1;
	v7 =	vmul.f32 v7, v2;
	v8 =	vld [tilespmem:s31+$0xD0]  }
0x142: {  	[tilespmem:s31+$0x40] =	vst v4;
	v4 =	vmul.f32 v6, v2;
	v6 =	vld [tilespmem:s31+$0xE0]  }
0x143: {  	[tilespmem:s31+$0x50] =	vst v9;
	v5 =	vmul.f32 v5, v2;
	v9 =	vld [tilespmem:s31+$0xF0]  }
0x144: {  	s31 =	sadd.s32 $0x200, s31;
	v1 =	vld.idx.msk [tilespmem:v11+s7+$0x0], $0xffff;
	[tilespmem:s15+$0x60] =	vst v3;
	v3 =	vmul.f32 v14, v2  }
0x145: {  	v11 =	vld [tilespmem:s31+$0x70];
	[tilespmem:s15+$0x80] =	vst v7;
	v7 =	vmul.f32 v15, v2  }
0x146: {  	v10 =	vld.idx.msk [tilespmem:v10+s7+$0x0], $0xffff;
	[tilespmem:s15+$0x90] =	vst v4;
	v4 =	vmul.f32 v8, v2  }
0x147: {  	v8 =	vld.idx.msk [tilespmem:v12+s7+$0x0], $0xffff;
	[tilespmem:s15+$0xA0] =	vst v5;
	v5 =	vmul.f32 v6, v2  }
0x148: {  	[tilespmem:s15+$0xB0] =	vst v3;
	v3 =	vmul.f32 v9, v2;
	v2 =	vld.idx.msk [tilespmem:v13+s7+$0x0], $0xffff  }
0x149: {  	v6 =	vld [tilespmem:s31+$0xFFFFFF00];
	[tilespmem:s15+$0xC0] =	vst v7  }
0x14a: {  	v7 =	vld [tilespmem:s31+$0xFFFFFF10];
	v9 =	vmul.f32 v11, v1;
	[tilespmem:s15+$0xD0] =	vst v4  }
0x14b: {  	v4 =	vld [tilespmem:s31+$0xFFFFFF20];
	[tilespmem:s15+$0xE0] =	vst v5  }
0x14c: {  	v5 =	vld [tilespmem:s31+$0xFFFFFF30];
	[tilespmem:s31+$0x70] =	vst v9  }
0x14d: {  	v9 =	vld [tilespmem:s31+$0xFFFFFF40];
	[tilespmem:s15+$0xF0] =	vst v3;
	s15 =	smov.u32 s31  }
0x14e: {  	v3 =	vmul.f32 v6, v10;
	v6 =	vld [tilespmem:s31+$0xFFFFFF50]  }
0x14f: {  	v7 =	vmul.f32 v7, v10;
	v11 =	vld [tilespmem:s31+$0xFFFFFF60]  }
0x150: {  	[tilespmem:s31+$0xFFFFFF00] =	vst v3;
	v3 =	vmul.f32 v4, v10;
	v4 =	vld [tilespmem:s31+$0xFFFFFF70]  }
0x151: {  	[tilespmem:s31+$0xFFFFFF10] =	vst v7;
	v5 =	vmul.f32 v5, v10;
	v7 =	vld [tilespmem:s31+$0xFFFFFF80]  }
0x152: {  	[tilespmem:s31+$0xFFFFFF20] =	vst v3;
	v3 =	vmul.f32 v9, v10;
	v9 =	vld [tilespmem:s31+$0xFFFFFF90]  }
0x153: {  	[tilespmem:s31+$0xFFFFFF30] =	vst v5;
	v5 =	vmul.f32 v6, v10;
	v6 =	vld [tilespmem:s31+$0xFFFFFFA0]  }
0x154: {  	[tilespmem:s31+$0xFFFFFF40] =	vst v3;
	v3 =	vmul.f32 v11, v10;
	v11 =	vld [tilespmem:s31+$0xFFFFFFB0]  }
0x155: {  	[tilespmem:s31+$0xFFFFFF50] =	vst v5;
	v4 =	vmul.f32 v4, v10;
	v5 =	vld [tilespmem:s31+$0xFFFFFFC0]  }
0x156: {  	[tilespmem:s31+$0xFFFFFF60] =	vst v3;
	v3 =	vmul.f32 v7, v8;
	v10 =	vld [tilespmem:s31+$0xFFFFFFD0]  }
0x157: {  	[tilespmem:s31+$0xFFFFFF70] =	vst v4;
	v4 =	vmul.f32 v9, v8;
	v9 =	vld [tilespmem:s31+$0xFFFFFFE0]  }
0x158: {  	[tilespmem:s31+$0xFFFFFF80] =	vst v3;
	v3 =	vmul.f32 v6, v8;
	v12 =	vld [tilespmem:s31+$0xFFFFFFF0]  }
.Ltmp4:
0x159: {  	[tilespmem:s31+$0xFFFFFF90] =	vst v4;
	v4 =	vmul.f32 v11, v8;
	v7 =	vld [tilespmem:s31+$0x0];
	(pc) =	sbr.rel @p1 .LBB2_7-.Ltmp4, $4  }
0x15a: {  	[tilespmem:s31+$0xFFFFFFA0] =	vst v3;
	v3 =	vmul.f32 v5, v8;
	v6 =	vld [tilespmem:s31+$0x10]  }
0x15b: {  	[tilespmem:s31+$0xFFFFFFB0] =	vst v4;
	v4 =	vmul.f32 v10, v8;
	v5 =	vld [tilespmem:s31+$0x20]  }
0x15c: {  	[tilespmem:s31+$0xFFFFFFC0] =	vst v3;
	v9 =	vmul.f32 v9, v8;
	v3 =	vld [tilespmem:s31+$0x30]  }
0x15d: {  	[tilespmem:s31+$0xFFFFFFD0] =	vst v4;
	v8 =	vmul.f32 v12, v8;
	v4 =	vld [tilespmem:s31+$0x40]  }
0x15e: {  	v10 =	vld [tilespmem:s31+$0x50];
	[tilespmem:s31+$0xFFFFFFE0] =	vst v9;
	v7 =	vmul.f32 v7, v1  }
0x15f: {  	v9 =	vld [tilespmem:s31+$0x60];
	[tilespmem:s31+$0xFFFFFFF0] =	vst v8;
	v6 =	vmul.f32 v6, v1  }
0x160: {  	v8 =	vld [tilespmem:s31+$0x80];
	[tilespmem:s31+$0x0] =	vst v7;
	v5 =	vmul.f32 v5, v1  }
0x161: {  	v7 =	vld [tilespmem:s31+$0x90];
	[tilespmem:s31+$0x10] =	vst v6;
	v3 =	vmul.f32 v3, v1  }
0x162: {  	v6 =	vld [tilespmem:s31+$0xA0];
	[tilespmem:s31+$0x20] =	vst v5;
	v4 =	vmul.f32 v4, v1  }
0x163: {  	v5 =	vld [tilespmem:s31+$0xB0];
	v10 =	vmul.f32 v10, v1;
	[tilespmem:s31+$0x30] =	vst v3  }
0x164: {  	v11 =	vld [tilespmem:s31+$0xC0];
	v1 =	vmul.f32 v9, v1;
	[tilespmem:s31+$0x40] =	vst v4  }
0x165: {  	v3 =	vld [tilespmem:s31+$0xD0];
	v4 =	vmul.f32 v8, v2;
	[tilespmem:s31+$0x50] =	vst v10  }
0x166: {  	v8 =	vld [tilespmem:s31+$0xE0];
	v7 =	vmul.f32 v7, v2;
	[tilespmem:s15+$0x60] =	vst v1  }
0x167: {  	v9 =	vld [tilespmem:s31+$0xF0];
	v1 =	vmul.f32 v6, v2;
	[tilespmem:s15+$0x80] =	vst v4  }
0x168: {  	v4 =	vmul.f32 v5, v2;
	[tilespmem:s15+$0x90] =	vst v7  }
0x169: {  	v5 =	vmul.f32 v11, v2;
	[tilespmem:s15+$0xA0] =	vst v1  }
0x16a: {  	v1 =	vmul.f32 v3, v2;
	[tilespmem:s15+$0xB0] =	vst v4  }
0x16b: {  	v3 =	vmul.f32 v8, v2;
	[tilespmem:s15+$0xC0] =	vst v5  }
0x16c: {  	v2 =	vmul.f32 v9, v2;
	[tilespmem:s15+$0xD0] =	vst v1  }
0x16d: {  	[tilespmem:s15+$0xE0] =	vst v3  }
0x16e: {  	s1 =	simm.s32 $0x18F80;
	s4 =	simm.s32 $0x1A580;
	[tilespmem:s15+$0xF0] =	vst v2  }
0x16f: {  	[spmem:s3] =	stream.indirect.scatter.add.f32 [tilespmem:s4], [sflag:$0x7], $0x80, s1, s12, $0xb8;
	[tilespmem:$0x1F580] =	vst v63  }
0x170: {  	s1 =	simm.s32 @!p0 $0x7  }
0x171: {  	s4 =	sshrl.u32 @!p0 s29, $0x3;
	_ =	swait.ge @!p0 [sflag:s1], $0x1400  }
0x172: {  	s11 =	simm.s32 @!p0 $0x18F80;
	s31 =	sadd.s32 @!p0 s0, s4;
	[sflag:s1] =	ssyncset.done @!p0 $0x0  }
0x173: {  	s4 =	simm.s32 @!p0 $0x0;
	[sflag:s1] =	ssyncadd.s32 @!p0 $0xFFFFEC00;
	s1 =	sadd.s32 @!p0 $0x1E, s31  }
0x174: {  	[tilespmem:s11], [sflag:$0x2] =	stream.linear.gather @!p0 [hbm4b:s1+s4], $0x28, $0x38;
	[tilespmem:$0x1F580] =	vst v63  }
0x175: {  	s13 =	simm.s32 @!p0 $0x1A580;
	s1 =	sadd.s32 @!p0 $0x140F0, s28;
	s11 =	simm.s32 @!p0 $0x28  }
0x176: {  	[tilespmem:s13], [sflag:$0x2] =	stream.indirect.gather @!p0 [hbm4b:s5+s11], $0x80, s1, s11, $0xb8;
	[tilespmem:$0x1F580] =	vst v63  }
0x177: {  	s4 =	sadd.s32 $0xFFFFFFFC, s10;
	_ =	swait.ge [sflag:s23], $0x28  }
0x178: {  	s14 =	sadd.s32 $0x56, s4;
	[sflag:s23] =	ssyncset.done $0x0  }
0x179: {  	v1 =	vmov s14;
	s11 =	sadd.s32 $0x54, s4;
	[sflag:s23] =	ssyncadd.s32 $0xFFFFFFD8  }
0x17a: {  	v1 =	vand.u32 $0xFFFFFFFE, v1;
	v2 =	vmov s11;
	_ =	swait.ge [sflag:s23], $0x1400  }
0x17b: {  	v1 =	vbroadcast v1, $0x0;
	v2 =	vand.u32 $0xFFFFFFFC, v2;
	[sflag:s23] =	ssyncset.done $0x0  }
0x17c: {  	s15 =	simm.s32 $0x1BA80;
	v2 =	vbroadcast v2, $0x0;
	[sflag:s23] =	ssyncadd.s32 $0xFFFFEC00  }
0x17d: {  	v3 =	vld [tilespmem:s15+$0x70]  }
0x17e: {  	v5 =	vld [tilespmem:s15+$0xFFFFFF00]  }
0x17f: {  	s13 =	sadd.s32 $0x55, s4;
	v6 =	vld [tilespmem:s15+$0xFFFFFF10]  }
0x180: {  	v4 =	vmov s13;
	v7 =	vld [tilespmem:s15+$0xFFFFFF20]  }
0x181: {  	v4 =	vand.u32 $0xFFFFFFFD, v4;
	v1 =	vld.idx.msk [tilespmem:v1+s7+$0x0], $0xffff  }
0x182: {  	v4 =	vbroadcast v4, $0x0;
	v2 =	vld.idx.msk [tilespmem:v2+s7+$0x0], $0xffff  }
0x183: {  	v8 =	vld [tilespmem:s15+$0xFFFFFF30]  }
0x184: {  	v9 =	vld [tilespmem:s15+$0xFFFFFF40]  }
0x185: {  	v10 =	vld [tilespmem:s15+$0xFFFFFF50]  }
0x186: {  	v11 =	vld [tilespmem:s15+$0xFFFFFF60];
	v3 =	vmul.f32 v3, v1  }
0x187: {  	v13 =	vld [tilespmem:s15+$0xFFFFFFD0];
	v5 =	vmul.f32 v5, v2  }
0x188: {  	v4 =	vld.idx.msk [tilespmem:v4+s7+$0x0], $0xffff;
	[tilespmem:s15+$0x70] =	vst v3;
	v3 =	vmul.f32 v7, v2  }
0x189: {  	[tilespmem:s15+$0xFFFFFF00] =	vst v5;
	v5 =	vmul.f32 v6, v2;
	v6 =	vld [tilespmem:s15+$0xFFFFFF70]  }
0x18a: {  	s14 =	sadd.s32 $0x57, s4;
	v7 =	vld [tilespmem:s15+$0xFFFFFF80];
	[tilespmem:s15+$0xFFFFFF20] =	vst v3;
	v3 =	vmul.f32 v9, v2  }
0x18b: {  	v12 =	vmov s14;
	[tilespmem:s15+$0xFFFFFF10] =	vst v5;
	v5 =	vmul.f32 v8, v2;
	v8 =	vld [tilespmem:s15+$0xFFFFFF90]  }
0x18c: {  	v9 =	vld [tilespmem:s15+$0xFFFFFFA0];
	[tilespmem:s15+$0xFFFFFF40] =	vst v3;
	v3 =	vmul.f32 v11, v2  }
0x18d: {  	v11 =	vld [tilespmem:s15+$0xFFFFFFC0];
	[tilespmem:s15+$0xFFFFFF30] =	vst v5;
	v5 =	vmul.f32 v10, v2  }
0x18e: {  	v10 =	vld [tilespmem:s15+$0xFFFFFFB0];
	v6 =	vmul.f32 v6, v2;
	[tilespmem:s15+$0xFFFFFF60] =	vst v3  }
0x18f: {  	v14 =	vld [tilespmem:s15+$0xFFFFFFE0];
	[tilespmem:s15+$0xFFFFFF50] =	vst v5;
	v5 =	vmul.f32 v7, v4  }
0x190: {  	v2 =	vld.idx.msk [tilespmem:v12+s7+$0x0], $0xffff;
	v3 =	vmul.f32 v8, v4;
	[tilespmem:s15+$0xFFFFFF70] =	vst v6  }
0x191: {  	v8 =	vld [tilespmem:s15+$0xFFFFFFF0];
	[tilespmem:s15+$0xFFFFFF80] =	vst v5;
	v5 =	vmul.f32 v9, v4  }
0x192: {  	v7 =	vld [tilespmem:s15+$0x0];
	v9 =	vmul.f32 v11, v4;
	[tilespmem:s15+$0xFFFFFF90] =	vst v3  }
0x193: {  	v6 =	vld [tilespmem:s15+$0x10];
	v3 =	vmul.f32 v10, v4;
	[tilespmem:s15+$0xFFFFFFA0] =	vst v5  }
0x194: {  	v10 =	vmul.f32 v13, v4;
	v5 =	vld [tilespmem:s15+$0x20];
	[tilespmem:s15+$0xFFFFFFC0] =	vst v9  }
0x195: {  	v9 =	vmul.f32 v14, v4;
	[tilespmem:s15+$0xFFFFFFB0] =	vst v3;
	v3 =	vld [tilespmem:s15+$0x30]  }
0x196: {  	s4 =	simm.s32 $0x0;
	s1 =	simm.s32 $0x1BA80;
	[tilespmem:s15+$0xFFFFFFD0] =	vst v10;
	v8 =	vmul.f32 v8, v4;
	v4 =	vld [tilespmem:s15+$0x40]  }
.LBB2_9:
0x197: {  	s11 =	sadd.s32 s4, s10;
	s4 =	sadd.s32 $0x4, s4;
	[tilespmem:s15+$0xFFFFFFE0] =	vst v9;
	v7 =	vmul.f32 v7, v1;
	v9 =	vld [tilespmem:s15+$0x50]  }
0x198: {  	s13 =	sadd.s32 $0x54, s11;
	s14 =	sadd.s32 $0x56, s11;
	p1 =	slt.u32 s4, $0x24;
	[tilespmem:s15+$0xFFFFFFF0] =	vst v8;
	v6 =	vmul.f32 v6, v1;
	v8 =	vld [tilespmem:s15+$0x60]  }
0x199: {  	v10 =	vmov s13;
	s13 =	sadd.s32 $0x55, s11;
	v11 =	vmov s14;
	s11 =	sadd.s32 $0x57, s11;
	[tilespmem:s15+$0x0] =	vst v7;
	v5 =	vmul.f32 v5, v1;
	v7 =	vld [tilespmem:s15+$0x80]  }
0x19a: {  	v10 =	vand.u32 $0xFFFFFFFC, v10;
	v12 =	vmov s13;
	v11 =	vand.u32 $0xFFFFFFFE, v11;
	[tilespmem:s15+$0x10] =	vst v6;
	v6 =	vld [tilespmem:s15+$0x90]  }
0x19b: {  	v10 =	vbroadcast v10, $0x0;
	v12 =	vand.u32 $0xFFFFFFFD, v12;
	v11 =	vbroadcast v11, $0x0;
	[tilespmem:s15+$0x20] =	vst v5;
	v5 =	vld [tilespmem:s15+$0xA0]  }
0x19c: {  	v13 =	vmov s11;
	v3 =	vmul.f32 v3, v1;
	v12 =	vbroadcast v12, $0x0;
	v14 =	vld [tilespmem:s15+$0xB0]  }
0x19d: {  	v4 =	vmul.f32 v4, v1;
	v9 =	vmul.f32 v9, v1;
	v15 =	vld [tilespmem:s15+$0xC0]  }
0x19e: {  	[tilespmem:s15+$0x30] =	vst v3;
	v3 =	vmul.f32 v8, v1;
	v7 =	vmul.f32 v7, v2;
	v8 =	vld [tilespmem:s15+$0xD0]  }
0x19f: {  	[tilespmem:s15+$0x40] =	vst v4;
	v4 =	vmul.f32 v6, v2;
	v6 =	vld [tilespmem:s15+$0xE0]  }
0x1a0: {  	[tilespmem:s15+$0x50] =	vst v9;
	v5 =	vmul.f32 v5, v2;
	v9 =	vld [tilespmem:s15+$0xF0]  }
0x1a1: {  	s15 =	sadd.s32 $0x200, s15;
	v1 =	vld.idx.msk [tilespmem:v11+s7+$0x0], $0xffff;
	[tilespmem:s1+$0x60] =	vst v3;
	v3 =	vmul.f32 v14, v2  }
0x1a2: {  	v11 =	vld [tilespmem:s15+$0x70];
	[tilespmem:s1+$0x80] =	vst v7;
	v7 =	vmul.f32 v15, v2  }
0x1a3: {  	v10 =	vld.idx.msk [tilespmem:v10+s7+$0x0], $0xffff;
	[tilespmem:s1+$0x90] =	vst v4;
	v4 =	vmul.f32 v8, v2  }
0x1a4: {  	v8 =	vld.idx.msk [tilespmem:v12+s7+$0x0], $0xffff;
	[tilespmem:s1+$0xA0] =	vst v5;
	v5 =	vmul.f32 v6, v2  }
0x1a5: {  	[tilespmem:s1+$0xB0] =	vst v3;
	v3 =	vmul.f32 v9, v2;
	v2 =	vld.idx.msk [tilespmem:v13+s7+$0x0], $0xffff  }
0x1a6: {  	v6 =	vld [tilespmem:s15+$0xFFFFFF00];
	[tilespmem:s1+$0xC0] =	vst v7  }
0x1a7: {  	v7 =	vld [tilespmem:s15+$0xFFFFFF10];
	v9 =	vmul.f32 v11, v1;
	[tilespmem:s1+$0xD0] =	vst v4  }
0x1a8: {  	v4 =	vld [tilespmem:s15+$0xFFFFFF20];
	[tilespmem:s1+$0xE0] =	vst v5  }
0x1a9: {  	v5 =	vld [tilespmem:s15+$0xFFFFFF30];
	[tilespmem:s15+$0x70] =	vst v9  }
0x1aa: {  	v9 =	vld [tilespmem:s15+$0xFFFFFF40];
	[tilespmem:s1+$0xF0] =	vst v3;
	s1 =	smov.u32 s15  }
0x1ab: {  	v3 =	vmul.f32 v6, v10;
	v6 =	vld [tilespmem:s15+$0xFFFFFF50]  }
0x1ac: {  	v7 =	vmul.f32 v7, v10;
	v11 =	vld [tilespmem:s15+$0xFFFFFF60]  }
0x1ad: {  	[tilespmem:s15+$0xFFFFFF00] =	vst v3;
	v3 =	vmul.f32 v4, v10;
	v4 =	vld [tilespmem:s15+$0xFFFFFF70]  }
0x1ae: {  	[tilespmem:s15+$0xFFFFFF10] =	vst v7;
	v5 =	vmul.f32 v5, v10;
	v7 =	vld [tilespmem:s15+$0xFFFFFF80]  }
0x1af: {  	[tilespmem:s15+$0xFFFFFF20] =	vst v3;
	v3 =	vmul.f32 v9, v10;
	v9 =	vld [tilespmem:s15+$0xFFFFFF90]  }
0x1b0: {  	[tilespmem:s15+$0xFFFFFF30] =	vst v5;
	v5 =	vmul.f32 v6, v10;
	v6 =	vld [tilespmem:s15+$0xFFFFFFA0]  }
0x1b1: {  	[tilespmem:s15+$0xFFFFFF40] =	vst v3;
	v3 =	vmul.f32 v11, v10;
	v11 =	vld [tilespmem:s15+$0xFFFFFFB0]  }
0x1b2: {  	[tilespmem:s15+$0xFFFFFF50] =	vst v5;
	v4 =	vmul.f32 v4, v10;
	v5 =	vld [tilespmem:s15+$0xFFFFFFC0]  }
0x1b3: {  	[tilespmem:s15+$0xFFFFFF60] =	vst v3;
	v3 =	vmul.f32 v7, v8;
	v10 =	vld [tilespmem:s15+$0xFFFFFFD0]  }
0x1b4: {  	[tilespmem:s15+$0xFFFFFF70] =	vst v4;
	v4 =	vmul.f32 v9, v8;
	v9 =	vld [tilespmem:s15+$0xFFFFFFE0]  }
0x1b5: {  	[tilespmem:s15+$0xFFFFFF80] =	vst v3;
	v3 =	vmul.f32 v6, v8;
	v12 =	vld [tilespmem:s15+$0xFFFFFFF0]  }
.Ltmp5:
0x1b6: {  	[tilespmem:s15+$0xFFFFFF90] =	vst v4;
	v4 =	vmul.f32 v11, v8;
	v7 =	vld [tilespmem:s15+$0x0];
	(pc) =	sbr.rel @p1 .LBB2_9-.Ltmp5, $4  }
0x1b7: {  	[tilespmem:s15+$0xFFFFFFA0] =	vst v3;
	v3 =	vmul.f32 v5, v8;
	v6 =	vld [tilespmem:s15+$0x10]  }
0x1b8: {  	[tilespmem:s15+$0xFFFFFFB0] =	vst v4;
	v4 =	vmul.f32 v10, v8;
	v5 =	vld [tilespmem:s15+$0x20]  }
0x1b9: {  	[tilespmem:s15+$0xFFFFFFC0] =	vst v3;
	v9 =	vmul.f32 v9, v8;
	v3 =	vld [tilespmem:s15+$0x30]  }
0x1ba: {  	[tilespmem:s15+$0xFFFFFFD0] =	vst v4;
	v8 =	vmul.f32 v12, v8;
	v4 =	vld [tilespmem:s15+$0x40]  }
0x1bb: {  	v10 =	vld [tilespmem:s15+$0x50];
	[tilespmem:s15+$0xFFFFFFE0] =	vst v9;
	v7 =	vmul.f32 v7, v1  }
0x1bc: {  	v9 =	vld [tilespmem:s15+$0x60];
	[tilespmem:s15+$0xFFFFFFF0] =	vst v8;
	v6 =	vmul.f32 v6, v1  }
0x1bd: {  	v8 =	vld [tilespmem:s15+$0x80];
	[tilespmem:s15+$0x0] =	vst v7;
	v5 =	vmul.f32 v5, v1  }
0x1be: {  	v7 =	vld [tilespmem:s15+$0x90];
	[tilespmem:s15+$0x10] =	vst v6;
	v3 =	vmul.f32 v3, v1  }
0x1bf: {  	v6 =	vld [tilespmem:s15+$0xA0];
	[tilespmem:s15+$0x20] =	vst v5;
	v4 =	vmul.f32 v4, v1  }
0x1c0: {  	v5 =	vld [tilespmem:s15+$0xB0];
	v10 =	vmul.f32 v10, v1;
	[tilespmem:s15+$0x30] =	vst v3  }
0x1c1: {  	v11 =	vld [tilespmem:s15+$0xC0];
	v1 =	vmul.f32 v9, v1;
	[tilespmem:s15+$0x40] =	vst v4  }
0x1c2: {  	v3 =	vld [tilespmem:s15+$0xD0];
	v4 =	vmul.f32 v8, v2;
	[tilespmem:s15+$0x50] =	vst v10  }
0x1c3: {  	v8 =	vld [tilespmem:s15+$0xE0];
	v7 =	vmul.f32 v7, v2;
	[tilespmem:s1+$0x60] =	vst v1  }
0x1c4: {  	v9 =	vld [tilespmem:s15+$0xF0];
	v1 =	vmul.f32 v6, v2;
	[tilespmem:s1+$0x80] =	vst v4  }
0x1c5: {  	v4 =	vmul.f32 v5, v2;
	[tilespmem:s1+$0x90] =	vst v7  }
0x1c6: {  	v5 =	vmul.f32 v11, v2;
	[tilespmem:s1+$0xA0] =	vst v1  }
0x1c7: {  	v1 =	vmul.f32 v3, v2;
	[tilespmem:s1+$0xB0] =	vst v4  }
0x1c8: {  	v3 =	vmul.f32 v8, v2;
	[tilespmem:s1+$0xC0] =	vst v5  }
0x1c9: {  	v2 =	vmul.f32 v9, v2;
	[tilespmem:s1+$0xD0] =	vst v1  }
0x1ca: {  	[tilespmem:s1+$0xE0] =	vst v3  }
0x1cb: {  	s15 =	simm.s32 $0x19000;
	[tilespmem:s1+$0xF0] =	vst v2;
	s1 =	simm.s32 @!p0 $0x8  }
0x1cc: {  	[spmem:s3] =	stream.indirect.scatter.add.f32 [tilespmem:s16], [sflag:$0x8], $0x80, s15, s12, $0xb8;
	[tilespmem:$0x1F580] =	vst v63  }
0x1cd: {  	_ =	swait.ge @!p0 [sflag:s1], $0x1400  }
0x1ce: {  	s4 =	sadd.s32 @!p0 $0x118, s29;
	s11 =	simm.s32 @!p0 $0x19000;
	[sflag:s1] =	ssyncset.done @!p0 $0x0  }
0x1cf: {  	s29 =	sadd.s32 $0xFFFFFFFC, s10;
	[sflag:s1] =	ssyncadd.s32 @!p0 $0xFFFFEC00;
	s1 =	sshrl.u32 @!p0 s4, $0x3  }
0x1d0: {  	s14 =	sadd.s32 $0x7E, s29;
	s4 =	simm.s32 @!p0 $0x0;
	s1 =	sadd.s32 @!p0 s0, s1  }
0x1d1: {  	[tilespmem:s11], [sflag:$0x3] =	stream.linear.gather @!p0 [hbm4b:s1+s4], $0x28, $0x38;
	[tilespmem:$0x1F580] =	vst v63  }
0x1d2: {  	s13 =	simm.s32 @!p0 $0x1B980;
	v1 =	vmov s14;
	s1 =	sadd.s32 @!p0 $0x14118, s28;
	s11 =	simm.s32 @!p0 $0x28  }
0x1d3: {  	v1 =	vand.u32 $0xFFFFFFFE, v1;
	[tilespmem:s13], [sflag:$0x3] =	stream.indirect.gather @!p0 [hbm4b:s5+s11], $0x80, s1, s11, $0xb8;
	[tilespmem:$0x1F580] =	vst v63  }
0x1d4: {  	v1 =	vbroadcast v1, $0x0;
	_ =	swait.ge [sflag:s24], $0x28  }
0x1d5: {  	[sflag:s24] =	ssyncset.done $0x0  }
0x1d6: {  	s13 =	sadd.s32 $0x7C, s29;
	[sflag:s24] =	ssyncadd.s32 $0xFFFFFFD8  }
0x1d7: {  	v2 =	vmov s13;
	_ =	swait.ge [sflag:s24], $0x1400  }
0x1d8: {  	v2 =	vand.u32 $0xFFFFFFFC, v2;
	[sflag:s24] =	ssyncset.done $0x0  }
0x1d9: {  	v2 =	vbroadcast v2, $0x0;
	[sflag:s24] =	ssyncadd.s32 $0xFFFFEC00  }
0x1da: {  	s15 =	simm.s32 $0x1CE80;
	v1 =	vld.idx.msk [tilespmem:v1+s7+$0x0], $0xffff  }
0x1db: {  	s14 =	sadd.s32 $0x7D, s29;
	v3 =	vld [tilespmem:s15+$0x70]  }
0x1dc: {  	v4 =	vmov s14;
	v5 =	vld [tilespmem:s15+$0xFFFFFF00]  }
0x1dd: {  	v4 =	vand.u32 $0xFFFFFFFD, v4;
	v6 =	vld [tilespmem:s15+$0xFFFFFF10]  }
0x1de: {  	v4 =	vbroadcast v4, $0x0;
	v7 =	vld [tilespmem:s15+$0xFFFFFF20]  }
0x1df: {  	v2 =	vld.idx.msk [tilespmem:v2+s7+$0x0], $0xffff  }
0x1e0: {  	v8 =	vld [tilespmem:s15+$0xFFFFFF30]  }
0x1e1: {  	v9 =	vld [tilespmem:s15+$0xFFFFFF40]  }
0x1e2: {  	v10 =	vld [tilespmem:s15+$0xFFFFFF50]  }
0x1e3: {  	v11 =	vld [tilespmem:s15+$0xFFFFFF60];
	v3 =	vmul.f32 v3, v1  }
0x1e4: {  	v4 =	vld.idx.msk [tilespmem:v4+s7+$0x0], $0xffff;
	v5 =	vmul.f32 v5, v2  }
0x1e5: {  	v13 =	vld [tilespmem:s15+$0xFFFFFFD0];
	[tilespmem:s15+$0x70] =	vst v3;
	v3 =	vmul.f32 v7, v2  }
0x1e6: {  	[tilespmem:s15+$0xFFFFFF00] =	vst v5;
	v5 =	vmul.f32 v6, v2;
	v6 =	vld [tilespmem:s15+$0xFFFFFF70]  }
0x1e7: {  	s29 =	sadd.s32 $0x7F, s29;
	v7 =	vld [tilespmem:s15+$0xFFFFFF80];
	[tilespmem:s15+$0xFFFFFF20] =	vst v3;
	v3 =	vmul.f32 v9, v2  }
0x1e8: {  	v12 =	vmov s29;
	[tilespmem:s15+$0xFFFFFF10] =	vst v5;
	v5 =	vmul.f32 v8, v2;
	v8 =	vld [tilespmem:s15+$0xFFFFFF90]  }
0x1e9: {  	v9 =	vld [tilespmem:s15+$0xFFFFFFA0];
	[tilespmem:s15+$0xFFFFFF40] =	vst v3;
	v3 =	vmul.f32 v11, v2  }
0x1ea: {  	v11 =	vld [tilespmem:s15+$0xFFFFFFC0];
	[tilespmem:s15+$0xFFFFFF30] =	vst v5;
	v5 =	vmul.f32 v10, v2  }
0x1eb: {  	v10 =	vld [tilespmem:s15+$0xFFFFFFB0];
	[tilespmem:s15+$0xFFFFFF60] =	vst v3;
	v6 =	vmul.f32 v6, v2  }
0x1ec: {  	v14 =	vld [tilespmem:s15+$0xFFFFFFE0];
	[tilespmem:s15+$0xFFFFFF50] =	vst v5;
	v5 =	vmul.f32 v7, v4  }
0x1ed: {  	v2 =	vld.idx.msk [tilespmem:v12+s7+$0x0], $0xffff;
	v3 =	vmul.f32 v8, v4;
	[tilespmem:s15+$0xFFFFFF70] =	vst v6  }
0x1ee: {  	v8 =	vld [tilespmem:s15+$0xFFFFFFF0];
	[tilespmem:s15+$0xFFFFFF80] =	vst v5;
	v5 =	vmul.f32 v9, v4  }
0x1ef: {  	v7 =	vld [tilespmem:s15+$0x0];
	v9 =	vmul.f32 v11, v4;
	[tilespmem:s15+$0xFFFFFF90] =	vst v3  }
0x1f0: {  	v6 =	vld [tilespmem:s15+$0x10];
	v3 =	vmul.f32 v10, v4;
	[tilespmem:s15+$0xFFFFFFA0] =	vst v5  }
0x1f1: {  	v10 =	vmul.f32 v13, v4;
	v5 =	vld [tilespmem:s15+$0x20];
	[tilespmem:s15+$0xFFFFFFC0] =	vst v9  }
0x1f2: {  	v9 =	vmul.f32 v14, v4;
	[tilespmem:s15+$0xFFFFFFB0] =	vst v3;
	v3 =	vld [tilespmem:s15+$0x30]  }
0x1f3: {  	s4 =	simm.s32 $0x0;
	s1 =	simm.s32 $0x1CE80;
	[tilespmem:s15+$0xFFFFFFD0] =	vst v10;
	v8 =	vmul.f32 v8, v4;
	v4 =	vld [tilespmem:s15+$0x40]  }
.LBB2_11:
0x1f4: {  	s11 =	sadd.s32 s4, s10;
	s4 =	sadd.s32 $0x4, s4;
	[tilespmem:s15+$0xFFFFFFE0] =	vst v9;
	v7 =	vmul.f32 v7, v1;
	v9 =	vld [tilespmem:s15+$0x50]  }
0x1f5: {  	s13 =	sadd.s32 $0x7C, s11;
	s14 =	sadd.s32 $0x7E, s11;
	p1 =	slt.u32 s4, $0x24;
	[tilespmem:s15+$0xFFFFFFF0] =	vst v8;
	v6 =	vmul.f32 v6, v1;
	v8 =	vld [tilespmem:s15+$0x60]  }
0x1f6: {  	v10 =	vmov s13;
	s13 =	sadd.s32 $0x7D, s11;
	v11 =	vmov s14;
	s11 =	sadd.s32 $0x7F, s11;
	[tilespmem:s15+$0x0] =	vst v7;
	v5 =	vmul.f32 v5, v1;
	v7 =	vld [tilespmem:s15+$0x80]  }
0x1f7: {  	v10 =	vand.u32 $0xFFFFFFFC, v10;
	v12 =	vmov s13;
	v11 =	vand.u32 $0xFFFFFFFE, v11;
	[tilespmem:s15+$0x10] =	vst v6;
	v6 =	vld [tilespmem:s15+$0x90]  }
0x1f8: {  	v10 =	vbroadcast v10, $0x0;
	v12 =	vand.u32 $0xFFFFFFFD, v12;
	v11 =	vbroadcast v11, $0x0;
	[tilespmem:s15+$0x20] =	vst v5;
	v5 =	vld [tilespmem:s15+$0xA0]  }
0x1f9: {  	v13 =	vmov s11;
	v3 =	vmul.f32 v3, v1;
	v12 =	vbroadcast v12, $0x0;
	v14 =	vld [tilespmem:s15+$0xB0]  }
0x1fa: {  	v4 =	vmul.f32 v4, v1;
	v9 =	vmul.f32 v9, v1;
	v15 =	vld [tilespmem:s15+$0xC0]  }
0x1fb: {  	[tilespmem:s15+$0x30] =	vst v3;
	v3 =	vmul.f32 v8, v1;
	v7 =	vmul.f32 v7, v2;
	v8 =	vld [tilespmem:s15+$0xD0]  }
0x1fc: {  	[tilespmem:s15+$0x40] =	vst v4;
	v4 =	vmul.f32 v6, v2;
	v6 =	vld [tilespmem:s15+$0xE0]  }
0x1fd: {  	[tilespmem:s15+$0x50] =	vst v9;
	v5 =	vmul.f32 v5, v2;
	v9 =	vld [tilespmem:s15+$0xF0]  }
0x1fe: {  	s15 =	sadd.s32 $0x200, s15;
	v1 =	vld.idx.msk [tilespmem:v11+s7+$0x0], $0xffff;
	[tilespmem:s1+$0x60] =	vst v3;
	v3 =	vmul.f32 v14, v2  }
0x1ff: {  	v11 =	vld [tilespmem:s15+$0x70];
	[tilespmem:s1+$0x80] =	vst v7;
	v7 =	vmul.f32 v15, v2  }
0x200: {  	v10 =	vld.idx.msk [tilespmem:v10+s7+$0x0], $0xffff;
	[tilespmem:s1+$0x90] =	vst v4;
	v4 =	vmul.f32 v8, v2  }
0x201: {  	v8 =	vld.idx.msk [tilespmem:v12+s7+$0x0], $0xffff;
	[tilespmem:s1+$0xA0] =	vst v5;
	v5 =	vmul.f32 v6, v2  }
0x202: {  	[tilespmem:s1+$0xB0] =	vst v3;
	v3 =	vmul.f32 v9, v2;
	v2 =	vld.idx.msk [tilespmem:v13+s7+$0x0], $0xffff  }
0x203: {  	v6 =	vld [tilespmem:s15+$0xFFFFFF00];
	[tilespmem:s1+$0xC0] =	vst v7  }
0x204: {  	v7 =	vld [tilespmem:s15+$0xFFFFFF10];
	v9 =	vmul.f32 v11, v1;
	[tilespmem:s1+$0xD0] =	vst v4  }
0x205: {  	v4 =	vld [tilespmem:s15+$0xFFFFFF20];
	[tilespmem:s1+$0xE0] =	vst v5  }
0x206: {  	v5 =	vld [tilespmem:s15+$0xFFFFFF30];
	[tilespmem:s15+$0x70] =	vst v9  }
0x207: {  	v9 =	vld [tilespmem:s15+$0xFFFFFF40];
	[tilespmem:s1+$0xF0] =	vst v3;
	s1 =	smov.u32 s15  }
0x208: {  	v3 =	vmul.f32 v6, v10;
	v6 =	vld [tilespmem:s15+$0xFFFFFF50]  }
0x209: {  	v7 =	vmul.f32 v7, v10;
	v11 =	vld [tilespmem:s15+$0xFFFFFF60]  }
0x20a: {  	[tilespmem:s15+$0xFFFFFF00] =	vst v3;
	v3 =	vmul.f32 v4, v10;
	v4 =	vld [tilespmem:s15+$0xFFFFFF70]  }
0x20b: {  	[tilespmem:s15+$0xFFFFFF10] =	vst v7;
	v5 =	vmul.f32 v5, v10;
	v7 =	vld [tilespmem:s15+$0xFFFFFF80]  }
0x20c: {  	[tilespmem:s15+$0xFFFFFF20] =	vst v3;
	v3 =	vmul.f32 v9, v10;
	v9 =	vld [tilespmem:s15+$0xFFFFFF90]  }
0x20d: {  	[tilespmem:s15+$0xFFFFFF30] =	vst v5;
	v5 =	vmul.f32 v6, v10;
	v6 =	vld [tilespmem:s15+$0xFFFFFFA0]  }
0x20e: {  	[tilespmem:s15+$0xFFFFFF40] =	vst v3;
	v3 =	vmul.f32 v11, v10;
	v11 =	vld [tilespmem:s15+$0xFFFFFFB0]  }
0x20f: {  	[tilespmem:s15+$0xFFFFFF50] =	vst v5;
	v4 =	vmul.f32 v4, v10;
	v5 =	vld [tilespmem:s15+$0xFFFFFFC0]  }
0x210: {  	[tilespmem:s15+$0xFFFFFF60] =	vst v3;
	v3 =	vmul.f32 v7, v8;
	v10 =	vld [tilespmem:s15+$0xFFFFFFD0]  }
0x211: {  	[tilespmem:s15+$0xFFFFFF70] =	vst v4;
	v4 =	vmul.f32 v9, v8;
	v9 =	vld [tilespmem:s15+$0xFFFFFFE0]  }
0x212: {  	[tilespmem:s15+$0xFFFFFF80] =	vst v3;
	v3 =	vmul.f32 v6, v8;
	v12 =	vld [tilespmem:s15+$0xFFFFFFF0]  }
.Ltmp6:
0x213: {  	[tilespmem:s15+$0xFFFFFF90] =	vst v4;
	v4 =	vmul.f32 v11, v8;
	v7 =	vld [tilespmem:s15+$0x0];
	(pc) =	sbr.rel @p1 .LBB2_11-.Ltmp6, $4  }
0x214: {  	[tilespmem:s15+$0xFFFFFFA0] =	vst v3;
	v3 =	vmul.f32 v5, v8;
	v6 =	vld [tilespmem:s15+$0x10]  }
0x215: {  	[tilespmem:s15+$0xFFFFFFB0] =	vst v4;
	v4 =	vmul.f32 v10, v8;
	v5 =	vld [tilespmem:s15+$0x20]  }
0x216: {  	[tilespmem:s15+$0xFFFFFFC0] =	vst v3;
	v9 =	vmul.f32 v9, v8;
	v3 =	vld [tilespmem:s15+$0x30]  }
0x217: {  	[tilespmem:s15+$0xFFFFFFD0] =	vst v4;
	v8 =	vmul.f32 v12, v8;
	v4 =	vld [tilespmem:s15+$0x40]  }
0x218: {  	v10 =	vld [tilespmem:s15+$0x50];
	[tilespmem:s15+$0xFFFFFFE0] =	vst v9;
	v7 =	vmul.f32 v7, v1  }
0x219: {  	v9 =	vld [tilespmem:s15+$0x60];
	[tilespmem:s15+$0xFFFFFFF0] =	vst v8;
	v6 =	vmul.f32 v6, v1  }
0x21a: {  	v8 =	vld [tilespmem:s15+$0x80];
	[tilespmem:s15+$0x0] =	vst v7;
	v5 =	vmul.f32 v5, v1  }
0x21b: {  	v7 =	vld [tilespmem:s15+$0x90];
	[tilespmem:s15+$0x10] =	vst v6;
	v3 =	vmul.f32 v3, v1  }
0x21c: {  	v6 =	vld [tilespmem:s15+$0xA0];
	[tilespmem:s15+$0x20] =	vst v5;
	v4 =	vmul.f32 v4, v1  }
0x21d: {  	v5 =	vld [tilespmem:s15+$0xB0];
	v10 =	vmul.f32 v10, v1;
	[tilespmem:s15+$0x30] =	vst v3  }
0x21e: {  	v11 =	vld [tilespmem:s15+$0xC0];
	v1 =	vmul.f32 v9, v1;
	[tilespmem:s15+$0x40] =	vst v4  }
0x21f: {  	v3 =	vld [tilespmem:s15+$0xD0];
	v4 =	vmul.f32 v8, v2;
	[tilespmem:s15+$0x50] =	vst v10  }
0x220: {  	v8 =	vld [tilespmem:s15+$0xE0];
	v7 =	vmul.f32 v7, v2;
	[tilespmem:s1+$0x60] =	vst v1  }
0x221: {  	v9 =	vld [tilespmem:s15+$0xF0];
	v1 =	vmul.f32 v6, v2;
	[tilespmem:s1+$0x80] =	vst v4  }
0x222: {  	v4 =	vmul.f32 v5, v2;
	[tilespmem:s1+$0x90] =	vst v7  }
0x223: {  	v5 =	vmul.f32 v11, v2;
	[tilespmem:s1+$0xA0] =	vst v1  }
0x224: {  	v1 =	vmul.f32 v3, v2;
	[tilespmem:s1+$0xB0] =	vst v4  }
0x225: {  	v3 =	vmul.f32 v8, v2;
	[tilespmem:s1+$0xC0] =	vst v5  }
0x226: {  	v2 =	vmul.f32 v9, v2;
	[tilespmem:s1+$0xD0] =	vst v1  }
0x227: {  	[tilespmem:s1+$0xE0] =	vst v3  }
0x228: {  	[tilespmem:s1+$0xF0] =	vst v2;
	s1 =	simm.s32 @!p0 $0x9  }
0x229: {  	[spmem:s3] =	stream.indirect.scatter.add.f32 [tilespmem:s18], [sflag:$0x9], $0x80, s17, s12, $0xb8;
	[tilespmem:$0x1F580] =	vst v63  }
0x22a: {  	_ =	swait.ge @!p0 [sflag:s1], $0x1400  }
0x22b: {  	s4 =	simm.s32 @!p0 $0x0;
	s11 =	simm.s32 @!p0 $0x19080;
	[sflag:s1] =	ssyncset.done @!p0 $0x0  }
0x22c: {  	[sflag:s1] =	ssyncadd.s32 @!p0 $0xFFFFEC00;
	s1 =	sadd.s32 @!p0 $0x28, s31;
	s31 =	sadd.s32 $0xFFFFFFFC, s10  }
0x22d: {  	[tilespmem:s11], [sflag:$0x4] =	stream.linear.gather @!p0 [hbm4b:s1+s4], $0x28, $0x38;
	[tilespmem:$0x1F580] =	vst v63  }
0x22e: {  	s13 =	simm.s32 @!p0 $0x1CD80;
	s14 =	sadd.s32 $0xA6, s31  }
0x22f: {  	s1 =	sadd.s32 @!p0 $0x14140, s28;
	s11 =	simm.s32 @!p0 $0x28;
	s15 =	sadd.s32 $0xA4, s31;
	v1 =	vmov s14  }
0x230: {  	[tilespmem:s13], [sflag:$0x4] =	stream.indirect.gather @!p0 [hbm4b:s5+s11], $0x80, s1, s11, $0xb8;
	v1 =	vand.u32 $0xFFFFFFFE, v1;
	[tilespmem:$0x1F580] =	vst v63  }
0x231: {  	v2 =	vmov s15;
	_ =	swait.ge [sflag:s25], $0x28;
	v1 =	vbroadcast v1, $0x0  }
0x232: {  	v2 =	vand.u32 $0xFFFFFFFC, v2;
	[sflag:s25] =	ssyncset.done $0x0  }
0x233: {  	v2 =	vbroadcast v2, $0x0;
	[sflag:s25] =	ssyncadd.s32 $0xFFFFFFD8  }
0x234: {  	_ =	swait.ge [sflag:s25], $0x1400  }
0x235: {  	[sflag:s25] =	ssyncset.done $0x0  }
0x236: {  	[sflag:s25] =	ssyncadd.s32 $0xFFFFEC00  }
0x237: {  	s15 =	simm.s32 $0x1E280;
	v1 =	vld.idx.msk [tilespmem:v1+s7+$0x0], $0xffff  }
0x238: {  	s29 =	sadd.s32 $0xA5, s31;
	v3 =	vld [tilespmem:s15+$0x70]  }
0x239: {  	v4 =	vmov s29;
	v2 =	vld.idx.msk [tilespmem:v2+s7+$0x0], $0xffff  }
0x23a: {  	v4 =	vand.u32 $0xFFFFFFFD, v4;
	v5 =	vld [tilespmem:s15+$0xFFFFFF00]  }
0x23b: {  	v4 =	vbroadcast v4, $0x0;
	v6 =	vld [tilespmem:s15+$0xFFFFFF10]  }
0x23c: {  	v7 =	vld [tilespmem:s15+$0xFFFFFF20]  }
0x23d: {  	v8 =	vld [tilespmem:s15+$0xFFFFFF30]  }
0x23e: {  	v9 =	vld [tilespmem:s15+$0xFFFFFF40]  }
0x23f: {  	v10 =	vld [tilespmem:s15+$0xFFFFFF50]  }
0x240: {  	v11 =	vld [tilespmem:s15+$0xFFFFFF60];
	v5 =	vmul.f32 v5, v2  }
0x241: {  	v4 =	vld.idx.msk [tilespmem:v4+s7+$0x0], $0xffff;
	v3 =	vmul.f32 v3, v1  }
0x242: {  	v13 =	vld [tilespmem:s15+$0xFFFFFFD0];
	[tilespmem:s15+$0xFFFFFF00] =	vst v5;
	v5 =	vmul.f32 v6, v2  }
0x243: {  	v6 =	vld [tilespmem:s15+$0xFFFFFF70];
	[tilespmem:s15+$0x70] =	vst v3;
	v3 =	vmul.f32 v7, v2  }
0x244: {  	s31 =	sadd.s32 $0xA7, s31;
	v7 =	vld [tilespmem:s15+$0xFFFFFF80];
	[tilespmem:s15+$0xFFFFFF10] =	vst v5;
	v5 =	vmul.f32 v8, v2  }
0x245: {  	v12 =	vmov s31;
	v8 =	vld [tilespmem:s15+$0xFFFFFF90];
	[tilespmem:s15+$0xFFFFFF20] =	vst v3;
	v3 =	vmul.f32 v9, v2  }
0x246: {  	v9 =	vld [tilespmem:s15+$0xFFFFFFA0];
	[tilespmem:s15+$0xFFFFFF30] =	vst v5;
	v5 =	vmul.f32 v10, v2  }
0x247: {  	v10 =	vld [tilespmem:s15+$0xFFFFFFB0];
	[tilespmem:s15+$0xFFFFFF40] =	vst v3;
	v3 =	vmul.f32 v11, v2  }
0x248: {  	v11 =	vld [tilespmem:s15+$0xFFFFFFC0];
	v6 =	vmul.f32 v6, v2;
	[tilespmem:s15+$0xFFFFFF50] =	vst v5  }
0x249: {  	v14 =	vld [tilespmem:s15+$0xFFFFFFE0];
	v5 =	vmul.f32 v7, v4;
	[tilespmem:s15+$0xFFFFFF60] =	vst v3  }
0x24a: {  	v2 =	vld.idx.msk [tilespmem:v12+s7+$0x0], $0xffff;
	v3 =	vmul.f32 v8, v4;
	[tilespmem:s15+$0xFFFFFF70] =	vst v6  }
0x24b: {  	v8 =	vld [tilespmem:s15+$0xFFFFFFF0];
	[tilespmem:s15+$0xFFFFFF80] =	vst v5;
	v5 =	vmul.f32 v9, v4  }
0x24c: {  	v7 =	vld [tilespmem:s15+$0x0];
	[tilespmem:s15+$0xFFFFFF90] =	vst v3;
	v3 =	vmul.f32 v10, v4  }
0x24d: {  	v6 =	vld [tilespmem:s15+$0x10];
	v9 =	vmul.f32 v11, v4;
	[tilespmem:s15+$0xFFFFFFA0] =	vst v5  }
0x24e: {  	v10 =	vmul.f32 v13, v4;
	v5 =	vld [tilespmem:s15+$0x20];
	[tilespmem:s15+$0xFFFFFFB0] =	vst v3  }
0x24f: {  	[tilespmem:s15+$0xFFFFFFC0] =	vst v9;
	v3 =	vld [tilespmem:s15+$0x30];
	v9 =	vmul.f32 v14, v4  }
0x250: {  	s4 =	simm.s32 $0x0;
	s1 =	simm.s32 $0x1E280;
	[tilespmem:s15+$0xFFFFFFD0] =	vst v10;
	v8 =	vmul.f32 v8, v4;
	v4 =	vld [tilespmem:s15+$0x40]  }
.LBB2_13:
0x251: {  	s11 =	sadd.s32 s4, s10;
	s4 =	sadd.s32 $0x4, s4;
	[tilespmem:s15+$0xFFFFFFE0] =	vst v9;
	v7 =	vmul.f32 v7, v1;
	v9 =	vld [tilespmem:s15+$0x50]  }
0x252: {  	s13 =	sadd.s32 $0xA4, s11;
	s14 =	sadd.s32 $0xA6, s11;
	p1 =	slt.u32 s4, $0x24;
	[tilespmem:s15+$0xFFFFFFF0] =	vst v8;
	v6 =	vmul.f32 v6, v1;
	v8 =	vld [tilespmem:s15+$0x60]  }
0x253: {  	v10 =	vmov s13;
	s13 =	sadd.s32 $0xA5, s11;
	v11 =	vmov s14;
	s11 =	sadd.s32 $0xA7, s11;
	[tilespmem:s15+$0x0] =	vst v7;
	v5 =	vmul.f32 v5, v1;
	v7 =	vld [tilespmem:s15+$0x80]  }
0x254: {  	v10 =	vand.u32 $0xFFFFFFFC, v10;
	v12 =	vmov s13;
	v11 =	vand.u32 $0xFFFFFFFE, v11;
	[tilespmem:s15+$0x10] =	vst v6;
	v6 =	vld [tilespmem:s15+$0x90]  }
0x255: {  	v10 =	vbroadcast v10, $0x0;
	v12 =	vand.u32 $0xFFFFFFFD, v12;
	v11 =	vbroadcast v11, $0x0;
	[tilespmem:s15+$0x20] =	vst v5;
	v5 =	vld [tilespmem:s15+$0xA0]  }
0x256: {  	v13 =	vmov s11;
	v3 =	vmul.f32 v3, v1;
	v12 =	vbroadcast v12, $0x0;
	v14 =	vld [tilespmem:s15+$0xB0]  }
0x257: {  	v4 =	vmul.f32 v4, v1;
	v9 =	vmul.f32 v9, v1;
	v15 =	vld [tilespmem:s15+$0xC0]  }
0x258: {  	[tilespmem:s15+$0x30] =	vst v3;
	v3 =	vmul.f32 v8, v1;
	v7 =	vmul.f32 v7, v2;
	v8 =	vld [tilespmem:s15+$0xD0]  }
0x259: {  	[tilespmem:s15+$0x40] =	vst v4;
	v4 =	vmul.f32 v6, v2;
	v6 =	vld [tilespmem:s15+$0xE0]  }
0x25a: {  	[tilespmem:s15+$0x50] =	vst v9;
	v5 =	vmul.f32 v5, v2;
	v9 =	vld [tilespmem:s15+$0xF0]  }
0x25b: {  	s15 =	sadd.s32 $0x200, s15;
	v1 =	vld.idx.msk [tilespmem:v11+s7+$0x0], $0xffff;
	[tilespmem:s1+$0x60] =	vst v3;
	v3 =	vmul.f32 v14, v2  }
0x25c: {  	v11 =	vld [tilespmem:s15+$0x70];
	[tilespmem:s1+$0x80] =	vst v7;
	v7 =	vmul.f32 v15, v2  }
0x25d: {  	v10 =	vld.idx.msk [tilespmem:v10+s7+$0x0], $0xffff;
	[tilespmem:s1+$0x90] =	vst v4;
	v4 =	vmul.f32 v8, v2  }
0x25e: {  	v8 =	vld.idx.msk [tilespmem:v12+s7+$0x0], $0xffff;
	[tilespmem:s1+$0xA0] =	vst v5;
	v5 =	vmul.f32 v6, v2  }
0x25f: {  	[tilespmem:s1+$0xB0] =	vst v3;
	v3 =	vmul.f32 v9, v2;
	v2 =	vld.idx.msk [tilespmem:v13+s7+$0x0], $0xffff  }
0x260: {  	v6 =	vld [tilespmem:s15+$0xFFFFFF00];
	[tilespmem:s1+$0xC0] =	vst v7  }
0x261: {  	v7 =	vld [tilespmem:s15+$0xFFFFFF10];
	v9 =	vmul.f32 v11, v1;
	[tilespmem:s1+$0xD0] =	vst v4  }
0x262: {  	v4 =	vld [tilespmem:s15+$0xFFFFFF20];
	[tilespmem:s1+$0xE0] =	vst v5  }
0x263: {  	v5 =	vld [tilespmem:s15+$0xFFFFFF30];
	[tilespmem:s15+$0x70] =	vst v9  }
0x264: {  	v9 =	vld [tilespmem:s15+$0xFFFFFF40];
	[tilespmem:s1+$0xF0] =	vst v3;
	s1 =	smov.u32 s15  }
0x265: {  	v3 =	vmul.f32 v6, v10;
	v6 =	vld [tilespmem:s15+$0xFFFFFF50]  }
0x266: {  	v7 =	vmul.f32 v7, v10;
	v11 =	vld [tilespmem:s15+$0xFFFFFF60]  }
0x267: {  	[tilespmem:s15+$0xFFFFFF00] =	vst v3;
	v3 =	vmul.f32 v4, v10;
	v4 =	vld [tilespmem:s15+$0xFFFFFF70]  }
0x268: {  	[tilespmem:s15+$0xFFFFFF10] =	vst v7;
	v5 =	vmul.f32 v5, v10;
	v7 =	vld [tilespmem:s15+$0xFFFFFF80]  }
0x269: {  	[tilespmem:s15+$0xFFFFFF20] =	vst v3;
	v3 =	vmul.f32 v9, v10;
	v9 =	vld [tilespmem:s15+$0xFFFFFF90]  }
0x26a: {  	[tilespmem:s15+$0xFFFFFF30] =	vst v5;
	v5 =	vmul.f32 v6, v10;
	v6 =	vld [tilespmem:s15+$0xFFFFFFA0]  }
0x26b: {  	[tilespmem:s15+$0xFFFFFF40] =	vst v3;
	v3 =	vmul.f32 v11, v10;
	v11 =	vld [tilespmem:s15+$0xFFFFFFB0]  }
0x26c: {  	[tilespmem:s15+$0xFFFFFF50] =	vst v5;
	v4 =	vmul.f32 v4, v10;
	v5 =	vld [tilespmem:s15+$0xFFFFFFC0]  }
0x26d: {  	[tilespmem:s15+$0xFFFFFF60] =	vst v3;
	v3 =	vmul.f32 v7, v8;
	v10 =	vld [tilespmem:s15+$0xFFFFFFD0]  }
0x26e: {  	[tilespmem:s15+$0xFFFFFF70] =	vst v4;
	v4 =	vmul.f32 v9, v8;
	v9 =	vld [tilespmem:s15+$0xFFFFFFE0]  }
0x26f: {  	[tilespmem:s15+$0xFFFFFF80] =	vst v3;
	v3 =	vmul.f32 v6, v8;
	v12 =	vld [tilespmem:s15+$0xFFFFFFF0]  }
.Ltmp7:
0x270: {  	[tilespmem:s15+$0xFFFFFF90] =	vst v4;
	v4 =	vmul.f32 v11, v8;
	v7 =	vld [tilespmem:s15+$0x0];
	(pc) =	sbr.rel @p1 .LBB2_13-.Ltmp7, $4  }
0x271: {  	[tilespmem:s15+$0xFFFFFFA0] =	vst v3;
	v3 =	vmul.f32 v5, v8;
	v6 =	vld [tilespmem:s15+$0x10]  }
0x272: {  	[tilespmem:s15+$0xFFFFFFB0] =	vst v4;
	v4 =	vmul.f32 v10, v8;
	v5 =	vld [tilespmem:s15+$0x20]  }
0x273: {  	[tilespmem:s15+$0xFFFFFFC0] =	vst v3;
	v9 =	vmul.f32 v9, v8;
	v3 =	vld [tilespmem:s15+$0x30]  }
0x274: {  	[tilespmem:s15+$0xFFFFFFD0] =	vst v4;
	v8 =	vmul.f32 v12, v8;
	v4 =	vld [tilespmem:s15+$0x40]  }
0x275: {  	v10 =	vld [tilespmem:s15+$0x50]  }
0x276: {  	[tilespmem:s15+$0xFFFFFFE0] =	vst v9;
	v7 =	vmul.f32 v7, v1;
	v54 =	vld [tilespmem:s15+$0x60]  }
0x277: {  	v55 =	vld [tilespmem:s15+$0x80];
	[tilespmem:s15+$0xFFFFFFF0] =	vst v8;
	v6 =	vmul.f32 v6, v1  }
0x278: {  	v56 =	vld [tilespmem:s15+$0x90];
	[tilespmem:s15+$0x0] =	vst v7;
	v5 =	vmul.f32 v5, v1  }
0x279: {  	v57 =	vld [tilespmem:s15+$0xA0];
	[tilespmem:s15+$0x10] =	vst v6;
	v3 =	vmul.f32 v3, v1  }
0x27a: {  	v58 =	vld [tilespmem:s15+$0xB0];
	[tilespmem:s15+$0x20] =	vst v5;
	v4 =	vmul.f32 v4, v1  }
0x27b: {  	v11 =	vld [tilespmem:s15+$0xC0];
	v10 =	vmul.f32 v10, v1;
	[tilespmem:s15+$0x30] =	vst v3  }
0x27c: {  	v60 =	vld [tilespmem:s15+$0xE0];
	v59 =	vmul.f32 v55, v2;
	[tilespmem:s15+$0x40] =	vst v4  }
0x27d: {  	v3 =	vld [tilespmem:s15+$0xD0];
	v7 =	vmul.f32 v56, v2;
	[tilespmem:s15+$0x50] =	vst v10  }
0x27e: {  	v61 =	vld [tilespmem:s15+$0xF0];
	v1 =	vmul.f32 v54, v1;
	[tilespmem:s1+$0x80] =	vst v59  }
0x27f: {  	v62 =	vmul.f32 v58, v2;
	[tilespmem:s1+$0x90] =	vst v7  }
0x280: {  	[tilespmem:s1+$0x60] =	vst v1;
	v1 =	vmul.f32 v57, v2  }
0x281: {  	v63 =	vmul.f32 v11, v2;
	[tilespmem:s1+$0xB0] =	vst v62  }
0x282: {  	[tilespmem:s1+$0xA0] =	vst v1;
	v1 =	vmul.f32 v3, v2  }
.Ltmp8:
0x283: {  	[tilespmem:s1+$0xC0] =	vst v63;
	v3 =	vmul.f32 v60, v2;
	(pc) =	sbr.rel @p0 .LBB2_16-.Ltmp8, $4  }
0x284: {  	v2 =	vmul.f32 v61, v2;
	[tilespmem:s1+$0xD0] =	vst v1  }
0x285: {  	[tilespmem:s1+$0xE0] =	vst v3  }
0x286: {  	[tilespmem:s1+$0xF0] =	vst v2  }
0x287: {  	[spmem:s3] =	stream.indirect.scatter.add.f32 [tilespmem:s20], [sflag:$0xA], $0x80, s19, s12, $0xb8;
	[tilespmem:$0x1F580] =	vst v63  }
0x288: {  	s1 =	sadd.s32 s6, s28  }
0x289: {  	_ =	swait.ge [sflag:s30], $0x1400;
	s1 =	sadd.s32 $0x168, s1  }
.Ltmp9:
0x28a: {  	[sflag:s30] =	ssyncset.done $0x0;
	s1 =	sshrl.u32 s1, $0x3;
	(pc) =	sbr.rel .LBB2_4-.Ltmp9, $4  }
0x28b: {  	s4 =	simm.s32 $0x0;
	[sflag:s30] =	ssyncadd.s32 $0xFFFFEC00;
	s1 =	sadd.s32 s0, s1  }
0x28c: {  	[tilespmem:s19], [sflag:$0x5] =	stream.linear.gather [hbm4b:s1+s4], $0x28, $0x38;
	[tilespmem:$0x1F580] =	vst v63  }
0x28d: {  	s31 =	sadd.s32 $0x14168, s28;
	s26 =	sadd.s32 $0x1, s26;
	s10 =	sadd.s32 $0xC8, s10  }
0x28e: {  	[tilespmem:s20], [sflag:$0x5] =	stream.indirect.gather [hbm4b:s5+s12], $0x80, s31, s12, $0xb8;
	[tilespmem:$0x1F580] =	vst v63  }
.LBB2_17:
0x28f: {  	_ =	sfence.sel $0x180000  }
0x290: {  	[bflag:$0x0] =	sbarrier.arrive $0xFFFF  }
0x291: {  	_ =	strace $0x9000004A  }
0x292: {  	s0 =	stileid.u32;
	[bflag:$0x2] =	sbarrier.arrive $0xFFFF  }
0x293: {  	p0 =	sne.s32 s0, $0x0;
	s0 =	rddreg [dreg:$0x5]  }
0x294: {  	s0 =	sadd.s32 @!p0 $0x100000, s0  }
0x295: {  	[sflag:s0] =	ssyncadd.tile.s32 @!p0 $0x1;
	_ =	shalt  }
.Lfunc_end2:
_tile_overlayer_lowered:
.L_overlay_start_2:
0x296: {  	(tag) =	ssettag $0x2  }
0x297: {  	s0 =	rddreg [dreg:$0x0];
	s2 =	stileid.u32  }
0x298: {  	s1 =	rddreg [dreg:$0x1];
	p0 =	sne.s32 s2, $0x0  }
0x299: {  	s3 =	rddreg [dreg:$0x2];
	[bflag:$0x3] =	sbarrier.arrive $0xFFFF;
	s2 =	simm.s32 @!p0 $0x1C0B  }
0x29a: {  	[timem:s3], [sflag:s2] =	dma.local @!p0 [hbm:s0], s1  }
0x29b: {  	s0 =	simm.s32 @!p0 $0xB  }
0x29c: {  	_ =	swait.ge @!p0 [sflag:s0], s1  }
0x29d: {  	s1 =	ssub.s32 @!p0 $0x0, s1;
	[sflag:s0] =	ssyncset.done @!p0 $0x0  }
0x29e: {  	[sflag:s0] =	ssyncadd.s32 @!p0 s1  }
0x29f: {  	[bflag:$0x3] =	sbarrier.arrive $0xFFFF  }
0x2a0: {  	_ =	shalt  }

// kernel: kernel.14.cloned.1.call-start
scs
__scs_entry_jumppad:
0x0: {  	(pc) =	sbr.rel $0x88, $3  }
0x1: {  	(tag) =	ssettag $0x0;
	lr =	simm.s32 $0x1  }
0x2: {  	[smem:$0x3F98] =	sst lr;
	_ =	strace $0xD0000000  }
0x3: {  	_ = 	snop  }
0x4: {  	_ = 	snop  }
0x5: {  	_ = 	snop  }
0x6: {  	_ = 	snop  }
0x7: {  	_ = 	snop  }
__scs_overlays_trampoline_lowered:
0x8: {  	[smem:$0x3FA7] =	sst s0  }
0x9: {  	[smem:$0x3FA8] =	sst s1  }
0xa: {  	[smem:$0x3FA9] =	sst s2  }
0xb: {  	[smem:$0x3FAA] =	sst s3  }
0xc: {  	[smem:$0x3FAB] =	sst s4  }
0xd: {  	[smem:$0x3FAC] =	sst s5  }
0xe: {  	[smem:$0x3FAD] =	sst s6  }
0xf: {  	[smem:$0x3FAE] =	sst s7  }
0x10: {  	[smem:$0x3FAF] =	sst s8  }
0x11: {  	[smem:$0x3FB0] =	sst s9;
	s0 =	simm.s32 @!p0 $0x0  }
0x12: {  	s1 =	sld [smem:$0x3F96];
	s0 =	simm.s32 @p0 $0x1  }
0x13: {  	[smem:$0x3FB1] =	sst s0;
	s0 =	simm.s32 @!p1 $0x0  }
0x14: {  	s2 =	sld [smem:$0x3F95];
	s0 =	simm.s32 @p1 $0x1  }
0x15: {  	[smem:$0x3FB2] =	sst s0;
	s0 =	simm.s32 @!p2 $0x0  }
0x16: {  	s3 =	sld [smem:$0x3FDB];
	s0 =	simm.s32 @p2 $0x1  }
0x17: {  	s4 =	simm.s32 $0x1BF5;
	[smem:$0x3FB4] =	sst s0  }
0x18: {  	s0 =	sld [smem:$0x3F97];
	_ =	swait.ge [sflag:s4], $0x0  }
0x19: {  	s7 =	sld [smem:$0x3F98]  }
0x1a: {  	s8 =	sadd.s32 $0xFFFFE003, lr  }
0x1b: {  	s9 =	sadd.s32 $0xFFFFFEF7, lr;
	s5 =	simm.s32 $0xFFFFFFFF;
	p2 =	slt.u32 s8, $0xFFFFF086  }
0x1c: {  	p1 =	slt.u32 s9, $0xF7A;
	s5 =	simm.s32 @!p2 $0x0  }
0x1d: {  	s5 =	simm.s32 @p1 $0x1;
	p0 =	seq.s32 s7, s2  }
0x1e: {  	s7 =	smul.u32 @!p0 $0xF7A, s2;
	p2 =	seq.s32 @!p0 s5, $0x0  }
0x1f: {  	s9 =	smul.u32 $0xF7A, s1;
	s8 =	simm.s32 @!p0 $0x1BF5;
	p2 =	por !p2, p0  }
0x20: {  	[sflag:s8] =	ssyncset.s32 @!p0 $0xFFFFF086;
	s6 =	sadd.s32 @!p0 s3, s7;
	s7 =	simm.s32 @!p0 $0x108  }
0x21: {  	s3 =	sadd.s32 s3, s9;
	s6 =	sadd.s32 @!p0 $0x88, s6;
	s7 =	simm.s32 @p2 $0x1082  }
0x22: {  	[simem:s7], [sflag:s8] =	dma.local @!p0 [hbm:s6], $0xF7A  }
0x23: {  	s9 =	sor.u32 $0xD0000000, s2;
	s6 =	simm.s32 $0x108;
	_ =	swait.ge @!p0 [sflag:s8], $0x0  }
0x24: {  	s3 =	sadd.s32 $0x88, s3;
	s6 =	simm.s32 @!p1 $0x1082;
	[sflag:s4] =	ssyncset.s32 $0xFFFFF086  }
0x25: {  	[simem:s6], [sflag:s4] =	dma.local [hbm:s3], $0xF7A  }
0x26: {  	[smem:$0x3F98] =	sst s1;
	(tag) =	ssettag s2;
	_ =	strace s9  }
0x27: {  	s1 =	sld [smem:$0x3FA8]  }
0x28: {  	s2 =	sld [smem:$0x3FA9]  }
0x29: {  	s4 =	sld [smem:$0x3FAB]  }
0x2a: {  	p0 =	seq.s32 s5, $0x0;
	s5 =	sld [smem:$0x3FAC]  }
0x2b: {  	s6 =	sld [smem:$0x3FAD]  }
0x2c: {  	s7 =	sld [smem:$0x3FAE]  }
0x2d: {  	s3 =	simm.s32 $0x108;
	s8 =	sld [smem:$0x3FAF]  }
0x2e: {  	s3 =	simm.s32 @!p0 $0x1082;
	s9 =	sld [smem:$0x3FB0]  }
0x2f: {  	lr =	sadd.s32 s0, s3;
	s0 =	sld [smem:$0x3FA7]  }
0x30: {  	s3 =	sld [smem:$0x3FAA]  }
0x31: {  	[smem:$0x3FB3] =	sst s10  }
0x32: {  	s10 =	sld [smem:$0x3FB1];
	_ =	sdelay $0x3  }
0x33: {  	p0 =	seq.s32 s10, $0x1;
	s10 =	sld [smem:$0x3FB3];
	_ =	sdelay $0x3  }
0x34: {  	[smem:$0x3FB3] =	sst s10  }
0x35: {  	s10 =	sld [smem:$0x3FB2];
	_ =	sdelay $0x3  }
0x36: {  	p1 =	seq.s32 s10, $0x1;
	s10 =	sld [smem:$0x3FB3];
	_ =	sdelay $0x3  }
0x37: {  	[smem:$0x3FB3] =	sst s10  }
0x38: {  	s10 =	sld [smem:$0x3FB4]  }
0x39: {  	_ = 	snop;
	(pc) =	sbr.ind lr, $3  }
0x3a: {  	_ = 	snop  }
0x3b: {  	_ = 	snop  }
0x3c: {  	p2 =	seq.s32 s10, $0x1;
	s10 =	sld [smem:$0x3FB3]  }
0x3d: {  	_ =	shalt  }
0x3e: {  	_ =	shalt  }
0x3f: {  	_ =	shalt  }
0x40: {  	_ =	shalt  }
0x41: {  	_ =	shalt  }
0x42: {  	_ =	shalt  }
0x43: {  	_ =	shalt  }
0x44: {  	_ =	shalt  }
0x45: {  	_ =	shalt  }
0x46: {  	_ =	shalt  }
0x47: {  	_ =	shalt  }
0x48: {  	_ =	shalt  }
0x49: {  	_ =	shalt  }
0x4a: {  	_ =	shalt  }
0x4b: {  	_ =	shalt  }
0x4c: {  	_ =	shalt  }
0x4d: {  	_ =	shalt  }
0x4e: {  	_ =	shalt  }
0x4f: {  	_ =	shalt  }
0x50: {  	_ =	shalt  }
0x51: {  	_ =	shalt  }
0x52: {  	_ =	shalt  }
0x53: {  	_ =	shalt  }
0x54: {  	_ =	shalt  }
0x55: {  	_ =	shalt  }
0x56: {  	_ =	shalt  }
0x57: {  	_ =	shalt  }
0x58: {  	_ =	shalt  }
0x59: {  	_ =	shalt  }
0x5a: {  	_ =	shalt  }
0x5b: {  	_ =	shalt  }
0x5c: {  	_ =	shalt  }
0x5d: {  	_ =	shalt  }
0x5e: {  	_ =	shalt  }
0x5f: {  	_ =	shalt  }
0x60: {  	_ =	shalt  }
0x61: {  	_ =	shalt  }
0x62: {  	_ =	shalt  }
0x63: {  	_ =	shalt  }
0x64: {  	_ =	shalt  }
0x65: {  	_ =	shalt  }
0x66: {  	_ =	shalt  }
0x67: {  	_ =	shalt  }
0x68: {  	_ =	shalt  }
0x69: {  	_ =	shalt  }
0x6a: {  	_ =	shalt  }
0x6b: {  	_ =	shalt  }
0x6c: {  	_ =	shalt  }
0x6d: {  	_ =	shalt  }
0x6e: {  	_ =	shalt  }
0x6f: {  	_ =	shalt  }
0x70: {  	_ =	shalt  }
0x71: {  	_ =	shalt  }
0x72: {  	_ =	shalt  }
0x73: {  	_ =	shalt  }
0x74: {  	_ =	shalt  }
0x75: {  	_ =	shalt  }
0x76: {  	_ =	shalt  }
0x77: {  	_ =	shalt  }
0x78: {  	_ =	shalt  }
0x79: {  	_ =	shalt  }
0x7a: {  	_ =	shalt  }
0x7b: {  	_ =	shalt  }
0x7c: {  	_ =	shalt  }
0x7d: {  	_ =	shalt  }
0x7e: {  	_ =	shalt  }
0x7f: {  	_ =	shalt  }
0x80: {  	_ =	shalt  }
0x81: {  	_ =	shalt  }
0x82: {  	_ =	shalt  }
0x83: {  	_ =	shalt  }
0x84: {  	_ =	shalt  }
0x85: {  	_ =	shalt  }
0x86: {  	_ =	shalt  }
0x87: {  	_ =	shalt  }
.Lfunc_end0:
.L_simem_size_0:
called_computation.2_lowered:
.L_overlay_start_0:
0x88: {  	s2 =	sld [smem:$0x3FD9]  }
0x89: {  	s3 =	sld [smem:$0x3FFE];
	_ =	sdelay $0x1  }
0x8a: {  	s1 =	srdreg.scid  }
0x8b: {  	s0 =	sand.u32 $0x1, s1  }
0x8c: {  	s14 =	sshll.u32 s0, $0xA;
	s2 =	sadd.s32 s3, s2  }
0x8d: {  	s2 =	sadd.s32 s2, s14  }
0x8e: {  	[smem:$0x3FBF] =	sst s2  }
0x8f: {  	_ = 	snop  }
0x90: {  	s2 =	sld [smem:$0x3FD0];
	_ =	sdelay $0x2  }
0x91: {  	s4 =	simm.s32 $0xA;
	s5 =	simm.s32 $0x10;
	s15 =	sld [smem:$0x3FC8]  }
0x92: {  	[smem:s5], [sflag:s4] =	dma.local [hbm:s2], $0x1  }
0x93: {  	_ =	swait.eq [sflag:s4], $0x1  }
0x94: {  	[sflag:s4] =	ssyncset.done $0x0  }
0x95: {  	s16 =	sld [smem:$0x10];
	[sflag:s4] =	ssyncadd.s32 $0xFFFFFFFF  }
0x96: {  	s17 =	sld [smem:$0x11];
	(tm) =	ssettm $0x1  }
0x97: {  	s18 =	sld [smem:$0x3FFB];
	_ =	sdelay $0x3  }
0x98: {  	_ =	strace s18  }
0x99: {  	s5 =	sld [smem:$0x3FFC];
	_ =	sdelay $0x3  }
0x9a: {  	_ =	strace s5  }
0x9b: {  	s5 =	sld [smem:$0x3FFD];
	_ =	sdelay $0x3  }
0x9c: {  	_ =	strace s5  }
0x9d: {  	_ =	strace $0x8FFFFFFF  }
0x9e: {  	s19 =	sld [smem:$0x3FDB];
	_ =	sdelay $0x1  }
0x9f: {  	s6 =	simm.s32 $_scs_section_size  }
0xa0: {  	s7 =	simm.s32 $_size__tile_overlayer_lowered;
	s8 =	simm.s32 $_tile_overlayer_lowered  }
0xa1: {  	s22 =	simm.s32 $0x1BFF;
	s21 =	sshll.u32 s8, $0x1;
	s5 =	sadd.s32 s6, s19  }
0xa2: {  	s9 =	simm.s32 $0x0;
	s20 =	sshll.u32 s7, $0x1;
	s7 =	sadd.s32 s21, s5  }
0xa3: {  	[timem:s9], [sflag:s22] =	dma.local [hbm:s7], s20  }
0xa4: {  	_ =	swait.ge [sflag:s22], s20  }
0xa5: {  	s6 =	ssub.s32 $0x0, s20;
	[sflag:s22] =	ssyncset.done $0x0  }
0xa6: {  	[sflag:s22] =	ssyncadd.s32 s6;
	_ =	sdelay $0x1  }
0xa7: {  	s23 =	simm.s32 $0x1B8B  }
0xa8: {  	_ =	swait.ge [sflag:s23], $0x1  }
0xa9: {  	[sflag:s23] =	ssyncset.done $0x0  }
0xaa: {  	s25 =	simm.s32 $0x1B8E;
	s24 =	sld [smem:$0x3FFE];
	[sflag:s23] =	ssyncadd.s32 $0xFFFFFFFF  }
0xab: {  	s26 =	simm.s32 $execute0_lowered;
	[smem:$0x3FD2] =	sst s25  }
0xac: {  	s7 =	sshll.u32 s26, $0x1;
	_ =	strace $0x8000004C;
	[dreg:$0x1] =	wrdreg $0xFFFFFFFF  }
0xad: {  	s28 =	simm.s32 $_size_execute0_lowered;
	s5 =	sadd.s32 s5, s7;
	[dreg:$0x0] =	wrdreg $0x0  }
0xae: {  	s7 =	sshll.u32 s28, $0x1;
	[dreg:$0x2] =	wrdreg s5  }
0xaf: {  	[dreg:$0x3] =	wrdreg s7  }
0xb0: {  	[dreg:$0x4] =	wrdreg $0xC0  }
0xb1: {  	_ =	task [dreg:s9], $0x5FFFF  }
0xb2: {  	[dreg:$0x1] =	wrdreg $0xFFFFFFFF  }
0xb3: {  	[dreg:$0x0] =	wrdreg $0x60  }
0xb4: {  	[dreg:$0x2] =	wrdreg s16  }
0xb5: {  	[dreg:$0x3] =	wrdreg s17  }
0xb6: {  	[dreg:$0x4] =	wrdreg s15  }
0xb7: {  	[dreg:$0x5] =	wrdreg s24  }
0xb8: {  	[dreg:$0x6] =	wrdreg $0x0  }
0xb9: {  	[dreg:$0x7] =	wrdreg $0x9  }
0xba: {  	_ =	task.clear_ibuf [dreg:s9], $0x8FFFF;
	_ =	strace $0x9000004C  }
0xbb: {  	s29 =	simm.s32 $0x9;
	_ =	strace $0x8000004E  }
0xbc: {  	_ =	swait.ge [sflag:s29], $0x1  }
0xbd: {  	[sflag:s29] =	ssyncadd.s32 $0xFFFFFFFF  }
0xbe: {  	_ =	strace $0x9000004E  }
0xbf: {  	_ =	sfence  }
0xc0: {  	s30 =	sld [smem:$0x0];
	_ =	sdelay $0x2  }
0xc1: {  	s31 =	sshll.u32 s1, $0xD;
	s1 =	sshrl.u32 s1, $0x2  }
0xc2: {  	s3 =	sand.u32 $0x4000, s31;
	s1 =	sadd.s32 s1, s30  }
0xc3: {  	s0 =	sor.u32 s3, s0;
	s1 =	sshll.u32 s1, $0x11  }
0xc4: {  	s0 =	sor.u32 s1, s0  }
0xc5: {  	s0 =	sadd.s32 $0x8F2B, s0  }
0xc6: {  	[sflag:s0] =	ssyncadd.remote.s32 $0x1  }
0xc7: {  	_ =	sfence.sel $0xFFFF  }
0xc8: {  	[dreg:$0x0] =	wrdreg $0xFFFFFFFF;
	(pc) =	sbr.abs _section_cstart, $3  }
0xc9: {  	[dreg:$0x1] =	wrdreg $0xFFFFFFFF  }
0xca: {  	_ =	task.clear_ibuf [dreg:s9], $0x2FFFF;
	_ =	strace $0x9FFFFFFF  }
0xcb: {  	(tm) =	ssettm $0x7FFFFFFF  }
tec
execute0_lowered:
.L_overlay_start_1:
0x0: {  	(tag) =	ssettag $0x1  }
0x1: {  	s1 =	rddreg [dreg:$0x0]  }
0x2: {  	s0 =	rddreg [dreg:$0x1]  }
0x3: {  	s2 =	rddreg [dreg:$0x2]  }
0x4: {  	s4 =	rddreg [dreg:$0x3]  }
0x5: {  	s5 =	srdreg.scid;
	s12 =	stileid.u32  }
0x6: {  	s3 =	rddreg [dreg:$0x4];
	s21 =	simm.s32 $0x0;
	s8 =	smul.u32 $0x14000, s12  }
0x7: {  	s30 =	simm.s32 $0xA;
	s6 =	sand.u32 $0x1, s5;
	s10 =	smul.u32 $0x2710, s12  }
0x8: {  	[smem:$0x7FF] =	sst s21;
	s29 =	smul.u32 $0x50000, s12;
	s22 =	ssub.s32 $0x2, s6  }
0x9: {  	s5 =	sadd.s32 $0x2400, s4;
	s9 =	smul.u32 $0x27100, s6;
	s11 =	sshrl.u32 s22, $0x1  }
0xa: {  	s7 =	smul.u32 $0x140000, s6;
	_ =	strace $0x8000004D;
	s23 =	ssub.s32 s22, s11  }
0xb: {  	s6 =	sadd.s32 s10, s9;
	s11 =	sshrl.u32 s29, $0x2;
	s14 =	smax.u32 s23, $0x1  }
0xc: {  	s24 =	sshrl.u32 s6, $0x3;
	s11 =	sadd.s32 s11, s3;
	[dreg:$0xf] =	wrdreg s14  }
0xd: {  	s7 =	sadd.s32 s8, s7;
	s1 =	sadd.s32 s1, s24;
	[dreg:$0xe] =	wrdreg s11  }
0xe: {  	s9 =	simm.s32 $0x2;
	s25 =	sadd.s32 s2, s24;
	[dreg:$0x6] =	wrdreg s1  }
0xf: {  	s7 =	sshrl.u32 s7, $0x3;
	s8 =	sadd.s32 s0, s24;
	[dreg:$0x7] =	wrdreg s25  }
0x10: {  	s26 =	sadd.s32 $0x28, s6;
	s15 =	sadd.s32 $0x1400, s11;
	[dreg:$0x9] =	wrdreg s8  }
0x11: {  	s28 =	sadd.s32 $0x78, s6;
	s16 =	sadd.s32 $0x2800, s11;
	[dreg:$0x10] =	wrdreg s15  }
0x12: {  	s4 =	sadd.s32 s7, s4;
	s17 =	sadd.s32 $0x3C00, s11;
	[dreg:$0x11] =	wrdreg s16  }
0x13: {  	s31 =	sshrl.u32 s28, $0x3;
	s18 =	sadd.s32 $0x5000, s11;
	[dreg:$0x12] =	wrdreg s17  }
0x14: {  	s19 =	sadd.s32 $0x6400, s11;
	s20 =	sadd.s32 $0x7800, s11;
	[dreg:$0x13] =	wrdreg s18  }
0x15: {  	s21 =	sadd.s32 $0x8C00, s11;
	s22 =	sadd.s32 $0xA000, s11;
	[dreg:$0x14] =	wrdreg s19  }
0x16: {  	s23 =	sadd.s32 $0xB400, s11;
	s24 =	sadd.s32 $0xC800, s11;
	[dreg:$0x15] =	wrdreg s20  }
0x17: {  	s28 =	sadd.s32 $0x10400, s11;
	s29 =	sadd.s32 $0x11800, s11;
	[dreg:$0x16] =	wrdreg s21  }
0x18: {  	s7 =	simm.s32 $0x16780;
	s2 =	simm.s32 $0x1;
	[dreg:$0x17] =	wrdreg s22  }
0x19: {  	s1 =	sshrl.u32 s26, $0x3;
	s10 =	sadd.s32 $0xA, s8;
	[dreg:$0x18] =	wrdreg s23  }
0x1a: {  	s12 =	sadd.s32 $0x14, s8;
	s13 =	sadd.s32 $0x29600, s4;
	[dreg:$0x19] =	wrdreg s24  }
0x1b: {  	s25 =	sadd.s32 $0xDC00, s11;
	s26 =	sadd.s32 $0xF000, s11;
	[dreg:$0x1c] =	wrdreg s28  }
0x1c: {  	[dreg:$0x1d] =	wrdreg s29;
	s8 =	simm.s32 $0x19180;
	s16 =	simm.s32 $0x1B980  }
0x1d: {  	s17 =	simm.s32 $0x19080;
	s18 =	simm.s32 $0x1CD80;
	[dreg:$0xa] =	wrdreg s10  }
0x1e: {  	s19 =	simm.s32 $0x19100;
	s20 =	simm.s32 $0x1E180;
	[dreg:$0xc] =	wrdreg s12  }
0x1f: {  	s21 =	simm.s32 $0x6;
	s22 =	simm.s32 $0x18F00;
	[dreg:$0xd] =	wrdreg s13  }
.Ltmp0:
0x20: {  	s23 =	simm.s32 $0x3;
	[dreg:$0x1a] =	wrdreg s25;
	(pc) =	sbr.rel .LBB2_1-.Ltmp0, $4  }
0x21: {  	s24 =	simm.s32 $0x4;
	s1 =	sadd.s32 s0, s1;
	[dreg:$0x1b] =	wrdreg s26  }
0x22: {  	s13 =	simm.s32 $0x14000;
	[dreg:$0x8] =	wrdreg s1;
	s1 =	sadd.s32 s0, s31  }
0x23: {  	s12 =	simm.s32 $0x28;
	s31 =	sadd.s32 $0x12C00, s11;
	[dreg:$0xb] =	wrdreg s1  }
0x24: {  	v0 =	vimm.f32 $0.0e+00;
	s25 =	simm.s32 $0x5;
	s10 =	simm.s32 $0x0;
	[dreg:$0x1e] =	wrdreg s31  }
.LBB2_16:
0x25: {  	_ =	swait.ge [sflag:s21], $0x1400  }
0x26: {  	[sflag:s21] =	ssyncset.done $0x0  }
0x27: {  	s1 =	simm.s32 $0x7;
	[sflag:s21] =	ssyncadd.s32 $0xFFFFEC00  }
0x28: {  	_ =	swait.ge [sflag:s1], $0x1400  }
0x29: {  	[sflag:s1] =	ssyncset.done $0x0  }
0x2a: {  	s14 =	simm.s32 $0x8;
	[sflag:s1] =	ssyncadd.s32 $0xFFFFEC00  }
0x2b: {  	_ =	swait.ge [sflag:s14], $0x1400  }
0x2c: {  	[sflag:s14] =	ssyncset.done $0x0  }
0x2d: {  	s15 =	simm.s32 $0x9;
	[sflag:s14] =	ssyncadd.s32 $0xFFFFEC00  }
0x2e: {  	_ =	swait.ge [sflag:s15], $0x1400  }
0x2f: {  	[sflag:s15] =	ssyncset.done $0x0  }
0x30: {  	[sflag:s15] =	ssyncadd.s32 $0xFFFFEC00  }
0x31: {  	_ =	swait.ge [sflag:s30], $0x1400  }
0x32: {  	[sflag:s30] =	ssyncset.done $0x0  }
0x33: {  	[sflag:s30] =	ssyncadd.s32 $0xFFFFEC00  }
0x34: {  	s26 =	stileid.u32;
	[bflag:$0x0] =	sbarrier.arrive $0xFFFF  }
0x35: {  	s28 =	simm.s32 $0xB;
	s1 =	sshll.u32 s26, $0x6;
	s11 =	rddreg [dreg:$0xe]  }
0x36: {  	s1 =	sor.u32 $0x1C0B, s1;
	s10 =	rddreg [dreg:$0xd];
	s4 =	sshrl.u32 s11, $0x3  }
0x37: {  	[hbm:s10], [sflag:s1] =	dma.local [spmem:s4], $0x2800  }
0x38: {  	_ =	swait.ge [sflag:s28], $0x2800  }
0x39: {  	s29 =	rddreg [dreg:$0x1f]  }
0x3a: {  	s31 =	rddreg [dreg:$0xf];
	s10 =	sadd.s32 $0x1, s29  }
0x3b: {  	p0 =	sne.s32 s10, s31  }
.Ltmp1:
0x3c: {  	_ = 	snop;
	(pc) =	sbr.rel @!p0 .LBB2_17-.Ltmp1, $3  }
0x3d: {  	_ =	sdelay $0x1  }
0x3e: {  	[sflag:s28] =	ssyncset.done $0x0  }
0x3f: {  	s13 =	simm.s32 $0x14000;
	[sflag:s28] =	ssyncadd.s32 $0xFFFFD800  }
.LBB2_1:
0x40: {  	s1 =	simm.s32 $0x0;
	s4 =	rddreg [dreg:$0x6]  }
0x41: {  	[tilespmem:s13], [sflag:$0x1] =	stream.linear.gather [hbm4b:s4+s1], $0x2710, $0x38;
	[tilespmem:$0x1F580] =	vst v63  }
0x42: {  	s31 =	rddreg [dreg:$0x7]  }
0x43: {  	[tilespmem:s7], [sflag:$0x2] =	stream.linear.gather [hbm4b:s31+s1], $0x2710, $0x38;
	[tilespmem:$0x1F580] =	vst v63  }
0x44: {  	[dreg:$0x1f] =	wrdreg s10;
	s1 =	simm.s32 $0x191C0  }
0x45: {  	[tilespmem:s1+$0xFFFFFFC0] =	vst v0  }
0x46: {  	[tilespmem:s1+$0x30] =	vst v0  }
0x47: {  	[tilespmem:s1+$0x20] =	vst v0  }
0x48: {  	[tilespmem:s1+$0x10] =	vst v0  }
0x49: {  	[tilespmem:s1+$0x0] =	vst v0  }
0x4a: {  	[tilespmem:s1+$0xFFFFFFF0] =	vst v0  }
0x4b: {  	s4 =	simm.s32 $0x0;
	[tilespmem:s1+$0xFFFFFFE0] =	vst v0  }
.LBB2_2:
0x4c: {  	s4 =	sadd.s32 $0x8, s4;
	[tilespmem:s1+$0xFFFFFFD0] =	vst v0;
	s1 =	sadd.s32 $0x80, s1  }
0x4d: {  	[tilespmem:s1+$0xFFFFFFC0] =	vst v0;
	p0 =	slt.u32 s4, $0x138  }
0x4e: {  	[tilespmem:s1+$0x30] =	vst v0  }
.Ltmp2:
0x4f: {  	[tilespmem:s1+$0x20] =	vst v0;
	(pc) =	sbr.rel @p0 .LBB2_2-.Ltmp2, $4  }
0x50: {  	[tilespmem:s1+$0x10] =	vst v0  }
0x51: {  	[tilespmem:s1+$0x0] =	vst v0  }
0x52: {  	[tilespmem:s1+$0xFFFFFFF0] =	vst v0  }
0x53: {  	[tilespmem:s1+$0xFFFFFFE0] =	vst v0  }
0x54: {  	[tilespmem:s1+$0xFFFFFFD0] =	vst v0  }
0x55: {  	[spmem:s11] =	stream.linear.scatter [tilespmem:s8], [sflag:$0x6], $0x1400, $0x38;
	[tilespmem:$0x1F580] =	vst v63  }
0x56: {  	s1 =	rddreg [dreg:$0x10]  }
0x57: {  	[spmem:s1] =	stream.linear.scatter [tilespmem:s8], [sflag:$0x6], $0x1400, $0x38;
	[tilespmem:$0x1F580] =	vst v63  }
0x58: {  	s10 =	rddreg [dreg:$0x11]  }
0x59: {  	[spmem:s10] =	stream.linear.scatter [tilespmem:s8], [sflag:$0x6], $0x1400, $0x38;
	[tilespmem:$0x1F580] =	vst v63  }
0x5a: {  	s11 =	rddreg [dreg:$0x12]  }
0x5b: {  	[spmem:s11] =	stream.linear.scatter [tilespmem:s8], [sflag:$0x6], $0x1400, $0x38;
	[tilespmem:$0x1F580] =	vst v63  }
0x5c: {  	s14 =	rddreg [dreg:$0x13]  }
0x5d: {  	[spmem:s14] =	stream.linear.scatter [tilespmem:s8], [sflag:$0x6], $0x1400, $0x38;
	[tilespmem:$0x1F580] =	vst v63  }
0x5e: {  	s15 =	rddreg [dreg:$0x14]  }
0x5f: {  	[spmem:s15] =	stream.linear.scatter [tilespmem:s8], [sflag:$0x6], $0x1400, $0x38;
	[tilespmem:$0x1F580] =	vst v63  }
0x60: {  	s26 =	rddreg [dreg:$0x15]  }
0x61: {  	[spmem:s26] =	stream.linear.scatter [tilespmem:s8], [sflag:$0x6], $0x1400, $0x38;
	[tilespmem:$0x1F580] =	vst v63  }
0x62: {  	s28 =	rddreg [dreg:$0x16]  }
0x63: {  	[spmem:s28] =	stream.linear.scatter [tilespmem:s8], [sflag:$0x6], $0x1400, $0x38;
	[tilespmem:$0x1F580] =	vst v63  }
0x64: {  	s29 =	rddreg [dreg:$0x17]  }
0x65: {  	[spmem:s29] =	stream.linear.scatter [tilespmem:s8], [sflag:$0x6], $0x1400, $0x38;
	[tilespmem:$0x1F580] =	vst v63  }
0x66: {  	s31 =	rddreg [dreg:$0x18]  }
0x67: {  	[spmem:s31] =	stream.linear.scatter [tilespmem:s8], [sflag:$0x6], $0x1400, $0x38;
	[tilespmem:$0x1F580] =	vst v63  }
0x68: {  	s4 =	rddreg [dreg:$0x19]  }
0x69: {  	[spmem:s4] =	stream.linear.scatter [tilespmem:s8], [sflag:$0x6], $0x1400, $0x38;
	[tilespmem:$0x1F580] =	vst v63  }
0x6a: {  	s10 =	rddreg [dreg:$0x1a]  }
0x6b: {  	[spmem:s10] =	stream.linear.scatter [tilespmem:s8], [sflag:$0x6], $0x1400, $0x38;
	[tilespmem:$0x1F580] =	vst v63  }
0x6c: {  	s11 =	rddreg [dreg:$0x1b]  }
0x6d: {  	[spmem:s11] =	stream.linear.scatter [tilespmem:s8], [sflag:$0x6], $0x1400, $0x38;
	[tilespmem:$0x1F580] =	vst v63  }
0x6e: {  	s14 =	rddreg [dreg:$0x1c]  }
0x6f: {  	[spmem:s14] =	stream.linear.scatter [tilespmem:s8], [sflag:$0x6], $0x1400, $0x38;
	[tilespmem:$0x1F580] =	vst v63  }
0x70: {  	s15 =	rddreg [dreg:$0x1d]  }
0x71: {  	[spmem:s15] =	stream.linear.scatter [tilespmem:s8], [sflag:$0x6], $0x1400, $0x38;
	[tilespmem:$0x1F580] =	vst v63  }
0x72: {  	s26 =	rddreg [dreg:$0x1e]  }
0x73: {  	[spmem:s26] =	stream.linear.scatter [tilespmem:s8], [sflag:$0x6], $0x1400, $0x38;
	[tilespmem:$0x1F580] =	vst v63  }
0x74: {  	_ =	swait.ge [sflag:s2], $0x2710  }
0x75: {  	[sflag:s2] =	ssyncset.done $0x0  }
0x76: {  	[sflag:s2] =	ssyncadd.s32 $0xFFFFD8F0  }
0x77: {  	_ =	swait.ge [sflag:s9], $0x2710  }
0x78: {  	s4 =	simm.s32 $0x18F80;
	[sflag:s9] =	ssyncset.done $0x0  }
0x79: {  	s10 =	simm.s32 $0x0;
	s28 =	rddreg [dreg:$0x8];
	[sflag:s9] =	ssyncadd.s32 $0xFFFFD8F0  }
0x7a: {  	[tilespmem:s4], [sflag:$0x2] =	stream.linear.gather [hbm4b:s28+s10], $0x28, $0x38;
	[tilespmem:$0x1F580] =	vst v63  }
0x7b: {  	s29 =	simm.s32 $0x14028;
	s31 =	simm.s32 $0x1A580  }
0x7c: {  	[tilespmem:s31], [sflag:$0x2] =	stream.indirect.gather [hbm4b:s5+s12], $0x80, s29, s12, $0xb8;
	[tilespmem:$0x1F580] =	vst v63  }
0x7d: {  	s11 =	simm.s32 $0x19000;
	s4 =	rddreg [dreg:$0xa]  }
0x7e: {  	[tilespmem:s11], [sflag:$0x3] =	stream.linear.gather [hbm4b:s4+s10], $0x28, $0x38;
	[tilespmem:$0x1F580] =	vst v63  }
0x7f: {  	s14 =	simm.s32 $0x14050  }
0x80: {  	[tilespmem:s16], [sflag:$0x3] =	stream.indirect.gather [hbm4b:s5+s12], $0x80, s14, s12, $0xb8;
	[tilespmem:$0x1F580] =	vst v63  }
0x81: {  	s15 =	rddreg [dreg:$0xb]  }
0x82: {  	[tilespmem:s17], [sflag:$0x4] =	stream.linear.gather [hbm4b:s15+s10], $0x28, $0x38;
	[tilespmem:$0x1F580] =	vst v63  }
0x83: {  	s26 =	simm.s32 $0x14078  }
0x84: {  	[tilespmem:s18], [sflag:$0x4] =	stream.indirect.gather [hbm4b:s5+s12], $0x80, s26, s12, $0xb8;
	[tilespmem:$0x1F580] =	vst v63  }
0x85: {  	s28 =	rddreg [dreg:$0xc]  }
0x86: {  	[tilespmem:s19], [sflag:$0x5] =	stream.linear.gather [hbm4b:s28+s10], $0x28, $0x38;
	[tilespmem:$0x1F580] =	vst v63  }
0x87: {  	s29 =	simm.s32 $0x140A0  }
0x88: {  	[tilespmem:s20], [sflag:$0x5] =	stream.indirect.gather [hbm4b:s5+s12], $0x80, s29, s12, $0xb8;
	[tilespmem:$0x1F580] =	vst v63  }
0x89: {  	_ =	swait.ge [sflag:s21], $0x1400  }
0x8a: {  	[sflag:s21] =	ssyncset.done $0x0  }
0x8b: {  	[sflag:s21] =	ssyncadd.s32 $0xFFFFEC00  }
0x8c: {  	_ =	swait.ge [sflag:s21], $0x1400  }
0x8d: {  	[sflag:s21] =	ssyncset.done $0x0  }
0x8e: {  	[sflag:s21] =	ssyncadd.s32 $0xFFFFEC00  }
0x8f: {  	_ =	swait.ge [sflag:s21], $0x1400  }
0x90: {  	[sflag:s21] =	ssyncset.done $0x0  }
0x91: {  	[sflag:s21] =	ssyncadd.s32 $0xFFFFEC00  }
0x92: {  	_ =	swait.ge [sflag:s21], $0x1400  }
0x93: {  	[sflag:s21] =	ssyncset.done $0x0  }
0x94: {  	[sflag:s21] =	ssyncadd.s32 $0xFFFFEC00  }
0x95: {  	_ =	swait.ge [sflag:s21], $0x1400  }
0x96: {  	[sflag:s21] =	ssyncset.done $0x0  }
0x97: {  	[sflag:s21] =	ssyncadd.s32 $0xFFFFEC00  }
0x98: {  	_ =	swait.ge [sflag:s21], $0x1400  }
0x99: {  	[sflag:s21] =	ssyncset.done $0x0  }
0x9a: {  	[sflag:s21] =	ssyncadd.s32 $0xFFFFEC00  }
0x9b: {  	_ =	swait.ge [sflag:s21], $0x1400  }
0x9c: {  	[sflag:s21] =	ssyncset.done $0x0  }
0x9d: {  	[sflag:s21] =	ssyncadd.s32 $0xFFFFEC00  }
0x9e: {  	_ =	swait.ge [sflag:s21], $0x1400  }
0x9f: {  	[sflag:s21] =	ssyncset.done $0x0  }
0xa0: {  	[sflag:s21] =	ssyncadd.s32 $0xFFFFEC00  }
0xa1: {  	_ =	swait.ge [sflag:s21], $0x1400  }
0xa2: {  	[sflag:s21] =	ssyncset.done $0x0  }
0xa3: {  	[sflag:s21] =	ssyncadd.s32 $0xFFFFEC00  }
0xa4: {  	_ =	swait.ge [sflag:s21], $0x1400  }
0xa5: {  	[sflag:s21] =	ssyncset.done $0x0  }
0xa6: {  	[sflag:s21] =	ssyncadd.s32 $0xFFFFEC00  }
0xa7: {  	_ =	swait.ge [sflag:s21], $0x1400  }
0xa8: {  	[sflag:s21] =	ssyncset.done $0x0  }
0xa9: {  	[sflag:s21] =	ssyncadd.s32 $0xFFFFEC00  }
0xaa: {  	_ =	swait.ge [sflag:s21], $0x1400  }
0xab: {  	[sflag:s21] =	ssyncset.done $0x0  }
0xac: {  	[sflag:s21] =	ssyncadd.s32 $0xFFFFEC00  }
0xad: {  	_ =	swait.ge [sflag:s21], $0x1400  }
0xae: {  	[sflag:s21] =	ssyncset.done $0x0  }
0xaf: {  	[sflag:s21] =	ssyncadd.s32 $0xFFFFEC00  }
0xb0: {  	_ =	swait.ge [sflag:s21], $0x1400  }
0xb1: {  	[sflag:s21] =	ssyncset.done $0x0  }
0xb2: {  	[sflag:s21] =	ssyncadd.s32 $0xFFFFEC00  }
0xb3: {  	_ =	swait.ge [sflag:s21], $0x1400  }
0xb4: {  	[sflag:s21] =	ssyncset.done $0x0  }
0xb5: {  	[sflag:s21] =	ssyncadd.s32 $0xFFFFEC00  }
0xb6: {  	_ =	swait.ge [sflag:s21], $0x1400  }
0xb7: {  	[sflag:s21] =	ssyncset.done $0x0  }
0xb8: {  	s31 =	rddreg [dreg:$0x9];
	[sflag:s21] =	ssyncadd.s32 $0xFFFFEC00  }
0xb9: {  	[tilespmem:s22], [sflag:$0x1] =	stream.linear.gather [hbm4b:s31+s10], $0x28, $0x38;
	[tilespmem:$0x1F580] =	vst v63  }
0xba: {  	_ = 	snop  }
0xbb: {  	[tilespmem:s8], [sflag:$0x1] =	stream.indirect.gather [hbm4b:s5+s12], $0x80, s13, s12, $0xb8;
	[tilespmem:$0x1F580] =	vst v63  }
0xbc: {  	s26 =	simm.s32 $0x0;
	[bflag:$0x0] =	sbarrier.arrive $0xFFFF  }
.LBB2_4:
0xbd: {  	s1 =	sadd.s32 $0xFFFFFFFC, s10;
	_ =	swait.ge [sflag:s2], $0x28  }
0xbe: {  	s15 =	sadd.s32 $0x4, s1;
	[sflag:s2] =	ssyncset.done $0x0  }
0xbf: {  	s4 =	sadd.s32 $0x6, s1;
	v2 =	vmov s15;
	[sflag:s2] =	ssyncadd.s32 $0xFFFFFFD8  }
0xc0: {  	v1 =	vmov s4;
	v2 =	vand.u32 $0xFFFFFFFC, v2;
	_ =	swait.ge [sflag:s2], $0x1400  }
0xc1: {  	v1 =	vand.u32 $0xFFFFFFFE, v1;
	v2 =	vbroadcast v2, $0x0;
	[sflag:s2] =	ssyncset.done $0x0  }
0xc2: {  	s29 =	simm.s32 $0x19280;
	v1 =	vbroadcast v1, $0x0;
	[sflag:s2] =	ssyncadd.s32 $0xFFFFEC00  }
0xc3: {  	v3 =	vld [tilespmem:s29+$0x70]  }
0xc4: {  	v5 =	vld [tilespmem:s29+$0xFFFFFF00]  }
0xc5: {  	s31 =	sadd.s32 $0x5, s1;
	v6 =	vld [tilespmem:s29+$0xFFFFFF10]  }
0xc6: {  	v4 =	vmov s31;
	v7 =	vld [tilespmem:s29+$0xFFFFFF20]  }
0xc7: {  	v4 =	vand.u32 $0xFFFFFFFD, v4;
	v2 =	vld.idx.msk [tilespmem:v2+s7+$0x0], $0xffff  }
0xc8: {  	v4 =	vbroadcast v4, $0x0;
	v1 =	vld.idx.msk [tilespmem:v1+s7+$0x0], $0xffff  }
0xc9: {  	v8 =	vld [tilespmem:s29+$0xFFFFFF30]  }
0xca: {  	v9 =	vld [tilespmem:s29+$0xFFFFFF40]  }
0xcb: {  	v10 =	vld [tilespmem:s29+$0xFFFFFF50]  }
0xcc: {  	v11 =	vld [tilespmem:s29+$0xFFFFFF60];
	v5 =	vmul.f32 v5, v2  }
0xcd: {  	v13 =	vld [tilespmem:s29+$0xFFFFFFD0];
	v3 =	vmul.f32 v3, v1  }
0xce: {  	v4 =	vld.idx.msk [tilespmem:v4+s7+$0x0], $0xffff;
	[tilespmem:s29+$0xFFFFFF00] =	vst v5;
	v5 =	vmul.f32 v6, v2  }
0xcf: {  	v6 =	vld [tilespmem:s29+$0xFFFFFF70];
	[tilespmem:s29+$0x70] =	vst v3;
	v3 =	vmul.f32 v7, v2  }
0xd0: {  	s1 =	sadd.s32 $0x7, s1;
	v7 =	vld [tilespmem:s29+$0xFFFFFF80];
	[tilespmem:s29+$0xFFFFFF10] =	vst v5;
	v5 =	vmul.f32 v8, v2  }
0xd1: {  	v12 =	vmov s1;
	v8 =	vld [tilespmem:s29+$0xFFFFFF90];
	[tilespmem:s29+$0xFFFFFF20] =	vst v3;
	v3 =	vmul.f32 v9, v2  }
0xd2: {  	v9 =	vld [tilespmem:s29+$0xFFFFFFA0];
	[tilespmem:s29+$0xFFFFFF30] =	vst v5;
	v5 =	vmul.f32 v10, v2  }
0xd3: {  	v10 =	vld [tilespmem:s29+$0xFFFFFFB0];
	[tilespmem:s29+$0xFFFFFF40] =	vst v3;
	v3 =	vmul.f32 v11, v2  }
0xd4: {  	v11 =	vld [tilespmem:s29+$0xFFFFFFC0];
	v6 =	vmul.f32 v6, v2;
	[tilespmem:s29+$0xFFFFFF50] =	vst v5  }
0xd5: {  	v14 =	vld [tilespmem:s29+$0xFFFFFFE0];
	v5 =	vmul.f32 v7, v4;
	[tilespmem:s29+$0xFFFFFF60] =	vst v3  }
0xd6: {  	v2 =	vld.idx.msk [tilespmem:v12+s7+$0x0], $0xffff;
	v3 =	vmul.f32 v8, v4;
	[tilespmem:s29+$0xFFFFFF70] =	vst v6  }
0xd7: {  	v8 =	vld [tilespmem:s29+$0xFFFFFFF0];
	[tilespmem:s29+$0xFFFFFF80] =	vst v5;
	v5 =	vmul.f32 v9, v4  }
0xd8: {  	v7 =	vld [tilespmem:s29+$0x0];
	[tilespmem:s29+$0xFFFFFF90] =	vst v3;
	v3 =	vmul.f32 v10, v4  }
0xd9: {  	v6 =	vld [tilespmem:s29+$0x10];
	v9 =	vmul.f32 v11, v4;
	[tilespmem:s29+$0xFFFFFFA0] =	vst v5  }
0xda: {  	v10 =	vmul.f32 v13, v4;
	v5 =	vld [tilespmem:s29+$0x20];
	[tilespmem:s29+$0xFFFFFFB0] =	vst v3  }
0xdb: {  	[tilespmem:s29+$0xFFFFFFC0] =	vst v9;
	v3 =	vld [tilespmem:s29+$0x30];
	v9 =	vmul.f32 v14, v4  }
0xdc: {  	s28 =	smul.u32 $0xC8, s26;
	s1 =	simm.s32 $0x0;
	s15 =	simm.s32 $0x19280;
	[tilespmem:s29+$0xFFFFFFD0] =	vst v10;
	v8 =	vmul.f32 v8, v4;
	v4 =	vld [tilespmem:s29+$0x40]  }
.LBB2_5:
0xdd: {  	s4 =	sadd.s32 s1, s10;
	s1 =	sadd.s32 $0x4, s1;
	[tilespmem:s29+$0xFFFFFFE0] =	vst v9;
	v7 =	vmul.f32 v7, v1;
	v9 =	vld [tilespmem:s29+$0x50]  }
0xde: {  	s31 =	sadd.s32 $0x4, s4;
	s11 =	sadd.s32 $0x6, s4;
	p0 =	slt.u32 s1, $0x24;
	[tilespmem:s29+$0xFFFFFFF0] =	vst v8;
	v6 =	vmul.f32 v6, v1;
	v8 =	vld [tilespmem:s29+$0x60]  }
0xdf: {  	v10 =	vmov s31;
	s31 =	sadd.s32 $0x5, s4;
	v11 =	vmov s11;
	s4 =	sadd.s32 $0x7, s4;
	[tilespmem:s29+$0x0] =	vst v7;
	v5 =	vmul.f32 v5, v1;
	v7 =	vld [tilespmem:s29+$0x80]  }
0xe0: {  	v10 =	vand.u32 $0xFFFFFFFC, v10;
	v12 =	vmov s31;
	v11 =	vand.u32 $0xFFFFFFFE, v11;
	[tilespmem:s29+$0x10] =	vst v6;
	v6 =	vld [tilespmem:s29+$0x90]  }
0xe1: {  	v10 =	vbroadcast v10, $0x0;
	v12 =	vand.u32 $0xFFFFFFFD, v12;
	v11 =	vbroadcast v11, $0x0;
	[tilespmem:s29+$0x20] =	vst v5;
	v5 =	vld [tilespmem:s29+$0xA0]  }
0xe2: {  	v13 =	vmov s4;
	v3 =	vmul.f32 v3, v1;
	v12 =	vbroadcast v12, $0x0;
	v14 =	vld [tilespmem:s29+$0xB0]  }
0xe3: {  	v4 =	vmul.f32 v4, v1;
	v9 =	vmul.f32 v9, v1;
	v15 =	vld [tilespmem:s29+$0xC0]  }
0xe4: {  	[tilespmem:s29+$0x30] =	vst v3;
	v3 =	vmul.f32 v8, v1;
	v7 =	vmul.f32 v7, v2;
	v8 =	vld [tilespmem:s29+$0xD0]  }
0xe5: {  	[tilespmem:s29+$0x40] =	vst v4;
	v4 =	vmul.f32 v6, v2;
	v6 =	vld [tilespmem:s29+$0xE0]  }
0xe6: {  	[tilespmem:s29+$0x50] =	vst v9;
	v5 =	vmul.f32 v5, v2;
	v9 =	vld [tilespmem:s29+$0xF0]  }
0xe7: {  	s29 =	sadd.s32 $0x200, s29;
	v1 =	vld.idx.msk [tilespmem:v11+s7+$0x0], $0xffff;
	[tilespmem:s15+$0x60] =	vst v3;
	v3 =	vmul.f32 v14, v2  }
0xe8: {  	v11 =	vld [tilespmem:s29+$0x70];
	[tilespmem:s15+$0x80] =	vst v7;
	v7 =	vmul.f32 v15, v2  }
0xe9: {  	v10 =	vld.idx.msk [tilespmem:v10+s7+$0x0], $0xffff;
	[tilespmem:s15+$0x90] =	vst v4;
	v4 =	vmul.f32 v8, v2  }
0xea: {  	v8 =	vld.idx.msk [tilespmem:v12+s7+$0x0], $0xffff;
	[tilespmem:s15+$0xA0] =	vst v5;
	v5 =	vmul.f32 v6, v2  }
0xeb: {  	[tilespmem:s15+$0xB0] =	vst v3;
	v3 =	vmul.f32 v9, v2;
	v2 =	vld.idx.msk [tilespmem:v13+s7+$0x0], $0xffff  }
0xec: {  	v6 =	vld [tilespmem:s29+$0xFFFFFF00];
	[tilespmem:s15+$0xC0] =	vst v7  }
0xed: {  	v7 =	vld [tilespmem:s29+$0xFFFFFF10];
	v9 =	vmul.f32 v11, v1;
	[tilespmem:s15+$0xD0] =	vst v4  }
0xee: {  	v4 =	vld [tilespmem:s29+$0xFFFFFF20];
	[tilespmem:s15+$0xE0] =	vst v5  }
0xef: {  	v5 =	vld [tilespmem:s29+$0xFFFFFF30];
	[tilespmem:s29+$0x70] =	vst v9  }
0xf0: {  	v9 =	vld [tilespmem:s29+$0xFFFFFF40];
	[tilespmem:s15+$0xF0] =	vst v3;
	s15 =	smov.u32 s29  }
0xf1: {  	v3 =	vmul.f32 v6, v10;
	v6 =	vld [tilespmem:s29+$0xFFFFFF50]  }
0xf2: {  	v7 =	vmul.f32 v7, v10;
	v11 =	vld [tilespmem:s29+$0xFFFFFF60]  }
0xf3: {  	[tilespmem:s29+$0xFFFFFF00] =	vst v3;
	v3 =	vmul.f32 v4, v10;
	v4 =	vld [tilespmem:s29+$0xFFFFFF70]  }
0xf4: {  	[tilespmem:s29+$0xFFFFFF10] =	vst v7;
	v5 =	vmul.f32 v5, v10;
	v7 =	vld [tilespmem:s29+$0xFFFFFF80]  }
0xf5: {  	[tilespmem:s29+$0xFFFFFF20] =	vst v3;
	v3 =	vmul.f32 v9, v10;
	v9 =	vld [tilespmem:s29+$0xFFFFFF90]  }
0xf6: {  	[tilespmem:s29+$0xFFFFFF30] =	vst v5;
	v5 =	vmul.f32 v6, v10;
	v6 =	vld [tilespmem:s29+$0xFFFFFFA0]  }
0xf7: {  	[tilespmem:s29+$0xFFFFFF40] =	vst v3;
	v3 =	vmul.f32 v11, v10;
	v11 =	vld [tilespmem:s29+$0xFFFFFFB0]  }
0xf8: {  	[tilespmem:s29+$0xFFFFFF50] =	vst v5;
	v4 =	vmul.f32 v4, v10;
	v5 =	vld [tilespmem:s29+$0xFFFFFFC0]  }
0xf9: {  	[tilespmem:s29+$0xFFFFFF60] =	vst v3;
	v3 =	vmul.f32 v7, v8;
	v10 =	vld [tilespmem:s29+$0xFFFFFFD0]  }
0xfa: {  	[tilespmem:s29+$0xFFFFFF70] =	vst v4;
	v4 =	vmul.f32 v9, v8;
	v9 =	vld [tilespmem:s29+$0xFFFFFFE0]  }
0xfb: {  	[tilespmem:s29+$0xFFFFFF80] =	vst v3;
	v3 =	vmul.f32 v6, v8;
	v12 =	vld [tilespmem:s29+$0xFFFFFFF0]  }
.Ltmp3:
0xfc: {  	[tilespmem:s29+$0xFFFFFF90] =	vst v4;
	v4 =	vmul.f32 v11, v8;
	v7 =	vld [tilespmem:s29+$0x0];
	(pc) =	sbr.rel @p0 .LBB2_5-.Ltmp3, $4  }
0xfd: {  	[tilespmem:s29+$0xFFFFFFA0] =	vst v3;
	v3 =	vmul.f32 v5, v8;
	v6 =	vld [tilespmem:s29+$0x10]  }
0xfe: {  	[tilespmem:s29+$0xFFFFFFB0] =	vst v4;
	v4 =	vmul.f32 v10, v8;
	v5 =	vld [tilespmem:s29+$0x20]  }
0xff: {  	[tilespmem:s29+$0xFFFFFFC0] =	vst v3;
	v9 =	vmul.f32 v9, v8;
	v3 =	vld [tilespmem:s29+$0x30]  }
0x100: {  	[tilespmem:s29+$0xFFFFFFD0] =	vst v4;
	v8 =	vmul.f32 v12, v8;
	v4 =	vld [tilespmem:s29+$0x40]  }
0x101: {  	v10 =	vld [tilespmem:s29+$0x50];
	[tilespmem:s29+$0xFFFFFFE0] =	vst v9;
	v7 =	vmul.f32 v7, v1  }
0x102: {  	v9 =	vld [tilespmem:s29+$0x60];
	[tilespmem:s29+$0xFFFFFFF0] =	vst v8;
	v6 =	vmul.f32 v6, v1  }
0x103: {  	v8 =	vld [tilespmem:s29+$0x80];
	[tilespmem:s29+$0x0] =	vst v7;
	v5 =	vmul.f32 v5, v1  }
0x104: {  	v7 =	vld [tilespmem:s29+$0x90];
	[tilespmem:s29+$0x10] =	vst v6;
	v3 =	vmul.f32 v3, v1  }
0x105: {  	v6 =	vld [tilespmem:s29+$0xA0];
	[tilespmem:s29+$0x20] =	vst v5;
	v4 =	vmul.f32 v4, v1  }
0x106: {  	v5 =	vld [tilespmem:s29+$0xB0];
	v10 =	vmul.f32 v10, v1;
	[tilespmem:s29+$0x30] =	vst v3  }
0x107: {  	v11 =	vld [tilespmem:s29+$0xC0];
	v1 =	vmul.f32 v9, v1;
	[tilespmem:s29+$0x40] =	vst v4  }
0x108: {  	v3 =	vld [tilespmem:s29+$0xD0];
	v4 =	vmul.f32 v8, v2;
	[tilespmem:s29+$0x50] =	vst v10  }
0x109: {  	v8 =	vld [tilespmem:s29+$0xE0];
	v7 =	vmul.f32 v7, v2;
	[tilespmem:s15+$0x60] =	vst v1  }
0x10a: {  	v9 =	vld [tilespmem:s29+$0xF0];
	v1 =	vmul.f32 v6, v2;
	[tilespmem:s15+$0x80] =	vst v4  }
0x10b: {  	v4 =	vmul.f32 v5, v2;
	[tilespmem:s15+$0x90] =	vst v7  }
0x10c: {  	v5 =	vmul.f32 v11, v2;
	[tilespmem:s15+$0xA0] =	vst v1  }
0x10d: {  	v1 =	vmul.f32 v3, v2;
	[tilespmem:s15+$0xB0] =	vst v4  }
0x10e: {  	v3 =	vmul.f32 v8, v2;
	[tilespmem:s15+$0xC0] =	vst v5  }
0x10f: {  	v2 =	vmul.f32 v9, v2;
	[tilespmem:s15+$0xD0] =	vst v1  }
0x110: {  	p0 =	seq.s32 s26, $0x31;
	[tilespmem:s15+$0xE0] =	vst v3  }
0x111: {  	s1 =	simm.s32 @!p0 $0x6;
	[tilespmem:s15+$0xF0] =	vst v2  }
0x112: {  	[spmem:s3] =	stream.indirect.scatter.add.f32 [tilespmem:s8], [sflag:$0x6], $0x80, s22, s12, $0xb8;
	[tilespmem:$0x1F580] =	vst v63  }
0x113: {  	s29 =	sadd.s32 @!p0 s6, s28;
	_ =	swait.ge @!p0 [sflag:s1], $0x1400  }
0x114: {  	s4 =	sadd.s32 @!p0 $0xC8, s29;
	[sflag:s1] =	ssyncset.done @!p0 $0x0  }
0x115: {  	[sflag:s1] =	ssyncadd.s32 @!p0 $0xFFFFEC00;
	s1 =	sshrl.u32 @!p0 s4, $0x3  }
0x116: {  	s11 =	simm.s32 @!p0 $0x18F00;
	s4 =	simm.s32 @!p0 $0x0;
	s1 =	sadd.s32 @!p0 s0, s1  }
0x117: {  	[tilespmem:s11], [sflag:$0x1] =	stream.linear.gather @!p0 [hbm4b:s1+s4], $0x28, $0x38;
	[tilespmem:$0x1F580] =	vst v63  }
0x118: {  	s15 =	simm.s32 @!p0 $0x19180;
	s1 =	sadd.s32 @!p0 $0x140C8, s28;
	s11 =	simm.s32 @!p0 $0x28  }
0x119: {  	[tilespmem:s15], [sflag:$0x1] =	stream.indirect.gather @!p0 [hbm4b:s5+s11], $0x80, s1, s11, $0xb8;
	[tilespmem:$0x1F580] =	vst v63  }
0x11a: {  	s4 =	sadd.s32 $0xFFFFFFFC, s10;
	_ =	swait.ge [sflag:s9], $0x28  }
0x11b: {  	s13 =	sadd.s32 $0x2C, s4;
	[sflag:s9] =	ssyncset.done $0x0  }
0x11c: {  	s31 =	sadd.s32 $0x2E, s4;
	v2 =	vmov s13;
	[sflag:s9] =	ssyncadd.s32 $0xFFFFFFD8  }
0x11d: {  	v1 =	vmov s31;
	v2 =	vand.u32 $0xFFFFFFFC, v2;
	_ =	swait.ge [sflag:s9], $0x1400  }
0x11e: {  	v1 =	vand.u32 $0xFFFFFFFE, v1;
	v2 =	vbroadcast v2, $0x0;
	[sflag:s9] =	ssyncset.done $0x0  }
0x11f: {  	s31 =	simm.s32 $0x1A680;
	v1 =	vbroadcast v1, $0x0;
	[sflag:s9] =	ssyncadd.s32 $0xFFFFEC00  }
0x120: {  	v3 =	vld [tilespmem:s31+$0x70]  }
0x121: {  	v5 =	vld [tilespmem:s31+$0xFFFFFF00]  }
0x122: {  	s14 =	sadd.s32 $0x2D, s4;
	v6 =	vld [tilespmem:s31+$0xFFFFFF10]  }
0x123: {  	v4 =	vmov s14;
	v7 =	vld [tilespmem:s31+$0xFFFFFF20]  }
0x124: {  	v4 =	vand.u32 $0xFFFFFFFD, v4;
	v2 =	vld.idx.msk [tilespmem:v2+s7+$0x0], $0xffff  }
0x125: {  	v4 =	vbroadcast v4, $0x0;
	v1 =	vld.idx.msk [tilespmem:v1+s7+$0x0], $0xffff  }
0x126: {  	v8 =	vld [tilespmem:s31+$0xFFFFFF30]  }
0x127: {  	v9 =	vld [tilespmem:s31+$0xFFFFFF40]  }
0x128: {  	v10 =	vld [tilespmem:s31+$0xFFFFFF50]  }
0x129: {  	v11 =	vld [tilespmem:s31+$0xFFFFFF60];
	v5 =	vmul.f32 v5, v2  }
0x12a: {  	v13 =	vld [tilespmem:s31+$0xFFFFFFD0];
	v3 =	vmul.f32 v3, v1  }
0x12b: {  	v4 =	vld.idx.msk [tilespmem:v4+s7+$0x0], $0xffff;
	[tilespmem:s31+$0xFFFFFF00] =	vst v5;
	v5 =	vmul.f32 v6, v2  }
0x12c: {  	v6 =	vld [tilespmem:s31+$0xFFFFFF70];
	[tilespmem:s31+$0x70] =	vst v3;
	v3 =	vmul.f32 v7, v2  }
0x12d: {  	s15 =	sadd.s32 $0x2F, s4;
	v7 =	vld [tilespmem:s31+$0xFFFFFF80];
	[tilespmem:s31+$0xFFFFFF10] =	vst v5;
	v5 =	vmul.f32 v8, v2  }
0x12e: {  	v12 =	vmov s15;
	v8 =	vld [tilespmem:s31+$0xFFFFFF90];
	[tilespmem:s31+$0xFFFFFF20] =	vst v3;
	v3 =	vmul.f32 v9, v2  }
0x12f: {  	v9 =	vld [tilespmem:s31+$0xFFFFFFA0];
	[tilespmem:s31+$0xFFFFFF30] =	vst v5;
	v5 =	vmul.f32 v10, v2  }
0x130: {  	v10 =	vld [tilespmem:s31+$0xFFFFFFB0];
	[tilespmem:s31+$0xFFFFFF40] =	vst v3;
	v3 =	vmul.f32 v11, v2  }
0x131: {  	v11 =	vld [tilespmem:s31+$0xFFFFFFC0];
	v6 =	vmul.f32 v6, v2;
	[tilespmem:s31+$0xFFFFFF50] =	vst v5  }
0x132: {  	v14 =	vld [tilespmem:s31+$0xFFFFFFE0];
	v5 =	vmul.f32 v7, v4;
	[tilespmem:s31+$0xFFFFFF60] =	vst v3  }
0x133: {  	v2 =	vld.idx.msk [tilespmem:v12+s7+$0x0], $0xffff;
	v3 =	vmul.f32 v8, v4;
	[tilespmem:s31+$0xFFFFFF70] =	vst v6  }
0x134: {  	v8 =	vld [tilespmem:s31+$0xFFFFFFF0];
	[tilespmem:s31+$0xFFFFFF80] =	vst v5;
	v5 =	vmul.f32 v9, v4  }
0x135: {  	v7 =	vld [tilespmem:s31+$0x0];
	[tilespmem:s31+$0xFFFFFF90] =	vst v3;
	v3 =	vmul.f32 v10, v4  }
0x136: {  	v6 =	vld [tilespmem:s31+$0x10];
	v9 =	vmul.f32 v11, v4;
	[tilespmem:s31+$0xFFFFFFA0] =	vst v5  }
0x137: {  	v10 =	vmul.f32 v13, v4;
	v5 =	vld [tilespmem:s31+$0x20];
	[tilespmem:s31+$0xFFFFFFB0] =	vst v3  }
0x138: {  	[tilespmem:s31+$0xFFFFFFC0] =	vst v9;
	v3 =	vld [tilespmem:s31+$0x30];
	v9 =	vmul.f32 v14, v4  }
0x139: {  	s1 =	simm.s32 $0x0;
	s15 =	simm.s32 $0x1A680;
	[tilespmem:s31+$0xFFFFFFD0] =	vst v10;
	v8 =	vmul.f32 v8, v4;
	v4 =	vld [tilespmem:s31+$0x40]  }
.LBB2_7:
0x13a: {  	s4 =	sadd.s32 s1, s10;
	s1 =	sadd.s32 $0x4, s1;
	[tilespmem:s31+$0xFFFFFFE0] =	vst v9;
	v7 =	vmul.f32 v7, v1;
	v9 =	vld [tilespmem:s31+$0x50]  }
0x13b: {  	s11 =	sadd.s32 $0x2C, s4;
	s13 =	sadd.s32 $0x2E, s4;
	p1 =	slt.u32 s1, $0x24;
	[tilespmem:s31+$0xFFFFFFF0] =	vst v8;
	v6 =	vmul.f32 v6, v1;
	v8 =	vld [tilespmem:s31+$0x60]  }
0x13c: {  	v10 =	vmov s11;
	s11 =	sadd.s32 $0x2D, s4;
	v11 =	vmov s13;
	s4 =	sadd.s32 $0x2F, s4;
	[tilespmem:s31+$0x0] =	vst v7;
	v5 =	vmul.f32 v5, v1;
	v7 =	vld [tilespmem:s31+$0x80]  }
0x13d: {  	v10 =	vand.u32 $0xFFFFFFFC, v10;
	v12 =	vmov s11;
	v11 =	vand.u32 $0xFFFFFFFE, v11;
	[tilespmem:s31+$0x10] =	vst v6;
	v6 =	vld [tilespmem:s31+$0x90]  }
0x13e: {  	v10 =	vbroadcast v10, $0x0;
	v12 =	vand.u32 $0xFFFFFFFD, v12;
	v11 =	vbroadcast v11, $0x0;
	[tilespmem:s31+$0x20] =	vst v5;
	v5 =	vld [tilespmem:s31+$0xA0]  }
0x13f: {  	v13 =	vmov s4;
	v3 =	vmul.f32 v3, v1;
	v12 =	vbroadcast v12, $0x0;
	v14 =	vld [tilespmem:s31+$0xB0]  }
0x140: {  	v4 =	vmul.f32 v4, v1;
	v9 =	vmul.f32 v9, v1;
	v15 =	vld [tilespmem:s31+$0xC0]  }
0x141: {  	[tilespmem:s31+$0x30] =	vst v3;
	v3 =	vmul.f32 v8, v1;
	v7 =	vmul.f32 v7, v2;
	v8 =	vld [tilespmem:s31+$0xD0]  }
0x142: {  	[tilespmem:s31+$0x40] =	vst v4;
	v4 =	vmul.f32 v6, v2;
	v6 =	vld [tilespmem:s31+$0xE0]  }
0x143: {  	[tilespmem:s31+$0x50] =	vst v9;
	v5 =	vmul.f32 v5, v2;
	v9 =	vld [tilespmem:s31+$0xF0]  }
0x144: {  	s31 =	sadd.s32 $0x200, s31;
	v1 =	vld.idx.msk [tilespmem:v11+s7+$0x0], $0xffff;
	[tilespmem:s15+$0x60] =	vst v3;
	v3 =	vmul.f32 v14, v2  }
0x145: {  	v11 =	vld [tilespmem:s31+$0x70];
	[tilespmem:s15+$0x80] =	vst v7;
	v7 =	vmul.f32 v15, v2  }
0x146: {  	v10 =	vld.idx.msk [tilespmem:v10+s7+$0x0], $0xffff;
	[tilespmem:s15+$0x90] =	vst v4;
	v4 =	vmul.f32 v8, v2  }
0x147: {  	v8 =	vld.idx.msk [tilespmem:v12+s7+$0x0], $0xffff;
	[tilespmem:s15+$0xA0] =	vst v5;
	v5 =	vmul.f32 v6, v2  }
0x148: {  	[tilespmem:s15+$0xB0] =	vst v3;
	v3 =	vmul.f32 v9, v2;
	v2 =	vld.idx.msk [tilespmem:v13+s7+$0x0], $0xffff  }
0x149: {  	v6 =	vld [tilespmem:s31+$0xFFFFFF00];
	[tilespmem:s15+$0xC0] =	vst v7  }
0x14a: {  	v7 =	vld [tilespmem:s31+$0xFFFFFF10];
	v9 =	vmul.f32 v11, v1;
	[tilespmem:s15+$0xD0] =	vst v4  }
0x14b: {  	v4 =	vld [tilespmem:s31+$0xFFFFFF20];
	[tilespmem:s15+$0xE0] =	vst v5  }
0x14c: {  	v5 =	vld [tilespmem:s31+$0xFFFFFF30];
	[tilespmem:s31+$0x70] =	vst v9  }
0x14d: {  	v9 =	vld [tilespmem:s31+$0xFFFFFF40];
	[tilespmem:s15+$0xF0] =	vst v3;
	s15 =	smov.u32 s31  }
0x14e: {  	v3 =	vmul.f32 v6, v10;
	v6 =	vld [tilespmem:s31+$0xFFFFFF50]  }
0x14f: {  	v7 =	vmul.f32 v7, v10;
	v11 =	vld [tilespmem:s31+$0xFFFFFF60]  }
0x150: {  	[tilespmem:s31+$0xFFFFFF00] =	vst v3;
	v3 =	vmul.f32 v4, v10;
	v4 =	vld [tilespmem:s31+$0xFFFFFF70]  }
0x151: {  	[tilespmem:s31+$0xFFFFFF10] =	vst v7;
	v5 =	vmul.f32 v5, v10;
	v7 =	vld [tilespmem:s31+$0xFFFFFF80]  }
0x152: {  	[tilespmem:s31+$0xFFFFFF20] =	vst v3;
	v3 =	vmul.f32 v9, v10;
	v9 =	vld [tilespmem:s31+$0xFFFFFF90]  }
0x153: {  	[tilespmem:s31+$0xFFFFFF30] =	vst v5;
	v5 =	vmul.f32 v6, v10;
	v6 =	vld [tilespmem:s31+$0xFFFFFFA0]  }
0x154: {  	[tilespmem:s31+$0xFFFFFF40] =	vst v3;
	v3 =	vmul.f32 v11, v10;
	v11 =	vld [tilespmem:s31+$0xFFFFFFB0]  }
0x155: {  	[tilespmem:s31+$0xFFFFFF50] =	vst v5;
	v4 =	vmul.f32 v4, v10;
	v5 =	vld [tilespmem:s31+$0xFFFFFFC0]  }
0x156: {  	[tilespmem:s31+$0xFFFFFF60] =	vst v3;
	v3 =	vmul.f32 v7, v8;
	v10 =	vld [tilespmem:s31+$0xFFFFFFD0]  }
0x157: {  	[tilespmem:s31+$0xFFFFFF70] =	vst v4;
	v4 =	vmul.f32 v9, v8;
	v9 =	vld [tilespmem:s31+$0xFFFFFFE0]  }
0x158: {  	[tilespmem:s31+$0xFFFFFF80] =	vst v3;
	v3 =	vmul.f32 v6, v8;
	v12 =	vld [tilespmem:s31+$0xFFFFFFF0]  }
.Ltmp4:
0x159: {  	[tilespmem:s31+$0xFFFFFF90] =	vst v4;
	v4 =	vmul.f32 v11, v8;
	v7 =	vld [tilespmem:s31+$0x0];
	(pc) =	sbr.rel @p1 .LBB2_7-.Ltmp4, $4  }
0x15a: {  	[tilespmem:s31+$0xFFFFFFA0] =	vst v3;
	v3 =	vmul.f32 v5, v8;
	v6 =	vld [tilespmem:s31+$0x10]  }
0x15b: {  	[tilespmem:s31+$0xFFFFFFB0] =	vst v4;
	v4 =	vmul.f32 v10, v8;
	v5 =	vld [tilespmem:s31+$0x20]  }
0x15c: {  	[tilespmem:s31+$0xFFFFFFC0] =	vst v3;
	v9 =	vmul.f32 v9, v8;
	v3 =	vld [tilespmem:s31+$0x30]  }
0x15d: {  	[tilespmem:s31+$0xFFFFFFD0] =	vst v4;
	v8 =	vmul.f32 v12, v8;
	v4 =	vld [tilespmem:s31+$0x40]  }
0x15e: {  	v10 =	vld [tilespmem:s31+$0x50];
	[tilespmem:s31+$0xFFFFFFE0] =	vst v9;
	v7 =	vmul.f32 v7, v1  }
0x15f: {  	v9 =	vld [tilespmem:s31+$0x60];
	[tilespmem:s31+$0xFFFFFFF0] =	vst v8;
	v6 =	vmul.f32 v6, v1  }
0x160: {  	v8 =	vld [tilespmem:s31+$0x80];
	[tilespmem:s31+$0x0] =	vst v7;
	v5 =	vmul.f32 v5, v1  }
0x161: {  	v7 =	vld [tilespmem:s31+$0x90];
	[tilespmem:s31+$0x10] =	vst v6;
	v3 =	vmul.f32 v3, v1  }
0x162: {  	v6 =	vld [tilespmem:s31+$0xA0];
	[tilespmem:s31+$0x20] =	vst v5;
	v4 =	vmul.f32 v4, v1  }
0x163: {  	v5 =	vld [tilespmem:s31+$0xB0];
	v10 =	vmul.f32 v10, v1;
	[tilespmem:s31+$0x30] =	vst v3  }
0x164: {  	v11 =	vld [tilespmem:s31+$0xC0];
	v1 =	vmul.f32 v9, v1;
	[tilespmem:s31+$0x40] =	vst v4  }
0x165: {  	v3 =	vld [tilespmem:s31+$0xD0];
	v4 =	vmul.f32 v8, v2;
	[tilespmem:s31+$0x50] =	vst v10  }
0x166: {  	v8 =	vld [tilespmem:s31+$0xE0];
	v7 =	vmul.f32 v7, v2;
	[tilespmem:s15+$0x60] =	vst v1  }
0x167: {  	v9 =	vld [tilespmem:s31+$0xF0];
	v1 =	vmul.f32 v6, v2;
	[tilespmem:s15+$0x80] =	vst v4  }
0x168: {  	v4 =	vmul.f32 v5, v2;
	[tilespmem:s15+$0x90] =	vst v7  }
0x169: {  	v5 =	vmul.f32 v11, v2;
	[tilespmem:s15+$0xA0] =	vst v1  }
0x16a: {  	v1 =	vmul.f32 v3, v2;
	[tilespmem:s15+$0xB0] =	vst v4  }
0x16b: {  	v3 =	vmul.f32 v8, v2;
	[tilespmem:s15+$0xC0] =	vst v5  }
0x16c: {  	v2 =	vmul.f32 v9, v2;
	[tilespmem:s15+$0xD0] =	vst v1  }
0x16d: {  	[tilespmem:s15+$0xE0] =	vst v3  }
0x16e: {  	s1 =	simm.s32 $0x18F80;
	s4 =	simm.s32 $0x1A580;
	[tilespmem:s15+$0xF0] =	vst v2  }
0x16f: {  	[spmem:s3] =	stream.indirect.scatter.add.f32 [tilespmem:s4], [sflag:$0x7], $0x80, s1, s12, $0xb8;
	[tilespmem:$0x1F580] =	vst v63  }
0x170: {  	s1 =	simm.s32 @!p0 $0x7  }
0x171: {  	s4 =	sshrl.u32 @!p0 s29, $0x3;
	_ =	swait.ge @!p0 [sflag:s1], $0x1400  }
0x172: {  	s11 =	simm.s32 @!p0 $0x18F80;
	s31 =	sadd.s32 @!p0 s0, s4;
	[sflag:s1] =	ssyncset.done @!p0 $0x0  }
0x173: {  	s4 =	simm.s32 @!p0 $0x0;
	[sflag:s1] =	ssyncadd.s32 @!p0 $0xFFFFEC00;
	s1 =	sadd.s32 @!p0 $0x1E, s31  }
0x174: {  	[tilespmem:s11], [sflag:$0x2] =	stream.linear.gather @!p0 [hbm4b:s1+s4], $0x28, $0x38;
	[tilespmem:$0x1F580] =	vst v63  }
0x175: {  	s13 =	simm.s32 @!p0 $0x1A580;
	s1 =	sadd.s32 @!p0 $0x140F0, s28;
	s11 =	simm.s32 @!p0 $0x28  }
0x176: {  	[tilespmem:s13], [sflag:$0x2] =	stream.indirect.gather @!p0 [hbm4b:s5+s11], $0x80, s1, s11, $0xb8;
	[tilespmem:$0x1F580] =	vst v63  }
0x177: {  	s4 =	sadd.s32 $0xFFFFFFFC, s10;
	_ =	swait.ge [sflag:s23], $0x28  }
0x178: {  	s14 =	sadd.s32 $0x56, s4;
	[sflag:s23] =	ssyncset.done $0x0  }
0x179: {  	v1 =	vmov s14;
	s11 =	sadd.s32 $0x54, s4;
	[sflag:s23] =	ssyncadd.s32 $0xFFFFFFD8  }
0x17a: {  	v1 =	vand.u32 $0xFFFFFFFE, v1;
	v2 =	vmov s11;
	_ =	swait.ge [sflag:s23], $0x1400  }
0x17b: {  	v1 =	vbroadcast v1, $0x0;
	v2 =	vand.u32 $0xFFFFFFFC, v2;
	[sflag:s23] =	ssyncset.done $0x0  }
0x17c: {  	s15 =	simm.s32 $0x1BA80;
	v2 =	vbroadcast v2, $0x0;
	[sflag:s23] =	ssyncadd.s32 $0xFFFFEC00  }
0x17d: {  	v3 =	vld [tilespmem:s15+$0x70]  }
0x17e: {  	v5 =	vld [tilespmem:s15+$0xFFFFFF00]  }
0x17f: {  	s13 =	sadd.s32 $0x55, s4;
	v6 =	vld [tilespmem:s15+$0xFFFFFF10]  }
0x180: {  	v4 =	vmov s13;
	v7 =	vld [tilespmem:s15+$0xFFFFFF20]  }
0x181: {  	v4 =	vand.u32 $0xFFFFFFFD, v4;
	v1 =	vld.idx.msk [tilespmem:v1+s7+$0x0], $0xffff  }
0x182: {  	v4 =	vbroadcast v4, $0x0;
	v2 =	vld.idx.msk [tilespmem:v2+s7+$0x0], $0xffff  }
0x183: {  	v8 =	vld [tilespmem:s15+$0xFFFFFF30]  }
0x184: {  	v9 =	vld [tilespmem:s15+$0xFFFFFF40]  }
0x185: {  	v10 =	vld [tilespmem:s15+$0xFFFFFF50]  }
0x186: {  	v11 =	vld [tilespmem:s15+$0xFFFFFF60];
	v3 =	vmul.f32 v3, v1  }
0x187: {  	v13 =	vld [tilespmem:s15+$0xFFFFFFD0];
	v5 =	vmul.f32 v5, v2  }
0x188: {  	v4 =	vld.idx.msk [tilespmem:v4+s7+$0x0], $0xffff;
	[tilespmem:s15+$0x70] =	vst v3;
	v3 =	vmul.f32 v7, v2  }
0x189: {  	[tilespmem:s15+$0xFFFFFF00] =	vst v5;
	v5 =	vmul.f32 v6, v2;
	v6 =	vld [tilespmem:s15+$0xFFFFFF70]  }
0x18a: {  	s14 =	sadd.s32 $0x57, s4;
	v7 =	vld [tilespmem:s15+$0xFFFFFF80];
	[tilespmem:s15+$0xFFFFFF20] =	vst v3;
	v3 =	vmul.f32 v9, v2  }
0x18b: {  	v12 =	vmov s14;
	[tilespmem:s15+$0xFFFFFF10] =	vst v5;
	v5 =	vmul.f32 v8, v2;
	v8 =	vld [tilespmem:s15+$0xFFFFFF90]  }
0x18c: {  	v9 =	vld [tilespmem:s15+$0xFFFFFFA0];
	[tilespmem:s15+$0xFFFFFF40] =	vst v3;
	v3 =	vmul.f32 v11, v2  }
0x18d: {  	v11 =	vld [tilespmem:s15+$0xFFFFFFC0];
	[tilespmem:s15+$0xFFFFFF30] =	vst v5;
	v5 =	vmul.f32 v10, v2  }
0x18e: {  	v10 =	vld [tilespmem:s15+$0xFFFFFFB0];
	v6 =	vmul.f32 v6, v2;
	[tilespmem:s15+$0xFFFFFF60] =	vst v3  }
0x18f: {  	v14 =	vld [tilespmem:s15+$0xFFFFFFE0];
	[tilespmem:s15+$0xFFFFFF50] =	vst v5;
	v5 =	vmul.f32 v7, v4  }
0x190: {  	v2 =	vld.idx.msk [tilespmem:v12+s7+$0x0], $0xffff;
	v3 =	vmul.f32 v8, v4;
	[tilespmem:s15+$0xFFFFFF70] =	vst v6  }
0x191: {  	v8 =	vld [tilespmem:s15+$0xFFFFFFF0];
	[tilespmem:s15+$0xFFFFFF80] =	vst v5;
	v5 =	vmul.f32 v9, v4  }
0x192: {  	v7 =	vld [tilespmem:s15+$0x0];
	v9 =	vmul.f32 v11, v4;
	[tilespmem:s15+$0xFFFFFF90] =	vst v3  }
0x193: {  	v6 =	vld [tilespmem:s15+$0x10];
	v3 =	vmul.f32 v10, v4;
	[tilespmem:s15+$0xFFFFFFA0] =	vst v5  }
0x194: {  	v10 =	vmul.f32 v13, v4;
	v5 =	vld [tilespmem:s15+$0x20];
	[tilespmem:s15+$0xFFFFFFC0] =	vst v9  }
0x195: {  	v9 =	vmul.f32 v14, v4;
	[tilespmem:s15+$0xFFFFFFB0] =	vst v3;
	v3 =	vld [tilespmem:s15+$0x30]  }
0x196: {  	s4 =	simm.s32 $0x0;
	s1 =	simm.s32 $0x1BA80;
	[tilespmem:s15+$0xFFFFFFD0] =	vst v10;
	v8 =	vmul.f32 v8, v4;
	v4 =	vld [tilespmem:s15+$0x40]  }
.LBB2_9:
0x197: {  	s11 =	sadd.s32 s4, s10;
	s4 =	sadd.s32 $0x4, s4;
	[tilespmem:s15+$0xFFFFFFE0] =	vst v9;
	v7 =	vmul.f32 v7, v1;
	v9 =	vld [tilespmem:s15+$0x50]  }
0x198: {  	s13 =	sadd.s32 $0x54, s11;
	s14 =	sadd.s32 $0x56, s11;
	p1 =	slt.u32 s4, $0x24;
	[tilespmem:s15+$0xFFFFFFF0] =	vst v8;
	v6 =	vmul.f32 v6, v1;
	v8 =	vld [tilespmem:s15+$0x60]  }
0x199: {  	v10 =	vmov s13;
	s13 =	sadd.s32 $0x55, s11;
	v11 =	vmov s14;
	s11 =	sadd.s32 $0x57, s11;
	[tilespmem:s15+$0x0] =	vst v7;
	v5 =	vmul.f32 v5, v1;
	v7 =	vld [tilespmem:s15+$0x80]  }
0x19a: {  	v10 =	vand.u32 $0xFFFFFFFC, v10;
	v12 =	vmov s13;
	v11 =	vand.u32 $0xFFFFFFFE, v11;
	[tilespmem:s15+$0x10] =	vst v6;
	v6 =	vld [tilespmem:s15+$0x90]  }
0x19b: {  	v10 =	vbroadcast v10, $0x0;
	v12 =	vand.u32 $0xFFFFFFFD, v12;
	v11 =	vbroadcast v11, $0x0;
	[tilespmem:s15+$0x20] =	vst v5;
	v5 =	vld [tilespmem:s15+$0xA0]  }
0x19c: {  	v13 =	vmov s11;
	v3 =	vmul.f32 v3, v1;
	v12 =	vbroadcast v12, $0x0;
	v14 =	vld [tilespmem:s15+$0xB0]  }
0x19d: {  	v4 =	vmul.f32 v4, v1;
	v9 =	vmul.f32 v9, v1;
	v15 =	vld [tilespmem:s15+$0xC0]  }
0x19e: {  	[tilespmem:s15+$0x30] =	vst v3;
	v3 =	vmul.f32 v8, v1;
	v7 =	vmul.f32 v7, v2;
	v8 =	vld [tilespmem:s15+$0xD0]  }
0x19f: {  	[tilespmem:s15+$0x40] =	vst v4;
	v4 =	vmul.f32 v6, v2;
	v6 =	vld [tilespmem:s15+$0xE0]  }
0x1a0: {  	[tilespmem:s15+$0x50] =	vst v9;
	v5 =	vmul.f32 v5, v2;
	v9 =	vld [tilespmem:s15+$0xF0]  }
0x1a1: {  	s15 =	sadd.s32 $0x200, s15;
	v1 =	vld.idx.msk [tilespmem:v11+s7+$0x0], $0xffff;
	[tilespmem:s1+$0x60] =	vst v3;
	v3 =	vmul.f32 v14, v2  }
0x1a2: {  	v11 =	vld [tilespmem:s15+$0x70];
	[tilespmem:s1+$0x80] =	vst v7;
	v7 =	vmul.f32 v15, v2  }
0x1a3: {  	v10 =	vld.idx.msk [tilespmem:v10+s7+$0x0], $0xffff;
	[tilespmem:s1+$0x90] =	vst v4;
	v4 =	vmul.f32 v8, v2  }
0x1a4: {  	v8 =	vld.idx.msk [tilespmem:v12+s7+$0x0], $0xffff;
	[tilespmem:s1+$0xA0] =	vst v5;
	v5 =	vmul.f32 v6, v2  }
0x1a5: {  	[tilespmem:s1+$0xB0] =	vst v3;
	v3 =	vmul.f32 v9, v2;
	v2 =	vld.idx.msk [tilespmem:v13+s7+$0x0], $0xffff  }
0x1a6: {  	v6 =	vld [tilespmem:s15+$0xFFFFFF00];
	[tilespmem:s1+$0xC0] =	vst v7  }
0x1a7: {  	v7 =	vld [tilespmem:s15+$0xFFFFFF10];
	v9 =	vmul.f32 v11, v1;
	[tilespmem:s1+$0xD0] =	vst v4  }
0x1a8: {  	v4 =	vld [tilespmem:s15+$0xFFFFFF20];
	[tilespmem:s1+$0xE0] =	vst v5  }
0x1a9: {  	v5 =	vld [tilespmem:s15+$0xFFFFFF30];
	[tilespmem:s15+$0x70] =	vst v9  }
0x1aa: {  	v9 =	vld [tilespmem:s15+$0xFFFFFF40];
	[tilespmem:s1+$0xF0] =	vst v3;
	s1 =	smov.u32 s15  }
0x1ab: {  	v3 =	vmul.f32 v6, v10;
	v6 =	vld [tilespmem:s15+$0xFFFFFF50]  }
0x1ac: {  	v7 =	vmul.f32 v7, v10;
	v11 =	vld [tilespmem:s15+$0xFFFFFF60]  }
0x1ad: {  	[tilespmem:s15+$0xFFFFFF00] =	vst v3;
	v3 =	vmul.f32 v4, v10;
	v4 =	vld [tilespmem:s15+$0xFFFFFF70]  }
0x1ae: {  	[tilespmem:s15+$0xFFFFFF10] =	vst v7;
	v5 =	vmul.f32 v5, v10;
	v7 =	vld [tilespmem:s15+$0xFFFFFF80]  }
0x1af: {  	[tilespmem:s15+$0xFFFFFF20] =	vst v3;
	v3 =	vmul.f32 v9, v10;
	v9 =	vld [tilespmem:s15+$0xFFFFFF90]  }
0x1b0: {  	[tilespmem:s15+$0xFFFFFF30] =	vst v5;
	v5 =	vmul.f32 v6, v10;
	v6 =	vld [tilespmem:s15+$0xFFFFFFA0]  }
0x1b1: {  	[tilespmem:s15+$0xFFFFFF40] =	vst v3;
	v3 =	vmul.f32 v11, v10;
	v11 =	vld [tilespmem:s15+$0xFFFFFFB0]  }
0x1b2: {  	[tilespmem:s15+$0xFFFFFF50] =	vst v5;
	v4 =	vmul.f32 v4, v10;
	v5 =	vld [tilespmem:s15+$0xFFFFFFC0]  }
0x1b3: {  	[tilespmem:s15+$0xFFFFFF60] =	vst v3;
	v3 =	vmul.f32 v7, v8;
	v10 =	vld [tilespmem:s15+$0xFFFFFFD0]  }
0x1b4: {  	[tilespmem:s15+$0xFFFFFF70] =	vst v4;
	v4 =	vmul.f32 v9, v8;
	v9 =	vld [tilespmem:s15+$0xFFFFFFE0]  }
0x1b5: {  	[tilespmem:s15+$0xFFFFFF80] =	vst v3;
	v3 =	vmul.f32 v6, v8;
	v12 =	vld [tilespmem:s15+$0xFFFFFFF0]  }
.Ltmp5:
0x1b6: {  	[tilespmem:s15+$0xFFFFFF90] =	vst v4;
	v4 =	vmul.f32 v11, v8;
	v7 =	vld [tilespmem:s15+$0x0];
	(pc) =	sbr.rel @p1 .LBB2_9-.Ltmp5, $4  }
0x1b7: {  	[tilespmem:s15+$0xFFFFFFA0] =	vst v3;
	v3 =	vmul.f32 v5, v8;
	v6 =	vld [tilespmem:s15+$0x10]  }
0x1b8: {  	[tilespmem:s15+$0xFFFFFFB0] =	vst v4;
	v4 =	vmul.f32 v10, v8;
	v5 =	vld [tilespmem:s15+$0x20]  }
0x1b9: {  	[tilespmem:s15+$0xFFFFFFC0] =	vst v3;
	v9 =	vmul.f32 v9, v8;
	v3 =	vld [tilespmem:s15+$0x30]  }
0x1ba: {  	[tilespmem:s15+$0xFFFFFFD0] =	vst v4;
	v8 =	vmul.f32 v12, v8;
	v4 =	vld [tilespmem:s15+$0x40]  }
0x1bb: {  	v10 =	vld [tilespmem:s15+$0x50];
	[tilespmem:s15+$0xFFFFFFE0] =	vst v9;
	v7 =	vmul.f32 v7, v1  }
0x1bc: {  	v9 =	vld [tilespmem:s15+$0x60];
	[tilespmem:s15+$0xFFFFFFF0] =	vst v8;
	v6 =	vmul.f32 v6, v1  }
0x1bd: {  	v8 =	vld [tilespmem:s15+$0x80];
	[tilespmem:s15+$0x0] =	vst v7;
	v5 =	vmul.f32 v5, v1  }
0x1be: {  	v7 =	vld [tilespmem:s15+$0x90];
	[tilespmem:s15+$0x10] =	vst v6;
	v3 =	vmul.f32 v3, v1  }
0x1bf: {  	v6 =	vld [tilespmem:s15+$0xA0];
	[tilespmem:s15+$0x20] =	vst v5;
	v4 =	vmul.f32 v4, v1  }
0x1c0: {  	v5 =	vld [tilespmem:s15+$0xB0];
	v10 =	vmul.f32 v10, v1;
	[tilespmem:s15+$0x30] =	vst v3  }
0x1c1: {  	v11 =	vld [tilespmem:s15+$0xC0];
	v1 =	vmul.f32 v9, v1;
	[tilespmem:s15+$0x40] =	vst v4  }
0x1c2: {  	v3 =	vld [tilespmem:s15+$0xD0];
	v4 =	vmul.f32 v8, v2;
	[tilespmem:s15+$0x50] =	vst v10  }
0x1c3: {  	v8 =	vld [tilespmem:s15+$0xE0];
	v7 =	vmul.f32 v7, v2;
	[tilespmem:s1+$0x60] =	vst v1  }
0x1c4: {  	v9 =	vld [tilespmem:s15+$0xF0];
	v1 =	vmul.f32 v6, v2;
	[tilespmem:s1+$0x80] =	vst v4  }
0x1c5: {  	v4 =	vmul.f32 v5, v2;
	[tilespmem:s1+$0x90] =	vst v7  }
0x1c6: {  	v5 =	vmul.f32 v11, v2;
	[tilespmem:s1+$0xA0] =	vst v1  }
0x1c7: {  	v1 =	vmul.f32 v3, v2;
	[tilespmem:s1+$0xB0] =	vst v4  }
0x1c8: {  	v3 =	vmul.f32 v8, v2;
	[tilespmem:s1+$0xC0] =	vst v5  }
0x1c9: {  	v2 =	vmul.f32 v9, v2;
	[tilespmem:s1+$0xD0] =	vst v1  }
0x1ca: {  	[tilespmem:s1+$0xE0] =	vst v3  }
0x1cb: {  	s15 =	simm.s32 $0x19000;
	[tilespmem:s1+$0xF0] =	vst v2;
	s1 =	simm.s32 @!p0 $0x8  }
0x1cc: {  	[spmem:s3] =	stream.indirect.scatter.add.f32 [tilespmem:s16], [sflag:$0x8], $0x80, s15, s12, $0xb8;
	[tilespmem:$0x1F580] =	vst v63  }
0x1cd: {  	_ =	swait.ge @!p0 [sflag:s1], $0x1400  }
0x1ce: {  	s4 =	sadd.s32 @!p0 $0x118, s29;
	s11 =	simm.s32 @!p0 $0x19000;
	[sflag:s1] =	ssyncset.done @!p0 $0x0  }
0x1cf: {  	s29 =	sadd.s32 $0xFFFFFFFC, s10;
	[sflag:s1] =	ssyncadd.s32 @!p0 $0xFFFFEC00;
	s1 =	sshrl.u32 @!p0 s4, $0x3  }
0x1d0: {  	s14 =	sadd.s32 $0x7E, s29;
	s4 =	simm.s32 @!p0 $0x0;
	s1 =	sadd.s32 @!p0 s0, s1  }
0x1d1: {  	[tilespmem:s11], [sflag:$0x3] =	stream.linear.gather @!p0 [hbm4b:s1+s4], $0x28, $0x38;
	[tilespmem:$0x1F580] =	vst v63  }
0x1d2: {  	s13 =	simm.s32 @!p0 $0x1B980;
	v1 =	vmov s14;
	s1 =	sadd.s32 @!p0 $0x14118, s28;
	s11 =	simm.s32 @!p0 $0x28  }
0x1d3: {  	v1 =	vand.u32 $0xFFFFFFFE, v1;
	[tilespmem:s13], [sflag:$0x3] =	stream.indirect.gather @!p0 [hbm4b:s5+s11], $0x80, s1, s11, $0xb8;
	[tilespmem:$0x1F580] =	vst v63  }
0x1d4: {  	v1 =	vbroadcast v1, $0x0;
	_ =	swait.ge [sflag:s24], $0x28  }
0x1d5: {  	[sflag:s24] =	ssyncset.done $0x0  }
0x1d6: {  	s13 =	sadd.s32 $0x7C, s29;
	[sflag:s24] =	ssyncadd.s32 $0xFFFFFFD8  }
0x1d7: {  	v2 =	vmov s13;
	_ =	swait.ge [sflag:s24], $0x1400  }
0x1d8: {  	v2 =	vand.u32 $0xFFFFFFFC, v2;
	[sflag:s24] =	ssyncset.done $0x0  }
0x1d9: {  	v2 =	vbroadcast v2, $0x0;
	[sflag:s24] =	ssyncadd.s32 $0xFFFFEC00  }
0x1da: {  	s15 =	simm.s32 $0x1CE80;
	v1 =	vld.idx.msk [tilespmem:v1+s7+$0x0], $0xffff  }
0x1db: {  	s14 =	sadd.s32 $0x7D, s29;
	v3 =	vld [tilespmem:s15+$0x70]  }
0x1dc: {  	v4 =	vmov s14;
	v5 =	vld [tilespmem:s15+$0xFFFFFF00]  }
0x1dd: {  	v4 =	vand.u32 $0xFFFFFFFD, v4;
	v6 =	vld [tilespmem:s15+$0xFFFFFF10]  }
0x1de: {  	v4 =	vbroadcast v4, $0x0;
	v7 =	vld [tilespmem:s15+$0xFFFFFF20]  }
0x1df: {  	v2 =	vld.idx.msk [tilespmem:v2+s7+$0x0], $0xffff  }
0x1e0: {  	v8 =	vld [tilespmem:s15+$0xFFFFFF30]  }
0x1e1: {  	v9 =	vld [tilespmem:s15+$0xFFFFFF40]  }
0x1e2: {  	v10 =	vld [tilespmem:s15+$0xFFFFFF50]  }
0x1e3: {  	v11 =	vld [tilespmem:s15+$0xFFFFFF60];
	v3 =	vmul.f32 v3, v1  }
0x1e4: {  	v4 =	vld.idx.msk [tilespmem:v4+s7+$0x0], $0xffff;
	v5 =	vmul.f32 v5, v2  }
0x1e5: {  	v13 =	vld [tilespmem:s15+$0xFFFFFFD0];
	[tilespmem:s15+$0x70] =	vst v3;
	v3 =	vmul.f32 v7, v2  }
0x1e6: {  	[tilespmem:s15+$0xFFFFFF00] =	vst v5;
	v5 =	vmul.f32 v6, v2;
	v6 =	vld [tilespmem:s15+$0xFFFFFF70]  }
0x1e7: {  	s29 =	sadd.s32 $0x7F, s29;
	v7 =	vld [tilespmem:s15+$0xFFFFFF80];
	[tilespmem:s15+$0xFFFFFF20] =	vst v3;
	v3 =	vmul.f32 v9, v2  }
0x1e8: {  	v12 =	vmov s29;
	[tilespmem:s15+$0xFFFFFF10] =	vst v5;
	v5 =	vmul.f32 v8, v2;
	v8 =	vld [tilespmem:s15+$0xFFFFFF90]  }
0x1e9: {  	v9 =	vld [tilespmem:s15+$0xFFFFFFA0];
	[tilespmem:s15+$0xFFFFFF40] =	vst v3;
	v3 =	vmul.f32 v11, v2  }
0x1ea: {  	v11 =	vld [tilespmem:s15+$0xFFFFFFC0];
	[tilespmem:s15+$0xFFFFFF30] =	vst v5;
	v5 =	vmul.f32 v10, v2  }
0x1eb: {  	v10 =	vld [tilespmem:s15+$0xFFFFFFB0];
	[tilespmem:s15+$0xFFFFFF60] =	vst v3;
	v6 =	vmul.f32 v6, v2  }
0x1ec: {  	v14 =	vld [tilespmem:s15+$0xFFFFFFE0];
	[tilespmem:s15+$0xFFFFFF50] =	vst v5;
	v5 =	vmul.f32 v7, v4  }
0x1ed: {  	v2 =	vld.idx.msk [tilespmem:v12+s7+$0x0], $0xffff;
	v3 =	vmul.f32 v8, v4;
	[tilespmem:s15+$0xFFFFFF70] =	vst v6  }
0x1ee: {  	v8 =	vld [tilespmem:s15+$0xFFFFFFF0];
	[tilespmem:s15+$0xFFFFFF80] =	vst v5;
	v5 =	vmul.f32 v9, v4  }
0x1ef: {  	v7 =	vld [tilespmem:s15+$0x0];
	v9 =	vmul.f32 v11, v4;
	[tilespmem:s15+$0xFFFFFF90] =	vst v3  }
0x1f0: {  	v6 =	vld [tilespmem:s15+$0x10];
	v3 =	vmul.f32 v10, v4;
	[tilespmem:s15+$0xFFFFFFA0] =	vst v5  }
0x1f1: {  	v10 =	vmul.f32 v13, v4;
	v5 =	vld [tilespmem:s15+$0x20];
	[tilespmem:s15+$0xFFFFFFC0] =	vst v9  }
0x1f2: {  	v9 =	vmul.f32 v14, v4;
	[tilespmem:s15+$0xFFFFFFB0] =	vst v3;
	v3 =	vld [tilespmem:s15+$0x30]  }
0x1f3: {  	s4 =	simm.s32 $0x0;
	s1 =	simm.s32 $0x1CE80;
	[tilespmem:s15+$0xFFFFFFD0] =	vst v10;
	v8 =	vmul.f32 v8, v4;
	v4 =	vld [tilespmem:s15+$0x40]  }
.LBB2_11:
0x1f4: {  	s11 =	sadd.s32 s4, s10;
	s4 =	sadd.s32 $0x4, s4;
	[tilespmem:s15+$0xFFFFFFE0] =	vst v9;
	v7 =	vmul.f32 v7, v1;
	v9 =	vld [tilespmem:s15+$0x50]  }
0x1f5: {  	s13 =	sadd.s32 $0x7C, s11;
	s14 =	sadd.s32 $0x7E, s11;
	p1 =	slt.u32 s4, $0x24;
	[tilespmem:s15+$0xFFFFFFF0] =	vst v8;
	v6 =	vmul.f32 v6, v1;
	v8 =	vld [tilespmem:s15+$0x60]  }
0x1f6: {  	v10 =	vmov s13;
	s13 =	sadd.s32 $0x7D, s11;
	v11 =	vmov s14;
	s11 =	sadd.s32 $0x7F, s11;
	[tilespmem:s15+$0x0] =	vst v7;
	v5 =	vmul.f32 v5, v1;
	v7 =	vld [tilespmem:s15+$0x80]  }
0x1f7: {  	v10 =	vand.u32 $0xFFFFFFFC, v10;
	v12 =	vmov s13;
	v11 =	vand.u32 $0xFFFFFFFE, v11;
	[tilespmem:s15+$0x10] =	vst v6;
	v6 =	vld [tilespmem:s15+$0x90]  }
0x1f8: {  	v10 =	vbroadcast v10, $0x0;
	v12 =	vand.u32 $0xFFFFFFFD, v12;
	v11 =	vbroadcast v11, $0x0;
	[tilespmem:s15+$0x20] =	vst v5;
	v5 =	vld [tilespmem:s15+$0xA0]  }
0x1f9: {  	v13 =	vmov s11;
	v3 =	vmul.f32 v3, v1;
	v12 =	vbroadcast v12, $0x0;
	v14 =	vld [tilespmem:s15+$0xB0]  }
0x1fa: {  	v4 =	vmul.f32 v4, v1;
	v9 =	vmul.f32 v9, v1;
	v15 =	vld [tilespmem:s15+$0xC0]  }
0x1fb: {  	[tilespmem:s15+$0x30] =	vst v3;
	v3 =	vmul.f32 v8, v1;
	v7 =	vmul.f32 v7, v2;
	v8 =	vld [tilespmem:s15+$0xD0]  }
0x1fc: {  	[tilespmem:s15+$0x40] =	vst v4;
	v4 =	vmul.f32 v6, v2;
	v6 =	vld [tilespmem:s15+$0xE0]  }
0x1fd: {  	[tilespmem:s15+$0x50] =	vst v9;
	v5 =	vmul.f32 v5, v2;
	v9 =	vld [tilespmem:s15+$0xF0]  }
0x1fe: {  	s15 =	sadd.s32 $0x200, s15;
	v1 =	vld.idx.msk [tilespmem:v11+s7+$0x0], $0xffff;
	[tilespmem:s1+$0x60] =	vst v3;
	v3 =	vmul.f32 v14, v2  }
0x1ff: {  	v11 =	vld [tilespmem:s15+$0x70];
	[tilespmem:s1+$0x80] =	vst v7;
	v7 =	vmul.f32 v15, v2  }
0x200: {  	v10 =	vld.idx.msk [tilespmem:v10+s7+$0x0], $0xffff;
	[tilespmem:s1+$0x90] =	vst v4;
	v4 =	vmul.f32 v8, v2  }
0x201: {  	v8 =	vld.idx.msk [tilespmem:v12+s7+$0x0], $0xffff;
	[tilespmem:s1+$0xA0] =	vst v5;
	v5 =	vmul.f32 v6, v2  }
0x202: {  	[tilespmem:s1+$0xB0] =	vst v3;
	v3 =	vmul.f32 v9, v2;
	v2 =	vld.idx.msk [tilespmem:v13+s7+$0x0], $0xffff  }
0x203: {  	v6 =	vld [tilespmem:s15+$0xFFFFFF00];
	[tilespmem:s1+$0xC0] =	vst v7  }
0x204: {  	v7 =	vld [tilespmem:s15+$0xFFFFFF10];
	v9 =	vmul.f32 v11, v1;
	[tilespmem:s1+$0xD0] =	vst v4  }
0x205: {  	v4 =	vld [tilespmem:s15+$0xFFFFFF20];
	[tilespmem:s1+$0xE0] =	vst v5  }
0x206: {  	v5 =	vld [tilespmem:s15+$0xFFFFFF30];
	[tilespmem:s15+$0x70] =	vst v9  }
0x207: {  	v9 =	vld [tilespmem:s15+$0xFFFFFF40];
	[tilespmem:s1+$0xF0] =	vst v3;
	s1 =	smov.u32 s15  }
0x208: {  	v3 =	vmul.f32 v6, v10;
	v6 =	vld [tilespmem:s15+$0xFFFFFF50]  }
0x209: {  	v7 =	vmul.f32 v7, v10;
	v11 =	vld [tilespmem:s15+$0xFFFFFF60]  }
0x20a: {  	[tilespmem:s15+$0xFFFFFF00] =	vst v3;
	v3 =	vmul.f32 v4, v10;
	v4 =	vld [tilespmem:s15+$0xFFFFFF70]  }
0x20b: {  	[tilespmem:s15+$0xFFFFFF10] =	vst v7;
	v5 =	vmul.f32 v5, v10;
	v7 =	vld [tilespmem:s15+$0xFFFFFF80]  }
0x20c: {  	[tilespmem:s15+$0xFFFFFF20] =	vst v3;
	v3 =	vmul.f32 v9, v10;
	v9 =	vld [tilespmem:s15+$0xFFFFFF90]  }
0x20d: {  	[tilespmem:s15+$0xFFFFFF30] =	vst v5;
	v5 =	vmul.f32 v6, v10;
	v6 =	vld [tilespmem:s15+$0xFFFFFFA0]  }
0x20e: {  	[tilespmem:s15+$0xFFFFFF40] =	vst v3;
	v3 =	vmul.f32 v11, v10;
	v11 =	vld [tilespmem:s15+$0xFFFFFFB0]  }
0x20f: {  	[tilespmem:s15+$0xFFFFFF50] =	vst v5;
	v4 =	vmul.f32 v4, v10;
	v5 =	vld [tilespmem:s15+$0xFFFFFFC0]  }
0x210: {  	[tilespmem:s15+$0xFFFFFF60] =	vst v3;
	v3 =	vmul.f32 v7, v8;
	v10 =	vld [tilespmem:s15+$0xFFFFFFD0]  }
0x211: {  	[tilespmem:s15+$0xFFFFFF70] =	vst v4;
	v4 =	vmul.f32 v9, v8;
	v9 =	vld [tilespmem:s15+$0xFFFFFFE0]  }
0x212: {  	[tilespmem:s15+$0xFFFFFF80] =	vst v3;
	v3 =	vmul.f32 v6, v8;
	v12 =	vld [tilespmem:s15+$0xFFFFFFF0]  }
.Ltmp6:
0x213: {  	[tilespmem:s15+$0xFFFFFF90] =	vst v4;
	v4 =	vmul.f32 v11, v8;
	v7 =	vld [tilespmem:s15+$0x0];
	(pc) =	sbr.rel @p1 .LBB2_11-.Ltmp6, $4  }
0x214: {  	[tilespmem:s15+$0xFFFFFFA0] =	vst v3;
	v3 =	vmul.f32 v5, v8;
	v6 =	vld [tilespmem:s15+$0x10]  }
0x215: {  	[tilespmem:s15+$0xFFFFFFB0] =	vst v4;
	v4 =	vmul.f32 v10, v8;
	v5 =	vld [tilespmem:s15+$0x20]  }
0x216: {  	[tilespmem:s15+$0xFFFFFFC0] =	vst v3;
	v9 =	vmul.f32 v9, v8;
	v3 =	vld [tilespmem:s15+$0x30]  }
0x217: {  	[tilespmem:s15+$0xFFFFFFD0] =	vst v4;
	v8 =	vmul.f32 v12, v8;
	v4 =	vld [tilespmem:s15+$0x40]  }
0x218: {  	v10 =	vld [tilespmem:s15+$0x50];
	[tilespmem:s15+$0xFFFFFFE0] =	vst v9;
	v7 =	vmul.f32 v7, v1  }
0x219: {  	v9 =	vld [tilespmem:s15+$0x60];
	[tilespmem:s15+$0xFFFFFFF0] =	vst v8;
	v6 =	vmul.f32 v6, v1  }
0x21a: {  	v8 =	vld [tilespmem:s15+$0x80];
	[tilespmem:s15+$0x0] =	vst v7;
	v5 =	vmul.f32 v5, v1  }
0x21b: {  	v7 =	vld [tilespmem:s15+$0x90];
	[tilespmem:s15+$0x10] =	vst v6;
	v3 =	vmul.f32 v3, v1  }
0x21c: {  	v6 =	vld [tilespmem:s15+$0xA0];
	[tilespmem:s15+$0x20] =	vst v5;
	v4 =	vmul.f32 v4, v1  }
0x21d: {  	v5 =	vld [tilespmem:s15+$0xB0];
	v10 =	vmul.f32 v10, v1;
	[tilespmem:s15+$0x30] =	vst v3  }
0x21e: {  	v11 =	vld [tilespmem:s15+$0xC0];
	v1 =	vmul.f32 v9, v1;
	[tilespmem:s15+$0x40] =	vst v4  }
0x21f: {  	v3 =	vld [tilespmem:s15+$0xD0];
	v4 =	vmul.f32 v8, v2;
	[tilespmem:s15+$0x50] =	vst v10  }
0x220: {  	v8 =	vld [tilespmem:s15+$0xE0];
	v7 =	vmul.f32 v7, v2;
	[tilespmem:s1+$0x60] =	vst v1  }
0x221: {  	v9 =	vld [tilespmem:s15+$0xF0];
	v1 =	vmul.f32 v6, v2;
	[tilespmem:s1+$0x80] =	vst v4  }
0x222: {  	v4 =	vmul.f32 v5, v2;
	[tilespmem:s1+$0x90] =	vst v7  }
0x223: {  	v5 =	vmul.f32 v11, v2;
	[tilespmem:s1+$0xA0] =	vst v1  }
0x224: {  	v1 =	vmul.f32 v3, v2;
	[tilespmem:s1+$0xB0] =	vst v4  }
0x225: {  	v3 =	vmul.f32 v8, v2;
	[tilespmem:s1+$0xC0] =	vst v5  }
0x226: {  	v2 =	vmul.f32 v9, v2;
	[tilespmem:s1+$0xD0] =	vst v1  }
0x227: {  	[tilespmem:s1+$0xE0] =	vst v3  }
0x228: {  	[tilespmem:s1+$0xF0] =	vst v2;
	s1 =	simm.s32 @!p0 $0x9  }
0x229: {  	[spmem:s3] =	stream.indirect.scatter.add.f32 [tilespmem:s18], [sflag:$0x9], $0x80, s17, s12, $0xb8;
	[tilespmem:$0x1F580] =	vst v63  }
0x22a: {  	_ =	swait.ge @!p0 [sflag:s1], $0x1400  }
0x22b: {  	s4 =	simm.s32 @!p0 $0x0;
	s11 =	simm.s32 @!p0 $0x19080;
	[sflag:s1] =	ssyncset.done @!p0 $0x0  }
0x22c: {  	[sflag:s1] =	ssyncadd.s32 @!p0 $0xFFFFEC00;
	s1 =	sadd.s32 @!p0 $0x28, s31;
	s31 =	sadd.s32 $0xFFFFFFFC, s10  }
0x22d: {  	[tilespmem:s11], [sflag:$0x4] =	stream.linear.gather @!p0 [hbm4b:s1+s4], $0x28, $0x38;
	[tilespmem:$0x1F580] =	vst v63  }
0x22e: {  	s13 =	simm.s32 @!p0 $0x1CD80;
	s14 =	sadd.s32 $0xA6, s31  }
0x22f: {  	s1 =	sadd.s32 @!p0 $0x14140, s28;
	s11 =	simm.s32 @!p0 $0x28;
	s15 =	sadd.s32 $0xA4, s31;
	v1 =	vmov s14  }
0x230: {  	[tilespmem:s13], [sflag:$0x4] =	stream.indirect.gather @!p0 [hbm4b:s5+s11], $0x80, s1, s11, $0xb8;
	v1 =	vand.u32 $0xFFFFFFFE, v1;
	[tilespmem:$0x1F580] =	vst v63  }
0x231: {  	v2 =	vmov s15;
	_ =	swait.ge [sflag:s25], $0x28;
	v1 =	vbroadcast v1, $0x0  }
0x232: {  	v2 =	vand.u32 $0xFFFFFFFC, v2;
	[sflag:s25] =	ssyncset.done $0x0  }
0x233: {  	v2 =	vbroadcast v2, $0x0;
	[sflag:s25] =	ssyncadd.s32 $0xFFFFFFD8  }
0x234: {  	_ =	swait.ge [sflag:s25], $0x1400  }
0x235: {  	[sflag:s25] =	ssyncset.done $0x0  }
0x236: {  	[sflag:s25] =	ssyncadd.s32 $0xFFFFEC00  }
0x237: {  	s15 =	simm.s32 $0x1E280;
	v1 =	vld.idx.msk [tilespmem:v1+s7+$0x0], $0xffff  }
0x238: {  	s29 =	sadd.s32 $0xA5, s31;
	v3 =	vld [tilespmem:s15+$0x70]  }
0x239: {  	v4 =	vmov s29;
	v2 =	vld.idx.msk [tilespmem:v2+s7+$0x0], $0xffff  }
0x23a: {  	v4 =	vand.u32 $0xFFFFFFFD, v4;
	v5 =	vld [tilespmem:s15+$0xFFFFFF00]  }
0x23b: {  	v4 =	vbroadcast v4, $0x0;
	v6 =	vld [tilespmem:s15+$0xFFFFFF10]  }
0x23c: {  	v7 =	vld [tilespmem:s15+$0xFFFFFF20]  }
0x23d: {  	v8 =	vld [tilespmem:s15+$0xFFFFFF30]  }
0x23e: {  	v9 =	vld [tilespmem:s15+$0xFFFFFF40]  }
0x23f: {  	v10 =	vld [tilespmem:s15+$0xFFFFFF50]  }
0x240: {  	v11 =	vld [tilespmem:s15+$0xFFFFFF60];
	v5 =	vmul.f32 v5, v2  }
0x241: {  	v4 =	vld.idx.msk [tilespmem:v4+s7+$0x0], $0xffff;
	v3 =	vmul.f32 v3, v1  }
0x242: {  	v13 =	vld [tilespmem:s15+$0xFFFFFFD0];
	[tilespmem:s15+$0xFFFFFF00] =	vst v5;
	v5 =	vmul.f32 v6, v2  }
0x243: {  	v6 =	vld [tilespmem:s15+$0xFFFFFF70];
	[tilespmem:s15+$0x70] =	vst v3;
	v3 =	vmul.f32 v7, v2  }
0x244: {  	s31 =	sadd.s32 $0xA7, s31;
	v7 =	vld [tilespmem:s15+$0xFFFFFF80];
	[tilespmem:s15+$0xFFFFFF10] =	vst v5;
	v5 =	vmul.f32 v8, v2  }
0x245: {  	v12 =	vmov s31;
	v8 =	vld [tilespmem:s15+$0xFFFFFF90];
	[tilespmem:s15+$0xFFFFFF20] =	vst v3;
	v3 =	vmul.f32 v9, v2  }
0x246: {  	v9 =	vld [tilespmem:s15+$0xFFFFFFA0];
	[tilespmem:s15+$0xFFFFFF30] =	vst v5;
	v5 =	vmul.f32 v10, v2  }
0x247: {  	v10 =	vld [tilespmem:s15+$0xFFFFFFB0];
	[tilespmem:s15+$0xFFFFFF40] =	vst v3;
	v3 =	vmul.f32 v11, v2  }
0x248: {  	v11 =	vld [tilespmem:s15+$0xFFFFFFC0];
	v6 =	vmul.f32 v6, v2;
	[tilespmem:s15+$0xFFFFFF50] =	vst v5  }
0x249: {  	v14 =	vld [tilespmem:s15+$0xFFFFFFE0];
	v5 =	vmul.f32 v7, v4;
	[tilespmem:s15+$0xFFFFFF60] =	vst v3  }
0x24a: {  	v2 =	vld.idx.msk [tilespmem:v12+s7+$0x0], $0xffff;
	v3 =	vmul.f32 v8, v4;
	[tilespmem:s15+$0xFFFFFF70] =	vst v6  }
0x24b: {  	v8 =	vld [tilespmem:s15+$0xFFFFFFF0];
	[tilespmem:s15+$0xFFFFFF80] =	vst v5;
	v5 =	vmul.f32 v9, v4  }
0x24c: {  	v7 =	vld [tilespmem:s15+$0x0];
	[tilespmem:s15+$0xFFFFFF90] =	vst v3;
	v3 =	vmul.f32 v10, v4  }
0x24d: {  	v6 =	vld [tilespmem:s15+$0x10];
	v9 =	vmul.f32 v11, v4;
	[tilespmem:s15+$0xFFFFFFA0] =	vst v5  }
0x24e: {  	v10 =	vmul.f32 v13, v4;
	v5 =	vld [tilespmem:s15+$0x20];
	[tilespmem:s15+$0xFFFFFFB0] =	vst v3  }
0x24f: {  	[tilespmem:s15+$0xFFFFFFC0] =	vst v9;
	v3 =	vld [tilespmem:s15+$0x30];
	v9 =	vmul.f32 v14, v4  }
0x250: {  	s4 =	simm.s32 $0x0;
	s1 =	simm.s32 $0x1E280;
	[tilespmem:s15+$0xFFFFFFD0] =	vst v10;
	v8 =	vmul.f32 v8, v4;
	v4 =	vld [tilespmem:s15+$0x40]  }
.LBB2_13:
0x251: {  	s11 =	sadd.s32 s4, s10;
	s4 =	sadd.s32 $0x4, s4;
	[tilespmem:s15+$0xFFFFFFE0] =	vst v9;
	v7 =	vmul.f32 v7, v1;
	v9 =	vld [tilespmem:s15+$0x50]  }
0x252: {  	s13 =	sadd.s32 $0xA4, s11;
	s14 =	sadd.s32 $0xA6, s11;
	p1 =	slt.u32 s4, $0x24;
	[tilespmem:s15+$0xFFFFFFF0] =	vst v8;
	v6 =	vmul.f32 v6, v1;
	v8 =	vld [tilespmem:s15+$0x60]  }
0x253: {  	v10 =	vmov s13;
	s13 =	sadd.s32 $0xA5, s11;
	v11 =	vmov s14;
	s11 =	sadd.s32 $0xA7, s11;
	[tilespmem:s15+$0x0] =	vst v7;
	v5 =	vmul.f32 v5, v1;
	v7 =	vld [tilespmem:s15+$0x80]  }
0x254: {  	v10 =	vand.u32 $0xFFFFFFFC, v10;
	v12 =	vmov s13;
	v11 =	vand.u32 $0xFFFFFFFE, v11;
	[tilespmem:s15+$0x10] =	vst v6;
	v6 =	vld [tilespmem:s15+$0x90]  }
0x255: {  	v10 =	vbroadcast v10, $0x0;
	v12 =	vand.u32 $0xFFFFFFFD, v12;
	v11 =	vbroadcast v11, $0x0;
	[tilespmem:s15+$0x20] =	vst v5;
	v5 =	vld [tilespmem:s15+$0xA0]  }
0x256: {  	v13 =	vmov s11;
	v3 =	vmul.f32 v3, v1;
	v12 =	vbroadcast v12, $0x0;
	v14 =	vld [tilespmem:s15+$0xB0]  }
0x257: {  	v4 =	vmul.f32 v4, v1;
	v9 =	vmul.f32 v9, v1;
	v15 =	vld [tilespmem:s15+$0xC0]  }
0x258: {  	[tilespmem:s15+$0x30] =	vst v3;
	v3 =	vmul.f32 v8, v1;
	v7 =	vmul.f32 v7, v2;
	v8 =	vld [tilespmem:s15+$0xD0]  }
0x259: {  	[tilespmem:s15+$0x40] =	vst v4;
	v4 =	vmul.f32 v6, v2;
	v6 =	vld [tilespmem:s15+$0xE0]  }
0x25a: {  	[tilespmem:s15+$0x50] =	vst v9;
	v5 =	vmul.f32 v5, v2;
	v9 =	vld [tilespmem:s15+$0xF0]  }
0x25b: {  	s15 =	sadd.s32 $0x200, s15;
	v1 =	vld.idx.msk [tilespmem:v11+s7+$0x0], $0xffff;
	[tilespmem:s1+$0x60] =	vst v3;
	v3 =	vmul.f32 v14, v2  }
0x25c: {  	v11 =	vld [tilespmem:s15+$0x70];
	[tilespmem:s1+$0x80] =	vst v7;
	v7 =	vmul.f32 v15, v2  }
0x25d: {  	v10 =	vld.idx.msk [tilespmem:v10+s7+$0x0], $0xffff;
	[tilespmem:s1+$0x90] =	vst v4;
	v4 =	vmul.f32 v8, v2  }
0x25e: {  	v8 =	vld.idx.msk [tilespmem:v12+s7+$0x0], $0xffff;
	[tilespmem:s1+$0xA0] =	vst v5;
	v5 =	vmul.f32 v6, v2  }
0x25f: {  	[tilespmem:s1+$0xB0] =	vst v3;
	v3 =	vmul.f32 v9, v2;
	v2 =	vld.idx.msk [tilespmem:v13+s7+$0x0], $0xffff  }
0x260: {  	v6 =	vld [tilespmem:s15+$0xFFFFFF00];
	[tilespmem:s1+$0xC0] =	vst v7  }
0x261: {  	v7 =	vld [tilespmem:s15+$0xFFFFFF10];
	v9 =	vmul.f32 v11, v1;
	[tilespmem:s1+$0xD0] =	vst v4  }
0x262: {  	v4 =	vld [tilespmem:s15+$0xFFFFFF20];
	[tilespmem:s1+$0xE0] =	vst v5  }
0x263: {  	v5 =	vld [tilespmem:s15+$0xFFFFFF30];
	[tilespmem:s15+$0x70] =	vst v9  }
0x264: {  	v9 =	vld [tilespmem:s15+$0xFFFFFF40];
	[tilespmem:s1+$0xF0] =	vst v3;
	s1 =	smov.u32 s15  }
0x265: {  	v3 =	vmul.f32 v6, v10;
	v6 =	vld [tilespmem:s15+$0xFFFFFF50]  }
0x266: {  	v7 =	vmul.f32 v7, v10;
	v11 =	vld [tilespmem:s15+$0xFFFFFF60]  }
0x267: {  	[tilespmem:s15+$0xFFFFFF00] =	vst v3;
	v3 =	vmul.f32 v4, v10;
	v4 =	vld [tilespmem:s15+$0xFFFFFF70]  }
0x268: {  	[tilespmem:s15+$0xFFFFFF10] =	vst v7;
	v5 =	vmul.f32 v5, v10;
	v7 =	vld [tilespmem:s15+$0xFFFFFF80]  }
0x269: {  	[tilespmem:s15+$0xFFFFFF20] =	vst v3;
	v3 =	vmul.f32 v9, v10;
	v9 =	vld [tilespmem:s15+$0xFFFFFF90]  }
0x26a: {  	[tilespmem:s15+$0xFFFFFF30] =	vst v5;
	v5 =	vmul.f32 v6, v10;
	v6 =	vld [tilespmem:s15+$0xFFFFFFA0]  }
0x26b: {  	[tilespmem:s15+$0xFFFFFF40] =	vst v3;
	v3 =	vmul.f32 v11, v10;
	v11 =	vld [tilespmem:s15+$0xFFFFFFB0]  }
0x26c: {  	[tilespmem:s15+$0xFFFFFF50] =	vst v5;
	v4 =	vmul.f32 v4, v10;
	v5 =	vld [tilespmem:s15+$0xFFFFFFC0]  }
0x26d: {  	[tilespmem:s15+$0xFFFFFF60] =	vst v3;
	v3 =	vmul.f32 v7, v8;
	v10 =	vld [tilespmem:s15+$0xFFFFFFD0]  }
0x26e: {  	[tilespmem:s15+$0xFFFFFF70] =	vst v4;
	v4 =	vmul.f32 v9, v8;
	v9 =	vld [tilespmem:s15+$0xFFFFFFE0]  }
0x26f: {  	[tilespmem:s15+$0xFFFFFF80] =	vst v3;
	v3 =	vmul.f32 v6, v8;
	v12 =	vld [tilespmem:s15+$0xFFFFFFF0]  }
.Ltmp7:
0x270: {  	[tilespmem:s15+$0xFFFFFF90] =	vst v4;
	v4 =	vmul.f32 v11, v8;
	v7 =	vld [tilespmem:s15+$0x0];
	(pc) =	sbr.rel @p1 .LBB2_13-.Ltmp7, $4  }
0x271: {  	[tilespmem:s15+$0xFFFFFFA0] =	vst v3;
	v3 =	vmul.f32 v5, v8;
	v6 =	vld [tilespmem:s15+$0x10]  }
0x272: {  	[tilespmem:s15+$0xFFFFFFB0] =	vst v4;
	v4 =	vmul.f32 v10, v8;
	v5 =	vld [tilespmem:s15+$0x20]  }
0x273: {  	[tilespmem:s15+$0xFFFFFFC0] =	vst v3;
	v9 =	vmul.f32 v9, v8;
	v3 =	vld [tilespmem:s15+$0x30]  }
0x274: {  	[tilespmem:s15+$0xFFFFFFD0] =	vst v4;
	v8 =	vmul.f32 v12, v8;
	v4 =	vld [tilespmem:s15+$0x40]  }
0x275: {  	v10 =	vld [tilespmem:s15+$0x50]  }
0x276: {  	[tilespmem:s15+$0xFFFFFFE0] =	vst v9;
	v7 =	vmul.f32 v7, v1;
	v54 =	vld [tilespmem:s15+$0x60]  }
0x277: {  	v55 =	vld [tilespmem:s15+$0x80];
	[tilespmem:s15+$0xFFFFFFF0] =	vst v8;
	v6 =	vmul.f32 v6, v1  }
0x278: {  	v56 =	vld [tilespmem:s15+$0x90];
	[tilespmem:s15+$0x0] =	vst v7;
	v5 =	vmul.f32 v5, v1  }
0x279: {  	v57 =	vld [tilespmem:s15+$0xA0];
	[tilespmem:s15+$0x10] =	vst v6;
	v3 =	vmul.f32 v3, v1  }
0x27a: {  	v58 =	vld [tilespmem:s15+$0xB0];
	[tilespmem:s15+$0x20] =	vst v5;
	v4 =	vmul.f32 v4, v1  }
0x27b: {  	v11 =	vld [tilespmem:s15+$0xC0];
	v10 =	vmul.f32 v10, v1;
	[tilespmem:s15+$0x30] =	vst v3  }
0x27c: {  	v60 =	vld [tilespmem:s15+$0xE0];
	v59 =	vmul.f32 v55, v2;
	[tilespmem:s15+$0x40] =	vst v4  }
0x27d: {  	v3 =	vld [tilespmem:s15+$0xD0];
	v7 =	vmul.f32 v56, v2;
	[tilespmem:s15+$0x50] =	vst v10  }
0x27e: {  	v61 =	vld [tilespmem:s15+$0xF0];
	v1 =	vmul.f32 v54, v1;
	[tilespmem:s1+$0x80] =	vst v59  }
0x27f: {  	v62 =	vmul.f32 v58, v2;
	[tilespmem:s1+$0x90] =	vst v7  }
0x280: {  	[tilespmem:s1+$0x60] =	vst v1;
	v1 =	vmul.f32 v57, v2  }
0x281: {  	v63 =	vmul.f32 v11, v2;
	[tilespmem:s1+$0xB0] =	vst v62  }
0x282: {  	[tilespmem:s1+$0xA0] =	vst v1;
	v1 =	vmul.f32 v3, v2  }
.Ltmp8:
0x283: {  	[tilespmem:s1+$0xC0] =	vst v63;
	v3 =	vmul.f32 v60, v2;
	(pc) =	sbr.rel @p0 .LBB2_16-.Ltmp8, $4  }
0x284: {  	v2 =	vmul.f32 v61, v2;
	[tilespmem:s1+$0xD0] =	vst v1  }
0x285: {  	[tilespmem:s1+$0xE0] =	vst v3  }
0x286: {  	[tilespmem:s1+$0xF0] =	vst v2  }
0x287: {  	[spmem:s3] =	stream.indirect.scatter.add.f32 [tilespmem:s20], [sflag:$0xA], $0x80, s19, s12, $0xb8;
	[tilespmem:$0x1F580] =	vst v63  }
0x288: {  	s1 =	sadd.s32 s6, s28  }
0x289: {  	_ =	swait.ge [sflag:s30], $0x1400;
	s1 =	sadd.s32 $0x168, s1  }
.Ltmp9:
0x28a: {  	[sflag:s30] =	ssyncset.done $0x0;
	s1 =	sshrl.u32 s1, $0x3;
	(pc) =	sbr.rel .LBB2_4-.Ltmp9, $4  }
0x28b: {  	s4 =	simm.s32 $0x0;
	[sflag:s30] =	ssyncadd.s32 $0xFFFFEC00;
	s1 =	sadd.s32 s0, s1  }
0x28c: {  	[tilespmem:s19], [sflag:$0x5] =	stream.linear.gather [hbm4b:s1+s4], $0x28, $0x38;
	[tilespmem:$0x1F580] =	vst v63  }
0x28d: {  	s31 =	sadd.s32 $0x14168, s28;
	s26 =	sadd.s32 $0x1, s26;
	s10 =	sadd.s32 $0xC8, s10  }
0x28e: {  	[tilespmem:s20], [sflag:$0x5] =	stream.indirect.gather [hbm4b:s5+s12], $0x80, s31, s12, $0xb8;
	[tilespmem:$0x1F580] =	vst v63  }
.LBB2_17:
0x28f: {  	_ =	sfence.sel $0x180000  }
0x290: {  	[bflag:$0x0] =	sbarrier.arrive $0xFFFF  }
0x291: {  	_ =	strace $0x9000004D  }
0x292: {  	s0 =	stileid.u32;
	[bflag:$0x2] =	sbarrier.arrive $0xFFFF  }
0x293: {  	p0 =	sne.s32 s0, $0x0;
	s0 =	rddreg [dreg:$0x5]  }
0x294: {  	s0 =	sadd.s32 @!p0 $0x100000, s0  }
0x295: {  	[sflag:s0] =	ssyncadd.tile.s32 @!p0 $0x1;
	_ =	shalt  }
.Lfunc_end2:
_tile_overlayer_lowered:
.L_overlay_start_2:
0x296: {  	(tag) =	ssettag $0x2  }
0x297: {  	s0 =	rddreg [dreg:$0x0];
	s2 =	stileid.u32  }
0x298: {  	s1 =	rddreg [dreg:$0x1];
	p0 =	sne.s32 s2, $0x0  }
0x299: {  	s3 =	rddreg [dreg:$0x2];
	[bflag:$0x3] =	sbarrier.arrive $0xFFFF;
	s2 =	simm.s32 @!p0 $0x1C0B  }
0x29a: {  	[timem:s3], [sflag:s2] =	dma.local @!p0 [hbm:s0], s1  }
0x29b: {  	s0 =	simm.s32 @!p0 $0xB  }
0x29c: {  	_ =	swait.ge @!p0 [sflag:s0], s1  }
0x29d: {  	s1 =	ssub.s32 @!p0 $0x0, s1;
	[sflag:s0] =	ssyncset.done @!p0 $0x0  }
0x29e: {  	[sflag:s0] =	ssyncadd.s32 @!p0 s1  }
0x29f: {  	[bflag:$0x3] =	sbarrier.arrive $0xFFFF  }
0x2a0: {  	_ =	shalt  }

// kernel: kernel.8.cloned.1.call-start
scs
__scs_entry_jumppad:
0x0: {  	(pc) =	sbr.rel $0x88, $3  }
0x1: {  	(tag) =	ssettag $0x0;
	lr =	simm.s32 $0x1  }
0x2: {  	[smem:$0x3F98] =	sst lr;
	_ =	strace $0xD0000000  }
0x3: {  	_ = 	snop  }
0x4: {  	_ = 	snop  }
0x5: {  	_ = 	snop  }
0x6: {  	_ = 	snop  }
0x7: {  	_ = 	snop  }
__scs_overlays_trampoline_lowered:
0x8: {  	[smem:$0x3FA7] =	sst s0  }
0x9: {  	[smem:$0x3FA8] =	sst s1  }
0xa: {  	[smem:$0x3FA9] =	sst s2  }
0xb: {  	[smem:$0x3FAA] =	sst s3  }
0xc: {  	[smem:$0x3FAB] =	sst s4  }
0xd: {  	[smem:$0x3FAC] =	sst s5  }
0xe: {  	[smem:$0x3FAD] =	sst s6  }
0xf: {  	[smem:$0x3FAE] =	sst s7  }
0x10: {  	[smem:$0x3FAF] =	sst s8  }
0x11: {  	[smem:$0x3FB0] =	sst s9;
	s0 =	simm.s32 @!p0 $0x0  }
0x12: {  	s1 =	sld [smem:$0x3F96];
	s0 =	simm.s32 @p0 $0x1  }
0x13: {  	[smem:$0x3FB1] =	sst s0;
	s0 =	simm.s32 @!p1 $0x0  }
0x14: {  	s2 =	sld [smem:$0x3F95];
	s0 =	simm.s32 @p1 $0x1  }
0x15: {  	[smem:$0x3FB2] =	sst s0;
	s0 =	simm.s32 @!p2 $0x0  }
0x16: {  	s3 =	sld [smem:$0x3FDB];
	s0 =	simm.s32 @p2 $0x1  }
0x17: {  	s4 =	simm.s32 $0x1BF5;
	[smem:$0x3FB4] =	sst s0  }
0x18: {  	s0 =	sld [smem:$0x3F97];
	_ =	swait.ge [sflag:s4], $0x0  }
0x19: {  	s7 =	sld [smem:$0x3F98]  }
0x1a: {  	s8 =	sadd.s32 $0xFFFFE003, lr  }
0x1b: {  	s9 =	sadd.s32 $0xFFFFFEF7, lr;
	s5 =	simm.s32 $0xFFFFFFFF;
	p2 =	slt.u32 s8, $0xFFFFF086  }
0x1c: {  	p1 =	slt.u32 s9, $0xF7A;
	s5 =	simm.s32 @!p2 $0x0  }
0x1d: {  	s5 =	simm.s32 @p1 $0x1;
	p0 =	seq.s32 s7, s2  }
0x1e: {  	s7 =	smul.u32 @!p0 $0xF7A, s2;
	p2 =	seq.s32 @!p0 s5, $0x0  }
0x1f: {  	s9 =	smul.u32 $0xF7A, s1;
	s8 =	simm.s32 @!p0 $0x1BF5;
	p2 =	por !p2, p0  }
0x20: {  	[sflag:s8] =	ssyncset.s32 @!p0 $0xFFFFF086;
	s6 =	sadd.s32 @!p0 s3, s7;
	s7 =	simm.s32 @!p0 $0x108  }
0x21: {  	s3 =	sadd.s32 s3, s9;
	s6 =	sadd.s32 @!p0 $0x88, s6;
	s7 =	simm.s32 @p2 $0x1082  }
0x22: {  	[simem:s7], [sflag:s8] =	dma.local @!p0 [hbm:s6], $0xF7A  }
0x23: {  	s9 =	sor.u32 $0xD0000000, s2;
	s6 =	simm.s32 $0x108;
	_ =	swait.ge @!p0 [sflag:s8], $0x0  }
0x24: {  	s3 =	sadd.s32 $0x88, s3;
	s6 =	simm.s32 @!p1 $0x1082;
	[sflag:s4] =	ssyncset.s32 $0xFFFFF086  }
0x25: {  	[simem:s6], [sflag:s4] =	dma.local [hbm:s3], $0xF7A  }
0x26: {  	[smem:$0x3F98] =	sst s1;
	(tag) =	ssettag s2;
	_ =	strace s9  }
0x27: {  	s1 =	sld [smem:$0x3FA8]  }
0x28: {  	s2 =	sld [smem:$0x3FA9]  }
0x29: {  	s4 =	sld [smem:$0x3FAB]  }
0x2a: {  	p0 =	seq.s32 s5, $0x0;
	s5 =	sld [smem:$0x3FAC]  }
0x2b: {  	s6 =	sld [smem:$0x3FAD]  }
0x2c: {  	s7 =	sld [smem:$0x3FAE]  }
0x2d: {  	s3 =	simm.s32 $0x108;
	s8 =	sld [smem:$0x3FAF]  }
0x2e: {  	s3 =	simm.s32 @!p0 $0x1082;
	s9 =	sld [smem:$0x3FB0]  }
0x2f: {  	lr =	sadd.s32 s0, s3;
	s0 =	sld [smem:$0x3FA7]  }
0x30: {  	s3 =	sld [smem:$0x3FAA]  }
0x31: {  	[smem:$0x3FB3] =	sst s10  }
0x32: {  	s10 =	sld [smem:$0x3FB1];
	_ =	sdelay $0x3  }
0x33: {  	p0 =	seq.s32 s10, $0x1;
	s10 =	sld [smem:$0x3FB3];
	_ =	sdelay $0x3  }
0x34: {  	[smem:$0x3FB3] =	sst s10  }
0x35: {  	s10 =	sld [smem:$0x3FB2];
	_ =	sdelay $0x3  }
0x36: {  	p1 =	seq.s32 s10, $0x1;
	s10 =	sld [smem:$0x3FB3];
	_ =	sdelay $0x3  }
0x37: {  	[smem:$0x3FB3] =	sst s10  }
0x38: {  	s10 =	sld [smem:$0x3FB4]  }
0x39: {  	_ = 	snop;
	(pc) =	sbr.ind lr, $3  }
0x3a: {  	_ = 	snop  }
0x3b: {  	_ = 	snop  }
0x3c: {  	p2 =	seq.s32 s10, $0x1;
	s10 =	sld [smem:$0x3FB3]  }
0x3d: {  	_ =	shalt  }
0x3e: {  	_ =	shalt  }
0x3f: {  	_ =	shalt  }
0x40: {  	_ =	shalt  }
0x41: {  	_ =	shalt  }
0x42: {  	_ =	shalt  }
0x43: {  	_ =	shalt  }
0x44: {  	_ =	shalt  }
0x45: {  	_ =	shalt  }
0x46: {  	_ =	shalt  }
0x47: {  	_ =	shalt  }
0x48: {  	_ =	shalt  }
0x49: {  	_ =	shalt  }
0x4a: {  	_ =	shalt  }
0x4b: {  	_ =	shalt  }
0x4c: {  	_ =	shalt  }
0x4d: {  	_ =	shalt  }
0x4e: {  	_ =	shalt  }
0x4f: {  	_ =	shalt  }
0x50: {  	_ =	shalt  }
0x51: {  	_ =	shalt  }
0x52: {  	_ =	shalt  }
0x53: {  	_ =	shalt  }
0x54: {  	_ =	shalt  }
0x55: {  	_ =	shalt  }
0x56: {  	_ =	shalt  }
0x57: {  	_ =	shalt  }
0x58: {  	_ =	shalt  }
0x59: {  	_ =	shalt  }
0x5a: {  	_ =	shalt  }
0x5b: {  	_ =	shalt  }
0x5c: {  	_ =	shalt  }
0x5d: {  	_ =	shalt  }
0x5e: {  	_ =	shalt  }
0x5f: {  	_ =	shalt  }
0x60: {  	_ =	shalt  }
0x61: {  	_ =	shalt  }
0x62: {  	_ =	shalt  }
0x63: {  	_ =	shalt  }
0x64: {  	_ =	shalt  }
0x65: {  	_ =	shalt  }
0x66: {  	_ =	shalt  }
0x67: {  	_ =	shalt  }
0x68: {  	_ =	shalt  }
0x69: {  	_ =	shalt  }
0x6a: {  	_ =	shalt  }
0x6b: {  	_ =	shalt  }
0x6c: {  	_ =	shalt  }
0x6d: {  	_ =	shalt  }
0x6e: {  	_ =	shalt  }
0x6f: {  	_ =	shalt  }
0x70: {  	_ =	shalt  }
0x71: {  	_ =	shalt  }
0x72: {  	_ =	shalt  }
0x73: {  	_ =	shalt  }
0x74: {  	_ =	shalt  }
0x75: {  	_ =	shalt  }
0x76: {  	_ =	shalt  }
0x77: {  	_ =	shalt  }
0x78: {  	_ =	shalt  }
0x79: {  	_ =	shalt  }
0x7a: {  	_ =	shalt  }
0x7b: {  	_ =	shalt  }
0x7c: {  	_ =	shalt  }
0x7d: {  	_ =	shalt  }
0x7e: {  	_ =	shalt  }
0x7f: {  	_ =	shalt  }
0x80: {  	_ =	shalt  }
0x81: {  	_ =	shalt  }
0x82: {  	_ =	shalt  }
0x83: {  	_ =	shalt  }
0x84: {  	_ =	shalt  }
0x85: {  	_ =	shalt  }
0x86: {  	_ =	shalt  }
0x87: {  	_ =	shalt  }
.Lfunc_end0:
.L_simem_size_0:
called_computation_lowered:
.L_overlay_start_0:
0x88: {  	s2 =	sld [smem:$0x3FD9]  }
0x89: {  	s3 =	sld [smem:$0x3FFE];
	_ =	sdelay $0x1  }
0x8a: {  	s1 =	srdreg.scid  }
0x8b: {  	s0 =	sand.u32 $0x1, s1  }
0x8c: {  	s14 =	sshll.u32 s0, $0xA;
	s2 =	sadd.s32 s3, s2  }
0x8d: {  	s2 =	sadd.s32 s2, s14  }
0x8e: {  	[smem:$0x3FBF] =	sst s2  }
0x8f: {  	_ = 	snop  }
0x90: {  	s2 =	sld [smem:$0x3FD0];
	_ =	sdelay $0x2  }
0x91: {  	s4 =	simm.s32 $0xA;
	s5 =	simm.s32 $0x10;
	s15 =	sld [smem:$0x3FC8]  }
0x92: {  	[smem:s5], [sflag:s4] =	dma.local [hbm:s2], $0x1  }
0x93: {  	_ =	swait.eq [sflag:s4], $0x1  }
0x94: {  	[sflag:s4] =	ssyncset.done $0x0  }
0x95: {  	[sflag:s4] =	ssyncadd.s32 $0xFFFFFFFF  }
0x96: {  	s16 =	sld [smem:$0x11];
	(tm) =	ssettm $0x1  }
0x97: {  	s17 =	sld [smem:$0x3FFB];
	_ =	sdelay $0x3  }
0x98: {  	_ =	strace s17  }
0x99: {  	s4 =	sld [smem:$0x3FFC];
	_ =	sdelay $0x3  }
0x9a: {  	_ =	strace s4  }
0x9b: {  	s4 =	sld [smem:$0x3FFD];
	_ =	sdelay $0x3  }
0x9c: {  	_ =	strace s4  }
0x9d: {  	_ =	strace $0x8FFFFFFF  }
0x9e: {  	s18 =	sld [smem:$0x3FDB];
	_ =	sdelay $0x1  }
0x9f: {  	s19 =	simm.s32 $_scs_section_size  }
0xa0: {  	s6 =	simm.s32 $_size__tile_overlayer_lowered;
	s7 =	simm.s32 $_tile_overlayer_lowered  }
0xa1: {  	s22 =	simm.s32 $0x1BFF;
	s21 =	sshll.u32 s7, $0x1;
	s4 =	sadd.s32 s19, s18  }
0xa2: {  	s8 =	simm.s32 $0x0;
	s20 =	sshll.u32 s6, $0x1;
	s6 =	sadd.s32 s21, s4  }
0xa3: {  	[timem:s8], [sflag:s22] =	dma.local [hbm:s6], s20  }
0xa4: {  	_ =	swait.ge [sflag:s22], s20  }
0xa5: {  	s5 =	ssub.s32 $0x0, s20;
	[sflag:s22] =	ssyncset.done $0x0  }
0xa6: {  	[sflag:s22] =	ssyncadd.s32 s5;
	_ =	sdelay $0x1  }
0xa7: {  	s23 =	simm.s32 $0x1B8B  }
0xa8: {  	_ =	swait.ge [sflag:s23], $0x1  }
0xa9: {  	[sflag:s23] =	ssyncset.done $0x0  }
0xaa: {  	s25 =	simm.s32 $0x1B8E;
	s24 =	sld [smem:$0x3FFE];
	[sflag:s23] =	ssyncadd.s32 $0xFFFFFFFF  }
0xab: {  	s26 =	simm.s32 $execute0_lowered;
	[smem:$0x3FD2] =	sst s25  }
0xac: {  	s6 =	sshll.u32 s26, $0x1;
	_ =	strace $0x80000046;
	[dreg:$0x1] =	wrdreg $0xFFFFFFFF  }
0xad: {  	s28 =	simm.s32 $_size_execute0_lowered;
	s4 =	sadd.s32 s4, s6;
	[dreg:$0x0] =	wrdreg $0x0  }
0xae: {  	s6 =	sshll.u32 s28, $0x1;
	[dreg:$0x2] =	wrdreg s4  }
0xaf: {  	[dreg:$0x3] =	wrdreg s6  }
0xb0: {  	[dreg:$0x4] =	wrdreg $0xC0  }
0xb1: {  	_ =	task [dreg:s8], $0x5FFFF  }
0xb2: {  	[dreg:$0x1] =	wrdreg $0xFFFFFFFF  }
0xb3: {  	[dreg:$0x0] =	wrdreg $0x60  }
0xb4: {  	[dreg:$0x2] =	wrdreg s16  }
0xb5: {  	[dreg:$0x3] =	wrdreg s15  }
0xb6: {  	[dreg:$0x4] =	wrdreg s24  }
0xb7: {  	[dreg:$0x5] =	wrdreg $0x0  }
0xb8: {  	[dreg:$0x6] =	wrdreg $0x9  }
0xb9: {  	_ =	task.clear_ibuf [dreg:s8], $0x7FFFF;
	_ =	strace $0x90000046  }
0xba: {  	s29 =	simm.s32 $0x9;
	_ =	strace $0x80000048  }
0xbb: {  	_ =	swait.ge [sflag:s29], $0x1  }
0xbc: {  	[sflag:s29] =	ssyncadd.s32 $0xFFFFFFFF  }
0xbd: {  	_ =	strace $0x90000048  }
0xbe: {  	_ =	sfence  }
0xbf: {  	s30 =	sld [smem:$0x0];
	_ =	sdelay $0x2  }
0xc0: {  	s31 =	sshll.u32 s1, $0xD;
	s1 =	sshrl.u32 s1, $0x2  }
0xc1: {  	s3 =	sand.u32 $0x4000, s31;
	s1 =	sadd.s32 s1, s30  }
0xc2: {  	s0 =	sor.u32 s3, s0;
	s1 =	sshll.u32 s1, $0x11  }
0xc3: {  	s0 =	sor.u32 s1, s0  }
0xc4: {  	s0 =	sadd.s32 $0x8F2B, s0  }
0xc5: {  	[sflag:s0] =	ssyncadd.remote.s32 $0x1  }
0xc6: {  	_ =	sfence.sel $0xFFFF  }
0xc7: {  	[dreg:$0x0] =	wrdreg $0xFFFFFFFF;
	(pc) =	sbr.abs _section_cstart, $3  }
0xc8: {  	[dreg:$0x1] =	wrdreg $0xFFFFFFFF  }
0xc9: {  	_ =	task.clear_ibuf [dreg:s8], $0x2FFFF;
	_ =	strace $0x9FFFFFFF  }
0xca: {  	(tm) =	ssettm $0x7FFFFFFF  }
0xcb: {  	_ =	shalt  }
tec
execute0_lowered:
.L_overlay_start_1:
0x0: {  	(tag) =	ssettag $0x1  }
0x1: {  	s4 =	rddreg [dreg:$0x0]  }
0x2: {  	s5 =	rddreg [dreg:$0x1]  }
0x3: {  	s6 =	rddreg [dreg:$0x2]  }
0x4: {  	s2 =	rddreg [dreg:$0x3]  }
0x5: {  	s3 =	srdreg.scid;
	s1 =	stileid.u32  }
0x6: {  	s0 =	rddreg [dreg:$0x4];
	s12 =	simm.s32 $0x2;
	s13 =	simm.s32 $0x1  }
0x7: {  	s14 =	simm.s32 $0x2710;
	s17 =	simm.s32 $0x20;
	s8 =	smul.u32 $0x500, s1  }
0x8: {  	s18 =	simm.s32 $0x10;
	s19 =	simm.s32 $0x0;
	s28 =	smul.u32 $0x2710, s1  }
0x9: {  	s7 =	sand.u32 $0x1, s3;
	s3 =	simm.s32 $0x0;
	s29 =	smul.u32 $0xA00, s1  }
0xa: {  	s15 =	sshll.u32 s1, $0x6;
	s9 =	sshll.u32 s7, $0x7;
	s10 =	smul.u32 $0x27100, s7  }
0xb: {  	[smem:$0x7FF] =	sst s3;
	s7 =	ssub.s32 $0x2, s7;
	s15 =	sor.u32 $0x1C02, s15  }
0xc: {  	s8 =	sor.u32 s9, s8;
	_ =	strace $0x80000047;
	s11 =	sshrl.u32 s7, $0x1  }
0xd: {  	s31 =	sshrl.u32 s29, $0x2;
	s8 =	sshrl.u32 s8, $0x3;
	s9 =	sadd.s32 s28, s10  }
0xe: {  	s11 =	ssub.s32 s7, s11;
	s10 =	simm.s32 $0x2A00;
	s8 =	sadd.s32 s8, s6  }
0xf: {  	s30 =	sshrl.u32 s9, $0x3;
	s6 =	sadd.s32 s31, s2;
	s9 =	simm.s32 $0x280  }
0x10: {  	s4 =	sadd.s32 s4, s30;
	s5 =	sadd.s32 s5, s30;
	s7 =	sadd.s32 $0x2400, s8  }
0x11: {  	v0 =	vimm.f32 $0.0e+00;
	s8 =	smax.u32 s11, $0x1;
	s11 =	simm.s32 $0x5180;
	s16 =	sshrl.u32 s6, $0x3  }
.LBB2_1:
0x12: {  	[tilespmem:s9], [sflag:$0x1] =	stream.linear.gather [hbm4b:s4+s3], $0x2710, $0x38;
	[tilespmem:$0x5400] =	vst v63  }
0x13: {  	s20 =	simm.s32 $0x51C0  }
0x14: {  	[tilespmem:s10], [sflag:$0x1] =	stream.linear.gather [hbm4b:s5+s3], $0x2710, $0x38;
	[tilespmem:$0x5400] =	vst v63  }
0x15: {  	[tilespmem:s20+$0xFFFFFFC0] =	vst v0  }
0x16: {  	[tilespmem:s20+$0x30] =	vst v0  }
0x17: {  	[tilespmem:s20+$0x20] =	vst v0  }
0x18: {  	[tilespmem:s20+$0x10] =	vst v0  }
0x19: {  	[tilespmem:s20+$0x0] =	vst v0  }
0x1a: {  	[tilespmem:s20+$0xFFFFFFF0] =	vst v0  }
0x1b: {  	s21 =	simm.s32 $0x0;
	[tilespmem:s20+$0xFFFFFFE0] =	vst v0  }
.LBB2_2:
0x1c: {  	s21 =	sadd.s32 $0x8, s21;
	[tilespmem:s20+$0xFFFFFFD0] =	vst v0;
	s20 =	sadd.s32 $0x80, s20  }
0x1d: {  	[tilespmem:s20+$0xFFFFFFC0] =	vst v0;
	p0 =	slt.u32 s21, $0x20  }
0x1e: {  	[tilespmem:s20+$0x30] =	vst v0  }
.Ltmp0:
0x1f: {  	[tilespmem:s20+$0x20] =	vst v0;
	(pc) =	sbr.rel @p0 .LBB2_2-.Ltmp0, $4  }
0x20: {  	[tilespmem:s20+$0x10] =	vst v0  }
0x21: {  	[tilespmem:s20+$0x0] =	vst v0  }
0x22: {  	[tilespmem:s20+$0xFFFFFFF0] =	vst v0  }
0x23: {  	[tilespmem:s20+$0xFFFFFFE0] =	vst v0  }
0x24: {  	[tilespmem:s20+$0xFFFFFFD0] =	vst v0  }
0x25: {  	[spmem:s6] =	stream.linear.scatter [tilespmem:s11], [sflag:$0x2], $0x280, $0x38;
	[tilespmem:$0x5400] =	vst v63  }
0x26: {  	_ =	swait.ge [sflag:s12], $0x280  }
0x27: {  	[sflag:s12] =	ssyncset.done $0x0  }
0x28: {  	[sflag:s12] =	ssyncadd.s32 $0xFFFFFD80  }
0x29: {  	_ =	swait.ge [sflag:s13], $0x2710  }
0x2a: {  	[sflag:s13] =	ssyncset.done $0x0  }
0x2b: {  	[sflag:s13] =	ssyncadd.s32 $0xFFFFD8F0  }
0x2c: {  	_ =	swait.ge [sflag:s13], $0x2710  }
0x2d: {  	[sflag:s13] =	ssyncset.done $0x0  }
0x2e: {  	[sflag:s13] =	ssyncadd.s32 $0xFFFFD8F0  }
0x2f: {  	[bflag:$0x0] =	sbarrier.arrive $0xFFFF  }
0x30: {  	[spmem:s2] =	stream.indirect.scatter.add.f32 [tilespmem:s10], [sflag:$0x2], $0x1, s9, s14, $0xb8;
	[tilespmem:$0x5400] =	vst v63  }
0x31: {  	_ =	swait.ge [sflag:s12], $0x2710  }
0x32: {  	s19 =	sadd.s32 $0x1, s19;
	[sflag:s12] =	ssyncset.done $0x0  }
0x33: {  	p0 =	sne.s32 s19, s8;
	[sflag:s12] =	ssyncadd.s32 $0xFFFFD8F0  }
.Ltmp1:
0x34: {  	[bflag:$0x0] =	sbarrier.arrive $0xFFFF;
	(pc) =	sbr.rel @p0 .LBB2_1-.Ltmp1, $4  }
0x35: {  	[hbm:s7@s17], [sflag:s15] =	dma.strided [spmem:s16@s18], $0x50, s13, $0x10   }
0x36: {  	_ =	swait.ge [sflag:s12], $0x50  }
0x37: {  	[sflag:s12] =	ssyncset.done $0x0  }
0x38: {  	[sflag:s12] =	ssyncadd.s32 $0xFFFFFFB0  }
0x39: {  	_ =	sfence.sel $0x180000  }
0x3a: {  	[bflag:$0x0] =	sbarrier.arrive $0xFFFF  }
0x3b: {  	p0 =	sne.s32 s1, $0x0;
	_ =	strace $0x90000047  }
0x3c: {  	s0 =	sadd.s32 @!p0 $0x100000, s0;
	[bflag:$0x2] =	sbarrier.arrive $0xFFFF  }
0x3d: {  	[sflag:s0] =	ssyncadd.tile.s32 @!p0 $0x1;
	_ =	shalt  }
.Lfunc_end2:
_tile_overlayer_lowered:
.L_overlay_start_2:
0x3e: {  	(tag) =	ssettag $0x2  }
0x3f: {  	s0 =	rddreg [dreg:$0x0];
	s2 =	stileid.u32  }
0x40: {  	s1 =	rddreg [dreg:$0x1];
	p0 =	sne.s32 s2, $0x0  }
0x41: {  	s3 =	rddreg [dreg:$0x2];
	[bflag:$0x3] =	sbarrier.arrive $0xFFFF;
	s2 =	simm.s32 @!p0 $0x1C02  }
0x42: {  	[timem:s3], [sflag:s2] =	dma.local @!p0 [hbm:s0], s1  }
0x43: {  	s0 =	simm.s32 @!p0 $0x2  }
0x44: {  	_ =	swait.ge @!p0 [sflag:s0], s1  }
0x45: {  	s1 =	ssub.s32 @!p0 $0x0, s1;
	[sflag:s0] =	ssyncset.done @!p0 $0x0  }
0x46: {  	[sflag:s0] =	ssyncadd.s32 @!p0 s1  }
0x47: {  	[bflag:$0x3] =	sbarrier.arrive $0xFFFF  }
0x48: {  	_ =	shalt  }

</sc_bundles>
